<compile_context>
chip_gen: v7x
topology: tpu7x:2x2x1
jax: 0.10.2.dev20260603
libtpu: 0.0.44.dev20260713+nightly
codegen_flags: <defaults>
</compile_context>

<pallas_src>
import jax
import jax.numpy as jnp
from jax import lax
from jax.experimental import pallas as pl
from jax.experimental.pallas import tpu as pltpu
from jax.experimental.pallas import tpu_sc as plsc

N = 32768
B = 16
D = 768
L = 16
NC, NS = 2, 16
NW = NC * NS
S_SC = 4096
S_TC = N - S_SC
ROWS_W = S_SC // NW
CH = 32
NCH = ROWS_W // CH
NV = D // L
BLOCK_R = 4096


def _sc_body(xf_hbm, batch_hbm, w_hbm, bvec_hbm,
             wout_hbm, part_hbm, cnt_hbm,
             xb0, xb1, batchb, wv, bv, woutb, accb, cntb,
             sem0, sem1):
    c = lax.axis_index("c")
    s = lax.axis_index("s")
    wid = s * NC + c
    row0 = S_TC + wid * ROWS_W

    pltpu.sync_copy(w_hbm, wv)
    pltpu.sync_copy(bvec_hbm, bv)
    pltpu.sync_copy(batch_hbm.at[pl.ds(row0, ROWS_W)], batchb)

    zero16 = jnp.zeros((L,), jnp.float32)

    def zb_(j, carry):
        accb[pl.ds(j * L, L)] = zero16
        return carry

    lax.fori_loop(0, B * D // L, zb_, 0)

    pltpu.async_copy(xf_hbm.at[pl.ds(row0, CH)], xb0, sem0)

    iot = lax.broadcasted_iota(jnp.int32, (L,), 0)

    def lane_gather(v, idx):
        return lax.gather(
            v, idx.reshape(L, 1),
            lax.GatherDimensionNumbers(
                offset_dims=(), collapsed_slice_dims=(0,), start_index_map=(0,)),
            (1,), mode=lax.GatherScatterMode.PROMISE_IN_BOUNDS)

    def process(xb, crb, cnt_vec):
        def row_pair_body(p, cnt_vec):
            rows = [2 * p, 2 * p + 1]
            accp = [[zero16, zero16, zero16, zero16] for _ in range(2)]
            for j in range(NV):
                for q in range(2):
                    accp[q][j % 4] = accp[q][j % 4] + (
                        xb[rows[q], pl.ds(j * L, L)] * wv[pl.ds(j * L, L)])
            zbs = []
            for q in range(2):
                a = accp[q]
                accv = (a[0] + a[1]) + (a[2] + a[3])
                for sh in (8, 4, 2, 1):
                    accv = accv + lane_gather(accv, (iot + sh) & (L - 1))
                zbs.append(accv + bv[...])
            w_rows, bases = [], []
            for q in range(2):
                zb = zbs[q]
                w_row = 1.0 / (1.0 + jnp.exp(-zb))
                cnt_vec = cnt_vec + jnp.where(zb >= 0.0, 1.0 / L, 0.0)
                rid = jnp.full((L,), crb + 2 * p + q, jnp.int32)
                plsc.store_scatter(woutb, [rid], w_row, mask=iot == 0)
                seg_b = plsc.load_gather(batchb, [rid])
                w_rows.append(w_row)
                bases.append(seg_b * D + iot)
            for j in range(NV):
                for q in range(2):
                    v = xb[rows[q], pl.ds(j * L, L)] * w_rows[q]
                    plsc.addupdate_scatter(accb, [bases[q] + j * L], v)
            return cnt_vec

        return lax.fori_loop(0, CH // 2, row_pair_body, cnt_vec)

    def pair(i, cnt_vec):
        off1 = (2 * i + 1) * CH
        pltpu.async_copy(xf_hbm.at[pl.ds(row0 + off1, CH)], xb1, sem1)
        pltpu.make_async_copy(xf_hbm.at[pl.ds(0, CH)], xb0, sem0).wait()
        cnt_vec = process(xb0, (2 * i) * CH, cnt_vec)

        @pl.when(i < NCH // 2 - 1)
        def _():
            off2 = (2 * i + 2) * CH
            pltpu.async_copy(xf_hbm.at[pl.ds(row0 + off2, CH)], xb0, sem0)

        pltpu.make_async_copy(xf_hbm.at[pl.ds(0, CH)], xb1, sem1).wait()
        cnt_vec = process(xb1, off1, cnt_vec)
        return cnt_vec

    cnt_vec = lax.fori_loop(0, NCH // 2, pair, zero16)

    cntb[...] = cnt_vec
    pltpu.sync_copy(woutb, wout_hbm.at[pl.ds(row0 - S_TC, ROWS_W)])
    pltpu.sync_copy(accb, part_hbm.at[wid])
    pltpu.sync_copy(cntb, cnt_hbm.at[wid])


def _tc_body(x_ref, batch_ref, w_ref, b_ref, pooled_ref, weights_ref, cnt_ref):
    i = pl.program_id(0)

    xb = x_ref[...]
    z = lax.dot_general(
        xb, w_ref[...], (((1,), (0,)), ((), ())),
        preferred_element_type=jnp.float32,
    ) + b_ref[0, 0]
    w = jax.nn.sigmoid(z)
    weights_ref[...] = w
    xw = xb * w

    seg = batch_ref[...]
    onehot = (seg == lax.broadcasted_iota(jnp.int32, (BLOCK_R, B), 1)
              ).astype(jnp.float32)
    partial = lax.dot_general(
        onehot, xw, (((0,), (0,)), ((), ())),
        preferred_element_type=jnp.float32,
    )
    cnt = jnp.sum((z >= 0.0).astype(jnp.float32)).reshape(1, 1)

    @pl.when(i == 0)
    def _init():
        pooled_ref[...] = jnp.zeros_like(pooled_ref)
        cnt_ref[...] = jnp.zeros((1, 1), jnp.float32)

    pooled_ref[...] += partial
    cnt_ref[...] += cnt


def _combine_body(part_ref, cnt_ref, tcpool_ref, tccnt_ref, pooled_ref, ratio_ref):
    p = part_ref[...]
    pooled_ref[...] = tcpool_ref[...] + jnp.sum(p, axis=0)
    total = jnp.sum(cnt_ref[...]) + tccnt_ref[0, 0]
    ratio_ref[...] = total.reshape(1, 1) * (1.0 / N)


def kernel(x, batch, ptr, W, b):
    del ptr
    wf = W.reshape(-1)
    bvec = jnp.broadcast_to(b, (L,))
    batch2 = batch.reshape(N, 1)
    b2 = b.reshape(1, 1)

    mesh = plsc.VectorSubcoreMesh(core_axis_name="c", subcore_axis_name="s",
                                  num_cores=NC, num_subcores=NS)
    wflat_sc, part, cnt_sc = pl.kernel(
        _sc_body,
        out_type=[
            jax.ShapeDtypeStruct((S_SC,), jnp.float32),
            jax.ShapeDtypeStruct((NW, B * D), jnp.float32),
            jax.ShapeDtypeStruct((NW, L), jnp.float32),
        ],
        mesh=mesh,
        compiler_params=pltpu.CompilerParams(needs_layout_passes=False),
        scratch_types=[
            pltpu.VMEM((CH, D), jnp.float32),
            pltpu.VMEM((CH, D), jnp.float32),
            pltpu.VMEM((ROWS_W,), jnp.int32),
            pltpu.VMEM((D,), jnp.float32),
            pltpu.VMEM((L,), jnp.float32),
            pltpu.VMEM((ROWS_W,), jnp.float32),
            pltpu.VMEM((B * D,), jnp.float32),
            pltpu.VMEM((L,), jnp.float32),
            pltpu.SemaphoreType.DMA,
            pltpu.SemaphoreType.DMA,
        ],
    )(x, batch, wf, bvec)

    pooled_tc, weights_tc, cnt_tc = pl.pallas_call(
        _tc_body,
        grid=(S_TC // BLOCK_R,),
        in_specs=[
            pl.BlockSpec((BLOCK_R, D), lambda i: (i, 0)),
            pl.BlockSpec((BLOCK_R, 1), lambda i: (i, 0)),
            pl.BlockSpec((D, 1), lambda i: (0, 0)),
            pl.BlockSpec((1, 1), lambda i: (0, 0)),
        ],
        out_specs=[
            pl.BlockSpec((B, D), lambda i: (0, 0)),
            pl.BlockSpec((BLOCK_R, 1), lambda i: (i, 0)),
            pl.BlockSpec((1, 1), lambda i: (0, 0)),
        ],
        out_shape=[
            jax.ShapeDtypeStruct((B, D), jnp.float32),
            jax.ShapeDtypeStruct((S_TC, 1), jnp.float32),
            jax.ShapeDtypeStruct((1, 1), jnp.float32),
        ],
        compiler_params=pltpu.CompilerParams(
            dimension_semantics=("arbitrary",),
        ),
    )(x, batch2, W, b2)

    pooled, ratio = pl.pallas_call(
        _combine_body,
        out_shape=[
            jax.ShapeDtypeStruct((B, D), jnp.float32),
            jax.ShapeDtypeStruct((1, 1), jnp.float32),
        ],
    )(part.reshape(NW, B, D), cnt_sc, pooled_tc, cnt_tc)

    weights = jnp.concatenate([weights_tc, wflat_sc.reshape(S_SC, 1)], axis=0)
    return pooled, weights, ratio.reshape(())

# --- scband reference (transcript-rebuilt; emitter-appended) ---
"""Pipeline reference for scband-simple-aggr-39522289058400 (READ-ONLY COPY).

The authoritative reference and input builder live on the scoring server;
editing this copy changes nothing except your own understanding.
"""

import jax, jax.numpy as jnp
import numpy as np

N = 32768
B = 16
D = 768

def setup_inputs(seed: int = 0) -> dict:
    key = jax.random.key(seed)
    k1, k2, k3, k4 = jax.random.split(key, 4)
    x = jax.random.normal(k1, (N, D), dtype=jnp.float32)
    inner = jnp.sort(jax.random.randint(k2, (B - 1,), 1, N)).astype(jnp.int32)
    ptr = jnp.concatenate([jnp.zeros((1,), dtype=jnp.int32), inner, jnp.full((1,), N, dtype=jnp.int32)])
    batch = (jnp.searchsorted(ptr, jnp.arange(N, dtype=jnp.int32), side='right') - 1).astype(jnp.int32)
    W = jax.random.normal(k3, (D, 1), dtype=jnp.float32) * (1.0 / np.sqrt(D))
    b = jnp.full((1,), 0.5, dtype=jnp.float32)
    return {"x": x, "batch": batch, "ptr": ptr, "W": W, "b": b}

def reference(x, batch, ptr, W, b):
    # SimpleAggr.forward with use_sip_attn=False:
    #   weights = sigmoid(Linear(feat_dim -> 1)(x))
    weights = jax.nn.sigmoid(x @ W + b)            # [N, 1]
    non_discrete_weights = weights
    # x = x * selection_mask
    xw = x * weights                                # [N, D]
    # deterministic_global_add_pool(x, ptr) == segment_csr(x, ptr, reduce='add')
    seg = (jnp.searchsorted(ptr, jnp.arange(xw.shape[0], dtype=jnp.int32), side='right') - 1).astype(jnp.int32)
    pooled = jax.ops.segment_sum(xw, seg, num_segments=B)   # [B, D]
    on_ratio = (non_discrete_weights >= 0.5).sum().astype(jnp.float32) / non_discrete_weights.shape[0]
    return pooled, non_discrete_weights, on_ratio

if __name__ == "__main__":
    import jax
    _d = setup_inputs()
    print(jax.jit(kernel)(*tuple(_d.values())))

</pallas_src>

<mosaic_0001>
#map = affine_map<(d0, d1) -> (0, 0)>
#map1 = affine_map<(d0, d1) -> (0)>
module attributes {stable_mosaic.version = 14 : i64} {
  func.func @_sc_body(%arg0: i32, %arg1: i32, %arg2: memref<32768x768xf32, #tpu.memory_space<hbm>>, %arg3: memref<32768xi32, #tpu.memory_space<hbm>>, %arg4: memref<768xf32, #tpu.memory_space<hbm>>, %arg5: memref<16xf32, #tpu.memory_space<hbm>>, %arg6: memref<4096xf32, #tpu.memory_space<hbm>>, %arg7: memref<32x12288xf32, #tpu.memory_space<hbm>>, %arg8: memref<32x16xf32, #tpu.memory_space<hbm>>, %arg9: memref<32x768xf32, #tpu.memory_space<vmem>>, %arg10: memref<32x768xf32, #tpu.memory_space<vmem>>, %arg11: memref<128xi32, #tpu.memory_space<vmem>>, %arg12: memref<768xf32, #tpu.memory_space<vmem>>, %arg13: memref<16xf32, #tpu.memory_space<vmem>>, %arg14: memref<128xf32, #tpu.memory_space<vmem>>, %arg15: memref<12288xf32, #tpu.memory_space<vmem>>, %arg16: memref<16xf32, #tpu.memory_space<vmem>>, %arg17: memref<!tpu.dma_semaphore, #tpu.memory_space<semaphore_mem>>, %arg18: memref<!tpu.dma_semaphore, #tpu.memory_space<semaphore_mem>>) attributes {dimension_semantics = [#tpu.dimension_semantics<core_parallel>, #tpu.dimension_semantics<subcore_parallel>], iteration_bounds = array<i64: 2, 16>, scalar_prefetch = 0 : i64, scratch_operands = 10 : i64, tpu.core_type = #tpu.core_type<sc_vector_subcore>, window_params = [{transform_indices = #map}, {transform_indices = #map1}, {transform_indices = #map1}, {transform_indices = #map1}, {transform_indices = #map1}, {transform_indices = #map}, {transform_indices = #map}]} {
    %mul3A = arith.constant 2 : i32
    %mul3A_0 = arith.muli %arg1, %mul3A : i32
    %add3A = arith.addi %mul3A_0, %arg0 : i32
    %mul3A_1 = arith.constant 128 : i32
    %mul3A_2 = arith.muli %add3A, %mul3A_1 : i32
    %add3A_3 = arith.constant 28672 : i32
    %add3A_4 = arith.addi %add3A_3, %mul3A_2 : i32
    "tpu.region"() ({
      %run_scoped3A = tpu.sem_alloc : memref<!tpu.dma_semaphore, #tpu.memory_space<semaphore_mem>>
      tpu.enqueue_dma source(%arg4 : memref<768xf32, #tpu.memory_space<hbm>>) target(%arg12 : memref<768xf32, #tpu.memory_space<vmem>>) target_semaphore(%run_scoped3A : memref<!tpu.dma_semaphore, #tpu.memory_space<semaphore_mem>>)
      tpu.wait_dma2 semaphore(%run_scoped3A : memref<!tpu.dma_semaphore, #tpu.memory_space<semaphore_mem>>) src(%arg4 : memref<768xf32, #tpu.memory_space<hbm>>) dst(%arg12 : memref<768xf32, #tpu.memory_space<vmem>>)
      tpu.yield
    }) : () -> ()
    "tpu.region"() ({
      %run_scoped3A = tpu.sem_alloc : memref<!tpu.dma_semaphore, #tpu.memory_space<semaphore_mem>>
      tpu.enqueue_dma source(%arg5 : memref<16xf32, #tpu.memory_space<hbm>>) target(%arg13 : memref<16xf32, #tpu.memory_space<vmem>>) target_semaphore(%run_scoped3A : memref<!tpu.dma_semaphore, #tpu.memory_space<semaphore_mem>>)
      tpu.wait_dma2 semaphore(%run_scoped3A : memref<!tpu.dma_semaphore, #tpu.memory_space<semaphore_mem>>) src(%arg5 : memref<16xf32, #tpu.memory_space<hbm>>) dst(%arg13 : memref<16xf32, #tpu.memory_space<vmem>>)
      tpu.yield
    }) : () -> ()
    "tpu.region"() ({
      %run_scoped3A = tpu.sem_alloc : memref<!tpu.dma_semaphore, #tpu.memory_space<semaphore_mem>>
      %dma_start3A_22 = tpu.memref_slice %arg3[%add3A_4] : memref<32768xi32, #tpu.memory_space<hbm>> -> memref<128xi32, #tpu.memory_space<hbm>>
      %dma_start3A_23 = tpu.memref_slice %arg3[%add3A_4] : memref<32768xi32, #tpu.memory_space<hbm>> -> memref<128xi32, #tpu.memory_space<hbm>>
      tpu.enqueue_dma source(%dma_start3A_23 : memref<128xi32, #tpu.memory_space<hbm>>) target(%arg11 : memref<128xi32, #tpu.memory_space<vmem>>) target_semaphore(%run_scoped3A : memref<!tpu.dma_semaphore, #tpu.memory_space<semaphore_mem>>)
      %dma_wait3A = tpu.memref_slice %arg3[%add3A_4] : memref<32768xi32, #tpu.memory_space<hbm>> -> memref<128xi32, #tpu.memory_space<hbm>>
      %dma_wait3A_24 = tpu.memref_slice %arg3[%add3A_4] : memref<32768xi32, #tpu.memory_space<hbm>> -> memref<128xi32, #tpu.memory_space<hbm>>
      tpu.wait_dma2 semaphore(%run_scoped3A : memref<!tpu.dma_semaphore, #tpu.memory_space<semaphore_mem>>) src(%dma_wait3A_24 : memref<128xi32, #tpu.memory_space<hbm>>) dst(%arg11 : memref<128xi32, #tpu.memory_space<vmem>>)
      tpu.yield
    }) : () -> ()
    %broadcast_in_dim3A = arith.constant 0.000000e+00 : f32
    %broadcast_in_dim3A_5 = vector.broadcast %broadcast_in_dim3A : f32 to vector<16xf32>
    %scan3A = arith.constant 0 : i32
    %scan3A_6 = arith.constant 0 : i32
    %scan3A_7 = arith.constant 768 : i32
    %scan3A_8 = arith.addi %scan3A_6, %scan3A_7 : i32
    %scan3A_9 = arith.constant 1 : i32
    scf.for %scan3A_22 = %scan3A_6 to %scan3A_8 step %scan3A_9  : i32 {
      %mul3A_23 = arith.constant 16 : i32
      %mul3A_24 = arith.muli %scan3A_22, %mul3A_23 : i32
      %swap3A_25 = arith.index_cast %mul3A_24 : i32 to index
      %swap3A_26 = tpu.vector_load %arg15[%swap3A_25] {strides = array<i32>} : memref<12288xf32, #tpu.memory_space<vmem>>, vector<16xf32>,
      tpu.vector_store %arg15[%swap3A_25], %broadcast_in_dim3A_5 {strides = array<i32>} : memref<12288xf32, #tpu.memory_space<vmem>>, vector<16xf32>,
    }
    %scan3A_10 = arith.constant 768 : i32
    %dma_start3A = arith.constant 0 : i32
    %dma_start3A_11 = tpu.memref_slice %arg2[%add3A_4, %dma_start3A] : memref<32768x768xf32, #tpu.memory_space<hbm>> -> memref<32x768xf32, #tpu.memory_space<hbm>>
    %dma_start3A_12 = arith.constant 0 : i32
    %dma_start3A_13 = tpu.memref_slice %arg2[%add3A_4, %dma_start3A_12] : memref<32768x768xf32, #tpu.memory_space<hbm>> -> memref<32x768xf32, #tpu.memory_space<hbm>>
    tpu.enqueue_dma source(%dma_start3A_13 : memref<32x768xf32, #tpu.memory_space<hbm>>) target(%arg9 : memref<32x768xf32, #tpu.memory_space<vmem>>) target_semaphore(%arg17 : memref<!tpu.dma_semaphore, #tpu.memory_space<semaphore_mem>>)
    %iota3A = tpu.iota {dimensions = array<i32: 0>} : vector<16xi32>
    %scan3A_14 = arith.constant 0 : i32
    %scan3A_15 = arith.constant 2 : i32
    %scan3A_16 = arith.addi %scan3A_14, %scan3A_15 : i32
    %scan3A_17 = arith.constant 1 : i32
    %scan3A_18 = scf.for %scan3A_22 = %scan3A_14 to %scan3A_16 step %scan3A_17 iter_args(%scan3A_23 = %broadcast_in_dim3A_5) -> (vector<16xf32>)  : i32 {
      %mul3A_24 = arith.constant 2 : i32
      %mul3A_25 = arith.muli %mul3A_24, %scan3A_22 : i32
      %add3A_26 = arith.constant 1 : i32
      %add3A_27 = arith.addi %mul3A_25, %add3A_26 : i32
      %mul3A_28 = arith.constant 32 : i32
      %mul3A_29 = arith.muli %add3A_27, %mul3A_28 : i32
      %add3A_30 = arith.addi %add3A_4, %mul3A_29 : i32
      %dma_start3A_31 = arith.constant 0 : i32
      %dma_start3A_32 = tpu.memref_slice %arg2[%add3A_30, %dma_start3A_31] : memref<32768x768xf32, #tpu.memory_space<hbm>> -> memref<32x768xf32, #tpu.memory_space<hbm>>
      %dma_start3A_33 = arith.constant 0 : i32
      %dma_start3A_34 = tpu.memref_slice %arg2[%add3A_30, %dma_start3A_33] : memref<32768x768xf32, #tpu.memory_space<hbm>> -> memref<32x768xf32, #tpu.memory_space<hbm>>
      tpu.enqueue_dma source(%dma_start3A_34 : memref<32x768xf32, #tpu.memory_space<hbm>>) target(%arg10 : memref<32x768xf32, #tpu.memory_space<vmem>>) target_semaphore(%arg18 : memref<!tpu.dma_semaphore, #tpu.memory_space<semaphore_mem>>)
      %dma_wait3A = arith.constant 0 : i32
      %dma_wait3A_35 = arith.constant 0 : i32
      %dma_wait3A_36 = tpu.memref_slice %arg2[%dma_wait3A, %dma_wait3A_35] : memref<32768x768xf32, #tpu.memory_space<hbm>> -> memref<32x768xf32, #tpu.memory_space<hbm>>
      %dma_wait3A_37 = arith.constant 0 : i32
      %dma_wait3A_38 = arith.constant 0 : i32
      %dma_wait3A_39 = tpu.memref_slice %arg2[%dma_wait3A_37, %dma_wait3A_38] : memref<32768x768xf32, #tpu.memory_space<hbm>> -> memref<32x768xf32, #tpu.memory_space<hbm>>
      tpu.wait_dma2 semaphore(%arg17 : memref<!tpu.dma_semaphore, #tpu.memory_space<semaphore_mem>>) src(%dma_wait3A_39 : memref<32x768xf32, #tpu.memory_space<hbm>>) dst(%arg9 : memref<32x768xf32, #tpu.memory_space<vmem>>)
      %mul3A_40 = arith.constant 2 : i32
      %mul3A_41 = arith.muli %mul3A_40, %scan3A_22 : i32
      %mul3A_42 = arith.constant 32 : i32
      %mul3A_43 = arith.muli %mul3A_41, %mul3A_42 : i32
      %scan3A_44 = arith.constant 0 : i32
      %scan3A_45 = arith.constant 16 : i32
      %scan3A_46 = arith.addi %scan3A_44, %scan3A_45 : i32
      %scan3A_47 = arith.constant 1 : i32
      %scan3A_48 = scf.for %scan3A_64 = %scan3A_44 to %scan3A_46 step %scan3A_47 iter_args(%scan3A_65 = %scan3A_23) -> (vector<16xf32>)  : i32 {
        %mul3A_66 = arith.constant 2 : i32
        %mul3A_67 = arith.muli %mul3A_66, %scan3A_64 : i32
        %mul3A_68 = arith.constant 2 : i32
        %mul3A_69 = arith.muli %mul3A_68, %scan3A_64 : i32
        %add3A_70 = arith.constant 1 : i32
        %add3A_71 = arith.addi %mul3A_69, %add3A_70 : i32
        %get3A = arith.index_cast %mul3A_67 : i32 to index
        %get3A_72 = arith.constant 0 : index
        %get3A_73 = tpu.vector_load %arg9[%get3A, %get3A_72] {strides = array<i32>} : memref<32x768xf32, #tpu.memory_space<vmem>>, vector<16xf32>,
        %get3A_74 = arith.constant 0 : index
        %get3A_75 = tpu.vector_load %arg12[%get3A_74] {strides = array<i32>} : memref<768xf32, #tpu.memory_space<vmem>>, vector<16xf32>,
        %mul3A_76 = arith.mulf %get3A_73, %get3A_75 : vector<16xf32>
        %add3A_77 = arith.addf %broadcast_in_dim3A_5, %mul3A_76 : vector<16xf32>
        %get3A_78 = arith.index_cast %add3A_71 : i32 to index
        %get3A_79 = arith.constant 0 : index
        %get3A_80 = tpu.vector_load %arg9[%get3A_78, %get3A_79] {strides = array<i32>} : memref<32x768xf32, #tpu.memory_space<vmem>>, vector<16xf32>,
        %get3A_81 = arith.constant 0 : index
        %get3A_82 = tpu.vector_load %arg12[%get3A_81] {strides = array<i32>} : memref<768xf32, #tpu.memory_space<vmem>>, vector<16xf32>,
        %mul3A_83 = arith.mulf %get3A_80, %get3A_82 : vector<16xf32>
        %add3A_84 = arith.addf %broadcast_in_dim3A_5, %mul3A_83 : vector<16xf32>
        %get3A_85 = arith.index_cast %mul3A_67 : i32 to index
        %get3A_86 = arith.constant 16 : index
        %get3A_87 = tpu.vector_load %arg9[%get3A_85, %get3A_86] {strides = array<i32>} : memref<32x768xf32, #tpu.memory_space<vmem>>, vector<16xf32>,
        %get3A_88 = arith.constant 16 : index
        %get3A_89 = tpu.vector_load %arg12[%get3A_88] {strides = array<i32>} : memref<768xf32, #tpu.memory_space<vmem>>, vector<16xf32>,
        %mul3A_90 = arith.mulf %get3A_87, %get3A_89 : vector<16xf32>
        %add3A_91 = arith.addf %broadcast_in_dim3A_5, %mul3A_90 : vector<16xf32>
        %get3A_92 = arith.index_cast %add3A_71 : i32 to index
        %get3A_93 = arith.constant 16 : index
        %get3A_94 = tpu.vector_load %arg9[%get3A_92, %get3A_93] {strides = array<i32>} : memref<32x768xf32, #tpu.memory_space<vmem>>, vector<16xf32>,
        %get3A_95 = arith.constant 16 : index
        %get3A_96 = tpu.vector_load %arg12[%get3A_95] {strides = array<i32>} : memref<768xf32, #tpu.memory_space<vmem>>, vector<16xf32>,
        %mul3A_97 = arith.mulf %get3A_94, %get3A_96 : vector<16xf32>
        %add3A_98 = arith.addf %broadcast_in_dim3A_5, %mul3A_97 : vector<16xf32>
        %get3A_99 = arith.index_cast %mul3A_67 : i32 to index
        %get3A_100 = arith.constant 32 : index
        %get3A_101 = tpu.vector_load %arg9[%get3A_99, %get3A_100] {strides = array<i32>} : memref<32x768xf32, #tpu.memory_space<vmem>>, vector<16xf32>,
        %get3A_102 = arith.constant 32 : index
        %get3A_103 = tpu.vector_load %arg12[%get3A_102] {strides = array<i32>} : memref<768xf32, #tpu.memory_space<vmem>>, vector<16xf32>,
        %mul3A_104 = arith.mulf %get3A_101, %get3A_103 : vector<16xf32>
        %add3A_105 = arith.addf %broadcast_in_dim3A_5, %mul3A_104 : vector<16xf32>
        %get3A_106 = arith.index_cast %add3A_71 : i32 to index
        %get3A_107 = arith.constant 32 : index
        %get3A_108 = tpu.vector_load %arg9[%get3A_106, %get3A_107] {strides = array<i32>} : memref<32x768xf32, #tpu.memory_space<vmem>>, vector<16xf32>,
        %get3A_109 = arith.constant 32 : index
        %get3A_110 = tpu.vector_load %arg12[%get3A_109] {strides = array<i32>} : memref<768xf32, #tpu.memory_space<vmem>>, vector<16xf32>,
        %mul3A_111 = arith.mulf %get3A_108, %get3A_110 : vector<16xf32>
        %add3A_112 = arith.addf %broadcast_in_dim3A_5, %mul3A_111 : vector<16xf32>
        %get3A_113 = arith.index_cast %mul3A_67 : i32 to index
        %get3A_114 = arith.constant 48 : index
        %get3A_115 = tpu.vector_load %arg9[%get3A_113, %get3A_114] {strides = array<i32>} : memref<32x768xf32, #tpu.memory_space<vmem>>, vector<16xf32>,
        %get3A_116 = arith.constant 48 : index
        %get3A_117 = tpu.vector_load %arg12[%get3A_116] {strides = array<i32>} : memref<768xf32, #tpu.memory_space<vmem>>, vector<16xf32>,
        %mul3A_118 = arith.mulf %get3A_115, %get3A_117 : vector<16xf32>
        %add3A_119 = arith.addf %broadcast_in_dim3A_5, %mul3A_118 : vector<16xf32>
        %get3A_120 = arith.index_cast %add3A_71 : i32 to index
        %get3A_121 = arith.constant 48 : index
        %get3A_122 = tpu.vector_load %arg9[%get3A_120, %get3A_121] {strides = array<i32>} : memref<32x768xf32, #tpu.memory_space<vmem>>, vector<16xf32>,
        %get3A_123 = arith.constant 48 : index
        %get3A_124 = tpu.vector_load %arg12[%get3A_123] {strides = array<i32>} : memref<768xf32, #tpu.memory_space<vmem>>, vector<16xf32>,
        %mul3A_125 = arith.mulf %get3A_122, %get3A_124 : vector<16xf32>
        %add3A_126 = arith.addf %broadcast_in_dim3A_5, %mul3A_125 : vector<16xf32>
        %get3A_127 = arith.index_cast %mul3A_67 : i32 to index
        %get3A_128 = arith.constant 64 : index
        %get3A_129 = tpu.vector_load %arg9[%get3A_127, %get3A_128] {strides = array<i32>} : memref<32x768xf32, #tpu.memory_space<vmem>>, vector<16xf32>,
        %get3A_130 = arith.constant 64 : index
        %get3A_131 = tpu.vector_load %arg12[%get3A_130] {strides = array<i32>} : memref<768xf32, #tpu.memory_space<vmem>>, vector<16xf32>,
        %mul3A_132 = arith.mulf %get3A_129, %get3A_131 : vector<16xf32>
        %add3A_133 = arith.addf %add3A_77, %mul3A_132 : vector<16xf32>
        %get3A_134 = arith.index_cast %add3A_71 : i32 to index
        %get3A_135 = arith.constant 64 : index
        %get3A_136 = tpu.vector_load %arg9[%get3A_134, %get3A_135] {strides = array<i32>} : memref<32x768xf32, #tpu.memory_space<vmem>>, vector<16xf32>,
        %get3A_137 = arith.constant 64 : index
        %get3A_138 = tpu.vector_load %arg12[%get3A_137] {strides = array<i32>} : memref<768xf32, #tpu.memory_space<vmem>>, vector<16xf32>,
        %mul3A_139 = arith.mulf %get3A_136, %get3A_138 : vector<16xf32>
        %add3A_140 = arith.addf %add3A_84, %mul3A_139 : vector<16xf32>
        %get3A_141 = arith.index_cast %mul3A_67 : i32 to index
        %get3A_142 = arith.constant 80 : index
        %get3A_143 = tpu.vector_load %arg9[%get3A_141, %get3A_142] {strides = array<i32>} : memref<32x768xf32, #tpu.memory_space<vmem>>, vector<16xf32>,
        %get3A_144 = arith.constant 80 : index
        %get3A_145 = tpu.vector_load %arg12[%get3A_144] {strides = array<i32>} : memref<768xf32, #tpu.memory_space<vmem>>, vector<16xf32>,
        %mul3A_146 = arith.mulf %get3A_143, %get3A_145 : vector<16xf32>
        %add3A_147 = arith.addf %add3A_91, %mul3A_146 : vector<16xf32>
        %get3A_148 = arith.index_cast %add3A_71 : i32 to index
        %get3A_149 = arith.constant 80 : index
        %get3A_150 = tpu.vector_load %arg9[%get3A_148, %get3A_149] {strides = array<i32>} : memref<32x768xf32, #tpu.memory_space<vmem>>, vector<16xf32>,
        %get3A_151 = arith.constant 80 : index
        %get3A_152 = tpu.vector_load %arg12[%get3A_151] {strides = array<i32>} : memref<768xf32, #tpu.memory_space<vmem>>, vector<16xf32>,
        %mul3A_153 = arith.mulf %get3A_150, %get3A_152 : vector<16xf32>
        %add3A_154 = arith.addf %add3A_98, %mul3A_153 : vector<16xf32>
        %get3A_155 = arith.index_cast %mul3A_67 : i32 to index
        %get3A_156 = arith.constant 96 : index
        %get3A_157 = tpu.vector_load %arg9[%get3A_155, %get3A_156] {strides = array<i32>} : memref<32x768xf32, #tpu.memory_space<vmem>>, vector<16xf32>,
        %get3A_158 = arith.constant 96 : index
        %get3A_159 = tpu.vector_load %arg12[%get3A_158] {strides = array<i32>} : memref<768xf32, #tpu.memory_space<vmem>>, vector<16xf32>,
        %mul3A_160 = arith.mulf %get3A_157, %get3A_159 : vector<16xf32>
        %add3A_161 = arith.addf %add3A_105, %mul3A_160 : vector<16xf32>
        %get3A_162 = arith.index_cast %add3A_71 : i32 to index
        %get3A_163 = arith.constant 96 : index
        %get3A_164 = tpu.vector_load %arg9[%get3A_162, %get3A_163] {strides = array<i32>} : memref<32x768xf32, #tpu.memory_space<vmem>>, vector<16xf32>,
        %get3A_165 = arith.constant 96 : index
        %get3A_166 = tpu.vector_load %arg12[%get3A_165] {strides = array<i32>} : memref<768xf32, #tpu.memory_space<vmem>>, vector<16xf32>,
        %mul3A_167 = arith.mulf %get3A_164, %get3A_166 : vector<16xf32>
        %add3A_168 = arith.addf %add3A_112, %mul3A_167 : vector<16xf32>
        %get3A_169 = arith.index_cast %mul3A_67 : i32 to index
        %get3A_170 = arith.constant 112 : index
        %get3A_171 = tpu.vector_load %arg9[%get3A_169, %get3A_170] {strides = array<i32>} : memref<32x768xf32, #tpu.memory_space<vmem>>, vector<16xf32>,
        %get3A_172 = arith.constant 112 : index
        %get3A_173 = tpu.vector_load %arg12[%get3A_172] {strides = array<i32>} : memref<768xf32, #tpu.memory_space<vmem>>, vector<16xf32>,
        %mul3A_174 = arith.mulf %get3A_171, %get3A_173 : vector<16xf32>
        %add3A_175 = arith.addf %add3A_119, %mul3A_174 : vector<16xf32>
        %get3A_176 = arith.index_cast %add3A_71 : i32 to index
        %get3A_177 = arith.constant 112 : index
        %get3A_178 = tpu.vector_load %arg9[%get3A_176, %get3A_177] {strides = array<i32>} : memref<32x768xf32, #tpu.memory_space<vmem>>, vector<16xf32>,
        %get3A_179 = arith.constant 112 : index
        %get3A_180 = tpu.vector_load %arg12[%get3A_179] {strides = array<i32>} : memref<768xf32, #tpu.memory_space<vmem>>, vector<16xf32>,
        %mul3A_181 = arith.mulf %get3A_178, %get3A_180 : vector<16xf32>
        %add3A_182 = arith.addf %add3A_126, %mul3A_181 : vector<16xf32>
        %get3A_183 = arith.index_cast %mul3A_67 : i32 to index
        %get3A_184 = arith.constant 128 : index
        %get3A_185 = tpu.vector_load %arg9[%get3A_183, %get3A_184] {strides = array<i32>} : memref<32x768xf32, #tpu.memory_space<vmem>>, vector<16xf32>,
        %get3A_186 = arith.constant 128 : index
        %get3A_187 = tpu.vector_load %arg12[%get3A_186] {strides = array<i32>} : memref<768xf32, #tpu.memory_space<vmem>>, vector<16xf32>,
        %mul3A_188 = arith.mulf %get3A_185, %get3A_187 : vector<16xf32>
        %add3A_189 = arith.addf %add3A_133, %mul3A_188 : vector<16xf32>
        %get3A_190 = arith.index_cast %add3A_71 : i32 to index
        %get3A_191 = arith.constant 128 : index
        %get3A_192 = tpu.vector_load %arg9[%get3A_190, %get3A_191] {strides = array<i32>} : memref<32x768xf32, #tpu.memory_space<vmem>>, vector<16xf32>,
        %get3A_193 = arith.constant 128 : index
        %get3A_194 = tpu.vector_load %arg12[%get3A_193] {strides = array<i32>} : memref<768xf32, #tpu.memory_space<vmem>>, vector<16xf32>,
        %mul3A_195 = arith.mulf %get3A_192, %get3A_194 : vector<16xf32>
        %add3A_196 = arith.addf %add3A_140, %mul3A_195 : vector<16xf32>
        %get3A_197 = arith.index_cast %mul3A_67 : i32 to index
        %get3A_198 = arith.constant 144 : index
        %get3A_199 = tpu.vector_load %arg9[%get3A_197, %get3A_198] {strides = array<i32>} : memref<32x768xf32, #tpu.memory_space<vmem>>, vector<16xf32>,
        %get3A_200 = arith.constant 144 : index
        %get3A_201 = tpu.vector_load %arg12[%get3A_200] {strides = array<i32>} : memref<768xf32, #tpu.memory_space<vmem>>, vector<16xf32>,
        %mul3A_202 = arith.mulf %get3A_199, %get3A_201 : vector<16xf32>
        %add3A_203 = arith.addf %add3A_147, %mul3A_202 : vector<16xf32>
        %get3A_204 = arith.index_cast %add3A_71 : i32 to index
        %get3A_205 = arith.constant 144 : index
        %get3A_206 = tpu.vector_load %arg9[%get3A_204, %get3A_205] {strides = array<i32>} : memref<32x768xf32, #tpu.memory_space<vmem>>, vector<16xf32>,
        %get3A_207 = arith.constant 144 : index
        %get3A_208 = tpu.vector_load %arg12[%get3A_207] {strides = array<i32>} : memref<768xf32, #tpu.memory_space<vmem>>, vector<16xf32>,
        %mul3A_209 = arith.mulf %get3A_206, %get3A_208 : vector<16xf32>
        %add3A_210 = arith.addf %add3A_154, %mul3A_209 : vector<16xf32>
        %get3A_211 = arith.index_cast %mul3A_67 : i32 to index
        %get3A_212 = arith.constant 160 : index
        %get3A_213 = tpu.vector_load %arg9[%get3A_211, %get3A_212] {strides = array<i32>} : memref<32x768xf32, #tpu.memory_space<vmem>>, vector<16xf32>,
        %get3A_214 = arith.constant 160 : index
        %get3A_215 = tpu.vector_load %arg12[%get3A_214] {strides = array<i32>} : memref<768xf32, #tpu.memory_space<vmem>>, vector<16xf32>,
        %mul3A_216 = arith.mulf %get3A_213, %get3A_215 : vector<16xf32>
        %add3A_217 = arith.addf %add3A_161, %mul3A_216 : vector<16xf32>
        %get3A_218 = arith.index_cast %add3A_71 : i32 to index
        %get3A_219 = arith.constant 160 : index
        %get3A_220 = tpu.vector_load %arg9[%get3A_218, %get3A_219] {strides = array<i32>} : memref<32x768xf32, #tpu.memory_space<vmem>>, vector<16xf32>,
        %get3A_221 = arith.constant 160 : index
        %get3A_222 = tpu.vector_load %arg12[%get3A_221] {strides = array<i32>} : memref<768xf32, #tpu.memory_space<vmem>>, vector<16xf32>,
        %mul3A_223 = arith.mulf %get3A_220, %get3A_222 : vector<16xf32>
        %add3A_224 = arith.addf %add3A_168, %mul3A_223 : vector<16xf32>
        %get3A_225 = arith.index_cast %mul3A_67 : i32 to index
        %get3A_226 = arith.constant 176 : index
        %get3A_227 = tpu.vector_load %arg9[%get3A_225, %get3A_226] {strides = array<i32>} : memref<32x768xf32, #tpu.memory_space<vmem>>, vector<16xf32>,
        %get3A_228 = arith.constant 176 : index
        %get3A_229 = tpu.vector_load %arg12[%get3A_228] {strides = array<i32>} : memref<768xf32, #tpu.memory_space<vmem>>, vector<16xf32>,
        %mul3A_230 = arith.mulf %get3A_227, %get3A_229 : vector<16xf32>
        %add3A_231 = arith.addf %add3A_175, %mul3A_230 : vector<16xf32>
        %get3A_232 = arith.index_cast %add3A_71 : i32 to index
        %get3A_233 = arith.constant 176 : index
        %get3A_234 = tpu.vector_load %arg9[%get3A_232, %get3A_233] {strides = array<i32>} : memref<32x768xf32, #tpu.memory_space<vmem>>, vector<16xf32>,
        %get3A_235 = arith.constant 176 : index
        %get3A_236 = tpu.vector_load %arg12[%get3A_235] {strides = array<i32>} : memref<768xf32, #tpu.memory_space<vmem>>, vector<16xf32>,
        %mul3A_237 = arith.mulf %get3A_234, %get3A_236 : vector<16xf32>
        %add3A_238 = arith.addf %add3A_182, %mul3A_237 : vector<16xf32>
        %get3A_239 = arith.index_cast %mul3A_67 : i32 to index
        %get3A_240 = arith.constant 192 : index
        %get3A_241 = tpu.vector_load %arg9[%get3A_239, %get3A_240] {strides = array<i32>} : memref<32x768xf32, #tpu.memory_space<vmem>>, vector<16xf32>,
        %get3A_242 = arith.constant 192 : index
        %get3A_243 = tpu.vector_load %arg12[%get3A_242] {strides = array<i32>} : memref<768xf32, #tpu.memory_space<vmem>>, vector<16xf32>,
        %mul3A_244 = arith.mulf %get3A_241, %get3A_243 : vector<16xf32>
        %add3A_245 = arith.addf %add3A_189, %mul3A_244 : vector<16xf32>
        %get3A_246 = arith.index_cast %add3A_71 : i32 to index
        %get3A_247 = arith.constant 192 : index
        %get3A_248 = tpu.vector_load %arg9[%get3A_246, %get3A_247] {strides = array<i32>} : memref<32x768xf32, #tpu.memory_space<vmem>>, vector<16xf32>,
        %get3A_249 = arith.constant 192 : index
        %get3A_250 = tpu.vector_load %arg12[%get3A_249] {strides = array<i32>} : memref<768xf32, #tpu.memory_space<vmem>>, vector<16xf32>,
        %mul3A_251 = arith.mulf %get3A_248, %get3A_250 : vector<16xf32>
        %add3A_252 = arith.addf %add3A_196, %mul3A_251 : vector<16xf32>
        %get3A_253 = arith.index_cast %mul3A_67 : i32 to index
        %get3A_254 = arith.constant 208 : index
        %get3A_255 = tpu.vector_load %arg9[%get3A_253, %get3A_254] {strides = array<i32>} : memref<32x768xf32, #tpu.memory_space<vmem>>, vector<16xf32>,
        %get3A_256 = arith.constant 208 : index
        %get3A_257 = tpu.vector_load %arg12[%get3A_256] {strides = array<i32>} : memref<768xf32, #tpu.memory_space<vmem>>, vector<16xf32>,
        %mul3A_258 = arith.mulf %get3A_255, %get3A_257 : vector<16xf32>
        %add3A_259 = arith.addf %add3A_203, %mul3A_258 : vector<16xf32>
        %get3A_260 = arith.index_cast %add3A_71 : i32 to index
        %get3A_261 = arith.constant 208 : index
        %get3A_262 = tpu.vector_load %arg9[%get3A_260, %get3A_261] {strides = array<i32>} : memref<32x768xf32, #tpu.memory_space<vmem>>, vector<16xf32>,
        %get3A_263 = arith.constant 208 : index
        %get3A_264 = tpu.vector_load %arg12[%get3A_263] {strides = array<i32>} : memref<768xf32, #tpu.memory_space<vmem>>, vector<16xf32>,
        %mul3A_265 = arith.mulf %get3A_262, %get3A_264 : vector<16xf32>
        %add3A_266 = arith.addf %add3A_210, %mul3A_265 : vector<16xf32>
        %get3A_267 = arith.index_cast %mul3A_67 : i32 to index
        %get3A_268 = arith.constant 224 : index
        %get3A_269 = tpu.vector_load %arg9[%get3A_267, %get3A_268] {strides = array<i32>} : memref<32x768xf32, #tpu.memory_space<vmem>>, vector<16xf32>,
        %get3A_270 = arith.constant 224 : index
        %get3A_271 = tpu.vector_load %arg12[%get3A_270] {strides = array<i32>} : memref<768xf32, #tpu.memory_space<vmem>>, vector<16xf32>,
        %mul3A_272 = arith.mulf %get3A_269, %get3A_271 : vector<16xf32>
        %add3A_273 = arith.addf %add3A_217, %mul3A_272 : vector<16xf32>
        %get3A_274 = arith.index_cast %add3A_71 : i32 to index
        %get3A_275 = arith.constant 224 : index
        %get3A_276 = tpu.vector_load %arg9[%get3A_274, %get3A_275] {strides = array<i32>} : memref<32x768xf32, #tpu.memory_space<vmem>>, vector<16xf32>,
        %get3A_277 = arith.constant 224 : index
        %get3A_278 = tpu.vector_load %arg12[%get3A_277] {strides = array<i32>} : memref<768xf32, #tpu.memory_space<vmem>>, vector<16xf32>,
        %mul3A_279 = arith.mulf %get3A_276, %get3A_278 : vector<16xf32>
        %add3A_280 = arith.addf %add3A_224, %mul3A_279 : vector<16xf32>
        %get3A_281 = arith.index_cast %mul3A_67 : i32 to index
        %get3A_282 = arith.constant 240 : index
        %get3A_283 = tpu.vector_load %arg9[%get3A_281, %get3A_282] {strides = array<i32>} : memref<32x768xf32, #tpu.memory_space<vmem>>, vector<16xf32>,
        %get3A_284 = arith.constant 240 : index
        %get3A_285 = tpu.vector_load %arg12[%get3A_284] {strides = array<i32>} : memref<768xf32, #tpu.memory_space<vmem>>, vector<16xf32>,
        %mul3A_286 = arith.mulf %get3A_283, %get3A_285 : vector<16xf32>
        %add3A_287 = arith.addf %add3A_231, %mul3A_286 : vector<16xf32>
        %get3A_288 = arith.index_cast %add3A_71 : i32 to index
        %get3A_289 = arith.constant 240 : index
        %get3A_290 = tpu.vector_load %arg9[%get3A_288, %get3A_289] {strides = array<i32>} : memref<32x768xf32, #tpu.memory_space<vmem>>, vector<16xf32>,
        %get3A_291 = arith.constant 240 : index
        %get3A_292 = tpu.vector_load %arg12[%get3A_291] {strides = array<i32>} : memref<768xf32, #tpu.memory_space<vmem>>, vector<16xf32>,
        %mul3A_293 = arith.mulf %get3A_290, %get3A_292 : vector<16xf32>
        %add3A_294 = arith.addf %add3A_238, %mul3A_293 : vector<16xf32>
        %get3A_295 = arith.index_cast %mul3A_67 : i32 to index
        %get3A_296 = arith.constant 256 : index
        %get3A_297 = tpu.vector_load %arg9[%get3A_295, %get3A_296] {strides = array<i32>} : memref<32x768xf32, #tpu.memory_space<vmem>>, vector<16xf32>,
        %get3A_298 = arith.constant 256 : index
        %get3A_299 = tpu.vector_load %arg12[%get3A_298] {strides = array<i32>} : memref<768xf32, #tpu.memory_space<vmem>>, vector<16xf32>,
        %mul3A_300 = arith.mulf %get3A_297, %get3A_299 : vector<16xf32>
        %add3A_301 = arith.addf %add3A_245, %mul3A_300 : vector<16xf32>
        %get3A_302 = arith.index_cast %add3A_71 : i32 to index
        %get3A_303 = arith.constant 256 : index
        %get3A_304 = tpu.vector_load %arg9[%get3A_302, %get3A_303] {strides = array<i32>} : memref<32x768xf32, #tpu.memory_space<vmem>>, vector<16xf32>,
        %get3A_305 = arith.constant 256 : index
        %get3A_306 = tpu.vector_load %arg12[%get3A_305] {strides = array<i32>} : memref<768xf32, #tpu.memory_space<vmem>>, vector<16xf32>,
        %mul3A_307 = arith.mulf %get3A_304, %get3A_306 : vector<16xf32>
        %add3A_308 = arith.addf %add3A_252, %mul3A_307 : vector<16xf32>
        %get3A_309 = arith.index_cast %mul3A_67 : i32 to index
        %get3A_310 = arith.constant 272 : index
        %get3A_311 = tpu.vector_load %arg9[%get3A_309, %get3A_310] {strides = array<i32>} : memref<32x768xf32, #tpu.memory_space<vmem>>, vector<16xf32>,
        %get3A_312 = arith.constant 272 : index
        %get3A_313 = tpu.vector_load %arg12[%get3A_312] {strides = array<i32>} : memref<768xf32, #tpu.memory_space<vmem>>, vector<16xf32>,
        %mul3A_314 = arith.mulf %get3A_311, %get3A_313 : vector<16xf32>
        %add3A_315 = arith.addf %add3A_259, %mul3A_314 : vector<16xf32>
        %get3A_316 = arith.index_cast %add3A_71 : i32 to index
        %get3A_317 = arith.constant 272 : index
        %get3A_318 = tpu.vector_load %arg9[%get3A_316, %get3A_317] {strides = array<i32>} : memref<32x768xf32, #tpu.memory_space<vmem>>, vector<16xf32>,
        %get3A_319 = arith.constant 272 : index
        %get3A_320 = tpu.vector_load %arg12[%get3A_319] {strides = array<i32>} : memref<768xf32, #tpu.memory_space<vmem>>, vector<16xf32>,
        %mul3A_321 = arith.mulf %get3A_318, %get3A_320 : vector<16xf32>
        %add3A_322 = arith.addf %add3A_266, %mul3A_321 : vector<16xf32>
        %get3A_323 = arith.index_cast %mul3A_67 : i32 to index
        %get3A_324 = arith.constant 288 : index
        %get3A_325 = tpu.vector_load %arg9[%get3A_323, %get3A_324] {strides = array<i32>} : memref<32x768xf32, #tpu.memory_space<vmem>>, vector<16xf32>,
        %get3A_326 = arith.constant 288 : index
        %get3A_327 = tpu.vector_load %arg12[%get3A_326] {strides = array<i32>} : memref<768xf32, #tpu.memory_space<vmem>>, vector<16xf32>,
        %mul3A_328 = arith.mulf %get3A_325, %get3A_327 : vector<16xf32>
        %add3A_329 = arith.addf %add3A_273, %mul3A_328 : vector<16xf32>
        %get3A_330 = arith.index_cast %add3A_71 : i32 to index
        %get3A_331 = arith.constant 288 : index
        %get3A_332 = tpu.vector_load %arg9[%get3A_330, %get3A_331] {strides = array<i32>} : memref<32x768xf32, #tpu.memory_space<vmem>>, vector<16xf32>,
        %get3A_333 = arith.constant 288 : index
        %get3A_334 = tpu.vector_load %arg12[%get3A_333] {strides = array<i32>} : memref<768xf32, #tpu.memory_space<vmem>>, vector<16xf32>,
        %mul3A_335 = arith.mulf %get3A_332, %get3A_334 : vector<16xf32>
        %add3A_336 = arith.addf %add3A_280, %mul3A_335 : vector<16xf32>
        %get3A_337 = arith.index_cast %mul3A_67 : i32 to index
        %get3A_338 = arith.constant 304 : index
        %get3A_339 = tpu.vector_load %arg9[%get3A_337, %get3A_338] {strides = array<i32>} : memref<32x768xf32, #tpu.memory_space<vmem>>, vector<16xf32>,
        %get3A_340 = arith.constant 304 : index
        %get3A_341 = tpu.vector_load %arg12[%get3A_340] {strides = array<i32>} : memref<768xf32, #tpu.memory_space<vmem>>, vector<16xf32>,
        %mul3A_342 = arith.mulf %get3A_339, %get3A_341 : vector<16xf32>
        %add3A_343 = arith.addf %add3A_287, %mul3A_342 : vector<16xf32>
        %get3A_344 = arith.index_cast %add3A_71 : i32 to index
        %get3A_345 = arith.constant 304 : index
        %get3A_346 = tpu.vector_load %arg9[%get3A_344, %get3A_345] {strides = array<i32>} : memref<32x768xf32, #tpu.memory_space<vmem>>, vector<16xf32>,
        %get3A_347 = arith.constant 304 : index
        %get3A_348 = tpu.vector_load %arg12[%get3A_347] {strides = array<i32>} : memref<768xf32, #tpu.memory_space<vmem>>, vector<16xf32>,
        %mul3A_349 = arith.mulf %get3A_346, %get3A_348 : vector<16xf32>
        %add3A_350 = arith.addf %add3A_294, %mul3A_349 : vector<16xf32>
        %get3A_351 = arith.index_cast %mul3A_67 : i32 to index
        %get3A_352 = arith.constant 320 : index
        %get3A_353 = tpu.vector_load %arg9[%get3A_351, %get3A_352] {strides = array<i32>} : memref<32x768xf32, #tpu.memory_space<vmem>>, vector<16xf32>,
        %get3A_354 = arith.constant 320 : index
        %get3A_355 = tpu.vector_load %arg12[%get3A_354] {strides = array<i32>} : memref<768xf32, #tpu.memory_space<vmem>>, vector<16xf32>,
        %mul3A_356 = arith.mulf %get3A_353, %get3A_355 : vector<16xf32>
        %add3A_357 = arith.addf %add3A_301, %mul3A_356 : vector<16xf32>
        %get3A_358 = arith.index_cast %add3A_71 : i32 to index
        %get3A_359 = arith.constant 320 : index
        %get3A_360 = tpu.vector_load %arg9[%get3A_358, %get3A_359] {strides = array<i32>} : memref<32x768xf32, #tpu.memory_space<vmem>>, vector<16xf32>,
        %get3A_361 = arith.constant 320 : index
        %get3A_362 = tpu.vector_load %arg12[%get3A_361] {strides = array<i32>} : memref<768xf32, #tpu.memory_space<vmem>>, vector<16xf32>,
        %mul3A_363 = arith.mulf %get3A_360, %get3A_362 : vector<16xf32>
        %add3A_364 = arith.addf %add3A_308, %mul3A_363 : vector<16xf32>
        %get3A_365 = arith.index_cast %mul3A_67 : i32 to index
        %get3A_366 = arith.constant 336 : index
        %get3A_367 = tpu.vector_load %arg9[%get3A_365, %get3A_366] {strides = array<i32>} : memref<32x768xf32, #tpu.memory_space<vmem>>, vector<16xf32>,
        %get3A_368 = arith.constant 336 : index
        %get3A_369 = tpu.vector_load %arg12[%get3A_368] {strides = array<i32>} : memref<768xf32, #tpu.memory_space<vmem>>, vector<16xf32>,
        %mul3A_370 = arith.mulf %get3A_367, %get3A_369 : vector<16xf32>
        %add3A_371 = arith.addf %add3A_315, %mul3A_370 : vector<16xf32>
        %get3A_372 = arith.index_cast %add3A_71 : i32 to index
        %get3A_373 = arith.constant 336 : index
        %get3A_374 = tpu.vector_load %arg9[%get3A_372, %get3A_373] {strides = array<i32>} : memref<32x768xf32, #tpu.memory_space<vmem>>, vector<16xf32>,
        %get3A_375 = arith.constant 336 : index
        %get3A_376 = tpu.vector_load %arg12[%get3A_375] {strides = array<i32>} : memref<768xf32, #tpu.memory_space<vmem>>, vector<16xf32>,
        %mul3A_377 = arith.mulf %get3A_374, %get3A_376 : vector<16xf32>
        %add3A_378 = arith.addf %add3A_322, %mul3A_377 : vector<16xf32>
        %get3A_379 = arith.index_cast %mul3A_67 : i32 to index
        %get3A_380 = arith.constant 352 : index
        %get3A_381 = tpu.vector_load %arg9[%get3A_379, %get3A_380] {strides = array<i32>} : memref<32x768xf32, #tpu.memory_space<vmem>>, vector<16xf32>,
        %get3A_382 = arith.constant 352 : index
        %get3A_383 = tpu.vector_load %arg12[%get3A_382] {strides = array<i32>} : memref<768xf32, #tpu.memory_space<vmem>>, vector<16xf32>,
        %mul3A_384 = arith.mulf %get3A_381, %get3A_383 : vector<16xf32>
        %add3A_385 = arith.addf %add3A_329, %mul3A_384 : vector<16xf32>
        %get3A_386 = arith.index_cast %add3A_71 : i32 to index
        %get3A_387 = arith.constant 352 : index
        %get3A_388 = tpu.vector_load %arg9[%get3A_386, %get3A_387] {strides = array<i32>} : memref<32x768xf32, #tpu.memory_space<vmem>>, vector<16xf32>,
        %get3A_389 = arith.constant 352 : index
        %get3A_390 = tpu.vector_load %arg12[%get3A_389] {strides = array<i32>} : memref<768xf32, #tpu.memory_space<vmem>>, vector<16xf32>,
        %mul3A_391 = arith.mulf %get3A_388, %get3A_390 : vector<16xf32>
        %add3A_392 = arith.addf %add3A_336, %mul3A_391 : vector<16xf32>
        %get3A_393 = arith.index_cast %mul3A_67 : i32 to index
        %get3A_394 = arith.constant 368 : index
        %get3A_395 = tpu.vector_load %arg9[%get3A_393, %get3A_394] {strides = array<i32>} : memref<32x768xf32, #tpu.memory_space<vmem>>, vector<16xf32>,
        %get3A_396 = arith.constant 368 : index
        %get3A_397 = tpu.vector_load %arg12[%get3A_396] {strides = array<i32>} : memref<768xf32, #tpu.memory_space<vmem>>, vector<16xf32>,
        %mul3A_398 = arith.mulf %get3A_395, %get3A_397 : vector<16xf32>
        %add3A_399 = arith.addf %add3A_343, %mul3A_398 : vector<16xf32>
        %get3A_400 = arith.index_cast %add3A_71 : i32 to index
        %get3A_401 = arith.constant 368 : index
        %get3A_402 = tpu.vector_load %arg9[%get3A_400, %get3A_401] {strides = array<i32>} : memref<32x768xf32, #tpu.memory_space<vmem>>, vector<16xf32>,
        %get3A_403 = arith.constant 368 : index
        %get3A_404 = tpu.vector_load %arg12[%get3A_403] {strides = array<i32>} : memref<768xf32, #tpu.memory_space<vmem>>, vector<16xf32>,
        %mul3A_405 = arith.mulf %get3A_402, %get3A_404 : vector<16xf32>
        %add3A_406 = arith.addf %add3A_350, %mul3A_405 : vector<16xf32>
        %get3A_407 = arith.index_cast %mul3A_67 : i32 to index
        %get3A_408 = arith.constant 384 : index
        %get3A_409 = tpu.vector_load %arg9[%get3A_407, %get3A_408] {strides = array<i32>} : memref<32x768xf32, #tpu.memory_space<vmem>>, vector<16xf32>,
        %get3A_410 = arith.constant 384 : index
        %get3A_411 = tpu.vector_load %arg12[%get3A_410] {strides = array<i32>} : memref<768xf32, #tpu.memory_space<vmem>>, vector<16xf32>,
        %mul3A_412 = arith.mulf %get3A_409, %get3A_411 : vector<16xf32>
        %add3A_413 = arith.addf %add3A_357, %mul3A_412 : vector<16xf32>
        %get3A_414 = arith.index_cast %add3A_71 : i32 to index
        %get3A_415 = arith.constant 384 : index
        %get3A_416 = tpu.vector_load %arg9[%get3A_414, %get3A_415] {strides = array<i32>} : memref<32x768xf32, #tpu.memory_space<vmem>>, vector<16xf32>,
        %get3A_417 = arith.constant 384 : index
        %get3A_418 = tpu.vector_load %arg12[%get3A_417] {strides = array<i32>} : memref<768xf32, #tpu.memory_space<vmem>>, vector<16xf32>,
        %mul3A_419 = arith.mulf %get3A_416, %get3A_418 : vector<16xf32>
        %add3A_420 = arith.addf %add3A_364, %mul3A_419 : vector<16xf32>
        %get3A_421 = arith.index_cast %mul3A_67 : i32 to index
        %get3A_422 = arith.constant 400 : index
        %get3A_423 = tpu.vector_load %arg9[%get3A_421, %get3A_422] {strides = array<i32>} : memref<32x768xf32, #tpu.memory_space<vmem>>, vector<16xf32>,
        %get3A_424 = arith.constant 400 : index
        %get3A_425 = tpu.vector_load %arg12[%get3A_424] {strides = array<i32>} : memref<768xf32, #tpu.memory_space<vmem>>, vector<16xf32>,
        %mul3A_426 = arith.mulf %get3A_423, %get3A_425 : vector<16xf32>
        %add3A_427 = arith.addf %add3A_371, %mul3A_426 : vector<16xf32>
        %get3A_428 = arith.index_cast %add3A_71 : i32 to index
        %get3A_429 = arith.constant 400 : index
        %get3A_430 = tpu.vector_load %arg9[%get3A_428, %get3A_429] {strides = array<i32>} : memref<32x768xf32, #tpu.memory_space<vmem>>, vector<16xf32>,
        %get3A_431 = arith.constant 400 : index
        %get3A_432 = tpu.vector_load %arg12[%get3A_431] {strides = array<i32>} : memref<768xf32, #tpu.memory_space<vmem>>, vector<16xf32>,
        %mul3A_433 = arith.mulf %get3A_430, %get3A_432 : vector<16xf32>
        %add3A_434 = arith.addf %add3A_378, %mul3A_433 : vector<16xf32>
        %get3A_435 = arith.index_cast %mul3A_67 : i32 to index
        %get3A_436 = arith.constant 416 : index
        %get3A_437 = tpu.vector_load %arg9[%get3A_435, %get3A_436] {strides = array<i32>} : memref<32x768xf32, #tpu.memory_space<vmem>>, vector<16xf32>,
        %get3A_438 = arith.constant 416 : index
        %get3A_439 = tpu.vector_load %arg12[%get3A_438] {strides = array<i32>} : memref<768xf32, #tpu.memory_space<vmem>>, vector<16xf32>,
        %mul3A_440 = arith.mulf %get3A_437, %get3A_439 : vector<16xf32>
        %add3A_441 = arith.addf %add3A_385, %mul3A_440 : vector<16xf32>
        %get3A_442 = arith.index_cast %add3A_71 : i32 to index
        %get3A_443 = arith.constant 416 : index
        %get3A_444 = tpu.vector_load %arg9[%get3A_442, %get3A_443] {strides = array<i32>} : memref<32x768xf32, #tpu.memory_space<vmem>>, vector<16xf32>,
        %get3A_445 = arith.constant 416 : index
        %get3A_446 = tpu.vector_load %arg12[%get3A_445] {strides = array<i32>} : memref<768xf32, #tpu.memory_space<vmem>>, vector<16xf32>,
        %mul3A_447 = arith.mulf %get3A_444, %get3A_446 : vector<16xf32>
        %add3A_448 = arith.addf %add3A_392, %mul3A_447 : vector<16xf32>
        %get3A_449 = arith.index_cast %mul3A_67 : i32 to index
        %get3A_450 = arith.constant 432 : index
        %get3A_451 = tpu.vector_load %arg9[%get3A_449, %get3A_450] {strides = array<i32>} : memref<32x768xf32, #tpu.memory_space<vmem>>, vector<16xf32>,
        %get3A_452 = arith.constant 432 : index
        %get3A_453 = tpu.vector_load %arg12[%get3A_452] {strides = array<i32>} : memref<768xf32, #tpu.memory_space<vmem>>, vector<16xf32>,
        %mul3A_454 = arith.mulf %get3A_451, %get3A_453 : vector<16xf32>
        %add3A_455 = arith.addf %add3A_399, %mul3A_454 : vector<16xf32>
        %get3A_456 = arith.index_cast %add3A_71 : i32 to index
        %get3A_457 = arith.constant 432 : index
        %get3A_458 = tpu.vector_load %arg9[%get3A_456, %get3A_457] {strides = array<i32>} : memref<32x768xf32, #tpu.memory_space<vmem>>, vector<16xf32>,
        %get3A_459 = arith.constant 432 : index
        %get3A_460 = tpu.vector_load %arg12[%get3A_459] {strides = array<i32>} : memref<768xf32, #tpu.memory_space<vmem>>, vector<16xf32>,
        %mul3A_461 = arith.mulf %get3A_458, %get3A_460 : vector<16xf32>
        %add3A_462 = arith.addf %add3A_406, %mul3A_461 : vector<16xf32>
        %get3A_463 = arith.index_cast %mul3A_67 : i32 to index
        %get3A_464 = arith.constant 448 : index
        %get3A_465 = tpu.vector_load %arg9[%get3A_463, %get3A_464] {strides = array<i32>} : memref<32x768xf32, #tpu.memory_space<vmem>>, vector<16xf32>,
        %get3A_466 = arith.constant 448 : index
        %get3A_467 = tpu.vector_load %arg12[%get3A_466] {strides = array<i32>} : memref<768xf32, #tpu.memory_space<vmem>>, vector<16xf32>,
        %mul3A_468 = arith.mulf %get3A_465, %get3A_467 : vector<16xf32>
        %add3A_469 = arith.addf %add3A_413, %mul3A_468 : vector<16xf32>
        %get3A_470 = arith.index_cast %add3A_71 : i32 to index
        %get3A_471 = arith.constant 448 : index
        %get3A_472 = tpu.vector_load %arg9[%get3A_470, %get3A_471] {strides = array<i32>} : memref<32x768xf32, #tpu.memory_space<vmem>>, vector<16xf32>,
        %get3A_473 = arith.constant 448 : index
        %get3A_474 = tpu.vector_load %arg12[%get3A_473] {strides = array<i32>} : memref<768xf32, #tpu.memory_space<vmem>>, vector<16xf32>,
        %mul3A_475 = arith.mulf %get3A_472, %get3A_474 : vector<16xf32>
        %add3A_476 = arith.addf %add3A_420, %mul3A_475 : vector<16xf32>
        %get3A_477 = arith.index_cast %mul3A_67 : i32 to index
        %get3A_478 = arith.constant 464 : index
        %get3A_479 = tpu.vector_load %arg9[%get3A_477, %get3A_478] {strides = array<i32>} : memref<32x768xf32, #tpu.memory_space<vmem>>, vector<16xf32>,
        %get3A_480 = arith.constant 464 : index
        %get3A_481 = tpu.vector_load %arg12[%get3A_480] {strides = array<i32>} : memref<768xf32, #tpu.memory_space<vmem>>, vector<16xf32>,
        %mul3A_482 = arith.mulf %get3A_479, %get3A_481 : vector<16xf32>
        %add3A_483 = arith.addf %add3A_427, %mul3A_482 : vector<16xf32>
        %get3A_484 = arith.index_cast %add3A_71 : i32 to index
        %get3A_485 = arith.constant 464 : index
        %get3A_486 = tpu.vector_load %arg9[%get3A_484, %get3A_485] {strides = array<i32>} : memref<32x768xf32, #tpu.memory_space<vmem>>, vector<16xf32>,
        %get3A_487 = arith.constant 464 : index
        %get3A_488 = tpu.vector_load %arg12[%get3A_487] {strides = array<i32>} : memref<768xf32, #tpu.memory_space<vmem>>, vector<16xf32>,
        %mul3A_489 = arith.mulf %get3A_486, %get3A_488 : vector<16xf32>
        %add3A_490 = arith.addf %add3A_434, %mul3A_489 : vector<16xf32>
        %get3A_491 = arith.index_cast %mul3A_67 : i32 to index
        %get3A_492 = arith.constant 480 : index
        %get3A_493 = tpu.vector_load %arg9[%get3A_491, %get3A_492] {strides = array<i32>} : memref<32x768xf32, #tpu.memory_space<vmem>>, vector<16xf32>,
        %get3A_494 = arith.constant 480 : index
        %get3A_495 = tpu.vector_load %arg12[%get3A_494] {strides = array<i32>} : memref<768xf32, #tpu.memory_space<vmem>>, vector<16xf32>,
        %mul3A_496 = arith.mulf %get3A_493, %get3A_495 : vector<16xf32>
        %add3A_497 = arith.addf %add3A_441, %mul3A_496 : vector<16xf32>
        %get3A_498 = arith.index_cast %add3A_71 : i32 to index
        %get3A_499 = arith.constant 480 : index
        %get3A_500 = tpu.vector_load %arg9[%get3A_498, %get3A_499] {strides = array<i32>} : memref<32x768xf32, #tpu.memory_space<vmem>>, vector<16xf32>,
        %get3A_501 = arith.constant 480 : index
        %get3A_502 = tpu.vector_load %arg12[%get3A_501] {strides = array<i32>} : memref<768xf32, #tpu.memory_space<vmem>>, vector<16xf32>,
        %mul3A_503 = arith.mulf %get3A_500, %get3A_502 : vector<16xf32>
        %add3A_504 = arith.addf %add3A_448, %mul3A_503 : vector<16xf32>
        %get3A_505 = arith.index_cast %mul3A_67 : i32 to index
        %get3A_506 = arith.constant 496 : index
        %get3A_507 = tpu.vector_load %arg9[%get3A_505, %get3A_506] {strides = array<i32>} : memref<32x768xf32, #tpu.memory_space<vmem>>, vector<16xf32>,
        %get3A_508 = arith.constant 496 : index
        %get3A_509 = tpu.vector_load %arg12[%get3A_508] {strides = array<i32>} : memref<768xf32, #tpu.memory_space<vmem>>, vector<16xf32>,
        %mul3A_510 = arith.mulf %get3A_507, %get3A_509 : vector<16xf32>
        %add3A_511 = arith.addf %add3A_455, %mul3A_510 : vector<16xf32>
        %get3A_512 = arith.index_cast %add3A_71 : i32 to index
        %get3A_513 = arith.constant 496 : index
        %get3A_514 = tpu.vector_load %arg9[%get3A_512, %get3A_513] {strides = array<i32>} : memref<32x768xf32, #tpu.memory_space<vmem>>, vector<16xf32>,
        %get3A_515 = arith.constant 496 : index
        %get3A_516 = tpu.vector_load %arg12[%get3A_515] {strides = array<i32>} : memref<768xf32, #tpu.memory_space<vmem>>, vector<16xf32>,
        %mul3A_517 = arith.mulf %get3A_514, %get3A_516 : vector<16xf32>
        %add3A_518 = arith.addf %add3A_462, %mul3A_517 : vector<16xf32>
        %get3A_519 = arith.index_cast %mul3A_67 : i32 to index
        %get3A_520 = arith.constant 512 : index
        %get3A_521 = tpu.vector_load %arg9[%get3A_519, %get3A_520] {strides = array<i32>} : memref<32x768xf32, #tpu.memory_space<vmem>>, vector<16xf32>,
        %get3A_522 = arith.constant 512 : index
        %get3A_523 = tpu.vector_load %arg12[%get3A_522] {strides = array<i32>} : memref<768xf32, #tpu.memory_space<vmem>>, vector<16xf32>,
        %mul3A_524 = arith.mulf %get3A_521, %get3A_523 : vector<16xf32>
        %add3A_525 = arith.addf %add3A_469, %mul3A_524 : vector<16xf32>
        %get3A_526 = arith.index_cast %add3A_71 : i32 to index
        %get3A_527 = arith.constant 512 : index
        %get3A_528 = tpu.vector_load %arg9[%get3A_526, %get3A_527] {strides = array<i32>} : memref<32x768xf32, #tpu.memory_space<vmem>>, vector<16xf32>,
        %get3A_529 = arith.constant 512 : index
        %get3A_530 = tpu.vector_load %arg12[%get3A_529] {strides = array<i32>} : memref<768xf32, #tpu.memory_space<vmem>>, vector<16xf32>,
        %mul3A_531 = arith.mulf %get3A_528, %get3A_530 : vector<16xf32>
        %add3A_532 = arith.addf %add3A_476, %mul3A_531 : vector<16xf32>
        %get3A_533 = arith.index_cast %mul3A_67 : i32 to index
        %get3A_534 = arith.constant 528 : index
        %get3A_535 = tpu.vector_load %arg9[%get3A_533, %get3A_534] {strides = array<i32>} : memref<32x768xf32, #tpu.memory_space<vmem>>, vector<16xf32>,
        %get3A_536 = arith.constant 528 : index
        %get3A_537 = tpu.vector_load %arg12[%get3A_536] {strides = array<i32>} : memref<768xf32, #tpu.memory_space<vmem>>, vector<16xf32>,
        %mul3A_538 = arith.mulf %get3A_535, %get3A_537 : vector<16xf32>
        %add3A_539 = arith.addf %add3A_483, %mul3A_538 : vector<16xf32>
        %get3A_540 = arith.index_cast %add3A_71 : i32 to index
        %get3A_541 = arith.constant 528 : index
        %get3A_542 = tpu.vector_load %arg9[%get3A_540, %get3A_541] {strides = array<i32>} : memref<32x768xf32, #tpu.memory_space<vmem>>, vector<16xf32>,
        %get3A_543 = arith.constant 528 : index
        %get3A_544 = tpu.vector_load %arg12[%get3A_543] {strides = array<i32>} : memref<768xf32, #tpu.memory_space<vmem>>, vector<16xf32>,
        %mul3A_545 = arith.mulf %get3A_542, %get3A_544 : vector<16xf32>
        %add3A_546 = arith.addf %add3A_490, %mul3A_545 : vector<16xf32>
        %get3A_547 = arith.index_cast %mul3A_67 : i32 to index
        %get3A_548 = arith.constant 544 : index
        %get3A_549 = tpu.vector_load %arg9[%get3A_547, %get3A_548] {strides = array<i32>} : memref<32x768xf32, #tpu.memory_space<vmem>>, vector<16xf32>,
        %get3A_550 = arith.constant 544 : index
        %get3A_551 = tpu.vector_load %arg12[%get3A_550] {strides = array<i32>} : memref<768xf32, #tpu.memory_space<vmem>>, vector<16xf32>,
        %mul3A_552 = arith.mulf %get3A_549, %get3A_551 : vector<16xf32>
        %add3A_553 = arith.addf %add3A_497, %mul3A_552 : vector<16xf32>
        %get3A_554 = arith.index_cast %add3A_71 : i32 to index
        %get3A_555 = arith.constant 544 : index
        %get3A_556 = tpu.vector_load %arg9[%get3A_554, %get3A_555] {strides = array<i32>} : memref<32x768xf32, #tpu.memory_space<vmem>>, vector<16xf32>,
        %get3A_557 = arith.constant 544 : index
        %get3A_558 = tpu.vector_load %arg12[%get3A_557] {strides = array<i32>} : memref<768xf32, #tpu.memory_space<vmem>>, vector<16xf32>,
        %mul3A_559 = arith.mulf %get3A_556, %get3A_558 : vector<16xf32>
        %add3A_560 = arith.addf %add3A_504, %mul3A_559 : vector<16xf32>
        %get3A_561 = arith.index_cast %mul3A_67 : i32 to index
        %get3A_562 = arith.constant 560 : index
        %get3A_563 = tpu.vector_load %arg9[%get3A_561, %get3A_562] {strides = array<i32>} : memref<32x768xf32, #tpu.memory_space<vmem>>, vector<16xf32>,
        %get3A_564 = arith.constant 560 : index
        %get3A_565 = tpu.vector_load %arg12[%get3A_564] {strides = array<i32>} : memref<768xf32, #tpu.memory_space<vmem>>, vector<16xf32>,
        %mul3A_566 = arith.mulf %get3A_563, %get3A_565 : vector<16xf32>
        %add3A_567 = arith.addf %add3A_511, %mul3A_566 : vector<16xf32>
        %get3A_568 = arith.index_cast %add3A_71 : i32 to index
        %get3A_569 = arith.constant 560 : index
        %get3A_570 = tpu.vector_load %arg9[%get3A_568, %get3A_569] {strides = array<i32>} : memref<32x768xf32, #tpu.memory_space<vmem>>, vector<16xf32>,
        %get3A_571 = arith.constant 560 : index
        %get3A_572 = tpu.vector_load %arg12[%get3A_571] {strides = array<i32>} : memref<768xf32, #tpu.memory_space<vmem>>, vector<16xf32>,
        %mul3A_573 = arith.mulf %get3A_570, %get3A_572 : vector<16xf32>
        %add3A_574 = arith.addf %add3A_518, %mul3A_573 : vector<16xf32>
        %get3A_575 = arith.index_cast %mul3A_67 : i32 to index
        %get3A_576 = arith.constant 576 : index
        %get3A_577 = tpu.vector_load %arg9[%get3A_575, %get3A_576] {strides = array<i32>} : memref<32x768xf32, #tpu.memory_space<vmem>>, vector<16xf32>,
        %get3A_578 = arith.constant 576 : index
        %get3A_579 = tpu.vector_load %arg12[%get3A_578] {strides = array<i32>} : memref<768xf32, #tpu.memory_space<vmem>>, vector<16xf32>,
        %mul3A_580 = arith.mulf %get3A_577, %get3A_579 : vector<16xf32>
        %add3A_581 = arith.addf %add3A_525, %mul3A_580 : vector<16xf32>
        %get3A_582 = arith.index_cast %add3A_71 : i32 to index
        %get3A_583 = arith.constant 576 : index
        %get3A_584 = tpu.vector_load %arg9[%get3A_582, %get3A_583] {strides = array<i32>} : memref<32x768xf32, #tpu.memory_space<vmem>>, vector<16xf32>,
        %get3A_585 = arith.constant 576 : index
        %get3A_586 = tpu.vector_load %arg12[%get3A_585] {strides = array<i32>} : memref<768xf32, #tpu.memory_space<vmem>>, vector<16xf32>,
        %mul3A_587 = arith.mulf %get3A_584, %get3A_586 : vector<16xf32>
        %add3A_588 = arith.addf %add3A_532, %mul3A_587 : vector<16xf32>
        %get3A_589 = arith.index_cast %mul3A_67 : i32 to index
        %get3A_590 = arith.constant 592 : index
        %get3A_591 = tpu.vector_load %arg9[%get3A_589, %get3A_590] {strides = array<i32>} : memref<32x768xf32, #tpu.memory_space<vmem>>, vector<16xf32>,
        %get3A_592 = arith.constant 592 : index
        %get3A_593 = tpu.vector_load %arg12[%get3A_592] {strides = array<i32>} : memref<768xf32, #tpu.memory_space<vmem>>, vector<16xf32>,
        %mul3A_594 = arith.mulf %get3A_591, %get3A_593 : vector<16xf32>
        %add3A_595 = arith.addf %add3A_539, %mul3A_594 : vector<16xf32>
        %get3A_596 = arith.index_cast %add3A_71 : i32 to index
        %get3A_597 = arith.constant 592 : index
        %get3A_598 = tpu.vector_load %arg9[%get3A_596, %get3A_597] {strides = array<i32>} : memref<32x768xf32, #tpu.memory_space<vmem>>, vector<16xf32>,
        %get3A_599 = arith.constant 592 : index
        %get3A_600 = tpu.vector_load %arg12[%get3A_599] {strides = array<i32>} : memref<768xf32, #tpu.memory_space<vmem>>, vector<16xf32>,
        %mul3A_601 = arith.mulf %get3A_598, %get3A_600 : vector<16xf32>
        %add3A_602 = arith.addf %add3A_546, %mul3A_601 : vector<16xf32>
        %get3A_603 = arith.index_cast %mul3A_67 : i32 to index
        %get3A_604 = arith.constant 608 : index
        %get3A_605 = tpu.vector_load %arg9[%get3A_603, %get3A_604] {strides = array<i32>} : memref<32x768xf32, #tpu.memory_space<vmem>>, vector<16xf32>,
        %get3A_606 = arith.constant 608 : index
        %get3A_607 = tpu.vector_load %arg12[%get3A_606] {strides = array<i32>} : memref<768xf32, #tpu.memory_space<vmem>>, vector<16xf32>,
        %mul3A_608 = arith.mulf %get3A_605, %get3A_607 : vector<16xf32>
        %add3A_609 = arith.addf %add3A_553, %mul3A_608 : vector<16xf32>
        %get3A_610 = arith.index_cast %add3A_71 : i32 to index
        %get3A_611 = arith.constant 608 : index
        %get3A_612 = tpu.vector_load %arg9[%get3A_610, %get3A_611] {strides = array<i32>} : memref<32x768xf32, #tpu.memory_space<vmem>>, vector<16xf32>,
        %get3A_613 = arith.constant 608 : index
        %get3A_614 = tpu.vector_load %arg12[%get3A_613] {strides = array<i32>} : memref<768xf32, #tpu.memory_space<vmem>>, vector<16xf32>,
        %mul3A_615 = arith.mulf %get3A_612, %get3A_614 : vector<16xf32>
        %add3A_616 = arith.addf %add3A_560, %mul3A_615 : vector<16xf32>
        %get3A_617 = arith.index_cast %mul3A_67 : i32 to index
        %get3A_618 = arith.constant 624 : index
        %get3A_619 = tpu.vector_load %arg9[%get3A_617, %get3A_618] {strides = array<i32>} : memref<32x768xf32, #tpu.memory_space<vmem>>, vector<16xf32>,
        %get3A_620 = arith.constant 624 : index
        %get3A_621 = tpu.vector_load %arg12[%get3A_620] {strides = array<i32>} : memref<768xf32, #tpu.memory_space<vmem>>, vector<16xf32>,
        %mul3A_622 = arith.mulf %get3A_619, %get3A_621 : vector<16xf32>
        %add3A_623 = arith.addf %add3A_567, %mul3A_622 : vector<16xf32>
        %get3A_624 = arith.index_cast %add3A_71 : i32 to index
        %get3A_625 = arith.constant 624 : index
        %get3A_626 = tpu.vector_load %arg9[%get3A_624, %get3A_625] {strides = array<i32>} : memref<32x768xf32, #tpu.memory_space<vmem>>, vector<16xf32>,
        %get3A_627 = arith.constant 624 : index
        %get3A_628 = tpu.vector_load %arg12[%get3A_627] {strides = array<i32>} : memref<768xf32, #tpu.memory_space<vmem>>, vector<16xf32>,
        %mul3A_629 = arith.mulf %get3A_626, %get3A_628 : vector<16xf32>
        %add3A_630 = arith.addf %add3A_574, %mul3A_629 : vector<16xf32>
        %get3A_631 = arith.index_cast %mul3A_67 : i32 to index
        %get3A_632 = arith.constant 640 : index
        %get3A_633 = tpu.vector_load %arg9[%get3A_631, %get3A_632] {strides = array<i32>} : memref<32x768xf32, #tpu.memory_space<vmem>>, vector<16xf32>,
        %get3A_634 = arith.constant 640 : index
        %get3A_635 = tpu.vector_load %arg12[%get3A_634] {strides = array<i32>} : memref<768xf32, #tpu.memory_space<vmem>>, vector<16xf32>,
        %mul3A_636 = arith.mulf %get3A_633, %get3A_635 : vector<16xf32>
        %add3A_637 = arith.addf %add3A_581, %mul3A_636 : vector<16xf32>
        %get3A_638 = arith.index_cast %add3A_71 : i32 to index
        %get3A_639 = arith.constant 640 : index
        %get3A_640 = tpu.vector_load %arg9[%get3A_638, %get3A_639] {strides = array<i32>} : memref<32x768xf32, #tpu.memory_space<vmem>>, vector<16xf32>,
        %get3A_641 = arith.constant 640 : index
        %get3A_642 = tpu.vector_load %arg12[%get3A_641] {strides = array<i32>} : memref<768xf32, #tpu.memory_space<vmem>>, vector<16xf32>,
        %mul3A_643 = arith.mulf %get3A_640, %get3A_642 : vector<16xf32>
        %add3A_644 = arith.addf %add3A_588, %mul3A_643 : vector<16xf32>
        %get3A_645 = arith.index_cast %mul3A_67 : i32 to index
        %get3A_646 = arith.constant 656 : index
        %get3A_647 = tpu.vector_load %arg9[%get3A_645, %get3A_646] {strides = array<i32>} : memref<32x768xf32, #tpu.memory_space<vmem>>, vector<16xf32>,
        %get3A_648 = arith.constant 656 : index
        %get3A_649 = tpu.vector_load %arg12[%get3A_648] {strides = array<i32>} : memref<768xf32, #tpu.memory_space<vmem>>, vector<16xf32>,
        %mul3A_650 = arith.mulf %get3A_647, %get3A_649 : vector<16xf32>
        %add3A_651 = arith.addf %add3A_595, %mul3A_650 : vector<16xf32>
        %get3A_652 = arith.index_cast %add3A_71 : i32 to index
        %get3A_653 = arith.constant 656 : index
        %get3A_654 = tpu.vector_load %arg9[%get3A_652, %get3A_653] {strides = array<i32>} : memref<32x768xf32, #tpu.memory_space<vmem>>, vector<16xf32>,
        %get3A_655 = arith.constant 656 : index
        %get3A_656 = tpu.vector_load %arg12[%get3A_655] {strides = array<i32>} : memref<768xf32, #tpu.memory_space<vmem>>, vector<16xf32>,
        %mul3A_657 = arith.mulf %get3A_654, %get3A_656 : vector<16xf32>
        %add3A_658 = arith.addf %add3A_602, %mul3A_657 : vector<16xf32>
        %get3A_659 = arith.index_cast %mul3A_67 : i32 to index
        %get3A_660 = arith.constant 672 : index
        %get3A_661 = tpu.vector_load %arg9[%get3A_659, %get3A_660] {strides = array<i32>} : memref<32x768xf32, #tpu.memory_space<vmem>>, vector<16xf32>,
        %get3A_662 = arith.constant 672 : index
        %get3A_663 = tpu.vector_load %arg12[%get3A_662] {strides = array<i32>} : memref<768xf32, #tpu.memory_space<vmem>>, vector<16xf32>,
        %mul3A_664 = arith.mulf %get3A_661, %get3A_663 : vector<16xf32>
        %add3A_665 = arith.addf %add3A_609, %mul3A_664 : vector<16xf32>
        %get3A_666 = arith.index_cast %add3A_71 : i32 to index
        %get3A_667 = arith.constant 672 : index
        %get3A_668 = tpu.vector_load %arg9[%get3A_666, %get3A_667] {strides = array<i32>} : memref<32x768xf32, #tpu.memory_space<vmem>>, vector<16xf32>,
        %get3A_669 = arith.constant 672 : index
        %get3A_670 = tpu.vector_load %arg12[%get3A_669] {strides = array<i32>} : memref<768xf32, #tpu.memory_space<vmem>>, vector<16xf32>,
        %mul3A_671 = arith.mulf %get3A_668, %get3A_670 : vector<16xf32>
        %add3A_672 = arith.addf %add3A_616, %mul3A_671 : vector<16xf32>
        %get3A_673 = arith.index_cast %mul3A_67 : i32 to index
        %get3A_674 = arith.constant 688 : index
        %get3A_675 = tpu.vector_load %arg9[%get3A_673, %get3A_674] {strides = array<i32>} : memref<32x768xf32, #tpu.memory_space<vmem>>, vector<16xf32>,
        %get3A_676 = arith.constant 688 : index
        %get3A_677 = tpu.vector_load %arg12[%get3A_676] {strides = array<i32>} : memref<768xf32, #tpu.memory_space<vmem>>, vector<16xf32>,
        %mul3A_678 = arith.mulf %get3A_675, %get3A_677 : vector<16xf32>
        %add3A_679 = arith.addf %add3A_623, %mul3A_678 : vector<16xf32>
        %get3A_680 = arith.index_cast %add3A_71 : i32 to index
        %get3A_681 = arith.constant 688 : index
        %get3A_682 = tpu.vector_load %arg9[%get3A_680, %get3A_681] {strides = array<i32>} : memref<32x768xf32, #tpu.memory_space<vmem>>, vector<16xf32>,
        %get3A_683 = arith.constant 688 : index
        %get3A_684 = tpu.vector_load %arg12[%get3A_683] {strides = array<i32>} : memref<768xf32, #tpu.memory_space<vmem>>, vector<16xf32>,
        %mul3A_685 = arith.mulf %get3A_682, %get3A_684 : vector<16xf32>
        %add3A_686 = arith.addf %add3A_630, %mul3A_685 : vector<16xf32>
        %get3A_687 = arith.index_cast %mul3A_67 : i32 to index
        %get3A_688 = arith.constant 704 : index
        %get3A_689 = tpu.vector_load %arg9[%get3A_687, %get3A_688] {strides = array<i32>} : memref<32x768xf32, #tpu.memory_space<vmem>>, vector<16xf32>,
        %get3A_690 = arith.constant 704 : index
        %get3A_691 = tpu.vector_load %arg12[%get3A_690] {strides = array<i32>} : memref<768xf32, #tpu.memory_space<vmem>>, vector<16xf32>,
        %mul3A_692 = arith.mulf %get3A_689, %get3A_691 : vector<16xf32>
        %add3A_693 = arith.addf %add3A_637, %mul3A_692 : vector<16xf32>
        %get3A_694 = arith.index_cast %add3A_71 : i32 to index
        %get3A_695 = arith.constant 704 : index
        %get3A_696 = tpu.vector_load %arg9[%get3A_694, %get3A_695] {strides = array<i32>} : memref<32x768xf32, #tpu.memory_space<vmem>>, vector<16xf32>,
        %get3A_697 = arith.constant 704 : index
        %get3A_698 = tpu.vector_load %arg12[%get3A_697] {strides = array<i32>} : memref<768xf32, #tpu.memory_space<vmem>>, vector<16xf32>,
        %mul3A_699 = arith.mulf %get3A_696, %get3A_698 : vector<16xf32>
        %add3A_700 = arith.addf %add3A_644, %mul3A_699 : vector<16xf32>
        %get3A_701 = arith.index_cast %mul3A_67 : i32 to index
        %get3A_702 = arith.constant 720 : index
        %get3A_703 = tpu.vector_load %arg9[%get3A_701, %get3A_702] {strides = array<i32>} : memref<32x768xf32, #tpu.memory_space<vmem>>, vector<16xf32>,
        %get3A_704 = arith.constant 720 : index
        %get3A_705 = tpu.vector_load %arg12[%get3A_704] {strides = array<i32>} : memref<768xf32, #tpu.memory_space<vmem>>, vector<16xf32>,
        %mul3A_706 = arith.mulf %get3A_703, %get3A_705 : vector<16xf32>
        %add3A_707 = arith.addf %add3A_651, %mul3A_706 : vector<16xf32>
        %get3A_708 = arith.index_cast %add3A_71 : i32 to index
        %get3A_709 = arith.constant 720 : index
        %get3A_710 = tpu.vector_load %arg9[%get3A_708, %get3A_709] {strides = array<i32>} : memref<32x768xf32, #tpu.memory_space<vmem>>, vector<16xf32>,
        %get3A_711 = arith.constant 720 : index
        %get3A_712 = tpu.vector_load %arg12[%get3A_711] {strides = array<i32>} : memref<768xf32, #tpu.memory_space<vmem>>, vector<16xf32>,
        %mul3A_713 = arith.mulf %get3A_710, %get3A_712 : vector<16xf32>
        %add3A_714 = arith.addf %add3A_658, %mul3A_713 : vector<16xf32>
        %get3A_715 = arith.index_cast %mul3A_67 : i32 to index
        %get3A_716 = arith.constant 736 : index
        %get3A_717 = tpu.vector_load %arg9[%get3A_715, %get3A_716] {strides = array<i32>} : memref<32x768xf32, #tpu.memory_space<vmem>>, vector<16xf32>,
        %get3A_718 = arith.constant 736 : index
        %get3A_719 = tpu.vector_load %arg12[%get3A_718] {strides = array<i32>} : memref<768xf32, #tpu.memory_space<vmem>>, vector<16xf32>,
        %mul3A_720 = arith.mulf %get3A_717, %get3A_719 : vector<16xf32>
        %add3A_721 = arith.addf %add3A_665, %mul3A_720 : vector<16xf32>
        %get3A_722 = arith.index_cast %add3A_71 : i32 to index
        %get3A_723 = arith.constant 736 : index
        %get3A_724 = tpu.vector_load %arg9[%get3A_722, %get3A_723] {strides = array<i32>} : memref<32x768xf32, #tpu.memory_space<vmem>>, vector<16xf32>,
        %get3A_725 = arith.constant 736 : index
        %get3A_726 = tpu.vector_load %arg12[%get3A_725] {strides = array<i32>} : memref<768xf32, #tpu.memory_space<vmem>>, vector<16xf32>,
        %mul3A_727 = arith.mulf %get3A_724, %get3A_726 : vector<16xf32>
        %add3A_728 = arith.addf %add3A_672, %mul3A_727 : vector<16xf32>
        %get3A_729 = arith.index_cast %mul3A_67 : i32 to index
        %get3A_730 = arith.constant 752 : index
        %get3A_731 = tpu.vector_load %arg9[%get3A_729, %get3A_730] {strides = array<i32>} : memref<32x768xf32, #tpu.memory_space<vmem>>, vector<16xf32>,
        %get3A_732 = arith.constant 752 : index
        %get3A_733 = tpu.vector_load %arg12[%get3A_732] {strides = array<i32>} : memref<768xf32, #tpu.memory_space<vmem>>, vector<16xf32>,
        %mul3A_734 = arith.mulf %get3A_731, %get3A_733 : vector<16xf32>
        %add3A_735 = arith.addf %add3A_679, %mul3A_734 : vector<16xf32>
        %get3A_736 = arith.index_cast %add3A_71 : i32 to index
        %get3A_737 = arith.constant 752 : index
        %get3A_738 = tpu.vector_load %arg9[%get3A_736, %get3A_737] {strides = array<i32>} : memref<32x768xf32, #tpu.memory_space<vmem>>, vector<16xf32>,
        %get3A_739 = arith.constant 752 : index
        %get3A_740 = tpu.vector_load %arg12[%get3A_739] {strides = array<i32>} : memref<768xf32, #tpu.memory_space<vmem>>, vector<16xf32>,
        %mul3A_741 = arith.mulf %get3A_738, %get3A_740 : vector<16xf32>
        %add3A_742 = arith.addf %add3A_686, %mul3A_741 : vector<16xf32>
        %add3A_743 = arith.addf %add3A_693, %add3A_707 : vector<16xf32>
        %add3A_744 = arith.addf %add3A_721, %add3A_735 : vector<16xf32>
        %add3A_745 = arith.addf %add3A_743, %add3A_744 : vector<16xf32>
        %add3A_746 = arith.constant 8 : i32
        %add3A_747 = vector.broadcast %add3A_746 : i32 to vector<16xi32>
        %add3A_748 = arith.addi %iota3A, %add3A_747 : vector<16xi32>
        %and3A = arith.constant 15 : i32
        %and3A_749 = vector.broadcast %and3A : i32 to vector<16xi32>
        %and3A_750 = arith.andi %add3A_748, %and3A_749 : vector<16xi32>
        %reshape3A = vector.shape_cast %and3A_750 : vector<16xi32> to vector<16x1xi32>
        %gather3A = vector.shape_cast %reshape3A : vector<16x1xi32> to vector<16xi32>
        %gather3A_751 = tpu.dynamic_gather %add3A_745[%gather3A] in [0] : vector<16xf32>, vector<16xi32> -> vector<16xf32>
        %add3A_752 = arith.addf %add3A_745, %gather3A_751 : vector<16xf32>
        %add3A_753 = arith.constant 4 : i32
        %add3A_754 = vector.broadcast %add3A_753 : i32 to vector<16xi32>
        %add3A_755 = arith.addi %iota3A, %add3A_754 : vector<16xi32>
        %and3A_756 = arith.constant 15 : i32
        %and3A_757 = vector.broadcast %and3A_756 : i32 to vector<16xi32>
        %and3A_758 = arith.andi %add3A_755, %and3A_757 : vector<16xi32>
        %reshape3A_759 = vector.shape_cast %and3A_758 : vector<16xi32> to vector<16x1xi32>
        %gather3A_760 = vector.shape_cast %reshape3A_759 : vector<16x1xi32> to vector<16xi32>
        %gather3A_761 = tpu.dynamic_gather %add3A_752[%gather3A_760] in [0] : vector<16xf32>, vector<16xi32> -> vector<16xf32>
        %add3A_762 = arith.addf %add3A_752, %gather3A_761 : vector<16xf32>
        %add3A_763 = arith.constant 2 : i32
        %add3A_764 = vector.broadcast %add3A_763 : i32 to vector<16xi32>
        %add3A_765 = arith.addi %iota3A, %add3A_764 : vector<16xi32>
        %and3A_766 = arith.constant 15 : i32
        %and3A_767 = vector.broadcast %and3A_766 : i32 to vector<16xi32>
        %and3A_768 = arith.andi %add3A_765, %and3A_767 : vector<16xi32>
        %reshape3A_769 = vector.shape_cast %and3A_768 : vector<16xi32> to vector<16x1xi32>
        %gather3A_770 = vector.shape_cast %reshape3A_769 : vector<16x1xi32> to vector<16xi32>
        %gather3A_771 = tpu.dynamic_gather %add3A_762[%gather3A_770] in [0] : vector<16xf32>, vector<16xi32> -> vector<16xf32>
        %add3A_772 = arith.addf %add3A_762, %gather3A_771 : vector<16xf32>
        %add3A_773 = arith.constant 1 : i32
        %add3A_774 = vector.broadcast %add3A_773 : i32 to vector<16xi32>
        %add3A_775 = arith.addi %iota3A, %add3A_774 : vector<16xi32>
        %and3A_776 = arith.constant 15 : i32
        %and3A_777 = vector.broadcast %and3A_776 : i32 to vector<16xi32>
        %and3A_778 = arith.andi %add3A_775, %and3A_777 : vector<16xi32>
        %reshape3A_779 = vector.shape_cast %and3A_778 : vector<16xi32> to vector<16x1xi32>
        %gather3A_780 = vector.shape_cast %reshape3A_779 : vector<16x1xi32> to vector<16xi32>
        %gather3A_781 = tpu.dynamic_gather %add3A_772[%gather3A_780] in [0] : vector<16xf32>, vector<16xi32> -> vector<16xf32>
        %add3A_782 = arith.addf %add3A_772, %gather3A_781 : vector<16xf32>
        %get3A_783 = arith.constant 0 : index
        %get3A_784 = tpu.vector_load %arg13[%get3A_783] {strides = array<i32>} : memref<16xf32, #tpu.memory_space<vmem>>, vector<16xf32>,
        %add3A_785 = arith.addf %add3A_782, %get3A_784 : vector<16xf32>
        %add3A_786 = arith.addf %add3A_700, %add3A_714 : vector<16xf32>
        %add3A_787 = arith.addf %add3A_728, %add3A_742 : vector<16xf32>
        %add3A_788 = arith.addf %add3A_786, %add3A_787 : vector<16xf32>
        %add3A_789 = arith.constant 8 : i32
        %add3A_790 = vector.broadcast %add3A_789 : i32 to vector<16xi32>
        %add3A_791 = arith.addi %iota3A, %add3A_790 : vector<16xi32>
        %and3A_792 = arith.constant 15 : i32
        %and3A_793 = vector.broadcast %and3A_792 : i32 to vector<16xi32>
        %and3A_794 = arith.andi %add3A_791, %and3A_793 : vector<16xi32>
        %reshape3A_795 = vector.shape_cast %and3A_794 : vector<16xi32> to vector<16x1xi32>
        %gather3A_796 = vector.shape_cast %reshape3A_795 : vector<16x1xi32> to vector<16xi32>
        %gather3A_797 = tpu.dynamic_gather %add3A_788[%gather3A_796] in [0] : vector<16xf32>, vector<16xi32> -> vector<16xf32>
        %add3A_798 = arith.addf %add3A_788, %gather3A_797 : vector<16xf32>
        %add3A_799 = arith.constant 4 : i32
        %add3A_800 = vector.broadcast %add3A_799 : i32 to vector<16xi32>
        %add3A_801 = arith.addi %iota3A, %add3A_800 : vector<16xi32>
        %and3A_802 = arith.constant 15 : i32
        %and3A_803 = vector.broadcast %and3A_802 : i32 to vector<16xi32>
        %and3A_804 = arith.andi %add3A_801, %and3A_803 : vector<16xi32>
        %reshape3A_805 = vector.shape_cast %and3A_804 : vector<16xi32> to vector<16x1xi32>
        %gather3A_806 = vector.shape_cast %reshape3A_805 : vector<16x1xi32> to vector<16xi32>
        %gather3A_807 = tpu.dynamic_gather %add3A_798[%gather3A_806] in [0] : vector<16xf32>, vector<16xi32> -> vector<16xf32>
        %add3A_808 = arith.addf %add3A_798, %gather3A_807 : vector<16xf32>
        %add3A_809 = arith.constant 2 : i32
        %add3A_810 = vector.broadcast %add3A_809 : i32 to vector<16xi32>
        %add3A_811 = arith.addi %iota3A, %add3A_810 : vector<16xi32>
        %and3A_812 = arith.constant 15 : i32
        %and3A_813 = vector.broadcast %and3A_812 : i32 to vector<16xi32>
        %and3A_814 = arith.andi %add3A_811, %and3A_813 : vector<16xi32>
        %reshape3A_815 = vector.shape_cast %and3A_814 : vector<16xi32> to vector<16x1xi32>
        %gather3A_816 = vector.shape_cast %reshape3A_815 : vector<16x1xi32> to vector<16xi32>
        %gather3A_817 = tpu.dynamic_gather %add3A_808[%gather3A_816] in [0] : vector<16xf32>, vector<16xi32> -> vector<16xf32>
        %add3A_818 = arith.addf %add3A_808, %gather3A_817 : vector<16xf32>
        %add3A_819 = arith.constant 1 : i32
        %add3A_820 = vector.broadcast %add3A_819 : i32 to vector<16xi32>
        %add3A_821 = arith.addi %iota3A, %add3A_820 : vector<16xi32>
        %and3A_822 = arith.constant 15 : i32
        %and3A_823 = vector.broadcast %and3A_822 : i32 to vector<16xi32>
        %and3A_824 = arith.andi %add3A_821, %and3A_823 : vector<16xi32>
        %reshape3A_825 = vector.shape_cast %and3A_824 : vector<16xi32> to vector<16x1xi32>
        %gather3A_826 = vector.shape_cast %reshape3A_825 : vector<16x1xi32> to vector<16xi32>
        %gather3A_827 = tpu.dynamic_gather %add3A_818[%gather3A_826] in [0] : vector<16xf32>, vector<16xi32> -> vector<16xf32>
        %add3A_828 = arith.addf %add3A_818, %gather3A_827 : vector<16xf32>
        %get3A_829 = arith.constant 0 : index
        %get3A_830 = tpu.vector_load %arg13[%get3A_829] {strides = array<i32>} : memref<16xf32, #tpu.memory_space<vmem>>, vector<16xf32>,
        %add3A_831 = arith.addf %add3A_828, %get3A_830 : vector<16xf32>
        %neg3A = arith.constant 0.000000e+00 : f32
        %neg3A_832 = vector.broadcast %neg3A : f32 to vector<16xf32>
        %neg3A_833 = arith.subf %neg3A_832, %add3A_785 : vector<16xf32>
        %exp3A = math.exp %neg3A_833 : vector<16xf32>
        %add3A_834 = arith.constant 1.000000e+00 : f32
        %add3A_835 = vector.broadcast %add3A_834 : f32 to vector<16xf32>
        %add3A_836 = arith.addf %add3A_835, %exp3A : vector<16xf32>
        %div3A = arith.constant 1.000000e+00 : f32
        %div3A_837 = vector.broadcast %div3A : f32 to vector<16xf32>
        %div3A_838 = arith.divf %div3A_837, %add3A_836 : vector<16xf32>
        %ge3A = arith.constant 0.000000e+00 : f32
        %ge3A_839 = vector.broadcast %ge3A : f32 to vector<16xf32>
        %ge3A_840 = arith.cmpf oge, %add3A_785, %ge3A_839 : vector<16xf32>
        %jit3A = arith.constant 6.250000e-02 : f32
        %jit3A_841 = arith.constant 0.000000e+00 : f32
        %broadcast_in_dim3A_842 = vector.broadcast %jit3A : f32 to vector<16xf32>
        %broadcast_in_dim3A_843 = vector.broadcast %jit3A_841 : f32 to vector<16xf32>
        %select_n3A = arith.select %ge3A_840, %broadcast_in_dim3A_842, %broadcast_in_dim3A_843 : vector<16xi1>, vector<16xf32>
        %add3A_844 = arith.addf %scan3A_65, %select_n3A : vector<16xf32>
        %mul3A_845 = arith.constant 2 : i32
        %mul3A_846 = arith.muli %mul3A_845, %scan3A_64 : i32
        %add3A_847 = arith.addi %mul3A_43, %mul3A_846 : i32
        %add3A_848 = arith.constant 0 : i32
        %add3A_849 = arith.addi %add3A_847, %add3A_848 : i32
        %broadcast_in_dim3A_850 = vector.broadcast %add3A_849 : i32 to vector<16xi32>
        %eq3A = arith.constant 0 : i32
        %eq3A_851 = vector.broadcast %eq3A : i32 to vector<16xi32>
        %eq3A_852 = arith.cmpi eq, %iota3A, %eq3A_851 : vector<16xi32>
        tpu.vector_store_idx %arg14[%broadcast_in_dim3A_850], %div3A_838 masked %eq3A_852 : memref<128xf32, #tpu.memory_space<vmem>>[vector<16xi32>], vector<16xf32>, vector<16xi1>
        %gather3A_853 = tpu.vector_load_idx %arg11[%broadcast_in_dim3A_850] : memref<128xi32, #tpu.memory_space<vmem>>[vector<16xi32>], vector<16xi32>,
        %mul3A_854 = arith.constant 768 : i32
        %mul3A_855 = vector.broadcast %mul3A_854 : i32 to vector<16xi32>
        %mul3A_856 = arith.muli %gather3A_853, %mul3A_855 : vector<16xi32>
        %add3A_857 = arith.addi %mul3A_856, %iota3A : vector<16xi32>
        %neg3A_858 = arith.constant 0.000000e+00 : f32
        %neg3A_859 = vector.broadcast %neg3A_858 : f32 to vector<16xf32>
        %neg3A_860 = arith.subf %neg3A_859, %add3A_831 : vector<16xf32>
        %exp3A_861 = math.exp %neg3A_860 : vector<16xf32>
        %add3A_862 = arith.constant 1.000000e+00 : f32
        %add3A_863 = vector.broadcast %add3A_862 : f32 to vector<16xf32>
        %add3A_864 = arith.addf %add3A_863, %exp3A_861 : vector<16xf32>
        %div3A_865 = arith.constant 1.000000e+00 : f32
        %div3A_866 = vector.broadcast %div3A_865 : f32 to vector<16xf32>
        %div3A_867 = arith.divf %div3A_866, %add3A_864 : vector<16xf32>
        %ge3A_868 = arith.constant 0.000000e+00 : f32
        %ge3A_869 = vector.broadcast %ge3A_868 : f32 to vector<16xf32>
        %ge3A_870 = arith.cmpf oge, %add3A_831, %ge3A_869 : vector<16xf32>
        %jit3A_871 = arith.constant 6.250000e-02 : f32
        %jit3A_872 = arith.constant 0.000000e+00 : f32
        %broadcast_in_dim3A_873 = vector.broadcast %jit3A_871 : f32 to vector<16xf32>
        %broadcast_in_dim3A_874 = vector.broadcast %jit3A_872 : f32 to vector<16xf32>
        %select_n3A_875 = arith.select %ge3A_870, %broadcast_in_dim3A_873, %broadcast_in_dim3A_874 : vector<16xi1>, vector<16xf32>
        %add3A_876 = arith.addf %add3A_844, %select_n3A_875 : vector<16xf32>
        %mul3A_877 = arith.constant 2 : i32
        %mul3A_878 = arith.muli %mul3A_877, %scan3A_64 : i32
        %add3A_879 = arith.addi %mul3A_43, %mul3A_878 : i32
        %add3A_880 = arith.constant 1 : i32
        %add3A_881 = arith.addi %add3A_879, %add3A_880 : i32
        %broadcast_in_dim3A_882 = vector.broadcast %add3A_881 : i32 to vector<16xi32>
        %eq3A_883 = arith.constant 0 : i32
        %eq3A_884 = vector.broadcast %eq3A_883 : i32 to vector<16xi32>
        %eq3A_885 = arith.cmpi eq, %iota3A, %eq3A_884 : vector<16xi32>
        tpu.vector_store_idx %arg14[%broadcast_in_dim3A_882], %div3A_867 masked %eq3A_885 : memref<128xf32, #tpu.memory_space<vmem>>[vector<16xi32>], vector<16xf32>, vector<16xi1>
        %gather3A_886 = tpu.vector_load_idx %arg11[%broadcast_in_dim3A_882] : memref<128xi32, #tpu.memory_space<vmem>>[vector<16xi32>], vector<16xi32>,
        %mul3A_887 = arith.constant 768 : i32
        %mul3A_888 = vector.broadcast %mul3A_887 : i32 to vector<16xi32>
        %mul3A_889 = arith.muli %gather3A_886, %mul3A_888 : vector<16xi32>
        %add3A_890 = arith.addi %mul3A_889, %iota3A : vector<16xi32>
        %get3A_891 = arith.index_cast %mul3A_67 : i32 to index
        %get3A_892 = arith.constant 0 : index
        %get3A_893 = tpu.vector_load %arg9[%get3A_891, %get3A_892] {strides = array<i32>} : memref<32x768xf32, #tpu.memory_space<vmem>>, vector<16xf32>,
        %mul3A_894 = arith.mulf %get3A_893, %div3A_838 : vector<16xf32>
        %add3A_895 = arith.constant 0 : i32
        %add3A_896 = vector.broadcast %add3A_895 : i32 to vector<16xi32>
        %add3A_897 = arith.addi %add3A_857, %add3A_896 : vector<16xi32>
        tpu.vector_store_idx %arg15[%add3A_897], %mul3A_894 {add = true} : memref<12288xf32, #tpu.memory_space<vmem>>[vector<16xi32>], vector<16xf32>,
        %get3A_898 = arith.index_cast %add3A_71 : i32 to index
        %get3A_899 = arith.constant 0 : index
        %get3A_900 = tpu.vector_load %arg9[%get3A_898, %get3A_899] {strides = array<i32>} : memref<32x768xf32, #tpu.memory_space<vmem>>, vector<16xf32>,
        %mul3A_901 = arith.mulf %get3A_900, %div3A_867 : vector<16xf32>
        %add3A_902 = arith.constant 0 : i32
        %add3A_903 = vector.broadcast %add3A_902 : i32 to vector<16xi32>
        %add3A_904 = arith.addi %add3A_890, %add3A_903 : vector<16xi32>
        tpu.vector_store_idx %arg15[%add3A_904], %mul3A_901 {add = true} : memref<12288xf32, #tpu.memory_space<vmem>>[vector<16xi32>], vector<16xf32>,
        %get3A_905 = arith.index_cast %mul3A_67 : i32 to index
        %get3A_906 = arith.constant 16 : index
        %get3A_907 = tpu.vector_load %arg9[%get3A_905, %get3A_906] {strides = array<i32>} : memref<32x768xf32, #tpu.memory_space<vmem>>, vector<16xf32>,
        %mul3A_908 = arith.mulf %get3A_907, %div3A_838 : vector<16xf32>
        %add3A_909 = arith.constant 16 : i32
        %add3A_910 = vector.broadcast %add3A_909 : i32 to vector<16xi32>
        %add3A_911 = arith.addi %add3A_857, %add3A_910 : vector<16xi32>
        tpu.vector_store_idx %arg15[%add3A_911], %mul3A_908 {add = true} : memref<12288xf32, #tpu.memory_space<vmem>>[vector<16xi32>], vector<16xf32>,
        %get3A_912 = arith.index_cast %add3A_71 : i32 to index
        %get3A_913 = arith.constant 16 : index
        %get3A_914 = tpu.vector_load %arg9[%get3A_912, %get3A_913] {strides = array<i32>} : memref<32x768xf32, #tpu.memory_space<vmem>>, vector<16xf32>,
        %mul3A_915 = arith.mulf %get3A_914, %div3A_867 : vector<16xf32>
        %add3A_916 = arith.constant 16 : i32
        %add3A_917 = vector.broadcast %add3A_916 : i32 to vector<16xi32>
        %add3A_918 = arith.addi %add3A_890, %add3A_917 : vector<16xi32>
        tpu.vector_store_idx %arg15[%add3A_918], %mul3A_915 {add = true} : memref<12288xf32, #tpu.memory_space<vmem>>[vector<16xi32>], vector<16xf32>,
        %get3A_919 = arith.index_cast %mul3A_67 : i32 to index
        %get3A_920 = arith.constant 32 : index
        %get3A_921 = tpu.vector_load %arg9[%get3A_919, %get3A_920] {strides = array<i32>} : memref<32x768xf32, #tpu.memory_space<vmem>>, vector<16xf32>,
        %mul3A_922 = arith.mulf %get3A_921, %div3A_838 : vector<16xf32>
        %add3A_923 = arith.constant 32 : i32
        %add3A_924 = vector.broadcast %add3A_923 : i32 to vector<16xi32>
        %add3A_925 = arith.addi %add3A_857, %add3A_924 : vector<16xi32>
        tpu.vector_store_idx %arg15[%add3A_925], %mul3A_922 {add = true} : memref<12288xf32, #tpu.memory_space<vmem>>[vector<16xi32>], vector<16xf32>,
        %get3A_926 = arith.index_cast %add3A_71 : i32 to index
        %get3A_927 = arith.constant 32 : index
        %get3A_928 = tpu.vector_load %arg9[%get3A_926, %get3A_927] {strides = array<i32>} : memref<32x768xf32, #tpu.memory_space<vmem>>, vector<16xf32>,
        %mul3A_929 = arith.mulf %get3A_928, %div3A_867 : vector<16xf32>
        %add3A_930 = arith.constant 32 : i32
        %add3A_931 = vector.broadcast %add3A_930 : i32 to vector<16xi32>
        %add3A_932 = arith.addi %add3A_890, %add3A_931 : vector<16xi32>
        tpu.vector_store_idx %arg15[%add3A_932], %mul3A_929 {add = true} : memref<12288xf32, #tpu.memory_space<vmem>>[vector<16xi32>], vector<16xf32>,
        %get3A_933 = arith.index_cast %mul3A_67 : i32 to index
        %get3A_934 = arith.constant 48 : index
        %get3A_935 = tpu.vector_load %arg9[%get3A_933, %get3A_934] {strides = array<i32>} : memref<32x768xf32, #tpu.memory_space<vmem>>, vector<16xf32>,
        %mul3A_936 = arith.mulf %get3A_935, %div3A_838 : vector<16xf32>
        %add3A_937 = arith.constant 48 : i32
        %add3A_938 = vector.broadcast %add3A_937 : i32 to vector<16xi32>
        %add3A_939 = arith.addi %add3A_857, %add3A_938 : vector<16xi32>
        tpu.vector_store_idx %arg15[%add3A_939], %mul3A_936 {add = true} : memref<12288xf32, #tpu.memory_space<vmem>>[vector<16xi32>], vector<16xf32>,
        %get3A_940 = arith.index_cast %add3A_71 : i32 to index
        %get3A_941 = arith.constant 48 : index
        %get3A_942 = tpu.vector_load %arg9[%get3A_940, %get3A_941] {strides = array<i32>} : memref<32x768xf32, #tpu.memory_space<vmem>>, vector<16xf32>,
        %mul3A_943 = arith.mulf %get3A_942, %div3A_867 : vector<16xf32>
        %add3A_944 = arith.constant 48 : i32
        %add3A_945 = vector.broadcast %add3A_944 : i32 to vector<16xi32>
        %add3A_946 = arith.addi %add3A_890, %add3A_945 : vector<16xi32>
        tpu.vector_store_idx %arg15[%add3A_946], %mul3A_943 {add = true} : memref<12288xf32, #tpu.memory_space<vmem>>[vector<16xi32>], vector<16xf32>,
        %get3A_947 = arith.index_cast %mul3A_67 : i32 to index
        %get3A_948 = arith.constant 64 : index
        %get3A_949 = tpu.vector_load %arg9[%get3A_947, %get3A_948] {strides = array<i32>} : memref<32x768xf32, #tpu.memory_space<vmem>>, vector<16xf32>,
        %mul3A_950 = arith.mulf %get3A_949, %div3A_838 : vector<16xf32>
        %add3A_951 = arith.constant 64 : i32
        %add3A_952 = vector.broadcast %add3A_951 : i32 to vector<16xi32>
        %add3A_953 = arith.addi %add3A_857, %add3A_952 : vector<16xi32>
        tpu.vector_store_idx %arg15[%add3A_953], %mul3A_950 {add = true} : memref<12288xf32, #tpu.memory_space<vmem>>[vector<16xi32>], vector<16xf32>,
        %get3A_954 = arith.index_cast %add3A_71 : i32 to index
        %get3A_955 = arith.constant 64 : index
        %get3A_956 = tpu.vector_load %arg9[%get3A_954, %get3A_955] {strides = array<i32>} : memref<32x768xf32, #tpu.memory_space<vmem>>, vector<16xf32>,
        %mul3A_957 = arith.mulf %get3A_956, %div3A_867 : vector<16xf32>
        %add3A_958 = arith.constant 64 : i32
        %add3A_959 = vector.broadcast %add3A_958 : i32 to vector<16xi32>
        %add3A_960 = arith.addi %add3A_890, %add3A_959 : vector<16xi32>
        tpu.vector_store_idx %arg15[%add3A_960], %mul3A_957 {add = true} : memref<12288xf32, #tpu.memory_space<vmem>>[vector<16xi32>], vector<16xf32>,
        %get3A_961 = arith.index_cast %mul3A_67 : i32 to index
        %get3A_962 = arith.constant 80 : index
        %get3A_963 = tpu.vector_load %arg9[%get3A_961, %get3A_962] {strides = array<i32>} : memref<32x768xf32, #tpu.memory_space<vmem>>, vector<16xf32>,
        %mul3A_964 = arith.mulf %get3A_963, %div3A_838 : vector<16xf32>
        %add3A_965 = arith.constant 80 : i32
        %add3A_966 = vector.broadcast %add3A_965 : i32 to vector<16xi32>
        %add3A_967 = arith.addi %add3A_857, %add3A_966 : vector<16xi32>
        tpu.vector_store_idx %arg15[%add3A_967], %mul3A_964 {add = true} : memref<12288xf32, #tpu.memory_space<vmem>>[vector<16xi32>], vector<16xf32>,
        %get3A_968 = arith.index_cast %add3A_71 : i32 to index
        %get3A_969 = arith.constant 80 : index
        %get3A_970 = tpu.vector_load %arg9[%get3A_968, %get3A_969] {strides = array<i32>} : memref<32x768xf32, #tpu.memory_space<vmem>>, vector<16xf32>,
        %mul3A_971 = arith.mulf %get3A_970, %div3A_867 : vector<16xf32>
        %add3A_972 = arith.constant 80 : i32
        %add3A_973 = vector.broadcast %add3A_972 : i32 to vector<16xi32>
        %add3A_974 = arith.addi %add3A_890, %add3A_973 : vector<16xi32>
        tpu.vector_store_idx %arg15[%add3A_974], %mul3A_971 {add = true} : memref<12288xf32, #tpu.memory_space<vmem>>[vector<16xi32>], vector<16xf32>,
        %get3A_975 = arith.index_cast %mul3A_67 : i32 to index
        %get3A_976 = arith.constant 96 : index
        %get3A_977 = tpu.vector_load %arg9[%get3A_975, %get3A_976] {strides = array<i32>} : memref<32x768xf32, #tpu.memory_space<vmem>>, vector<16xf32>,
        %mul3A_978 = arith.mulf %get3A_977, %div3A_838 : vector<16xf32>
        %add3A_979 = arith.constant 96 : i32
        %add3A_980 = vector.broadcast %add3A_979 : i32 to vector<16xi32>
        %add3A_981 = arith.addi %add3A_857, %add3A_980 : vector<16xi32>
        tpu.vector_store_idx %arg15[%add3A_981], %mul3A_978 {add = true} : memref<12288xf32, #tpu.memory_space<vmem>>[vector<16xi32>], vector<16xf32>,
        %get3A_982 = arith.index_cast %add3A_71 : i32 to index
        %get3A_983 = arith.constant 96 : index
        %get3A_984 = tpu.vector_load %arg9[%get3A_982, %get3A_983] {strides = array<i32>} : memref<32x768xf32, #tpu.memory_space<vmem>>, vector<16xf32>,
        %mul3A_985 = arith.mulf %get3A_984, %div3A_867 : vector<16xf32>
        %add3A_986 = arith.constant 96 : i32
        %add3A_987 = vector.broadcast %add3A_986 : i32 to vector<16xi32>
        %add3A_988 = arith.addi %add3A_890, %add3A_987 : vector<16xi32>
        tpu.vector_store_idx %arg15[%add3A_988], %mul3A_985 {add = true} : memref<12288xf32, #tpu.memory_space<vmem>>[vector<16xi32>], vector<16xf32>,
        %get3A_989 = arith.index_cast %mul3A_67 : i32 to index
        %get3A_990 = arith.constant 112 : index
        %get3A_991 = tpu.vector_load %arg9[%get3A_989, %get3A_990] {strides = array<i32>} : memref<32x768xf32, #tpu.memory_space<vmem>>, vector<16xf32>,
        %mul3A_992 = arith.mulf %get3A_991, %div3A_838 : vector<16xf32>
        %add3A_993 = arith.constant 112 : i32
        %add3A_994 = vector.broadcast %add3A_993 : i32 to vector<16xi32>
        %add3A_995 = arith.addi %add3A_857, %add3A_994 : vector<16xi32>
        tpu.vector_store_idx %arg15[%add3A_995], %mul3A_992 {add = true} : memref<12288xf32, #tpu.memory_space<vmem>>[vector<16xi32>], vector<16xf32>,
        %get3A_996 = arith.index_cast %add3A_71 : i32 to index
        %get3A_997 = arith.constant 112 : index
        %get3A_998 = tpu.vector_load %arg9[%get3A_996, %get3A_997] {strides = array<i32>} : memref<32x768xf32, #tpu.memory_space<vmem>>, vector<16xf32>,
        %mul3A_999 = arith.mulf %get3A_998, %div3A_867 : vector<16xf32>
        %add3A_1000 = arith.constant 112 : i32
        %add3A_1001 = vector.broadcast %add3A_1000 : i32 to vector<16xi32>
        %add3A_1002 = arith.addi %add3A_890, %add3A_1001 : vector<16xi32>
        tpu.vector_store_idx %arg15[%add3A_1002], %mul3A_999 {add = true} : memref<12288xf32, #tpu.memory_space<vmem>>[vector<16xi32>], vector<16xf32>,
        %get3A_1003 = arith.index_cast %mul3A_67 : i32 to index
        %get3A_1004 = arith.constant 128 : index
        %get3A_1005 = tpu.vector_load %arg9[%get3A_1003, %get3A_1004] {strides = array<i32>} : memref<32x768xf32, #tpu.memory_space<vmem>>, vector<16xf32>,
        %mul3A_1006 = arith.mulf %get3A_1005, %div3A_838 : vector<16xf32>
        %add3A_1007 = arith.constant 128 : i32
        %add3A_1008 = vector.broadcast %add3A_1007 : i32 to vector<16xi32>
        %add3A_1009 = arith.addi %add3A_857, %add3A_1008 : vector<16xi32>
        tpu.vector_store_idx %arg15[%add3A_1009], %mul3A_1006 {add = true} : memref<12288xf32, #tpu.memory_space<vmem>>[vector<16xi32>], vector<16xf32>,
        %get3A_1010 = arith.index_cast %add3A_71 : i32 to index
        %get3A_1011 = arith.constant 128 : index
        %get3A_1012 = tpu.vector_load %arg9[%get3A_1010, %get3A_1011] {strides = array<i32>} : memref<32x768xf32, #tpu.memory_space<vmem>>, vector<16xf32>,
        %mul3A_1013 = arith.mulf %get3A_1012, %div3A_867 : vector<16xf32>
        %add3A_1014 = arith.constant 128 : i32
        %add3A_1015 = vector.broadcast %add3A_1014 : i32 to vector<16xi32>
        %add3A_1016 = arith.addi %add3A_890, %add3A_1015 : vector<16xi32>
        tpu.vector_store_idx %arg15[%add3A_1016], %mul3A_1013 {add = true} : memref<12288xf32, #tpu.memory_space<vmem>>[vector<16xi32>], vector<16xf32>,
        %get3A_1017 = arith.index_cast %mul3A_67 : i32 to index
        %get3A_1018 = arith.constant 144 : index
        %get3A_1019 = tpu.vector_load %arg9[%get3A_1017, %get3A_1018] {strides = array<i32>} : memref<32x768xf32, #tpu.memory_space<vmem>>, vector<16xf32>,
        %mul3A_1020 = arith.mulf %get3A_1019, %div3A_838 : vector<16xf32>
        %add3A_1021 = arith.constant 144 : i32
        %add3A_1022 = vector.broadcast %add3A_1021 : i32 to vector<16xi32>
        %add3A_1023 = arith.addi %add3A_857, %add3A_1022 : vector<16xi32>
        tpu.vector_store_idx %arg15[%add3A_1023], %mul3A_1020 {add = true} : memref<12288xf32, #tpu.memory_space<vmem>>[vector<16xi32>], vector<16xf32>,
        %get3A_1024 = arith.index_cast %add3A_71 : i32 to index
        %get3A_1025 = arith.constant 144 : index
        %get3A_1026 = tpu.vector_load %arg9[%get3A_1024, %get3A_1025] {strides = array<i32>} : memref<32x768xf32, #tpu.memory_space<vmem>>, vector<16xf32>,
        %mul3A_1027 = arith.mulf %get3A_1026, %div3A_867 : vector<16xf32>
        %add3A_1028 = arith.constant 144 : i32
        %add3A_1029 = vector.broadcast %add3A_1028 : i32 to vector<16xi32>
        %add3A_1030 = arith.addi %add3A_890, %add3A_1029 : vector<16xi32>
        tpu.vector_store_idx %arg15[%add3A_1030], %mul3A_1027 {add = true} : memref<12288xf32, #tpu.memory_space<vmem>>[vector<16xi32>], vector<16xf32>,
        %get3A_1031 = arith.index_cast %mul3A_67 : i32 to index
        %get3A_1032 = arith.constant 160 : index
        %get3A_1033 = tpu.vector_load %arg9[%get3A_1031, %get3A_1032] {strides = array<i32>} : memref<32x768xf32, #tpu.memory_space<vmem>>, vector<16xf32>,
        %mul3A_1034 = arith.mulf %get3A_1033, %div3A_838 : vector<16xf32>
        %add3A_1035 = arith.constant 160 : i32
        %add3A_1036 = vector.broadcast %add3A_1035 : i32 to vector<16xi32>
        %add3A_1037 = arith.addi %add3A_857, %add3A_1036 : vector<16xi32>
        tpu.vector_store_idx %arg15[%add3A_1037], %mul3A_1034 {add = true} : memref<12288xf32, #tpu.memory_space<vmem>>[vector<16xi32>], vector<16xf32>,
        %get3A_1038 = arith.index_cast %add3A_71 : i32 to index
        %get3A_1039 = arith.constant 160 : index
        %get3A_1040 = tpu.vector_load %arg9[%get3A_1038, %get3A_1039] {strides = array<i32>} : memref<32x768xf32, #tpu.memory_space<vmem>>, vector<16xf32>,
        %mul3A_1041 = arith.mulf %get3A_1040, %div3A_867 : vector<16xf32>
        %add3A_1042 = arith.constant 160 : i32
        %add3A_1043 = vector.broadcast %add3A_1042 : i32 to vector<16xi32>
        %add3A_1044 = arith.addi %add3A_890, %add3A_1043 : vector<16xi32>
        tpu.vector_store_idx %arg15[%add3A_1044], %mul3A_1041 {add = true} : memref<12288xf32, #tpu.memory_space<vmem>>[vector<16xi32>], vector<16xf32>,
        %get3A_1045 = arith.index_cast %mul3A_67 : i32 to index
        %get3A_1046 = arith.constant 176 : index
        %get3A_1047 = tpu.vector_load %arg9[%get3A_1045, %get3A_1046] {strides = array<i32>} : memref<32x768xf32, #tpu.memory_space<vmem>>, vector<16xf32>,
        %mul3A_1048 = arith.mulf %get3A_1047, %div3A_838 : vector<16xf32>
        %add3A_1049 = arith.constant 176 : i32
        %add3A_1050 = vector.broadcast %add3A_1049 : i32 to vector<16xi32>
        %add3A_1051 = arith.addi %add3A_857, %add3A_1050 : vector<16xi32>
        tpu.vector_store_idx %arg15[%add3A_1051], %mul3A_1048 {add = true} : memref<12288xf32, #tpu.memory_space<vmem>>[vector<16xi32>], vector<16xf32>,
        %get3A_1052 = arith.index_cast %add3A_71 : i32 to index
        %get3A_1053 = arith.constant 176 : index
        %get3A_1054 = tpu.vector_load %arg9[%get3A_1052, %get3A_1053] {strides = array<i32>} : memref<32x768xf32, #tpu.memory_space<vmem>>, vector<16xf32>,
        %mul3A_1055 = arith.mulf %get3A_1054, %div3A_867 : vector<16xf32>
        %add3A_1056 = arith.constant 176 : i32
        %add3A_1057 = vector.broadcast %add3A_1056 : i32 to vector<16xi32>
        %add3A_1058 = arith.addi %add3A_890, %add3A_1057 : vector<16xi32>
        tpu.vector_store_idx %arg15[%add3A_1058], %mul3A_1055 {add = true} : memref<12288xf32, #tpu.memory_space<vmem>>[vector<16xi32>], vector<16xf32>,
        %get3A_1059 = arith.index_cast %mul3A_67 : i32 to index
        %get3A_1060 = arith.constant 192 : index
        %get3A_1061 = tpu.vector_load %arg9[%get3A_1059, %get3A_1060] {strides = array<i32>} : memref<32x768xf32, #tpu.memory_space<vmem>>, vector<16xf32>,
        %mul3A_1062 = arith.mulf %get3A_1061, %div3A_838 : vector<16xf32>
        %add3A_1063 = arith.constant 192 : i32
        %add3A_1064 = vector.broadcast %add3A_1063 : i32 to vector<16xi32>
        %add3A_1065 = arith.addi %add3A_857, %add3A_1064 : vector<16xi32>
        tpu.vector_store_idx %arg15[%add3A_1065], %mul3A_1062 {add = true} : memref<12288xf32, #tpu.memory_space<vmem>>[vector<16xi32>], vector<16xf32>,
        %get3A_1066 = arith.index_cast %add3A_71 : i32 to index
        %get3A_1067 = arith.constant 192 : index
        %get3A_1068 = tpu.vector_load %arg9[%get3A_1066, %get3A_1067] {strides = array<i32>} : memref<32x768xf32, #tpu.memory_space<vmem>>, vector<16xf32>,
        %mul3A_1069 = arith.mulf %get3A_1068, %div3A_867 : vector<16xf32>
        %add3A_1070 = arith.constant 192 : i32
        %add3A_1071 = vector.broadcast %add3A_1070 : i32 to vector<16xi32>
        %add3A_1072 = arith.addi %add3A_890, %add3A_1071 : vector<16xi32>
        tpu.vector_store_idx %arg15[%add3A_1072], %mul3A_1069 {add = true} : memref<12288xf32, #tpu.memory_space<vmem>>[vector<16xi32>], vector<16xf32>,
        %get3A_1073 = arith.index_cast %mul3A_67 : i32 to index
        %get3A_1074 = arith.constant 208 : index
        %get3A_1075 = tpu.vector_load %arg9[%get3A_1073, %get3A_1074] {strides = array<i32>} : memref<32x768xf32, #tpu.memory_space<vmem>>, vector<16xf32>,
        %mul3A_1076 = arith.mulf %get3A_1075, %div3A_838 : vector<16xf32>
        %add3A_1077 = arith.constant 208 : i32
        %add3A_1078 = vector.broadcast %add3A_1077 : i32 to vector<16xi32>
        %add3A_1079 = arith.addi %add3A_857, %add3A_1078 : vector<16xi32>
        tpu.vector_store_idx %arg15[%add3A_1079], %mul3A_1076 {add = true} : memref<12288xf32, #tpu.memory_space<vmem>>[vector<16xi32>], vector<16xf32>,
        %get3A_1080 = arith.index_cast %add3A_71 : i32 to index
        %get3A_1081 = arith.constant 208 : index
        %get3A_1082 = tpu.vector_load %arg9[%get3A_1080, %get3A_1081] {strides = array<i32>} : memref<32x768xf32, #tpu.memory_space<vmem>>, vector<16xf32>,
        %mul3A_1083 = arith.mulf %get3A_1082, %div3A_867 : vector<16xf32>
        %add3A_1084 = arith.constant 208 : i32
        %add3A_1085 = vector.broadcast %add3A_1084 : i32 to vector<16xi32>
        %add3A_1086 = arith.addi %add3A_890, %add3A_1085 : vector<16xi32>
        tpu.vector_store_idx %arg15[%add3A_1086], %mul3A_1083 {add = true} : memref<12288xf32, #tpu.memory_space<vmem>>[vector<16xi32>], vector<16xf32>,
        %get3A_1087 = arith.index_cast %mul3A_67 : i32 to index
        %get3A_1088 = arith.constant 224 : index
        %get3A_1089 = tpu.vector_load %arg9[%get3A_1087, %get3A_1088] {strides = array<i32>} : memref<32x768xf32, #tpu.memory_space<vmem>>, vector<16xf32>,
        %mul3A_1090 = arith.mulf %get3A_1089, %div3A_838 : vector<16xf32>
        %add3A_1091 = arith.constant 224 : i32
        %add3A_1092 = vector.broadcast %add3A_1091 : i32 to vector<16xi32>
        %add3A_1093 = arith.addi %add3A_857, %add3A_1092 : vector<16xi32>
        tpu.vector_store_idx %arg15[%add3A_1093], %mul3A_1090 {add = true} : memref<12288xf32, #tpu.memory_space<vmem>>[vector<16xi32>], vector<16xf32>,
        %get3A_1094 = arith.index_cast %add3A_71 : i32 to index
        %get3A_1095 = arith.constant 224 : index
        %get3A_1096 = tpu.vector_load %arg9[%get3A_1094, %get3A_1095] {strides = array<i32>} : memref<32x768xf32, #tpu.memory_space<vmem>>, vector<16xf32>,
        %mul3A_1097 = arith.mulf %get3A_1096, %div3A_867 : vector<16xf32>
        %add3A_1098 = arith.constant 224 : i32
        %add3A_1099 = vector.broadcast %add3A_1098 : i32 to vector<16xi32>
        %add3A_1100 = arith.addi %add3A_890, %add3A_1099 : vector<16xi32>
        tpu.vector_store_idx %arg15[%add3A_1100], %mul3A_1097 {add = true} : memref<12288xf32, #tpu.memory_space<vmem>>[vector<16xi32>], vector<16xf32>,
        %get3A_1101 = arith.index_cast %mul3A_67 : i32 to index
        %get3A_1102 = arith.constant 240 : index
        %get3A_1103 = tpu.vector_load %arg9[%get3A_1101, %get3A_1102] {strides = array<i32>} : memref<32x768xf32, #tpu.memory_space<vmem>>, vector<16xf32>,
        %mul3A_1104 = arith.mulf %get3A_1103, %div3A_838 : vector<16xf32>
        %add3A_1105 = arith.constant 240 : i32
        %add3A_1106 = vector.broadcast %add3A_1105 : i32 to vector<16xi32>
        %add3A_1107 = arith.addi %add3A_857, %add3A_1106 : vector<16xi32>
        tpu.vector_store_idx %arg15[%add3A_1107], %mul3A_1104 {add = true} : memref<12288xf32, #tpu.memory_space<vmem>>[vector<16xi32>], vector<16xf32>,
        %get3A_1108 = arith.index_cast %add3A_71 : i32 to index
        %get3A_1109 = arith.constant 240 : index
        %get3A_1110 = tpu.vector_load %arg9[%get3A_1108, %get3A_1109] {strides = array<i32>} : memref<32x768xf32, #tpu.memory_space<vmem>>, vector<16xf32>,
        %mul3A_1111 = arith.mulf %get3A_1110, %div3A_867 : vector<16xf32>
        %add3A_1112 = arith.constant 240 : i32
        %add3A_1113 = vector.broadcast %add3A_1112 : i32 to vector<16xi32>
        %add3A_1114 = arith.addi %add3A_890, %add3A_1113 : vector<16xi32>
        tpu.vector_store_idx %arg15[%add3A_1114], %mul3A_1111 {add = true} : memref<12288xf32, #tpu.memory_space<vmem>>[vector<16xi32>], vector<16xf32>,
        %get3A_1115 = arith.index_cast %mul3A_67 : i32 to index
        %get3A_1116 = arith.constant 256 : index
        %get3A_1117 = tpu.vector_load %arg9[%get3A_1115, %get3A_1116] {strides = array<i32>} : memref<32x768xf32, #tpu.memory_space<vmem>>, vector<16xf32>,
        %mul3A_1118 = arith.mulf %get3A_1117, %div3A_838 : vector<16xf32>
        %add3A_1119 = arith.constant 256 : i32
        %add3A_1120 = vector.broadcast %add3A_1119 : i32 to vector<16xi32>
        %add3A_1121 = arith.addi %add3A_857, %add3A_1120 : vector<16xi32>
        tpu.vector_store_idx %arg15[%add3A_1121], %mul3A_1118 {add = true} : memref<12288xf32, #tpu.memory_space<vmem>>[vector<16xi32>], vector<16xf32>,
        %get3A_1122 = arith.index_cast %add3A_71 : i32 to index
        %get3A_1123 = arith.constant 256 : index
        %get3A_1124 = tpu.vector_load %arg9[%get3A_1122, %get3A_1123] {strides = array<i32>} : memref<32x768xf32, #tpu.memory_space<vmem>>, vector<16xf32>,
        %mul3A_1125 = arith.mulf %get3A_1124, %div3A_867 : vector<16xf32>
        %add3A_1126 = arith.constant 256 : i32
        %add3A_1127 = vector.broadcast %add3A_1126 : i32 to vector<16xi32>
        %add3A_1128 = arith.addi %add3A_890, %add3A_1127 : vector<16xi32>
        tpu.vector_store_idx %arg15[%add3A_1128], %mul3A_1125 {add = true} : memref<12288xf32, #tpu.memory_space<vmem>>[vector<16xi32>], vector<16xf32>,
        %get3A_1129 = arith.index_cast %mul3A_67 : i32 to index
        %get3A_1130 = arith.constant 272 : index
        %get3A_1131 = tpu.vector_load %arg9[%get3A_1129, %get3A_1130] {strides = array<i32>} : memref<32x768xf32, #tpu.memory_space<vmem>>, vector<16xf32>,
        %mul3A_1132 = arith.mulf %get3A_1131, %div3A_838 : vector<16xf32>
        %add3A_1133 = arith.constant 272 : i32
        %add3A_1134 = vector.broadcast %add3A_1133 : i32 to vector<16xi32>
        %add3A_1135 = arith.addi %add3A_857, %add3A_1134 : vector<16xi32>
        tpu.vector_store_idx %arg15[%add3A_1135], %mul3A_1132 {add = true} : memref<12288xf32, #tpu.memory_space<vmem>>[vector<16xi32>], vector<16xf32>,
        %get3A_1136 = arith.index_cast %add3A_71 : i32 to index
        %get3A_1137 = arith.constant 272 : index
        %get3A_1138 = tpu.vector_load %arg9[%get3A_1136, %get3A_1137] {strides = array<i32>} : memref<32x768xf32, #tpu.memory_space<vmem>>, vector<16xf32>,
        %mul3A_1139 = arith.mulf %get3A_1138, %div3A_867 : vector<16xf32>
        %add3A_1140 = arith.constant 272 : i32
        %add3A_1141 = vector.broadcast %add3A_1140 : i32 to vector<16xi32>
        %add3A_1142 = arith.addi %add3A_890, %add3A_1141 : vector<16xi32>
        tpu.vector_store_idx %arg15[%add3A_1142], %mul3A_1139 {add = true} : memref<12288xf32, #tpu.memory_space<vmem>>[vector<16xi32>], vector<16xf32>,
        %get3A_1143 = arith.index_cast %mul3A_67 : i32 to index
        %get3A_1144 = arith.constant 288 : index
        %get3A_1145 = tpu.vector_load %arg9[%get3A_1143, %get3A_1144] {strides = array<i32>} : memref<32x768xf32, #tpu.memory_space<vmem>>, vector<16xf32>,
        %mul3A_1146 = arith.mulf %get3A_1145, %div3A_838 : vector<16xf32>
        %add3A_1147 = arith.constant 288 : i32
        %add3A_1148 = vector.broadcast %add3A_1147 : i32 to vector<16xi32>
        %add3A_1149 = arith.addi %add3A_857, %add3A_1148 : vector<16xi32>
        tpu.vector_store_idx %arg15[%add3A_1149], %mul3A_1146 {add = true} : memref<12288xf32, #tpu.memory_space<vmem>>[vector<16xi32>], vector<16xf32>,
        %get3A_1150 = arith.index_cast %add3A_71 : i32 to index
        %get3A_1151 = arith.constant 288 : index
        %get3A_1152 = tpu.vector_load %arg9[%get3A_1150, %get3A_1151] {strides = array<i32>} : memref<32x768xf32, #tpu.memory_space<vmem>>, vector<16xf32>,
        %mul3A_1153 = arith.mulf %get3A_1152, %div3A_867 : vector<16xf32>
        %add3A_1154 = arith.constant 288 : i32
        %add3A_1155 = vector.broadcast %add3A_1154 : i32 to vector<16xi32>
        %add3A_1156 = arith.addi %add3A_890, %add3A_1155 : vector<16xi32>
        tpu.vector_store_idx %arg15[%add3A_1156], %mul3A_1153 {add = true} : memref<12288xf32, #tpu.memory_space<vmem>>[vector<16xi32>], vector<16xf32>,
        %get3A_1157 = arith.index_cast %mul3A_67 : i32 to index
        %get3A_1158 = arith.constant 304 : index
        %get3A_1159 = tpu.vector_load %arg9[%get3A_1157, %get3A_1158] {strides = array<i32>} : memref<32x768xf32, #tpu.memory_space<vmem>>, vector<16xf32>,
        %mul3A_1160 = arith.mulf %get3A_1159, %div3A_838 : vector<16xf32>
        %add3A_1161 = arith.constant 304 : i32
        %add3A_1162 = vector.broadcast %add3A_1161 : i32 to vector<16xi32>
        %add3A_1163 = arith.addi %add3A_857, %add3A_1162 : vector<16xi32>
        tpu.vector_store_idx %arg15[%add3A_1163], %mul3A_1160 {add = true} : memref<12288xf32, #tpu.memory_space<vmem>>[vector<16xi32>], vector<16xf32>,
        %get3A_1164 = arith.index_cast %add3A_71 : i32 to index
        %get3A_1165 = arith.constant 304 : index
        %get3A_1166 = tpu.vector_load %arg9[%get3A_1164, %get3A_1165] {strides = array<i32>} : memref<32x768xf32, #tpu.memory_space<vmem>>, vector<16xf32>,
        %mul3A_1167 = arith.mulf %get3A_1166, %div3A_867 : vector<16xf32>
        %add3A_1168 = arith.constant 304 : i32
        %add3A_1169 = vector.broadcast %add3A_1168 : i32 to vector<16xi32>
        %add3A_1170 = arith.addi %add3A_890, %add3A_1169 : vector<16xi32>
        tpu.vector_store_idx %arg15[%add3A_1170], %mul3A_1167 {add = true} : memref<12288xf32, #tpu.memory_space<vmem>>[vector<16xi32>], vector<16xf32>,
        %get3A_1171 = arith.index_cast %mul3A_67 : i32 to index
        %get3A_1172 = arith.constant 320 : index
        %get3A_1173 = tpu.vector_load %arg9[%get3A_1171, %get3A_1172] {strides = array<i32>} : memref<32x768xf32, #tpu.memory_space<vmem>>, vector<16xf32>,
        %mul3A_1174 = arith.mulf %get3A_1173, %div3A_838 : vector<16xf32>
        %add3A_1175 = arith.constant 320 : i32
        %add3A_1176 = vector.broadcast %add3A_1175 : i32 to vector<16xi32>
        %add3A_1177 = arith.addi %add3A_857, %add3A_1176 : vector<16xi32>
        tpu.vector_store_idx %arg15[%add3A_1177], %mul3A_1174 {add = true} : memref<12288xf32, #tpu.memory_space<vmem>>[vector<16xi32>], vector<16xf32>,
        %get3A_1178 = arith.index_cast %add3A_71 : i32 to index
        %get3A_1179 = arith.constant 320 : index
        %get3A_1180 = tpu.vector_load %arg9[%get3A_1178, %get3A_1179] {strides = array<i32>} : memref<32x768xf32, #tpu.memory_space<vmem>>, vector<16xf32>,
        %mul3A_1181 = arith.mulf %get3A_1180, %div3A_867 : vector<16xf32>
        %add3A_1182 = arith.constant 320 : i32
        %add3A_1183 = vector.broadcast %add3A_1182 : i32 to vector<16xi32>
        %add3A_1184 = arith.addi %add3A_890, %add3A_1183 : vector<16xi32>
        tpu.vector_store_idx %arg15[%add3A_1184], %mul3A_1181 {add = true} : memref<12288xf32, #tpu.memory_space<vmem>>[vector<16xi32>], vector<16xf32>,
        %get3A_1185 = arith.index_cast %mul3A_67 : i32 to index
        %get3A_1186 = arith.constant 336 : index
        %get3A_1187 = tpu.vector_load %arg9[%get3A_1185, %get3A_1186] {strides = array<i32>} : memref<32x768xf32, #tpu.memory_space<vmem>>, vector<16xf32>,
        %mul3A_1188 = arith.mulf %get3A_1187, %div3A_838 : vector<16xf32>
        %add3A_1189 = arith.constant 336 : i32
        %add3A_1190 = vector.broadcast %add3A_1189 : i32 to vector<16xi32>
        %add3A_1191 = arith.addi %add3A_857, %add3A_1190 : vector<16xi32>
        tpu.vector_store_idx %arg15[%add3A_1191], %mul3A_1188 {add = true} : memref<12288xf32, #tpu.memory_space<vmem>>[vector<16xi32>], vector<16xf32>,
        %get3A_1192 = arith.index_cast %add3A_71 : i32 to index
        %get3A_1193 = arith.constant 336 : index
        %get3A_1194 = tpu.vector_load %arg9[%get3A_1192, %get3A_1193] {strides = array<i32>} : memref<32x768xf32, #tpu.memory_space<vmem>>, vector<16xf32>,
        %mul3A_1195 = arith.mulf %get3A_1194, %div3A_867 : vector<16xf32>
        %add3A_1196 = arith.constant 336 : i32
        %add3A_1197 = vector.broadcast %add3A_1196 : i32 to vector<16xi32>
        %add3A_1198 = arith.addi %add3A_890, %add3A_1197 : vector<16xi32>
        tpu.vector_store_idx %arg15[%add3A_1198], %mul3A_1195 {add = true} : memref<12288xf32, #tpu.memory_space<vmem>>[vector<16xi32>], vector<16xf32>,
        %get3A_1199 = arith.index_cast %mul3A_67 : i32 to index
        %get3A_1200 = arith.constant 352 : index
        %get3A_1201 = tpu.vector_load %arg9[%get3A_1199, %get3A_1200] {strides = array<i32>} : memref<32x768xf32, #tpu.memory_space<vmem>>, vector<16xf32>,
        %mul3A_1202 = arith.mulf %get3A_1201, %div3A_838 : vector<16xf32>
        %add3A_1203 = arith.constant 352 : i32
        %add3A_1204 = vector.broadcast %add3A_1203 : i32 to vector<16xi32>
        %add3A_1205 = arith.addi %add3A_857, %add3A_1204 : vector<16xi32>
        tpu.vector_store_idx %arg15[%add3A_1205], %mul3A_1202 {add = true} : memref<12288xf32, #tpu.memory_space<vmem>>[vector<16xi32>], vector<16xf32>,
        %get3A_1206 = arith.index_cast %add3A_71 : i32 to index
        %get3A_1207 = arith.constant 352 : index
        %get3A_1208 = tpu.vector_load %arg9[%get3A_1206, %get3A_1207] {strides = array<i32>} : memref<32x768xf32, #tpu.memory_space<vmem>>, vector<16xf32>,
        %mul3A_1209 = arith.mulf %get3A_1208, %div3A_867 : vector<16xf32>
        %add3A_1210 = arith.constant 352 : i32
        %add3A_1211 = vector.broadcast %add3A_1210 : i32 to vector<16xi32>
        %add3A_1212 = arith.addi %add3A_890, %add3A_1211 : vector<16xi32>
        tpu.vector_store_idx %arg15[%add3A_1212], %mul3A_1209 {add = true} : memref<12288xf32, #tpu.memory_space<vmem>>[vector<16xi32>], vector<16xf32>,
        %get3A_1213 = arith.index_cast %mul3A_67 : i32 to index
        %get3A_1214 = arith.constant 368 : index
        %get3A_1215 = tpu.vector_load %arg9[%get3A_1213, %get3A_1214] {strides = array<i32>} : memref<32x768xf32, #tpu.memory_space<vmem>>, vector<16xf32>,
        %mul3A_1216 = arith.mulf %get3A_1215, %div3A_838 : vector<16xf32>
        %add3A_1217 = arith.constant 368 : i32
        %add3A_1218 = vector.broadcast %add3A_1217 : i32 to vector<16xi32>
        %add3A_1219 = arith.addi %add3A_857, %add3A_1218 : vector<16xi32>
        tpu.vector_store_idx %arg15[%add3A_1219], %mul3A_1216 {add = true} : memref<12288xf32, #tpu.memory_space<vmem>>[vector<16xi32>], vector<16xf32>,
        %get3A_1220 = arith.index_cast %add3A_71 : i32 to index
        %get3A_1221 = arith.constant 368 : index
        %get3A_1222 = tpu.vector_load %arg9[%get3A_1220, %get3A_1221] {strides = array<i32>} : memref<32x768xf32, #tpu.memory_space<vmem>>, vector<16xf32>,
        %mul3A_1223 = arith.mulf %get3A_1222, %div3A_867 : vector<16xf32>
        %add3A_1224 = arith.constant 368 : i32
        %add3A_1225 = vector.broadcast %add3A_1224 : i32 to vector<16xi32>
        %add3A_1226 = arith.addi %add3A_890, %add3A_1225 : vector<16xi32>
        tpu.vector_store_idx %arg15[%add3A_1226], %mul3A_1223 {add = true} : memref<12288xf32, #tpu.memory_space<vmem>>[vector<16xi32>], vector<16xf32>,
        %get3A_1227 = arith.index_cast %mul3A_67 : i32 to index
        %get3A_1228 = arith.constant 384 : index
        %get3A_1229 = tpu.vector_load %arg9[%get3A_1227, %get3A_1228] {strides = array<i32>} : memref<32x768xf32, #tpu.memory_space<vmem>>, vector<16xf32>,
        %mul3A_1230 = arith.mulf %get3A_1229, %div3A_838 : vector<16xf32>
        %add3A_1231 = arith.constant 384 : i32
        %add3A_1232 = vector.broadcast %add3A_1231 : i32 to vector<16xi32>
        %add3A_1233 = arith.addi %add3A_857, %add3A_1232 : vector<16xi32>
        tpu.vector_store_idx %arg15[%add3A_1233], %mul3A_1230 {add = true} : memref<12288xf32, #tpu.memory_space<vmem>>[vector<16xi32>], vector<16xf32>,
        %get3A_1234 = arith.index_cast %add3A_71 : i32 to index
        %get3A_1235 = arith.constant 384 : index
        %get3A_1236 = tpu.vector_load %arg9[%get3A_1234, %get3A_1235] {strides = array<i32>} : memref<32x768xf32, #tpu.memory_space<vmem>>, vector<16xf32>,
        %mul3A_1237 = arith.mulf %get3A_1236, %div3A_867 : vector<16xf32>
        %add3A_1238 = arith.constant 384 : i32
        %add3A_1239 = vector.broadcast %add3A_1238 : i32 to vector<16xi32>
        %add3A_1240 = arith.addi %add3A_890, %add3A_1239 : vector<16xi32>
        tpu.vector_store_idx %arg15[%add3A_1240], %mul3A_1237 {add = true} : memref<12288xf32, #tpu.memory_space<vmem>>[vector<16xi32>], vector<16xf32>,
        %get3A_1241 = arith.index_cast %mul3A_67 : i32 to index
        %get3A_1242 = arith.constant 400 : index
        %get3A_1243 = tpu.vector_load %arg9[%get3A_1241, %get3A_1242] {strides = array<i32>} : memref<32x768xf32, #tpu.memory_space<vmem>>, vector<16xf32>,
        %mul3A_1244 = arith.mulf %get3A_1243, %div3A_838 : vector<16xf32>
        %add3A_1245 = arith.constant 400 : i32
        %add3A_1246 = vector.broadcast %add3A_1245 : i32 to vector<16xi32>
        %add3A_1247 = arith.addi %add3A_857, %add3A_1246 : vector<16xi32>
        tpu.vector_store_idx %arg15[%add3A_1247], %mul3A_1244 {add = true} : memref<12288xf32, #tpu.memory_space<vmem>>[vector<16xi32>], vector<16xf32>,
        %get3A_1248 = arith.index_cast %add3A_71 : i32 to index
        %get3A_1249 = arith.constant 400 : index
        %get3A_1250 = tpu.vector_load %arg9[%get3A_1248, %get3A_1249] {strides = array<i32>} : memref<32x768xf32, #tpu.memory_space<vmem>>, vector<16xf32>,
        %mul3A_1251 = arith.mulf %get3A_1250, %div3A_867 : vector<16xf32>
        %add3A_1252 = arith.constant 400 : i32
        %add3A_1253 = vector.broadcast %add3A_1252 : i32 to vector<16xi32>
        %add3A_1254 = arith.addi %add3A_890, %add3A_1253 : vector<16xi32>
        tpu.vector_store_idx %arg15[%add3A_1254], %mul3A_1251 {add = true} : memref<12288xf32, #tpu.memory_space<vmem>>[vector<16xi32>], vector<16xf32>,
        %get3A_1255 = arith.index_cast %mul3A_67 : i32 to index
        %get3A_1256 = arith.constant 416 : index
        %get3A_1257 = tpu.vector_load %arg9[%get3A_1255, %get3A_1256] {strides = array<i32>} : memref<32x768xf32, #tpu.memory_space<vmem>>, vector<16xf32>,
        %mul3A_1258 = arith.mulf %get3A_1257, %div3A_838 : vector<16xf32>
        %add3A_1259 = arith.constant 416 : i32
        %add3A_1260 = vector.broadcast %add3A_1259 : i32 to vector<16xi32>
        %add3A_1261 = arith.addi %add3A_857, %add3A_1260 : vector<16xi32>
        tpu.vector_store_idx %arg15[%add3A_1261], %mul3A_1258 {add = true} : memref<12288xf32, #tpu.memory_space<vmem>>[vector<16xi32>], vector<16xf32>,
        %get3A_1262 = arith.index_cast %add3A_71 : i32 to index
        %get3A_1263 = arith.constant 416 : index
        %get3A_1264 = tpu.vector_load %arg9[%get3A_1262, %get3A_1263] {strides = array<i32>} : memref<32x768xf32, #tpu.memory_space<vmem>>, vector<16xf32>,
        %mul3A_1265 = arith.mulf %get3A_1264, %div3A_867 : vector<16xf32>
        %add3A_1266 = arith.constant 416 : i32
        %add3A_1267 = vector.broadcast %add3A_1266 : i32 to vector<16xi32>
        %add3A_1268 = arith.addi %add3A_890, %add3A_1267 : vector<16xi32>
        tpu.vector_store_idx %arg15[%add3A_1268], %mul3A_1265 {add = true} : memref<12288xf32, #tpu.memory_space<vmem>>[vector<16xi32>], vector<16xf32>,
        %get3A_1269 = arith.index_cast %mul3A_67 : i32 to index
        %get3A_1270 = arith.constant 432 : index
        %get3A_1271 = tpu.vector_load %arg9[%get3A_1269, %get3A_1270] {strides = array<i32>} : memref<32x768xf32, #tpu.memory_space<vmem>>, vector<16xf32>,
        %mul3A_1272 = arith.mulf %get3A_1271, %div3A_838 : vector<16xf32>
        %add3A_1273 = arith.constant 432 : i32
        %add3A_1274 = vector.broadcast %add3A_1273 : i32 to vector<16xi32>
        %add3A_1275 = arith.addi %add3A_857, %add3A_1274 : vector<16xi32>
        tpu.vector_store_idx %arg15[%add3A_1275], %mul3A_1272 {add = true} : memref<12288xf32, #tpu.memory_space<vmem>>[vector<16xi32>], vector<16xf32>,
        %get3A_1276 = arith.index_cast %add3A_71 : i32 to index
        %get3A_1277 = arith.constant 432 : index
        %get3A_1278 = tpu.vector_load %arg9[%get3A_1276, %get3A_1277] {strides = array<i32>} : memref<32x768xf32, #tpu.memory_space<vmem>>, vector<16xf32>,
        %mul3A_1279 = arith.mulf %get3A_1278, %div3A_867 : vector<16xf32>
        %add3A_1280 = arith.constant 432 : i32
        %add3A_1281 = vector.broadcast %add3A_1280 : i32 to vector<16xi32>
        %add3A_1282 = arith.addi %add3A_890, %add3A_1281 : vector<16xi32>
        tpu.vector_store_idx %arg15[%add3A_1282], %mul3A_1279 {add = true} : memref<12288xf32, #tpu.memory_space<vmem>>[vector<16xi32>], vector<16xf32>,
        %get3A_1283 = arith.index_cast %mul3A_67 : i32 to index
        %get3A_1284 = arith.constant 448 : index
        %get3A_1285 = tpu.vector_load %arg9[%get3A_1283, %get3A_1284] {strides = array<i32>} : memref<32x768xf32, #tpu.memory_space<vmem>>, vector<16xf32>,
        %mul3A_1286 = arith.mulf %get3A_1285, %div3A_838 : vector<16xf32>
        %add3A_1287 = arith.constant 448 : i32
        %add3A_1288 = vector.broadcast %add3A_1287 : i32 to vector<16xi32>
        %add3A_1289 = arith.addi %add3A_857, %add3A_1288 : vector<16xi32>
        tpu.vector_store_idx %arg15[%add3A_1289], %mul3A_1286 {add = true} : memref<12288xf32, #tpu.memory_space<vmem>>[vector<16xi32>], vector<16xf32>,
        %get3A_1290 = arith.index_cast %add3A_71 : i32 to index
        %get3A_1291 = arith.constant 448 : index
        %get3A_1292 = tpu.vector_load %arg9[%get3A_1290, %get3A_1291] {strides = array<i32>} : memref<32x768xf32, #tpu.memory_space<vmem>>, vector<16xf32>,
        %mul3A_1293 = arith.mulf %get3A_1292, %div3A_867 : vector<16xf32>
        %add3A_1294 = arith.constant 448 : i32
        %add3A_1295 = vector.broadcast %add3A_1294 : i32 to vector<16xi32>
        %add3A_1296 = arith.addi %add3A_890, %add3A_1295 : vector<16xi32>
        tpu.vector_store_idx %arg15[%add3A_1296], %mul3A_1293 {add = true} : memref<12288xf32, #tpu.memory_space<vmem>>[vector<16xi32>], vector<16xf32>,
        %get3A_1297 = arith.index_cast %mul3A_67 : i32 to index
        %get3A_1298 = arith.constant 464 : index
        %get3A_1299 = tpu.vector_load %arg9[%get3A_1297, %get3A_1298] {strides = array<i32>} : memref<32x768xf32, #tpu.memory_space<vmem>>, vector<16xf32>,
        %mul3A_1300 = arith.mulf %get3A_1299, %div3A_838 : vector<16xf32>
        %add3A_1301 = arith.constant 464 : i32
        %add3A_1302 = vector.broadcast %add3A_1301 : i32 to vector<16xi32>
        %add3A_1303 = arith.addi %add3A_857, %add3A_1302 : vector<16xi32>
        tpu.vector_store_idx %arg15[%add3A_1303], %mul3A_1300 {add = true} : memref<12288xf32, #tpu.memory_space<vmem>>[vector<16xi32>], vector<16xf32>,
        %get3A_1304 = arith.index_cast %add3A_71 : i32 to index
        %get3A_1305 = arith.constant 464 : index
        %get3A_1306 = tpu.vector_load %arg9[%get3A_1304, %get3A_1305] {strides = array<i32>} : memref<32x768xf32, #tpu.memory_space<vmem>>, vector<16xf32>,
        %mul3A_1307 = arith.mulf %get3A_1306, %div3A_867 : vector<16xf32>
        %add3A_1308 = arith.constant 464 : i32
        %add3A_1309 = vector.broadcast %add3A_1308 : i32 to vector<16xi32>
        %add3A_1310 = arith.addi %add3A_890, %add3A_1309 : vector<16xi32>
        tpu.vector_store_idx %arg15[%add3A_1310], %mul3A_1307 {add = true} : memref<12288xf32, #tpu.memory_space<vmem>>[vector<16xi32>], vector<16xf32>,
        %get3A_1311 = arith.index_cast %mul3A_67 : i32 to index
        %get3A_1312 = arith.constant 480 : index
        %get3A_1313 = tpu.vector_load %arg9[%get3A_1311, %get3A_1312] {strides = array<i32>} : memref<32x768xf32, #tpu.memory_space<vmem>>, vector<16xf32>,
        %mul3A_1314 = arith.mulf %get3A_1313, %div3A_838 : vector<16xf32>
        %add3A_1315 = arith.constant 480 : i32
        %add3A_1316 = vector.broadcast %add3A_1315 : i32 to vector<16xi32>
        %add3A_1317 = arith.addi %add3A_857, %add3A_1316 : vector<16xi32>
        tpu.vector_store_idx %arg15[%add3A_1317], %mul3A_1314 {add = true} : memref<12288xf32, #tpu.memory_space<vmem>>[vector<16xi32>], vector<16xf32>,
        %get3A_1318 = arith.index_cast %add3A_71 : i32 to index
        %get3A_1319 = arith.constant 480 : index
        %get3A_1320 = tpu.vector_load %arg9[%get3A_1318, %get3A_1319] {strides = array<i32>} : memref<32x768xf32, #tpu.memory_space<vmem>>, vector<16xf32>,
        %mul3A_1321 = arith.mulf %get3A_1320, %div3A_867 : vector<16xf32>
        %add3A_1322 = arith.constant 480 : i32
        %add3A_1323 = vector.broadcast %add3A_1322 : i32 to vector<16xi32>
        %add3A_1324 = arith.addi %add3A_890, %add3A_1323 : vector<16xi32>
        tpu.vector_store_idx %arg15[%add3A_1324], %mul3A_1321 {add = true} : memref<12288xf32, #tpu.memory_space<vmem>>[vector<16xi32>], vector<16xf32>,
        %get3A_1325 = arith.index_cast %mul3A_67 : i32 to index
        %get3A_1326 = arith.constant 496 : index
        %get3A_1327 = tpu.vector_load %arg9[%get3A_1325, %get3A_1326] {strides = array<i32>} : memref<32x768xf32, #tpu.memory_space<vmem>>, vector<16xf32>,
        %mul3A_1328 = arith.mulf %get3A_1327, %div3A_838 : vector<16xf32>
        %add3A_1329 = arith.constant 496 : i32
        %add3A_1330 = vector.broadcast %add3A_1329 : i32 to vector<16xi32>
        %add3A_1331 = arith.addi %add3A_857, %add3A_1330 : vector<16xi32>
        tpu.vector_store_idx %arg15[%add3A_1331], %mul3A_1328 {add = true} : memref<12288xf32, #tpu.memory_space<vmem>>[vector<16xi32>], vector<16xf32>,
        %get3A_1332 = arith.index_cast %add3A_71 : i32 to index
        %get3A_1333 = arith.constant 496 : index
        %get3A_1334 = tpu.vector_load %arg9[%get3A_1332, %get3A_1333] {strides = array<i32>} : memref<32x768xf32, #tpu.memory_space<vmem>>, vector<16xf32>,
        %mul3A_1335 = arith.mulf %get3A_1334, %div3A_867 : vector<16xf32>
        %add3A_1336 = arith.constant 496 : i32
        %add3A_1337 = vector.broadcast %add3A_1336 : i32 to vector<16xi32>
        %add3A_1338 = arith.addi %add3A_890, %add3A_1337 : vector<16xi32>
        tpu.vector_store_idx %arg15[%add3A_1338], %mul3A_1335 {add = true} : memref<12288xf32, #tpu.memory_space<vmem>>[vector<16xi32>], vector<16xf32>,
        %get3A_1339 = arith.index_cast %mul3A_67 : i32 to index
        %get3A_1340 = arith.constant 512 : index
        %get3A_1341 = tpu.vector_load %arg9[%get3A_1339, %get3A_1340] {strides = array<i32>} : memref<32x768xf32, #tpu.memory_space<vmem>>, vector<16xf32>,
        %mul3A_1342 = arith.mulf %get3A_1341, %div3A_838 : vector<16xf32>
        %add3A_1343 = arith.constant 512 : i32
        %add3A_1344 = vector.broadcast %add3A_1343 : i32 to vector<16xi32>
        %add3A_1345 = arith.addi %add3A_857, %add3A_1344 : vector<16xi32>
        tpu.vector_store_idx %arg15[%add3A_1345], %mul3A_1342 {add = true} : memref<12288xf32, #tpu.memory_space<vmem>>[vector<16xi32>], vector<16xf32>,
        %get3A_1346 = arith.index_cast %add3A_71 : i32 to index
        %get3A_1347 = arith.constant 512 : index
        %get3A_1348 = tpu.vector_load %arg9[%get3A_1346, %get3A_1347] {strides = array<i32>} : memref<32x768xf32, #tpu.memory_space<vmem>>, vector<16xf32>,
        %mul3A_1349 = arith.mulf %get3A_1348, %div3A_867 : vector<16xf32>
        %add3A_1350 = arith.constant 512 : i32
        %add3A_1351 = vector.broadcast %add3A_1350 : i32 to vector<16xi32>
        %add3A_1352 = arith.addi %add3A_890, %add3A_1351 : vector<16xi32>
        tpu.vector_store_idx %arg15[%add3A_1352], %mul3A_1349 {add = true} : memref<12288xf32, #tpu.memory_space<vmem>>[vector<16xi32>], vector<16xf32>,
        %get3A_1353 = arith.index_cast %mul3A_67 : i32 to index
        %get3A_1354 = arith.constant 528 : index
        %get3A_1355 = tpu.vector_load %arg9[%get3A_1353, %get3A_1354] {strides = array<i32>} : memref<32x768xf32, #tpu.memory_space<vmem>>, vector<16xf32>,
        %mul3A_1356 = arith.mulf %get3A_1355, %div3A_838 : vector<16xf32>
        %add3A_1357 = arith.constant 528 : i32
        %add3A_1358 = vector.broadcast %add3A_1357 : i32 to vector<16xi32>
        %add3A_1359 = arith.addi %add3A_857, %add3A_1358 : vector<16xi32>
        tpu.vector_store_idx %arg15[%add3A_1359], %mul3A_1356 {add = true} : memref<12288xf32, #tpu.memory_space<vmem>>[vector<16xi32>], vector<16xf32>,
        %get3A_1360 = arith.index_cast %add3A_71 : i32 to index
        %get3A_1361 = arith.constant 528 : index
        %get3A_1362 = tpu.vector_load %arg9[%get3A_1360, %get3A_1361] {strides = array<i32>} : memref<32x768xf32, #tpu.memory_space<vmem>>, vector<16xf32>,
        %mul3A_1363 = arith.mulf %get3A_1362, %div3A_867 : vector<16xf32>
        %add3A_1364 = arith.constant 528 : i32
        %add3A_1365 = vector.broadcast %add3A_1364 : i32 to vector<16xi32>
        %add3A_1366 = arith.addi %add3A_890, %add3A_1365 : vector<16xi32>
        tpu.vector_store_idx %arg15[%add3A_1366], %mul3A_1363 {add = true} : memref<12288xf32, #tpu.memory_space<vmem>>[vector<16xi32>], vector<16xf32>,
        %get3A_1367 = arith.index_cast %mul3A_67 : i32 to index
        %get3A_1368 = arith.constant 544 : index
        %get3A_1369 = tpu.vector_load %arg9[%get3A_1367, %get3A_1368] {strides = array<i32>} : memref<32x768xf32, #tpu.memory_space<vmem>>, vector<16xf32>,
        %mul3A_1370 = arith.mulf %get3A_1369, %div3A_838 : vector<16xf32>
        %add3A_1371 = arith.constant 544 : i32
        %add3A_1372 = vector.broadcast %add3A_1371 : i32 to vector<16xi32>
        %add3A_1373 = arith.addi %add3A_857, %add3A_1372 : vector<16xi32>
        tpu.vector_store_idx %arg15[%add3A_1373], %mul3A_1370 {add = true} : memref<12288xf32, #tpu.memory_space<vmem>>[vector<16xi32>], vector<16xf32>,
        %get3A_1374 = arith.index_cast %add3A_71 : i32 to index
        %get3A_1375 = arith.constant 544 : index
        %get3A_1376 = tpu.vector_load %arg9[%get3A_1374, %get3A_1375] {strides = array<i32>} : memref<32x768xf32, #tpu.memory_space<vmem>>, vector<16xf32>,
        %mul3A_1377 = arith.mulf %get3A_1376, %div3A_867 : vector<16xf32>
        %add3A_1378 = arith.constant 544 : i32
        %add3A_1379 = vector.broadcast %add3A_1378 : i32 to vector<16xi32>
        %add3A_1380 = arith.addi %add3A_890, %add3A_1379 : vector<16xi32>
        tpu.vector_store_idx %arg15[%add3A_1380], %mul3A_1377 {add = true} : memref<12288xf32, #tpu.memory_space<vmem>>[vector<16xi32>], vector<16xf32>,
        %get3A_1381 = arith.index_cast %mul3A_67 : i32 to index
        %get3A_1382 = arith.constant 560 : index
        %get3A_1383 = tpu.vector_load %arg9[%get3A_1381, %get3A_1382] {strides = array<i32>} : memref<32x768xf32, #tpu.memory_space<vmem>>, vector<16xf32>,
        %mul3A_1384 = arith.mulf %get3A_1383, %div3A_838 : vector<16xf32>
        %add3A_1385 = arith.constant 560 : i32
        %add3A_1386 = vector.broadcast %add3A_1385 : i32 to vector<16xi32>
        %add3A_1387 = arith.addi %add3A_857, %add3A_1386 : vector<16xi32>
        tpu.vector_store_idx %arg15[%add3A_1387], %mul3A_1384 {add = true} : memref<12288xf32, #tpu.memory_space<vmem>>[vector<16xi32>], vector<16xf32>,
        %get3A_1388 = arith.index_cast %add3A_71 : i32 to index
        %get3A_1389 = arith.constant 560 : index
        %get3A_1390 = tpu.vector_load %arg9[%get3A_1388, %get3A_1389] {strides = array<i32>} : memref<32x768xf32, #tpu.memory_space<vmem>>, vector<16xf32>,
        %mul3A_1391 = arith.mulf %get3A_1390, %div3A_867 : vector<16xf32>
        %add3A_1392 = arith.constant 560 : i32
        %add3A_1393 = vector.broadcast %add3A_1392 : i32 to vector<16xi32>
        %add3A_1394 = arith.addi %add3A_890, %add3A_1393 : vector<16xi32>
        tpu.vector_store_idx %arg15[%add3A_1394], %mul3A_1391 {add = true} : memref<12288xf32, #tpu.memory_space<vmem>>[vector<16xi32>], vector<16xf32>,
        %get3A_1395 = arith.index_cast %mul3A_67 : i32 to index
        %get3A_1396 = arith.constant 576 : index
        %get3A_1397 = tpu.vector_load %arg9[%get3A_1395, %get3A_1396] {strides = array<i32>} : memref<32x768xf32, #tpu.memory_space<vmem>>, vector<16xf32>,
        %mul3A_1398 = arith.mulf %get3A_1397, %div3A_838 : vector<16xf32>
        %add3A_1399 = arith.constant 576 : i32
        %add3A_1400 = vector.broadcast %add3A_1399 : i32 to vector<16xi32>
        %add3A_1401 = arith.addi %add3A_857, %add3A_1400 : vector<16xi32>
        tpu.vector_store_idx %arg15[%add3A_1401], %mul3A_1398 {add = true} : memref<12288xf32, #tpu.memory_space<vmem>>[vector<16xi32>], vector<16xf32>,
        %get3A_1402 = arith.index_cast %add3A_71 : i32 to index
        %get3A_1403 = arith.constant 576 : index
        %get3A_1404 = tpu.vector_load %arg9[%get3A_1402, %get3A_1403] {strides = array<i32>} : memref<32x768xf32, #tpu.memory_space<vmem>>, vector<16xf32>,
        %mul3A_1405 = arith.mulf %get3A_1404, %div3A_867 : vector<16xf32>
        %add3A_1406 = arith.constant 576 : i32
        %add3A_1407 = vector.broadcast %add3A_1406 : i32 to vector<16xi32>
        %add3A_1408 = arith.addi %add3A_890, %add3A_1407 : vector<16xi32>
        tpu.vector_store_idx %arg15[%add3A_1408], %mul3A_1405 {add = true} : memref<12288xf32, #tpu.memory_space<vmem>>[vector<16xi32>], vector<16xf32>,
        %get3A_1409 = arith.index_cast %mul3A_67 : i32 to index
        %get3A_1410 = arith.constant 592 : index
        %get3A_1411 = tpu.vector_load %arg9[%get3A_1409, %get3A_1410] {strides = array<i32>} : memref<32x768xf32, #tpu.memory_space<vmem>>, vector<16xf32>,
        %mul3A_1412 = arith.mulf %get3A_1411, %div3A_838 : vector<16xf32>
        %add3A_1413 = arith.constant 592 : i32
        %add3A_1414 = vector.broadcast %add3A_1413 : i32 to vector<16xi32>
        %add3A_1415 = arith.addi %add3A_857, %add3A_1414 : vector<16xi32>
        tpu.vector_store_idx %arg15[%add3A_1415], %mul3A_1412 {add = true} : memref<12288xf32, #tpu.memory_space<vmem>>[vector<16xi32>], vector<16xf32>,
        %get3A_1416 = arith.index_cast %add3A_71 : i32 to index
        %get3A_1417 = arith.constant 592 : index
        %get3A_1418 = tpu.vector_load %arg9[%get3A_1416, %get3A_1417] {strides = array<i32>} : memref<32x768xf32, #tpu.memory_space<vmem>>, vector<16xf32>,
        %mul3A_1419 = arith.mulf %get3A_1418, %div3A_867 : vector<16xf32>
        %add3A_1420 = arith.constant 592 : i32
        %add3A_1421 = vector.broadcast %add3A_1420 : i32 to vector<16xi32>
        %add3A_1422 = arith.addi %add3A_890, %add3A_1421 : vector<16xi32>
        tpu.vector_store_idx %arg15[%add3A_1422], %mul3A_1419 {add = true} : memref<12288xf32, #tpu.memory_space<vmem>>[vector<16xi32>], vector<16xf32>,
        %get3A_1423 = arith.index_cast %mul3A_67 : i32 to index
        %get3A_1424 = arith.constant 608 : index
        %get3A_1425 = tpu.vector_load %arg9[%get3A_1423, %get3A_1424] {strides = array<i32>} : memref<32x768xf32, #tpu.memory_space<vmem>>, vector<16xf32>,
        %mul3A_1426 = arith.mulf %get3A_1425, %div3A_838 : vector<16xf32>
        %add3A_1427 = arith.constant 608 : i32
        %add3A_1428 = vector.broadcast %add3A_1427 : i32 to vector<16xi32>
        %add3A_1429 = arith.addi %add3A_857, %add3A_1428 : vector<16xi32>
        tpu.vector_store_idx %arg15[%add3A_1429], %mul3A_1426 {add = true} : memref<12288xf32, #tpu.memory_space<vmem>>[vector<16xi32>], vector<16xf32>,
        %get3A_1430 = arith.index_cast %add3A_71 : i32 to index
        %get3A_1431 = arith.constant 608 : index
        %get3A_1432 = tpu.vector_load %arg9[%get3A_1430, %get3A_1431] {strides = array<i32>} : memref<32x768xf32, #tpu.memory_space<vmem>>, vector<16xf32>,
        %mul3A_1433 = arith.mulf %get3A_1432, %div3A_867 : vector<16xf32>
        %add3A_1434 = arith.constant 608 : i32
        %add3A_1435 = vector.broadcast %add3A_1434 : i32 to vector<16xi32>
        %add3A_1436 = arith.addi %add3A_890, %add3A_1435 : vector<16xi32>
        tpu.vector_store_idx %arg15[%add3A_1436], %mul3A_1433 {add = true} : memref<12288xf32, #tpu.memory_space<vmem>>[vector<16xi32>], vector<16xf32>,
        %get3A_1437 = arith.index_cast %mul3A_67 : i32 to index
        %get3A_1438 = arith.constant 624 : index
        %get3A_1439 = tpu.vector_load %arg9[%get3A_1437, %get3A_1438] {strides = array<i32>} : memref<32x768xf32, #tpu.memory_space<vmem>>, vector<16xf32>,
        %mul3A_1440 = arith.mulf %get3A_1439, %div3A_838 : vector<16xf32>
        %add3A_1441 = arith.constant 624 : i32
        %add3A_1442 = vector.broadcast %add3A_1441 : i32 to vector<16xi32>
        %add3A_1443 = arith.addi %add3A_857, %add3A_1442 : vector<16xi32>
        tpu.vector_store_idx %arg15[%add3A_1443], %mul3A_1440 {add = true} : memref<12288xf32, #tpu.memory_space<vmem>>[vector<16xi32>], vector<16xf32>,
        %get3A_1444 = arith.index_cast %add3A_71 : i32 to index
        %get3A_1445 = arith.constant 624 : index
        %get3A_1446 = tpu.vector_load %arg9[%get3A_1444, %get3A_1445] {strides = array<i32>} : memref<32x768xf32, #tpu.memory_space<vmem>>, vector<16xf32>,
        %mul3A_1447 = arith.mulf %get3A_1446, %div3A_867 : vector<16xf32>
        %add3A_1448 = arith.constant 624 : i32
        %add3A_1449 = vector.broadcast %add3A_1448 : i32 to vector<16xi32>
        %add3A_1450 = arith.addi %add3A_890, %add3A_1449 : vector<16xi32>
        tpu.vector_store_idx %arg15[%add3A_1450], %mul3A_1447 {add = true} : memref<12288xf32, #tpu.memory_space<vmem>>[vector<16xi32>], vector<16xf32>,
        %get3A_1451 = arith.index_cast %mul3A_67 : i32 to index
        %get3A_1452 = arith.constant 640 : index
        %get3A_1453 = tpu.vector_load %arg9[%get3A_1451, %get3A_1452] {strides = array<i32>} : memref<32x768xf32, #tpu.memory_space<vmem>>, vector<16xf32>,
        %mul3A_1454 = arith.mulf %get3A_1453, %div3A_838 : vector<16xf32>
        %add3A_1455 = arith.constant 640 : i32
        %add3A_1456 = vector.broadcast %add3A_1455 : i32 to vector<16xi32>
        %add3A_1457 = arith.addi %add3A_857, %add3A_1456 : vector<16xi32>
        tpu.vector_store_idx %arg15[%add3A_1457], %mul3A_1454 {add = true} : memref<12288xf32, #tpu.memory_space<vmem>>[vector<16xi32>], vector<16xf32>,
        %get3A_1458 = arith.index_cast %add3A_71 : i32 to index
        %get3A_1459 = arith.constant 640 : index
        %get3A_1460 = tpu.vector_load %arg9[%get3A_1458, %get3A_1459] {strides = array<i32>} : memref<32x768xf32, #tpu.memory_space<vmem>>, vector<16xf32>,
        %mul3A_1461 = arith.mulf %get3A_1460, %div3A_867 : vector<16xf32>
        %add3A_1462 = arith.constant 640 : i32
        %add3A_1463 = vector.broadcast %add3A_1462 : i32 to vector<16xi32>
        %add3A_1464 = arith.addi %add3A_890, %add3A_1463 : vector<16xi32>
        tpu.vector_store_idx %arg15[%add3A_1464], %mul3A_1461 {add = true} : memref<12288xf32, #tpu.memory_space<vmem>>[vector<16xi32>], vector<16xf32>,
        %get3A_1465 = arith.index_cast %mul3A_67 : i32 to index
        %get3A_1466 = arith.constant 656 : index
        %get3A_1467 = tpu.vector_load %arg9[%get3A_1465, %get3A_1466] {strides = array<i32>} : memref<32x768xf32, #tpu.memory_space<vmem>>, vector<16xf32>,
        %mul3A_1468 = arith.mulf %get3A_1467, %div3A_838 : vector<16xf32>
        %add3A_1469 = arith.constant 656 : i32
        %add3A_1470 = vector.broadcast %add3A_1469 : i32 to vector<16xi32>
        %add3A_1471 = arith.addi %add3A_857, %add3A_1470 : vector<16xi32>
        tpu.vector_store_idx %arg15[%add3A_1471], %mul3A_1468 {add = true} : memref<12288xf32, #tpu.memory_space<vmem>>[vector<16xi32>], vector<16xf32>,
        %get3A_1472 = arith.index_cast %add3A_71 : i32 to index
        %get3A_1473 = arith.constant 656 : index
        %get3A_1474 = tpu.vector_load %arg9[%get3A_1472, %get3A_1473] {strides = array<i32>} : memref<32x768xf32, #tpu.memory_space<vmem>>, vector<16xf32>,
        %mul3A_1475 = arith.mulf %get3A_1474, %div3A_867 : vector<16xf32>
        %add3A_1476 = arith.constant 656 : i32
        %add3A_1477 = vector.broadcast %add3A_1476 : i32 to vector<16xi32>
        %add3A_1478 = arith.addi %add3A_890, %add3A_1477 : vector<16xi32>
        tpu.vector_store_idx %arg15[%add3A_1478], %mul3A_1475 {add = true} : memref<12288xf32, #tpu.memory_space<vmem>>[vector<16xi32>], vector<16xf32>,
        %get3A_1479 = arith.index_cast %mul3A_67 : i32 to index
        %get3A_1480 = arith.constant 672 : index
        %get3A_1481 = tpu.vector_load %arg9[%get3A_1479, %get3A_1480] {strides = array<i32>} : memref<32x768xf32, #tpu.memory_space<vmem>>, vector<16xf32>,
        %mul3A_1482 = arith.mulf %get3A_1481, %div3A_838 : vector<16xf32>
        %add3A_1483 = arith.constant 672 : i32
        %add3A_1484 = vector.broadcast %add3A_1483 : i32 to vector<16xi32>
        %add3A_1485 = arith.addi %add3A_857, %add3A_1484 : vector<16xi32>
        tpu.vector_store_idx %arg15[%add3A_1485], %mul3A_1482 {add = true} : memref<12288xf32, #tpu.memory_space<vmem>>[vector<16xi32>], vector<16xf32>,
        %get3A_1486 = arith.index_cast %add3A_71 : i32 to index
        %get3A_1487 = arith.constant 672 : index
        %get3A_1488 = tpu.vector_load %arg9[%get3A_1486, %get3A_1487] {strides = array<i32>} : memref<32x768xf32, #tpu.memory_space<vmem>>, vector<16xf32>,
        %mul3A_1489 = arith.mulf %get3A_1488, %div3A_867 : vector<16xf32>
        %add3A_1490 = arith.constant 672 : i32
        %add3A_1491 = vector.broadcast %add3A_1490 : i32 to vector<16xi32>
        %add3A_1492 = arith.addi %add3A_890, %add3A_1491 : vector<16xi32>
        tpu.vector_store_idx %arg15[%add3A_1492], %mul3A_1489 {add = true} : memref<12288xf32, #tpu.memory_space<vmem>>[vector<16xi32>], vector<16xf32>,
        %get3A_1493 = arith.index_cast %mul3A_67 : i32 to index
        %get3A_1494 = arith.constant 688 : index
        %get3A_1495 = tpu.vector_load %arg9[%get3A_1493, %get3A_1494] {strides = array<i32>} : memref<32x768xf32, #tpu.memory_space<vmem>>, vector<16xf32>,
        %mul3A_1496 = arith.mulf %get3A_1495, %div3A_838 : vector<16xf32>
        %add3A_1497 = arith.constant 688 : i32
        %add3A_1498 = vector.broadcast %add3A_1497 : i32 to vector<16xi32>
        %add3A_1499 = arith.addi %add3A_857, %add3A_1498 : vector<16xi32>
        tpu.vector_store_idx %arg15[%add3A_1499], %mul3A_1496 {add = true} : memref<12288xf32, #tpu.memory_space<vmem>>[vector<16xi32>], vector<16xf32>,
        %get3A_1500 = arith.index_cast %add3A_71 : i32 to index
        %get3A_1501 = arith.constant 688 : index
        %get3A_1502 = tpu.vector_load %arg9[%get3A_1500, %get3A_1501] {strides = array<i32>} : memref<32x768xf32, #tpu.memory_space<vmem>>, vector<16xf32>,
        %mul3A_1503 = arith.mulf %get3A_1502, %div3A_867 : vector<16xf32>
        %add3A_1504 = arith.constant 688 : i32
        %add3A_1505 = vector.broadcast %add3A_1504 : i32 to vector<16xi32>
        %add3A_1506 = arith.addi %add3A_890, %add3A_1505 : vector<16xi32>
        tpu.vector_store_idx %arg15[%add3A_1506], %mul3A_1503 {add = true} : memref<12288xf32, #tpu.memory_space<vmem>>[vector<16xi32>], vector<16xf32>,
        %get3A_1507 = arith.index_cast %mul3A_67 : i32 to index
        %get3A_1508 = arith.constant 704 : index
        %get3A_1509 = tpu.vector_load %arg9[%get3A_1507, %get3A_1508] {strides = array<i32>} : memref<32x768xf32, #tpu.memory_space<vmem>>, vector<16xf32>,
        %mul3A_1510 = arith.mulf %get3A_1509, %div3A_838 : vector<16xf32>
        %add3A_1511 = arith.constant 704 : i32
        %add3A_1512 = vector.broadcast %add3A_1511 : i32 to vector<16xi32>
        %add3A_1513 = arith.addi %add3A_857, %add3A_1512 : vector<16xi32>
        tpu.vector_store_idx %arg15[%add3A_1513], %mul3A_1510 {add = true} : memref<12288xf32, #tpu.memory_space<vmem>>[vector<16xi32>], vector<16xf32>,
        %get3A_1514 = arith.index_cast %add3A_71 : i32 to index
        %get3A_1515 = arith.constant 704 : index
        %get3A_1516 = tpu.vector_load %arg9[%get3A_1514, %get3A_1515] {strides = array<i32>} : memref<32x768xf32, #tpu.memory_space<vmem>>, vector<16xf32>,
        %mul3A_1517 = arith.mulf %get3A_1516, %div3A_867 : vector<16xf32>
        %add3A_1518 = arith.constant 704 : i32
        %add3A_1519 = vector.broadcast %add3A_1518 : i32 to vector<16xi32>
        %add3A_1520 = arith.addi %add3A_890, %add3A_1519 : vector<16xi32>
        tpu.vector_store_idx %arg15[%add3A_1520], %mul3A_1517 {add = true} : memref<12288xf32, #tpu.memory_space<vmem>>[vector<16xi32>], vector<16xf32>,
        %get3A_1521 = arith.index_cast %mul3A_67 : i32 to index
        %get3A_1522 = arith.constant 720 : index
        %get3A_1523 = tpu.vector_load %arg9[%get3A_1521, %get3A_1522] {strides = array<i32>} : memref<32x768xf32, #tpu.memory_space<vmem>>, vector<16xf32>,
        %mul3A_1524 = arith.mulf %get3A_1523, %div3A_838 : vector<16xf32>
        %add3A_1525 = arith.constant 720 : i32
        %add3A_1526 = vector.broadcast %add3A_1525 : i32 to vector<16xi32>
        %add3A_1527 = arith.addi %add3A_857, %add3A_1526 : vector<16xi32>
        tpu.vector_store_idx %arg15[%add3A_1527], %mul3A_1524 {add = true} : memref<12288xf32, #tpu.memory_space<vmem>>[vector<16xi32>], vector<16xf32>,
        %get3A_1528 = arith.index_cast %add3A_71 : i32 to index
        %get3A_1529 = arith.constant 720 : index
        %get3A_1530 = tpu.vector_load %arg9[%get3A_1528, %get3A_1529] {strides = array<i32>} : memref<32x768xf32, #tpu.memory_space<vmem>>, vector<16xf32>,
        %mul3A_1531 = arith.mulf %get3A_1530, %div3A_867 : vector<16xf32>
        %add3A_1532 = arith.constant 720 : i32
        %add3A_1533 = vector.broadcast %add3A_1532 : i32 to vector<16xi32>
        %add3A_1534 = arith.addi %add3A_890, %add3A_1533 : vector<16xi32>
        tpu.vector_store_idx %arg15[%add3A_1534], %mul3A_1531 {add = true} : memref<12288xf32, #tpu.memory_space<vmem>>[vector<16xi32>], vector<16xf32>,
        %get3A_1535 = arith.index_cast %mul3A_67 : i32 to index
        %get3A_1536 = arith.constant 736 : index
        %get3A_1537 = tpu.vector_load %arg9[%get3A_1535, %get3A_1536] {strides = array<i32>} : memref<32x768xf32, #tpu.memory_space<vmem>>, vector<16xf32>,
        %mul3A_1538 = arith.mulf %get3A_1537, %div3A_838 : vector<16xf32>
        %add3A_1539 = arith.constant 736 : i32
        %add3A_1540 = vector.broadcast %add3A_1539 : i32 to vector<16xi32>
        %add3A_1541 = arith.addi %add3A_857, %add3A_1540 : vector<16xi32>
        tpu.vector_store_idx %arg15[%add3A_1541], %mul3A_1538 {add = true} : memref<12288xf32, #tpu.memory_space<vmem>>[vector<16xi32>], vector<16xf32>,
        %get3A_1542 = arith.index_cast %add3A_71 : i32 to index
        %get3A_1543 = arith.constant 736 : index
        %get3A_1544 = tpu.vector_load %arg9[%get3A_1542, %get3A_1543] {strides = array<i32>} : memref<32x768xf32, #tpu.memory_space<vmem>>, vector<16xf32>,
        %mul3A_1545 = arith.mulf %get3A_1544, %div3A_867 : vector<16xf32>
        %add3A_1546 = arith.constant 736 : i32
        %add3A_1547 = vector.broadcast %add3A_1546 : i32 to vector<16xi32>
        %add3A_1548 = arith.addi %add3A_890, %add3A_1547 : vector<16xi32>
        tpu.vector_store_idx %arg15[%add3A_1548], %mul3A_1545 {add = true} : memref<12288xf32, #tpu.memory_space<vmem>>[vector<16xi32>], vector<16xf32>,
        %get3A_1549 = arith.index_cast %mul3A_67 : i32 to index
        %get3A_1550 = arith.constant 752 : index
        %get3A_1551 = tpu.vector_load %arg9[%get3A_1549, %get3A_1550] {strides = array<i32>} : memref<32x768xf32, #tpu.memory_space<vmem>>, vector<16xf32>,
        %mul3A_1552 = arith.mulf %get3A_1551, %div3A_838 : vector<16xf32>
        %add3A_1553 = arith.constant 752 : i32
        %add3A_1554 = vector.broadcast %add3A_1553 : i32 to vector<16xi32>
        %add3A_1555 = arith.addi %add3A_857, %add3A_1554 : vector<16xi32>
        tpu.vector_store_idx %arg15[%add3A_1555], %mul3A_1552 {add = true} : memref<12288xf32, #tpu.memory_space<vmem>>[vector<16xi32>], vector<16xf32>,
        %get3A_1556 = arith.index_cast %add3A_71 : i32 to index
        %get3A_1557 = arith.constant 752 : index
        %get3A_1558 = tpu.vector_load %arg9[%get3A_1556, %get3A_1557] {strides = array<i32>} : memref<32x768xf32, #tpu.memory_space<vmem>>, vector<16xf32>,
        %mul3A_1559 = arith.mulf %get3A_1558, %div3A_867 : vector<16xf32>
        %add3A_1560 = arith.constant 752 : i32
        %add3A_1561 = vector.broadcast %add3A_1560 : i32 to vector<16xi32>
        %add3A_1562 = arith.addi %add3A_890, %add3A_1561 : vector<16xi32>
        tpu.vector_store_idx %arg15[%add3A_1562], %mul3A_1559 {add = true} : memref<12288xf32, #tpu.memory_space<vmem>>[vector<16xi32>], vector<16xf32>,
        scf.yield %add3A_876 : vector<16xf32>
      }
      %scan3A_49 = arith.constant 16 : i32
      %lt3A = arith.constant 1 : i32
      %lt3A_50 = arith.cmpi slt, %scan3A_22, %lt3A : i32
      %convert_element_type3A = arith.extui %lt3A_50 : i1 to i32
      %cond3A = arith.constant 0 : i32
      %cond3A_51 = arith.cmpi ne, %convert_element_type3A, %cond3A : i32
      scf.if %cond3A_51 {
        %mul3A_64 = arith.constant 2 : i32
        %mul3A_65 = arith.muli %mul3A_64, %scan3A_22 : i32
        %add3A_66 = arith.constant 2 : i32
        %add3A_67 = arith.addi %mul3A_65, %add3A_66 : i32
        %mul3A_68 = arith.constant 32 : i32
        %mul3A_69 = arith.muli %add3A_67, %mul3A_68 : i32
        %add3A_70 = arith.addi %add3A_4, %mul3A_69 : i32
        %dma_start3A_71 = arith.constant 0 : i32
        %dma_start3A_72 = tpu.memref_slice %arg2[%add3A_70, %dma_start3A_71] : memref<32768x768xf32, #tpu.memory_space<hbm>> -> memref<32x768xf32, #tpu.memory_space<hbm>>
        %dma_start3A_73 = arith.constant 0 : i32
        %dma_start3A_74 = tpu.memref_slice %arg2[%add3A_70, %dma_start3A_73] : memref<32768x768xf32, #tpu.memory_space<hbm>> -> memref<32x768xf32, #tpu.memory_space<hbm>>
        tpu.enqueue_dma source(%dma_start3A_74 : memref<32x768xf32, #tpu.memory_space<hbm>>) target(%arg9 : memref<32x768xf32, #tpu.memory_space<vmem>>) target_semaphore(%arg17 : memref<!tpu.dma_semaphore, #tpu.memory_space<semaphore_mem>>)
      } else {
      }
      %dma_wait3A_52 = arith.constant 0 : i32
      %dma_wait3A_53 = arith.constant 0 : i32
      %dma_wait3A_54 = tpu.memref_slice %arg2[%dma_wait3A_52, %dma_wait3A_53] : memref<32768x768xf32, #tpu.memory_space<hbm>> -> memref<32x768xf32, #tpu.memory_space<hbm>>
      %dma_wait3A_55 = arith.constant 0 : i32
      %dma_wait3A_56 = arith.constant 0 : i32
      %dma_wait3A_57 = tpu.memref_slice %arg2[%dma_wait3A_55, %dma_wait3A_56] : memref<32768x768xf32, #tpu.memory_space<hbm>> -> memref<32x768xf32, #tpu.memory_space<hbm>>
      tpu.wait_dma2 semaphore(%arg18 : memref<!tpu.dma_semaphore, #tpu.memory_space<semaphore_mem>>) src(%dma_wait3A_57 : memref<32x768xf32, #tpu.memory_space<hbm>>) dst(%arg10 : memref<32x768xf32, #tpu.memory_space<vmem>>)
      %scan3A_58 = arith.constant 0 : i32
      %scan3A_59 = arith.constant 16 : i32
      %scan3A_60 = arith.addi %scan3A_58, %scan3A_59 : i32
      %scan3A_61 = arith.constant 1 : i32
      %scan3A_62 = scf.for %scan3A_64 = %scan3A_58 to %scan3A_60 step %scan3A_61 iter_args(%scan3A_65 = %scan3A_48) -> (vector<16xf32>)  : i32 {
        %mul3A_66 = arith.constant 2 : i32
        %mul3A_67 = arith.muli %mul3A_66, %scan3A_64 : i32
        %mul3A_68 = arith.constant 2 : i32
        %mul3A_69 = arith.muli %mul3A_68, %scan3A_64 : i32
        %add3A_70 = arith.constant 1 : i32
        %add3A_71 = arith.addi %mul3A_69, %add3A_70 : i32
        %get3A = arith.index_cast %mul3A_67 : i32 to index
        %get3A_72 = arith.constant 0 : index
        %get3A_73 = tpu.vector_load %arg10[%get3A, %get3A_72] {strides = array<i32>} : memref<32x768xf32, #tpu.memory_space<vmem>>, vector<16xf32>,
        %get3A_74 = arith.constant 0 : index
        %get3A_75 = tpu.vector_load %arg12[%get3A_74] {strides = array<i32>} : memref<768xf32, #tpu.memory_space<vmem>>, vector<16xf32>,
        %mul3A_76 = arith.mulf %get3A_73, %get3A_75 : vector<16xf32>
        %add3A_77 = arith.addf %broadcast_in_dim3A_5, %mul3A_76 : vector<16xf32>
        %get3A_78 = arith.index_cast %add3A_71 : i32 to index
        %get3A_79 = arith.constant 0 : index
        %get3A_80 = tpu.vector_load %arg10[%get3A_78, %get3A_79] {strides = array<i32>} : memref<32x768xf32, #tpu.memory_space<vmem>>, vector<16xf32>,
        %get3A_81 = arith.constant 0 : index
        %get3A_82 = tpu.vector_load %arg12[%get3A_81] {strides = array<i32>} : memref<768xf32, #tpu.memory_space<vmem>>, vector<16xf32>,
        %mul3A_83 = arith.mulf %get3A_80, %get3A_82 : vector<16xf32>
        %add3A_84 = arith.addf %broadcast_in_dim3A_5, %mul3A_83 : vector<16xf32>
        %get3A_85 = arith.index_cast %mul3A_67 : i32 to index
        %get3A_86 = arith.constant 16 : index
        %get3A_87 = tpu.vector_load %arg10[%get3A_85, %get3A_86] {strides = array<i32>} : memref<32x768xf32, #tpu.memory_space<vmem>>, vector<16xf32>,
        %get3A_88 = arith.constant 16 : index
        %get3A_89 = tpu.vector_load %arg12[%get3A_88] {strides = array<i32>} : memref<768xf32, #tpu.memory_space<vmem>>, vector<16xf32>,
        %mul3A_90 = arith.mulf %get3A_87, %get3A_89 : vector<16xf32>
        %add3A_91 = arith.addf %broadcast_in_dim3A_5, %mul3A_90 : vector<16xf32>
        %get3A_92 = arith.index_cast %add3A_71 : i32 to index
        %get3A_93 = arith.constant 16 : index
        %get3A_94 = tpu.vector_load %arg10[%get3A_92, %get3A_93] {strides = array<i32>} : memref<32x768xf32, #tpu.memory_space<vmem>>, vector<16xf32>,
        %get3A_95 = arith.constant 16 : index
        %get3A_96 = tpu.vector_load %arg12[%get3A_95] {strides = array<i32>} : memref<768xf32, #tpu.memory_space<vmem>>, vector<16xf32>,
        %mul3A_97 = arith.mulf %get3A_94, %get3A_96 : vector<16xf32>
        %add3A_98 = arith.addf %broadcast_in_dim3A_5, %mul3A_97 : vector<16xf32>
        %get3A_99 = arith.index_cast %mul3A_67 : i32 to index
        %get3A_100 = arith.constant 32 : index
        %get3A_101 = tpu.vector_load %arg10[%get3A_99, %get3A_100] {strides = array<i32>} : memref<32x768xf32, #tpu.memory_space<vmem>>, vector<16xf32>,
        %get3A_102 = arith.constant 32 : index
        %get3A_103 = tpu.vector_load %arg12[%get3A_102] {strides = array<i32>} : memref<768xf32, #tpu.memory_space<vmem>>, vector<16xf32>,
        %mul3A_104 = arith.mulf %get3A_101, %get3A_103 : vector<16xf32>
        %add3A_105 = arith.addf %broadcast_in_dim3A_5, %mul3A_104 : vector<16xf32>
        %get3A_106 = arith.index_cast %add3A_71 : i32 to index
        %get3A_107 = arith.constant 32 : index
        %get3A_108 = tpu.vector_load %arg10[%get3A_106, %get3A_107] {strides = array<i32>} : memref<32x768xf32, #tpu.memory_space<vmem>>, vector<16xf32>,
        %get3A_109 = arith.constant 32 : index
        %get3A_110 = tpu.vector_load %arg12[%get3A_109] {strides = array<i32>} : memref<768xf32, #tpu.memory_space<vmem>>, vector<16xf32>,
        %mul3A_111 = arith.mulf %get3A_108, %get3A_110 : vector<16xf32>
        %add3A_112 = arith.addf %broadcast_in_dim3A_5, %mul3A_111 : vector<16xf32>
        %get3A_113 = arith.index_cast %mul3A_67 : i32 to index
        %get3A_114 = arith.constant 48 : index
        %get3A_115 = tpu.vector_load %arg10[%get3A_113, %get3A_114] {strides = array<i32>} : memref<32x768xf32, #tpu.memory_space<vmem>>, vector<16xf32>,
        %get3A_116 = arith.constant 48 : index
        %get3A_117 = tpu.vector_load %arg12[%get3A_116] {strides = array<i32>} : memref<768xf32, #tpu.memory_space<vmem>>, vector<16xf32>,
        %mul3A_118 = arith.mulf %get3A_115, %get3A_117 : vector<16xf32>
        %add3A_119 = arith.addf %broadcast_in_dim3A_5, %mul3A_118 : vector<16xf32>
        %get3A_120 = arith.index_cast %add3A_71 : i32 to index
        %get3A_121 = arith.constant 48 : index
        %get3A_122 = tpu.vector_load %arg10[%get3A_120, %get3A_121] {strides = array<i32>} : memref<32x768xf32, #tpu.memory_space<vmem>>, vector<16xf32>,
        %get3A_123 = arith.constant 48 : index
        %get3A_124 = tpu.vector_load %arg12[%get3A_123] {strides = array<i32>} : memref<768xf32, #tpu.memory_space<vmem>>, vector<16xf32>,
        %mul3A_125 = arith.mulf %get3A_122, %get3A_124 : vector<16xf32>
        %add3A_126 = arith.addf %broadcast_in_dim3A_5, %mul3A_125 : vector<16xf32>
        %get3A_127 = arith.index_cast %mul3A_67 : i32 to index
        %get3A_128 = arith.constant 64 : index
        %get3A_129 = tpu.vector_load %arg10[%get3A_127, %get3A_128] {strides = array<i32>} : memref<32x768xf32, #tpu.memory_space<vmem>>, vector<16xf32>,
        %get3A_130 = arith.constant 64 : index
        %get3A_131 = tpu.vector_load %arg12[%get3A_130] {strides = array<i32>} : memref<768xf32, #tpu.memory_space<vmem>>, vector<16xf32>,
        %mul3A_132 = arith.mulf %get3A_129, %get3A_131 : vector<16xf32>
        %add3A_133 = arith.addf %add3A_77, %mul3A_132 : vector<16xf32>
        %get3A_134 = arith.index_cast %add3A_71 : i32 to index
        %get3A_135 = arith.constant 64 : index
        %get3A_136 = tpu.vector_load %arg10[%get3A_134, %get3A_135] {strides = array<i32>} : memref<32x768xf32, #tpu.memory_space<vmem>>, vector<16xf32>,
        %get3A_137 = arith.constant 64 : index
        %get3A_138 = tpu.vector_load %arg12[%get3A_137] {strides = array<i32>} : memref<768xf32, #tpu.memory_space<vmem>>, vector<16xf32>,
        %mul3A_139 = arith.mulf %get3A_136, %get3A_138 : vector<16xf32>
        %add3A_140 = arith.addf %add3A_84, %mul3A_139 : vector<16xf32>
        %get3A_141 = arith.index_cast %mul3A_67 : i32 to index
        %get3A_142 = arith.constant 80 : index
        %get3A_143 = tpu.vector_load %arg10[%get3A_141, %get3A_142] {strides = array<i32>} : memref<32x768xf32, #tpu.memory_space<vmem>>, vector<16xf32>,
        %get3A_144 = arith.constant 80 : index
        %get3A_145 = tpu.vector_load %arg12[%get3A_144] {strides = array<i32>} : memref<768xf32, #tpu.memory_space<vmem>>, vector<16xf32>,
        %mul3A_146 = arith.mulf %get3A_143, %get3A_145 : vector<16xf32>
        %add3A_147 = arith.addf %add3A_91, %mul3A_146 : vector<16xf32>
        %get3A_148 = arith.index_cast %add3A_71 : i32 to index
        %get3A_149 = arith.constant 80 : index
        %get3A_150 = tpu.vector_load %arg10[%get3A_148, %get3A_149] {strides = array<i32>} : memref<32x768xf32, #tpu.memory_space<vmem>>, vector<16xf32>,
        %get3A_151 = arith.constant 80 : index
        %get3A_152 = tpu.vector_load %arg12[%get3A_151] {strides = array<i32>} : memref<768xf32, #tpu.memory_space<vmem>>, vector<16xf32>,
        %mul3A_153 = arith.mulf %get3A_150, %get3A_152 : vector<16xf32>
        %add3A_154 = arith.addf %add3A_98, %mul3A_153 : vector<16xf32>
        %get3A_155 = arith.index_cast %mul3A_67 : i32 to index
        %get3A_156 = arith.constant 96 : index
        %get3A_157 = tpu.vector_load %arg10[%get3A_155, %get3A_156] {strides = array<i32>} : memref<32x768xf32, #tpu.memory_space<vmem>>, vector<16xf32>,
        %get3A_158 = arith.constant 96 : index
        %get3A_159 = tpu.vector_load %arg12[%get3A_158] {strides = array<i32>} : memref<768xf32, #tpu.memory_space<vmem>>, vector<16xf32>,
        %mul3A_160 = arith.mulf %get3A_157, %get3A_159 : vector<16xf32>
        %add3A_161 = arith.addf %add3A_105, %mul3A_160 : vector<16xf32>
        %get3A_162 = arith.index_cast %add3A_71 : i32 to index
        %get3A_163 = arith.constant 96 : index
        %get3A_164 = tpu.vector_load %arg10[%get3A_162, %get3A_163] {strides = array<i32>} : memref<32x768xf32, #tpu.memory_space<vmem>>, vector<16xf32>,
        %get3A_165 = arith.constant 96 : index
        %get3A_166 = tpu.vector_load %arg12[%get3A_165] {strides = array<i32>} : memref<768xf32, #tpu.memory_space<vmem>>, vector<16xf32>,
        %mul3A_167 = arith.mulf %get3A_164, %get3A_166 : vector<16xf32>
        %add3A_168 = arith.addf %add3A_112, %mul3A_167 : vector<16xf32>
        %get3A_169 = arith.index_cast %mul3A_67 : i32 to index
        %get3A_170 = arith.constant 112 : index
        %get3A_171 = tpu.vector_load %arg10[%get3A_169, %get3A_170] {strides = array<i32>} : memref<32x768xf32, #tpu.memory_space<vmem>>, vector<16xf32>,
        %get3A_172 = arith.constant 112 : index
        %get3A_173 = tpu.vector_load %arg12[%get3A_172] {strides = array<i32>} : memref<768xf32, #tpu.memory_space<vmem>>, vector<16xf32>,
        %mul3A_174 = arith.mulf %get3A_171, %get3A_173 : vector<16xf32>
        %add3A_175 = arith.addf %add3A_119, %mul3A_174 : vector<16xf32>
        %get3A_176 = arith.index_cast %add3A_71 : i32 to index
        %get3A_177 = arith.constant 112 : index
        %get3A_178 = tpu.vector_load %arg10[%get3A_176, %get3A_177] {strides = array<i32>} : memref<32x768xf32, #tpu.memory_space<vmem>>, vector<16xf32>,
        %get3A_179 = arith.constant 112 : index
        %get3A_180 = tpu.vector_load %arg12[%get3A_179] {strides = array<i32>} : memref<768xf32, #tpu.memory_space<vmem>>, vector<16xf32>,
        %mul3A_181 = arith.mulf %get3A_178, %get3A_180 : vector<16xf32>
        %add3A_182 = arith.addf %add3A_126, %mul3A_181 : vector<16xf32>
        %get3A_183 = arith.index_cast %mul3A_67 : i32 to index
        %get3A_184 = arith.constant 128 : index
        %get3A_185 = tpu.vector_load %arg10[%get3A_183, %get3A_184] {strides = array<i32>} : memref<32x768xf32, #tpu.memory_space<vmem>>, vector<16xf32>,
        %get3A_186 = arith.constant 128 : index
        %get3A_187 = tpu.vector_load %arg12[%get3A_186] {strides = array<i32>} : memref<768xf32, #tpu.memory_space<vmem>>, vector<16xf32>,
        %mul3A_188 = arith.mulf %get3A_185, %get3A_187 : vector<16xf32>
        %add3A_189 = arith.addf %add3A_133, %mul3A_188 : vector<16xf32>
        %get3A_190 = arith.index_cast %add3A_71 : i32 to index
        %get3A_191 = arith.constant 128 : index
        %get3A_192 = tpu.vector_load %arg10[%get3A_190, %get3A_191] {strides = array<i32>} : memref<32x768xf32, #tpu.memory_space<vmem>>, vector<16xf32>,
        %get3A_193 = arith.constant 128 : index
        %get3A_194 = tpu.vector_load %arg12[%get3A_193] {strides = array<i32>} : memref<768xf32, #tpu.memory_space<vmem>>, vector<16xf32>,
        %mul3A_195 = arith.mulf %get3A_192, %get3A_194 : vector<16xf32>
        %add3A_196 = arith.addf %add3A_140, %mul3A_195 : vector<16xf32>
        %get3A_197 = arith.index_cast %mul3A_67 : i32 to index
        %get3A_198 = arith.constant 144 : index
        %get3A_199 = tpu.vector_load %arg10[%get3A_197, %get3A_198] {strides = array<i32>} : memref<32x768xf32, #tpu.memory_space<vmem>>, vector<16xf32>,
        %get3A_200 = arith.constant 144 : index
        %get3A_201 = tpu.vector_load %arg12[%get3A_200] {strides = array<i32>} : memref<768xf32, #tpu.memory_space<vmem>>, vector<16xf32>,
        %mul3A_202 = arith.mulf %get3A_199, %get3A_201 : vector<16xf32>
        %add3A_203 = arith.addf %add3A_147, %mul3A_202 : vector<16xf32>
        %get3A_204 = arith.index_cast %add3A_71 : i32 to index
        %get3A_205 = arith.constant 144 : index
        %get3A_206 = tpu.vector_load %arg10[%get3A_204, %get3A_205] {strides = array<i32>} : memref<32x768xf32, #tpu.memory_space<vmem>>, vector<16xf32>,
        %get3A_207 = arith.constant 144 : index
        %get3A_208 = tpu.vector_load %arg12[%get3A_207] {strides = array<i32>} : memref<768xf32, #tpu.memory_space<vmem>>, vector<16xf32>,
        %mul3A_209 = arith.mulf %get3A_206, %get3A_208 : vector<16xf32>
        %add3A_210 = arith.addf %add3A_154, %mul3A_209 : vector<16xf32>
        %get3A_211 = arith.index_cast %mul3A_67 : i32 to index
        %get3A_212 = arith.constant 160 : index
        %get3A_213 = tpu.vector_load %arg10[%get3A_211, %get3A_212] {strides = array<i32>} : memref<32x768xf32, #tpu.memory_space<vmem>>, vector<16xf32>,
        %get3A_214 = arith.constant 160 : index
        %get3A_215 = tpu.vector_load %arg12[%get3A_214] {strides = array<i32>} : memref<768xf32, #tpu.memory_space<vmem>>, vector<16xf32>,
        %mul3A_216 = arith.mulf %get3A_213, %get3A_215 : vector<16xf32>
        %add3A_217 = arith.addf %add3A_161, %mul3A_216 : vector<16xf32>
        %get3A_218 = arith.index_cast %add3A_71 : i32 to index
        %get3A_219 = arith.constant 160 : index
        %get3A_220 = tpu.vector_load %arg10[%get3A_218, %get3A_219] {strides = array<i32>} : memref<32x768xf32, #tpu.memory_space<vmem>>, vector<16xf32>,
        %get3A_221 = arith.constant 160 : index
        %get3A_222 = tpu.vector_load %arg12[%get3A_221] {strides = array<i32>} : memref<768xf32, #tpu.memory_space<vmem>>, vector<16xf32>,
        %mul3A_223 = arith.mulf %get3A_220, %get3A_222 : vector<16xf32>
        %add3A_224 = arith.addf %add3A_168, %mul3A_223 : vector<16xf32>
        %get3A_225 = arith.index_cast %mul3A_67 : i32 to index
        %get3A_226 = arith.constant 176 : index
        %get3A_227 = tpu.vector_load %arg10[%get3A_225, %get3A_226] {strides = array<i32>} : memref<32x768xf32, #tpu.memory_space<vmem>>, vector<16xf32>,
        %get3A_228 = arith.constant 176 : index
        %get3A_229 = tpu.vector_load %arg12[%get3A_228] {strides = array<i32>} : memref<768xf32, #tpu.memory_space<vmem>>, vector<16xf32>,
        %mul3A_230 = arith.mulf %get3A_227, %get3A_229 : vector<16xf32>
        %add3A_231 = arith.addf %add3A_175, %mul3A_230 : vector<16xf32>
        %get3A_232 = arith.index_cast %add3A_71 : i32 to index
        %get3A_233 = arith.constant 176 : index
        %get3A_234 = tpu.vector_load %arg10[%get3A_232, %get3A_233] {strides = array<i32>} : memref<32x768xf32, #tpu.memory_space<vmem>>, vector<16xf32>,
        %get3A_235 = arith.constant 176 : index
        %get3A_236 = tpu.vector_load %arg12[%get3A_235] {strides = array<i32>} : memref<768xf32, #tpu.memory_space<vmem>>, vector<16xf32>,
        %mul3A_237 = arith.mulf %get3A_234, %get3A_236 : vector<16xf32>
        %add3A_238 = arith.addf %add3A_182, %mul3A_237 : vector<16xf32>
        %get3A_239 = arith.index_cast %mul3A_67 : i32 to index
        %get3A_240 = arith.constant 192 : index
        %get3A_241 = tpu.vector_load %arg10[%get3A_239, %get3A_240] {strides = array<i32>} : memref<32x768xf32, #tpu.memory_space<vmem>>, vector<16xf32>,
        %get3A_242 = arith.constant 192 : index
        %get3A_243 = tpu.vector_load %arg12[%get3A_242] {strides = array<i32>} : memref<768xf32, #tpu.memory_space<vmem>>, vector<16xf32>,
        %mul3A_244 = arith.mulf %get3A_241, %get3A_243 : vector<16xf32>
        %add3A_245 = arith.addf %add3A_189, %mul3A_244 : vector<16xf32>
        %get3A_246 = arith.index_cast %add3A_71 : i32 to index
        %get3A_247 = arith.constant 192 : index
        %get3A_248 = tpu.vector_load %arg10[%get3A_246, %get3A_247] {strides = array<i32>} : memref<32x768xf32, #tpu.memory_space<vmem>>, vector<16xf32>,
        %get3A_249 = arith.constant 192 : index
        %get3A_250 = tpu.vector_load %arg12[%get3A_249] {strides = array<i32>} : memref<768xf32, #tpu.memory_space<vmem>>, vector<16xf32>,
        %mul3A_251 = arith.mulf %get3A_248, %get3A_250 : vector<16xf32>
        %add3A_252 = arith.addf %add3A_196, %mul3A_251 : vector<16xf32>
        %get3A_253 = arith.index_cast %mul3A_67 : i32 to index
        %get3A_254 = arith.constant 208 : index
        %get3A_255 = tpu.vector_load %arg10[%get3A_253, %get3A_254] {strides = array<i32>} : memref<32x768xf32, #tpu.memory_space<vmem>>, vector<16xf32>,
        %get3A_256 = arith.constant 208 : index
        %get3A_257 = tpu.vector_load %arg12[%get3A_256] {strides = array<i32>} : memref<768xf32, #tpu.memory_space<vmem>>, vector<16xf32>,
        %mul3A_258 = arith.mulf %get3A_255, %get3A_257 : vector<16xf32>
        %add3A_259 = arith.addf %add3A_203, %mul3A_258 : vector<16xf32>
        %get3A_260 = arith.index_cast %add3A_71 : i32 to index
        %get3A_261 = arith.constant 208 : index
        %get3A_262 = tpu.vector_load %arg10[%get3A_260, %get3A_261] {strides = array<i32>} : memref<32x768xf32, #tpu.memory_space<vmem>>, vector<16xf32>,
        %get3A_263 = arith.constant 208 : index
        %get3A_264 = tpu.vector_load %arg12[%get3A_263] {strides = array<i32>} : memref<768xf32, #tpu.memory_space<vmem>>, vector<16xf32>,
        %mul3A_265 = arith.mulf %get3A_262, %get3A_264 : vector<16xf32>
        %add3A_266 = arith.addf %add3A_210, %mul3A_265 : vector<16xf32>
        %get3A_267 = arith.index_cast %mul3A_67 : i32 to index
        %get3A_268 = arith.constant 224 : index
        %get3A_269 = tpu.vector_load %arg10[%get3A_267, %get3A_268] {strides = array<i32>} : memref<32x768xf32, #tpu.memory_space<vmem>>, vector<16xf32>,
        %get3A_270 = arith.constant 224 : index
        %get3A_271 = tpu.vector_load %arg12[%get3A_270] {strides = array<i32>} : memref<768xf32, #tpu.memory_space<vmem>>, vector<16xf32>,
        %mul3A_272 = arith.mulf %get3A_269, %get3A_271 : vector<16xf32>
        %add3A_273 = arith.addf %add3A_217, %mul3A_272 : vector<16xf32>
        %get3A_274 = arith.index_cast %add3A_71 : i32 to index
        %get3A_275 = arith.constant 224 : index
        %get3A_276 = tpu.vector_load %arg10[%get3A_274, %get3A_275] {strides = array<i32>} : memref<32x768xf32, #tpu.memory_space<vmem>>, vector<16xf32>,
        %get3A_277 = arith.constant 224 : index
        %get3A_278 = tpu.vector_load %arg12[%get3A_277] {strides = array<i32>} : memref<768xf32, #tpu.memory_space<vmem>>, vector<16xf32>,
        %mul3A_279 = arith.mulf %get3A_276, %get3A_278 : vector<16xf32>
        %add3A_280 = arith.addf %add3A_224, %mul3A_279 : vector<16xf32>
        %get3A_281 = arith.index_cast %mul3A_67 : i32 to index
        %get3A_282 = arith.constant 240 : index
        %get3A_283 = tpu.vector_load %arg10[%get3A_281, %get3A_282] {strides = array<i32>} : memref<32x768xf32, #tpu.memory_space<vmem>>, vector<16xf32>,
        %get3A_284 = arith.constant 240 : index
        %get3A_285 = tpu.vector_load %arg12[%get3A_284] {strides = array<i32>} : memref<768xf32, #tpu.memory_space<vmem>>, vector<16xf32>,
        %mul3A_286 = arith.mulf %get3A_283, %get3A_285 : vector<16xf32>
        %add3A_287 = arith.addf %add3A_231, %mul3A_286 : vector<16xf32>
        %get3A_288 = arith.index_cast %add3A_71 : i32 to index
        %get3A_289 = arith.constant 240 : index
        %get3A_290 = tpu.vector_load %arg10[%get3A_288, %get3A_289] {strides = array<i32>} : memref<32x768xf32, #tpu.memory_space<vmem>>, vector<16xf32>,
        %get3A_291 = arith.constant 240 : index
        %get3A_292 = tpu.vector_load %arg12[%get3A_291] {strides = array<i32>} : memref<768xf32, #tpu.memory_space<vmem>>, vector<16xf32>,
        %mul3A_293 = arith.mulf %get3A_290, %get3A_292 : vector<16xf32>
        %add3A_294 = arith.addf %add3A_238, %mul3A_293 : vector<16xf32>
        %get3A_295 = arith.index_cast %mul3A_67 : i32 to index
        %get3A_296 = arith.constant 256 : index
        %get3A_297 = tpu.vector_load %arg10[%get3A_295, %get3A_296] {strides = array<i32>} : memref<32x768xf32, #tpu.memory_space<vmem>>, vector<16xf32>,
        %get3A_298 = arith.constant 256 : index
        %get3A_299 = tpu.vector_load %arg12[%get3A_298] {strides = array<i32>} : memref<768xf32, #tpu.memory_space<vmem>>, vector<16xf32>,
        %mul3A_300 = arith.mulf %get3A_297, %get3A_299 : vector<16xf32>
        %add3A_301 = arith.addf %add3A_245, %mul3A_300 : vector<16xf32>
        %get3A_302 = arith.index_cast %add3A_71 : i32 to index
        %get3A_303 = arith.constant 256 : index
        %get3A_304 = tpu.vector_load %arg10[%get3A_302, %get3A_303] {strides = array<i32>} : memref<32x768xf32, #tpu.memory_space<vmem>>, vector<16xf32>,
        %get3A_305 = arith.constant 256 : index
        %get3A_306 = tpu.vector_load %arg12[%get3A_305] {strides = array<i32>} : memref<768xf32, #tpu.memory_space<vmem>>, vector<16xf32>,
        %mul3A_307 = arith.mulf %get3A_304, %get3A_306 : vector<16xf32>
        %add3A_308 = arith.addf %add3A_252, %mul3A_307 : vector<16xf32>
        %get3A_309 = arith.index_cast %mul3A_67 : i32 to index
        %get3A_310 = arith.constant 272 : index
        %get3A_311 = tpu.vector_load %arg10[%get3A_309, %get3A_310] {strides = array<i32>} : memref<32x768xf32, #tpu.memory_space<vmem>>, vector<16xf32>,
        %get3A_312 = arith.constant 272 : index
        %get3A_313 = tpu.vector_load %arg12[%get3A_312] {strides = array<i32>} : memref<768xf32, #tpu.memory_space<vmem>>, vector<16xf32>,
        %mul3A_314 = arith.mulf %get3A_311, %get3A_313 : vector<16xf32>
        %add3A_315 = arith.addf %add3A_259, %mul3A_314 : vector<16xf32>
        %get3A_316 = arith.index_cast %add3A_71 : i32 to index
        %get3A_317 = arith.constant 272 : index
        %get3A_318 = tpu.vector_load %arg10[%get3A_316, %get3A_317] {strides = array<i32>} : memref<32x768xf32, #tpu.memory_space<vmem>>, vector<16xf32>,
        %get3A_319 = arith.constant 272 : index
        %get3A_320 = tpu.vector_load %arg12[%get3A_319] {strides = array<i32>} : memref<768xf32, #tpu.memory_space<vmem>>, vector<16xf32>,
        %mul3A_321 = arith.mulf %get3A_318, %get3A_320 : vector<16xf32>
        %add3A_322 = arith.addf %add3A_266, %mul3A_321 : vector<16xf32>
        %get3A_323 = arith.index_cast %mul3A_67 : i32 to index
        %get3A_324 = arith.constant 288 : index
        %get3A_325 = tpu.vector_load %arg10[%get3A_323, %get3A_324] {strides = array<i32>} : memref<32x768xf32, #tpu.memory_space<vmem>>, vector<16xf32>,
        %get3A_326 = arith.constant 288 : index
        %get3A_327 = tpu.vector_load %arg12[%get3A_326] {strides = array<i32>} : memref<768xf32, #tpu.memory_space<vmem>>, vector<16xf32>,
        %mul3A_328 = arith.mulf %get3A_325, %get3A_327 : vector<16xf32>
        %add3A_329 = arith.addf %add3A_273, %mul3A_328 : vector<16xf32>
        %get3A_330 = arith.index_cast %add3A_71 : i32 to index
        %get3A_331 = arith.constant 288 : index
        %get3A_332 = tpu.vector_load %arg10[%get3A_330, %get3A_331] {strides = array<i32>} : memref<32x768xf32, #tpu.memory_space<vmem>>, vector<16xf32>,
        %get3A_333 = arith.constant 288 : index
        %get3A_334 = tpu.vector_load %arg12[%get3A_333] {strides = array<i32>} : memref<768xf32, #tpu.memory_space<vmem>>, vector<16xf32>,
        %mul3A_335 = arith.mulf %get3A_332, %get3A_334 : vector<16xf32>
        %add3A_336 = arith.addf %add3A_280, %mul3A_335 : vector<16xf32>
        %get3A_337 = arith.index_cast %mul3A_67 : i32 to index
        %get3A_338 = arith.constant 304 : index
        %get3A_339 = tpu.vector_load %arg10[%get3A_337, %get3A_338] {strides = array<i32>} : memref<32x768xf32, #tpu.memory_space<vmem>>, vector<16xf32>,
        %get3A_340 = arith.constant 304 : index
        %get3A_341 = tpu.vector_load %arg12[%get3A_340] {strides = array<i32>} : memref<768xf32, #tpu.memory_space<vmem>>, vector<16xf32>,
        %mul3A_342 = arith.mulf %get3A_339, %get3A_341 : vector<16xf32>
        %add3A_343 = arith.addf %add3A_287, %mul3A_342 : vector<16xf32>
        %get3A_344 = arith.index_cast %add3A_71 : i32 to index
        %get3A_345 = arith.constant 304 : index
        %get3A_346 = tpu.vector_load %arg10[%get3A_344, %get3A_345] {strides = array<i32>} : memref<32x768xf32, #tpu.memory_space<vmem>>, vector<16xf32>,
        %get3A_347 = arith.constant 304 : index
        %get3A_348 = tpu.vector_load %arg12[%get3A_347] {strides = array<i32>} : memref<768xf32, #tpu.memory_space<vmem>>, vector<16xf32>,
        %mul3A_349 = arith.mulf %get3A_346, %get3A_348 : vector<16xf32>
        %add3A_350 = arith.addf %add3A_294, %mul3A_349 : vector<16xf32>
        %get3A_351 = arith.index_cast %mul3A_67 : i32 to index
        %get3A_352 = arith.constant 320 : index
        %get3A_353 = tpu.vector_load %arg10[%get3A_351, %get3A_352] {strides = array<i32>} : memref<32x768xf32, #tpu.memory_space<vmem>>, vector<16xf32>,
        %get3A_354 = arith.constant 320 : index
        %get3A_355 = tpu.vector_load %arg12[%get3A_354] {strides = array<i32>} : memref<768xf32, #tpu.memory_space<vmem>>, vector<16xf32>,
        %mul3A_356 = arith.mulf %get3A_353, %get3A_355 : vector<16xf32>
        %add3A_357 = arith.addf %add3A_301, %mul3A_356 : vector<16xf32>
        %get3A_358 = arith.index_cast %add3A_71 : i32 to index
        %get3A_359 = arith.constant 320 : index
        %get3A_360 = tpu.vector_load %arg10[%get3A_358, %get3A_359] {strides = array<i32>} : memref<32x768xf32, #tpu.memory_space<vmem>>, vector<16xf32>,
        %get3A_361 = arith.constant 320 : index
        %get3A_362 = tpu.vector_load %arg12[%get3A_361] {strides = array<i32>} : memref<768xf32, #tpu.memory_space<vmem>>, vector<16xf32>,
        %mul3A_363 = arith.mulf %get3A_360, %get3A_362 : vector<16xf32>
        %add3A_364 = arith.addf %add3A_308, %mul3A_363 : vector<16xf32>
        %get3A_365 = arith.index_cast %mul3A_67 : i32 to index
        %get3A_366 = arith.constant 336 : index
        %get3A_367 = tpu.vector_load %arg10[%get3A_365, %get3A_366] {strides = array<i32>} : memref<32x768xf32, #tpu.memory_space<vmem>>, vector<16xf32>,
        %get3A_368 = arith.constant 336 : index
        %get3A_369 = tpu.vector_load %arg12[%get3A_368] {strides = array<i32>} : memref<768xf32, #tpu.memory_space<vmem>>, vector<16xf32>,
        %mul3A_370 = arith.mulf %get3A_367, %get3A_369 : vector<16xf32>
        %add3A_371 = arith.addf %add3A_315, %mul3A_370 : vector<16xf32>
        %get3A_372 = arith.index_cast %add3A_71 : i32 to index
        %get3A_373 = arith.constant 336 : index
        %get3A_374 = tpu.vector_load %arg10[%get3A_372, %get3A_373] {strides = array<i32>} : memref<32x768xf32, #tpu.memory_space<vmem>>, vector<16xf32>,
        %get3A_375 = arith.constant 336 : index
        %get3A_376 = tpu.vector_load %arg12[%get3A_375] {strides = array<i32>} : memref<768xf32, #tpu.memory_space<vmem>>, vector<16xf32>,
        %mul3A_377 = arith.mulf %get3A_374, %get3A_376 : vector<16xf32>
        %add3A_378 = arith.addf %add3A_322, %mul3A_377 : vector<16xf32>
        %get3A_379 = arith.index_cast %mul3A_67 : i32 to index
        %get3A_380 = arith.constant 352 : index
        %get3A_381 = tpu.vector_load %arg10[%get3A_379, %get3A_380] {strides = array<i32>} : memref<32x768xf32, #tpu.memory_space<vmem>>, vector<16xf32>,
        %get3A_382 = arith.constant 352 : index
        %get3A_383 = tpu.vector_load %arg12[%get3A_382] {strides = array<i32>} : memref<768xf32, #tpu.memory_space<vmem>>, vector<16xf32>,
        %mul3A_384 = arith.mulf %get3A_381, %get3A_383 : vector<16xf32>
        %add3A_385 = arith.addf %add3A_329, %mul3A_384 : vector<16xf32>
        %get3A_386 = arith.index_cast %add3A_71 : i32 to index
        %get3A_387 = arith.constant 352 : index
        %get3A_388 = tpu.vector_load %arg10[%get3A_386, %get3A_387] {strides = array<i32>} : memref<32x768xf32, #tpu.memory_space<vmem>>, vector<16xf32>,
        %get3A_389 = arith.constant 352 : index
        %get3A_390 = tpu.vector_load %arg12[%get3A_389] {strides = array<i32>} : memref<768xf32, #tpu.memory_space<vmem>>, vector<16xf32>,
        %mul3A_391 = arith.mulf %get3A_388, %get3A_390 : vector<16xf32>
        %add3A_392 = arith.addf %add3A_336, %mul3A_391 : vector<16xf32>
        %get3A_393 = arith.index_cast %mul3A_67 : i32 to index
        %get3A_394 = arith.constant 368 : index
        %get3A_395 = tpu.vector_load %arg10[%get3A_393, %get3A_394] {strides = array<i32>} : memref<32x768xf32, #tpu.memory_space<vmem>>, vector<16xf32>,
        %get3A_396 = arith.constant 368 : index
        %get3A_397 = tpu.vector_load %arg12[%get3A_396] {strides = array<i32>} : memref<768xf32, #tpu.memory_space<vmem>>, vector<16xf32>,
        %mul3A_398 = arith.mulf %get3A_395, %get3A_397 : vector<16xf32>
        %add3A_399 = arith.addf %add3A_343, %mul3A_398 : vector<16xf32>
        %get3A_400 = arith.index_cast %add3A_71 : i32 to index
        %get3A_401 = arith.constant 368 : index
        %get3A_402 = tpu.vector_load %arg10[%get3A_400, %get3A_401] {strides = array<i32>} : memref<32x768xf32, #tpu.memory_space<vmem>>, vector<16xf32>,
        %get3A_403 = arith.constant 368 : index
        %get3A_404 = tpu.vector_load %arg12[%get3A_403] {strides = array<i32>} : memref<768xf32, #tpu.memory_space<vmem>>, vector<16xf32>,
        %mul3A_405 = arith.mulf %get3A_402, %get3A_404 : vector<16xf32>
        %add3A_406 = arith.addf %add3A_350, %mul3A_405 : vector<16xf32>
        %get3A_407 = arith.index_cast %mul3A_67 : i32 to index
        %get3A_408 = arith.constant 384 : index
        %get3A_409 = tpu.vector_load %arg10[%get3A_407, %get3A_408] {strides = array<i32>} : memref<32x768xf32, #tpu.memory_space<vmem>>, vector<16xf32>,
        %get3A_410 = arith.constant 384 : index
        %get3A_411 = tpu.vector_load %arg12[%get3A_410] {strides = array<i32>} : memref<768xf32, #tpu.memory_space<vmem>>, vector<16xf32>,
        %mul3A_412 = arith.mulf %get3A_409, %get3A_411 : vector<16xf32>
        %add3A_413 = arith.addf %add3A_357, %mul3A_412 : vector<16xf32>
        %get3A_414 = arith.index_cast %add3A_71 : i32 to index
        %get3A_415 = arith.constant 384 : index
        %get3A_416 = tpu.vector_load %arg10[%get3A_414, %get3A_415] {strides = array<i32>} : memref<32x768xf32, #tpu.memory_space<vmem>>, vector<16xf32>,
        %get3A_417 = arith.constant 384 : index
        %get3A_418 = tpu.vector_load %arg12[%get3A_417] {strides = array<i32>} : memref<768xf32, #tpu.memory_space<vmem>>, vector<16xf32>,
        %mul3A_419 = arith.mulf %get3A_416, %get3A_418 : vector<16xf32>
        %add3A_420 = arith.addf %add3A_364, %mul3A_419 : vector<16xf32>
        %get3A_421 = arith.index_cast %mul3A_67 : i32 to index
        %get3A_422 = arith.constant 400 : index
        %get3A_423 = tpu.vector_load %arg10[%get3A_421, %get3A_422] {strides = array<i32>} : memref<32x768xf32, #tpu.memory_space<vmem>>, vector<16xf32>,
        %get3A_424 = arith.constant 400 : index
        %get3A_425 = tpu.vector_load %arg12[%get3A_424] {strides = array<i32>} : memref<768xf32, #tpu.memory_space<vmem>>, vector<16xf32>,
        %mul3A_426 = arith.mulf %get3A_423, %get3A_425 : vector<16xf32>
        %add3A_427 = arith.addf %add3A_371, %mul3A_426 : vector<16xf32>
        %get3A_428 = arith.index_cast %add3A_71 : i32 to index
        %get3A_429 = arith.constant 400 : index
        %get3A_430 = tpu.vector_load %arg10[%get3A_428, %get3A_429] {strides = array<i32>} : memref<32x768xf32, #tpu.memory_space<vmem>>, vector<16xf32>,
        %get3A_431 = arith.constant 400 : index
        %get3A_432 = tpu.vector_load %arg12[%get3A_431] {strides = array<i32>} : memref<768xf32, #tpu.memory_space<vmem>>, vector<16xf32>,
        %mul3A_433 = arith.mulf %get3A_430, %get3A_432 : vector<16xf32>
        %add3A_434 = arith.addf %add3A_378, %mul3A_433 : vector<16xf32>
        %get3A_435 = arith.index_cast %mul3A_67 : i32 to index
        %get3A_436 = arith.constant 416 : index
        %get3A_437 = tpu.vector_load %arg10[%get3A_435, %get3A_436] {strides = array<i32>} : memref<32x768xf32, #tpu.memory_space<vmem>>, vector<16xf32>,
        %get3A_438 = arith.constant 416 : index
        %get3A_439 = tpu.vector_load %arg12[%get3A_438] {strides = array<i32>} : memref<768xf32, #tpu.memory_space<vmem>>, vector<16xf32>,
        %mul3A_440 = arith.mulf %get3A_437, %get3A_439 : vector<16xf32>
        %add3A_441 = arith.addf %add3A_385, %mul3A_440 : vector<16xf32>
        %get3A_442 = arith.index_cast %add3A_71 : i32 to index
        %get3A_443 = arith.constant 416 : index
        %get3A_444 = tpu.vector_load %arg10[%get3A_442, %get3A_443] {strides = array<i32>} : memref<32x768xf32, #tpu.memory_space<vmem>>, vector<16xf32>,
        %get3A_445 = arith.constant 416 : index
        %get3A_446 = tpu.vector_load %arg12[%get3A_445] {strides = array<i32>} : memref<768xf32, #tpu.memory_space<vmem>>, vector<16xf32>,
        %mul3A_447 = arith.mulf %get3A_444, %get3A_446 : vector<16xf32>
        %add3A_448 = arith.addf %add3A_392, %mul3A_447 : vector<16xf32>
        %get3A_449 = arith.index_cast %mul3A_67 : i32 to index
        %get3A_450 = arith.constant 432 : index
        %get3A_451 = tpu.vector_load %arg10[%get3A_449, %get3A_450] {strides = array<i32>} : memref<32x768xf32, #tpu.memory_space<vmem>>, vector<16xf32>,
        %get3A_452 = arith.constant 432 : index
        %get3A_453 = tpu.vector_load %arg12[%get3A_452] {strides = array<i32>} : memref<768xf32, #tpu.memory_space<vmem>>, vector<16xf32>,
        %mul3A_454 = arith.mulf %get3A_451, %get3A_453 : vector<16xf32>
        %add3A_455 = arith.addf %add3A_399, %mul3A_454 : vector<16xf32>
        %get3A_456 = arith.index_cast %add3A_71 : i32 to index
        %get3A_457 = arith.constant 432 : index
        %get3A_458 = tpu.vector_load %arg10[%get3A_456, %get3A_457] {strides = array<i32>} : memref<32x768xf32, #tpu.memory_space<vmem>>, vector<16xf32>,
        %get3A_459 = arith.constant 432 : index
        %get3A_460 = tpu.vector_load %arg12[%get3A_459] {strides = array<i32>} : memref<768xf32, #tpu.memory_space<vmem>>, vector<16xf32>,
        %mul3A_461 = arith.mulf %get3A_458, %get3A_460 : vector<16xf32>
        %add3A_462 = arith.addf %add3A_406, %mul3A_461 : vector<16xf32>
        %get3A_463 = arith.index_cast %mul3A_67 : i32 to index
        %get3A_464 = arith.constant 448 : index
        %get3A_465 = tpu.vector_load %arg10[%get3A_463, %get3A_464] {strides = array<i32>} : memref<32x768xf32, #tpu.memory_space<vmem>>, vector<16xf32>,
        %get3A_466 = arith.constant 448 : index
        %get3A_467 = tpu.vector_load %arg12[%get3A_466] {strides = array<i32>} : memref<768xf32, #tpu.memory_space<vmem>>, vector<16xf32>,
        %mul3A_468 = arith.mulf %get3A_465, %get3A_467 : vector<16xf32>
        %add3A_469 = arith.addf %add3A_413, %mul3A_468 : vector<16xf32>
        %get3A_470 = arith.index_cast %add3A_71 : i32 to index
        %get3A_471 = arith.constant 448 : index
        %get3A_472 = tpu.vector_load %arg10[%get3A_470, %get3A_471] {strides = array<i32>} : memref<32x768xf32, #tpu.memory_space<vmem>>, vector<16xf32>,
        %get3A_473 = arith.constant 448 : index
        %get3A_474 = tpu.vector_load %arg12[%get3A_473] {strides = array<i32>} : memref<768xf32, #tpu.memory_space<vmem>>, vector<16xf32>,
        %mul3A_475 = arith.mulf %get3A_472, %get3A_474 : vector<16xf32>
        %add3A_476 = arith.addf %add3A_420, %mul3A_475 : vector<16xf32>
        %get3A_477 = arith.index_cast %mul3A_67 : i32 to index
        %get3A_478 = arith.constant 464 : index
        %get3A_479 = tpu.vector_load %arg10[%get3A_477, %get3A_478] {strides = array<i32>} : memref<32x768xf32, #tpu.memory_space<vmem>>, vector<16xf32>,
        %get3A_480 = arith.constant 464 : index
        %get3A_481 = tpu.vector_load %arg12[%get3A_480] {strides = array<i32>} : memref<768xf32, #tpu.memory_space<vmem>>, vector<16xf32>,
        %mul3A_482 = arith.mulf %get3A_479, %get3A_481 : vector<16xf32>
        %add3A_483 = arith.addf %add3A_427, %mul3A_482 : vector<16xf32>
        %get3A_484 = arith.index_cast %add3A_71 : i32 to index
        %get3A_485 = arith.constant 464 : index
        %get3A_486 = tpu.vector_load %arg10[%get3A_484, %get3A_485] {strides = array<i32>} : memref<32x768xf32, #tpu.memory_space<vmem>>, vector<16xf32>,
        %get3A_487 = arith.constant 464 : index
        %get3A_488 = tpu.vector_load %arg12[%get3A_487] {strides = array<i32>} : memref<768xf32, #tpu.memory_space<vmem>>, vector<16xf32>,
        %mul3A_489 = arith.mulf %get3A_486, %get3A_488 : vector<16xf32>
        %add3A_490 = arith.addf %add3A_434, %mul3A_489 : vector<16xf32>
        %get3A_491 = arith.index_cast %mul3A_67 : i32 to index
        %get3A_492 = arith.constant 480 : index
        %get3A_493 = tpu.vector_load %arg10[%get3A_491, %get3A_492] {strides = array<i32>} : memref<32x768xf32, #tpu.memory_space<vmem>>, vector<16xf32>,
        %get3A_494 = arith.constant 480 : index
        %get3A_495 = tpu.vector_load %arg12[%get3A_494] {strides = array<i32>} : memref<768xf32, #tpu.memory_space<vmem>>, vector<16xf32>,
        %mul3A_496 = arith.mulf %get3A_493, %get3A_495 : vector<16xf32>
        %add3A_497 = arith.addf %add3A_441, %mul3A_496 : vector<16xf32>
        %get3A_498 = arith.index_cast %add3A_71 : i32 to index
        %get3A_499 = arith.constant 480 : index
        %get3A_500 = tpu.vector_load %arg10[%get3A_498, %get3A_499] {strides = array<i32>} : memref<32x768xf32, #tpu.memory_space<vmem>>, vector<16xf32>,
        %get3A_501 = arith.constant 480 : index
        %get3A_502 = tpu.vector_load %arg12[%get3A_501] {strides = array<i32>} : memref<768xf32, #tpu.memory_space<vmem>>, vector<16xf32>,
        %mul3A_503 = arith.mulf %get3A_500, %get3A_502 : vector<16xf32>
        %add3A_504 = arith.addf %add3A_448, %mul3A_503 : vector<16xf32>
        %get3A_505 = arith.index_cast %mul3A_67 : i32 to index
        %get3A_506 = arith.constant 496 : index
        %get3A_507 = tpu.vector_load %arg10[%get3A_505, %get3A_506] {strides = array<i32>} : memref<32x768xf32, #tpu.memory_space<vmem>>, vector<16xf32>,
        %get3A_508 = arith.constant 496 : index
        %get3A_509 = tpu.vector_load %arg12[%get3A_508] {strides = array<i32>} : memref<768xf32, #tpu.memory_space<vmem>>, vector<16xf32>,
        %mul3A_510 = arith.mulf %get3A_507, %get3A_509 : vector<16xf32>
        %add3A_511 = arith.addf %add3A_455, %mul3A_510 : vector<16xf32>
        %get3A_512 = arith.index_cast %add3A_71 : i32 to index
        %get3A_513 = arith.constant 496 : index
        %get3A_514 = tpu.vector_load %arg10[%get3A_512, %get3A_513] {strides = array<i32>} : memref<32x768xf32, #tpu.memory_space<vmem>>, vector<16xf32>,
        %get3A_515 = arith.constant 496 : index
        %get3A_516 = tpu.vector_load %arg12[%get3A_515] {strides = array<i32>} : memref<768xf32, #tpu.memory_space<vmem>>, vector<16xf32>,
        %mul3A_517 = arith.mulf %get3A_514, %get3A_516 : vector<16xf32>
        %add3A_518 = arith.addf %add3A_462, %mul3A_517 : vector<16xf32>
        %get3A_519 = arith.index_cast %mul3A_67 : i32 to index
        %get3A_520 = arith.constant 512 : index
        %get3A_521 = tpu.vector_load %arg10[%get3A_519, %get3A_520] {strides = array<i32>} : memref<32x768xf32, #tpu.memory_space<vmem>>, vector<16xf32>,
        %get3A_522 = arith.constant 512 : index
        %get3A_523 = tpu.vector_load %arg12[%get3A_522] {strides = array<i32>} : memref<768xf32, #tpu.memory_space<vmem>>, vector<16xf32>,
        %mul3A_524 = arith.mulf %get3A_521, %get3A_523 : vector<16xf32>
        %add3A_525 = arith.addf %add3A_469, %mul3A_524 : vector<16xf32>
        %get3A_526 = arith.index_cast %add3A_71 : i32 to index
        %get3A_527 = arith.constant 512 : index
        %get3A_528 = tpu.vector_load %arg10[%get3A_526, %get3A_527] {strides = array<i32>} : memref<32x768xf32, #tpu.memory_space<vmem>>, vector<16xf32>,
        %get3A_529 = arith.constant 512 : index
        %get3A_530 = tpu.vector_load %arg12[%get3A_529] {strides = array<i32>} : memref<768xf32, #tpu.memory_space<vmem>>, vector<16xf32>,
        %mul3A_531 = arith.mulf %get3A_528, %get3A_530 : vector<16xf32>
        %add3A_532 = arith.addf %add3A_476, %mul3A_531 : vector<16xf32>
        %get3A_533 = arith.index_cast %mul3A_67 : i32 to index
        %get3A_534 = arith.constant 528 : index
        %get3A_535 = tpu.vector_load %arg10[%get3A_533, %get3A_534] {strides = array<i32>} : memref<32x768xf32, #tpu.memory_space<vmem>>, vector<16xf32>,
        %get3A_536 = arith.constant 528 : index
        %get3A_537 = tpu.vector_load %arg12[%get3A_536] {strides = array<i32>} : memref<768xf32, #tpu.memory_space<vmem>>, vector<16xf32>,
        %mul3A_538 = arith.mulf %get3A_535, %get3A_537 : vector<16xf32>
        %add3A_539 = arith.addf %add3A_483, %mul3A_538 : vector<16xf32>
        %get3A_540 = arith.index_cast %add3A_71 : i32 to index
        %get3A_541 = arith.constant 528 : index
        %get3A_542 = tpu.vector_load %arg10[%get3A_540, %get3A_541] {strides = array<i32>} : memref<32x768xf32, #tpu.memory_space<vmem>>, vector<16xf32>,
        %get3A_543 = arith.constant 528 : index
        %get3A_544 = tpu.vector_load %arg12[%get3A_543] {strides = array<i32>} : memref<768xf32, #tpu.memory_space<vmem>>, vector<16xf32>,
        %mul3A_545 = arith.mulf %get3A_542, %get3A_544 : vector<16xf32>
        %add3A_546 = arith.addf %add3A_490, %mul3A_545 : vector<16xf32>
        %get3A_547 = arith.index_cast %mul3A_67 : i32 to index
        %get3A_548 = arith.constant 544 : index
        %get3A_549 = tpu.vector_load %arg10[%get3A_547, %get3A_548] {strides = array<i32>} : memref<32x768xf32, #tpu.memory_space<vmem>>, vector<16xf32>,
        %get3A_550 = arith.constant 544 : index
        %get3A_551 = tpu.vector_load %arg12[%get3A_550] {strides = array<i32>} : memref<768xf32, #tpu.memory_space<vmem>>, vector<16xf32>,
        %mul3A_552 = arith.mulf %get3A_549, %get3A_551 : vector<16xf32>
        %add3A_553 = arith.addf %add3A_497, %mul3A_552 : vector<16xf32>
        %get3A_554 = arith.index_cast %add3A_71 : i32 to index
        %get3A_555 = arith.constant 544 : index
        %get3A_556 = tpu.vector_load %arg10[%get3A_554, %get3A_555] {strides = array<i32>} : memref<32x768xf32, #tpu.memory_space<vmem>>, vector<16xf32>,
        %get3A_557 = arith.constant 544 : index
        %get3A_558 = tpu.vector_load %arg12[%get3A_557] {strides = array<i32>} : memref<768xf32, #tpu.memory_space<vmem>>, vector<16xf32>,
        %mul3A_559 = arith.mulf %get3A_556, %get3A_558 : vector<16xf32>
        %add3A_560 = arith.addf %add3A_504, %mul3A_559 : vector<16xf32>
        %get3A_561 = arith.index_cast %mul3A_67 : i32 to index
        %get3A_562 = arith.constant 560 : index
        %get3A_563 = tpu.vector_load %arg10[%get3A_561, %get3A_562] {strides = array<i32>} : memref<32x768xf32, #tpu.memory_space<vmem>>, vector<16xf32>,
        %get3A_564 = arith.constant 560 : index
        %get3A_565 = tpu.vector_load %arg12[%get3A_564] {strides = array<i32>} : memref<768xf32, #tpu.memory_space<vmem>>, vector<16xf32>,
        %mul3A_566 = arith.mulf %get3A_563, %get3A_565 : vector<16xf32>
        %add3A_567 = arith.addf %add3A_511, %mul3A_566 : vector<16xf32>
        %get3A_568 = arith.index_cast %add3A_71 : i32 to index
        %get3A_569 = arith.constant 560 : index
        %get3A_570 = tpu.vector_load %arg10[%get3A_568, %get3A_569] {strides = array<i32>} : memref<32x768xf32, #tpu.memory_space<vmem>>, vector<16xf32>,
        %get3A_571 = arith.constant 560 : index
        %get3A_572 = tpu.vector_load %arg12[%get3A_571] {strides = array<i32>} : memref<768xf32, #tpu.memory_space<vmem>>, vector<16xf32>,
        %mul3A_573 = arith.mulf %get3A_570, %get3A_572 : vector<16xf32>
        %add3A_574 = arith.addf %add3A_518, %mul3A_573 : vector<16xf32>
        %get3A_575 = arith.index_cast %mul3A_67 : i32 to index
        %get3A_576 = arith.constant 576 : index
        %get3A_577 = tpu.vector_load %arg10[%get3A_575, %get3A_576] {strides = array<i32>} : memref<32x768xf32, #tpu.memory_space<vmem>>, vector<16xf32>,
        %get3A_578 = arith.constant 576 : index
        %get3A_579 = tpu.vector_load %arg12[%get3A_578] {strides = array<i32>} : memref<768xf32, #tpu.memory_space<vmem>>, vector<16xf32>,
        %mul3A_580 = arith.mulf %get3A_577, %get3A_579 : vector<16xf32>
        %add3A_581 = arith.addf %add3A_525, %mul3A_580 : vector<16xf32>
        %get3A_582 = arith.index_cast %add3A_71 : i32 to index
        %get3A_583 = arith.constant 576 : index
        %get3A_584 = tpu.vector_load %arg10[%get3A_582, %get3A_583] {strides = array<i32>} : memref<32x768xf32, #tpu.memory_space<vmem>>, vector<16xf32>,
        %get3A_585 = arith.constant 576 : index
        %get3A_586 = tpu.vector_load %arg12[%get3A_585] {strides = array<i32>} : memref<768xf32, #tpu.memory_space<vmem>>, vector<16xf32>,
        %mul3A_587 = arith.mulf %get3A_584, %get3A_586 : vector<16xf32>
        %add3A_588 = arith.addf %add3A_532, %mul3A_587 : vector<16xf32>
        %get3A_589 = arith.index_cast %mul3A_67 : i32 to index
        %get3A_590 = arith.constant 592 : index
        %get3A_591 = tpu.vector_load %arg10[%get3A_589, %get3A_590] {strides = array<i32>} : memref<32x768xf32, #tpu.memory_space<vmem>>, vector<16xf32>,
        %get3A_592 = arith.constant 592 : index
        %get3A_593 = tpu.vector_load %arg12[%get3A_592] {strides = array<i32>} : memref<768xf32, #tpu.memory_space<vmem>>, vector<16xf32>,
        %mul3A_594 = arith.mulf %get3A_591, %get3A_593 : vector<16xf32>
        %add3A_595 = arith.addf %add3A_539, %mul3A_594 : vector<16xf32>
        %get3A_596 = arith.index_cast %add3A_71 : i32 to index
        %get3A_597 = arith.constant 592 : index
        %get3A_598 = tpu.vector_load %arg10[%get3A_596, %get3A_597] {strides = array<i32>} : memref<32x768xf32, #tpu.memory_space<vmem>>, vector<16xf32>,
        %get3A_599 = arith.constant 592 : index
        %get3A_600 = tpu.vector_load %arg12[%get3A_599] {strides = array<i32>} : memref<768xf32, #tpu.memory_space<vmem>>, vector<16xf32>,
        %mul3A_601 = arith.mulf %get3A_598, %get3A_600 : vector<16xf32>
        %add3A_602 = arith.addf %add3A_546, %mul3A_601 : vector<16xf32>
        %get3A_603 = arith.index_cast %mul3A_67 : i32 to index
        %get3A_604 = arith.constant 608 : index
        %get3A_605 = tpu.vector_load %arg10[%get3A_603, %get3A_604] {strides = array<i32>} : memref<32x768xf32, #tpu.memory_space<vmem>>, vector<16xf32>,
        %get3A_606 = arith.constant 608 : index
        %get3A_607 = tpu.vector_load %arg12[%get3A_606] {strides = array<i32>} : memref<768xf32, #tpu.memory_space<vmem>>, vector<16xf32>,
        %mul3A_608 = arith.mulf %get3A_605, %get3A_607 : vector<16xf32>
        %add3A_609 = arith.addf %add3A_553, %mul3A_608 : vector<16xf32>
        %get3A_610 = arith.index_cast %add3A_71 : i32 to index
        %get3A_611 = arith.constant 608 : index
        %get3A_612 = tpu.vector_load %arg10[%get3A_610, %get3A_611] {strides = array<i32>} : memref<32x768xf32, #tpu.memory_space<vmem>>, vector<16xf32>,
        %get3A_613 = arith.constant 608 : index
        %get3A_614 = tpu.vector_load %arg12[%get3A_613] {strides = array<i32>} : memref<768xf32, #tpu.memory_space<vmem>>, vector<16xf32>,
        %mul3A_615 = arith.mulf %get3A_612, %get3A_614 : vector<16xf32>
        %add3A_616 = arith.addf %add3A_560, %mul3A_615 : vector<16xf32>
        %get3A_617 = arith.index_cast %mul3A_67 : i32 to index
        %get3A_618 = arith.constant 624 : index
        %get3A_619 = tpu.vector_load %arg10[%get3A_617, %get3A_618] {strides = array<i32>} : memref<32x768xf32, #tpu.memory_space<vmem>>, vector<16xf32>,
        %get3A_620 = arith.constant 624 : index
        %get3A_621 = tpu.vector_load %arg12[%get3A_620] {strides = array<i32>} : memref<768xf32, #tpu.memory_space<vmem>>, vector<16xf32>,
        %mul3A_622 = arith.mulf %get3A_619, %get3A_621 : vector<16xf32>
        %add3A_623 = arith.addf %add3A_567, %mul3A_622 : vector<16xf32>
        %get3A_624 = arith.index_cast %add3A_71 : i32 to index
        %get3A_625 = arith.constant 624 : index
        %get3A_626 = tpu.vector_load %arg10[%get3A_624, %get3A_625] {strides = array<i32>} : memref<32x768xf32, #tpu.memory_space<vmem>>, vector<16xf32>,
        %get3A_627 = arith.constant 624 : index
        %get3A_628 = tpu.vector_load %arg12[%get3A_627] {strides = array<i32>} : memref<768xf32, #tpu.memory_space<vmem>>, vector<16xf32>,
        %mul3A_629 = arith.mulf %get3A_626, %get3A_628 : vector<16xf32>
        %add3A_630 = arith.addf %add3A_574, %mul3A_629 : vector<16xf32>
        %get3A_631 = arith.index_cast %mul3A_67 : i32 to index
        %get3A_632 = arith.constant 640 : index
        %get3A_633 = tpu.vector_load %arg10[%get3A_631, %get3A_632] {strides = array<i32>} : memref<32x768xf32, #tpu.memory_space<vmem>>, vector<16xf32>,
        %get3A_634 = arith.constant 640 : index
        %get3A_635 = tpu.vector_load %arg12[%get3A_634] {strides = array<i32>} : memref<768xf32, #tpu.memory_space<vmem>>, vector<16xf32>,
        %mul3A_636 = arith.mulf %get3A_633, %get3A_635 : vector<16xf32>
        %add3A_637 = arith.addf %add3A_581, %mul3A_636 : vector<16xf32>
        %get3A_638 = arith.index_cast %add3A_71 : i32 to index
        %get3A_639 = arith.constant 640 : index
        %get3A_640 = tpu.vector_load %arg10[%get3A_638, %get3A_639] {strides = array<i32>} : memref<32x768xf32, #tpu.memory_space<vmem>>, vector<16xf32>,
        %get3A_641 = arith.constant 640 : index
        %get3A_642 = tpu.vector_load %arg12[%get3A_641] {strides = array<i32>} : memref<768xf32, #tpu.memory_space<vmem>>, vector<16xf32>,
        %mul3A_643 = arith.mulf %get3A_640, %get3A_642 : vector<16xf32>
        %add3A_644 = arith.addf %add3A_588, %mul3A_643 : vector<16xf32>
        %get3A_645 = arith.index_cast %mul3A_67 : i32 to index
        %get3A_646 = arith.constant 656 : index
        %get3A_647 = tpu.vector_load %arg10[%get3A_645, %get3A_646] {strides = array<i32>} : memref<32x768xf32, #tpu.memory_space<vmem>>, vector<16xf32>,
        %get3A_648 = arith.constant 656 : index
        %get3A_649 = tpu.vector_load %arg12[%get3A_648] {strides = array<i32>} : memref<768xf32, #tpu.memory_space<vmem>>, vector<16xf32>,
        %mul3A_650 = arith.mulf %get3A_647, %get3A_649 : vector<16xf32>
        %add3A_651 = arith.addf %add3A_595, %mul3A_650 : vector<16xf32>
        %get3A_652 = arith.index_cast %add3A_71 : i32 to index
        %get3A_653 = arith.constant 656 : index
        %get3A_654 = tpu.vector_load %arg10[%get3A_652, %get3A_653] {strides = array<i32>} : memref<32x768xf32, #tpu.memory_space<vmem>>, vector<16xf32>,
        %get3A_655 = arith.constant 656 : index
        %get3A_656 = tpu.vector_load %arg12[%get3A_655] {strides = array<i32>} : memref<768xf32, #tpu.memory_space<vmem>>, vector<16xf32>,
        %mul3A_657 = arith.mulf %get3A_654, %get3A_656 : vector<16xf32>
        %add3A_658 = arith.addf %add3A_602, %mul3A_657 : vector<16xf32>
        %get3A_659 = arith.index_cast %mul3A_67 : i32 to index
        %get3A_660 = arith.constant 672 : index
        %get3A_661 = tpu.vector_load %arg10[%get3A_659, %get3A_660] {strides = array<i32>} : memref<32x768xf32, #tpu.memory_space<vmem>>, vector<16xf32>,
        %get3A_662 = arith.constant 672 : index
        %get3A_663 = tpu.vector_load %arg12[%get3A_662] {strides = array<i32>} : memref<768xf32, #tpu.memory_space<vmem>>, vector<16xf32>,
        %mul3A_664 = arith.mulf %get3A_661, %get3A_663 : vector<16xf32>
        %add3A_665 = arith.addf %add3A_609, %mul3A_664 : vector<16xf32>
        %get3A_666 = arith.index_cast %add3A_71 : i32 to index
        %get3A_667 = arith.constant 672 : index
        %get3A_668 = tpu.vector_load %arg10[%get3A_666, %get3A_667] {strides = array<i32>} : memref<32x768xf32, #tpu.memory_space<vmem>>, vector<16xf32>,
        %get3A_669 = arith.constant 672 : index
        %get3A_670 = tpu.vector_load %arg12[%get3A_669] {strides = array<i32>} : memref<768xf32, #tpu.memory_space<vmem>>, vector<16xf32>,
        %mul3A_671 = arith.mulf %get3A_668, %get3A_670 : vector<16xf32>
        %add3A_672 = arith.addf %add3A_616, %mul3A_671 : vector<16xf32>
        %get3A_673 = arith.index_cast %mul3A_67 : i32 to index
        %get3A_674 = arith.constant 688 : index
        %get3A_675 = tpu.vector_load %arg10[%get3A_673, %get3A_674] {strides = array<i32>} : memref<32x768xf32, #tpu.memory_space<vmem>>, vector<16xf32>,
        %get3A_676 = arith.constant 688 : index
        %get3A_677 = tpu.vector_load %arg12[%get3A_676] {strides = array<i32>} : memref<768xf32, #tpu.memory_space<vmem>>, vector<16xf32>,
        %mul3A_678 = arith.mulf %get3A_675, %get3A_677 : vector<16xf32>
        %add3A_679 = arith.addf %add3A_623, %mul3A_678 : vector<16xf32>
        %get3A_680 = arith.index_cast %add3A_71 : i32 to index
        %get3A_681 = arith.constant 688 : index
        %get3A_682 = tpu.vector_load %arg10[%get3A_680, %get3A_681] {strides = array<i32>} : memref<32x768xf32, #tpu.memory_space<vmem>>, vector<16xf32>,
        %get3A_683 = arith.constant 688 : index
        %get3A_684 = tpu.vector_load %arg12[%get3A_683] {strides = array<i32>} : memref<768xf32, #tpu.memory_space<vmem>>, vector<16xf32>,
        %mul3A_685 = arith.mulf %get3A_682, %get3A_684 : vector<16xf32>
        %add3A_686 = arith.addf %add3A_630, %mul3A_685 : vector<16xf32>
        %get3A_687 = arith.index_cast %mul3A_67 : i32 to index
        %get3A_688 = arith.constant 704 : index
        %get3A_689 = tpu.vector_load %arg10[%get3A_687, %get3A_688] {strides = array<i32>} : memref<32x768xf32, #tpu.memory_space<vmem>>, vector<16xf32>,
        %get3A_690 = arith.constant 704 : index
        %get3A_691 = tpu.vector_load %arg12[%get3A_690] {strides = array<i32>} : memref<768xf32, #tpu.memory_space<vmem>>, vector<16xf32>,
        %mul3A_692 = arith.mulf %get3A_689, %get3A_691 : vector<16xf32>
        %add3A_693 = arith.addf %add3A_637, %mul3A_692 : vector<16xf32>
        %get3A_694 = arith.index_cast %add3A_71 : i32 to index
        %get3A_695 = arith.constant 704 : index
        %get3A_696 = tpu.vector_load %arg10[%get3A_694, %get3A_695] {strides = array<i32>} : memref<32x768xf32, #tpu.memory_space<vmem>>, vector<16xf32>,
        %get3A_697 = arith.constant 704 : index
        %get3A_698 = tpu.vector_load %arg12[%get3A_697] {strides = array<i32>} : memref<768xf32, #tpu.memory_space<vmem>>, vector<16xf32>,
        %mul3A_699 = arith.mulf %get3A_696, %get3A_698 : vector<16xf32>
        %add3A_700 = arith.addf %add3A_644, %mul3A_699 : vector<16xf32>
        %get3A_701 = arith.index_cast %mul3A_67 : i32 to index
        %get3A_702 = arith.constant 720 : index
        %get3A_703 = tpu.vector_load %arg10[%get3A_701, %get3A_702] {strides = array<i32>} : memref<32x768xf32, #tpu.memory_space<vmem>>, vector<16xf32>,
        %get3A_704 = arith.constant 720 : index
        %get3A_705 = tpu.vector_load %arg12[%get3A_704] {strides = array<i32>} : memref<768xf32, #tpu.memory_space<vmem>>, vector<16xf32>,
        %mul3A_706 = arith.mulf %get3A_703, %get3A_705 : vector<16xf32>
        %add3A_707 = arith.addf %add3A_651, %mul3A_706 : vector<16xf32>
        %get3A_708 = arith.index_cast %add3A_71 : i32 to index
        %get3A_709 = arith.constant 720 : index
        %get3A_710 = tpu.vector_load %arg10[%get3A_708, %get3A_709] {strides = array<i32>} : memref<32x768xf32, #tpu.memory_space<vmem>>, vector<16xf32>,
        %get3A_711 = arith.constant 720 : index
        %get3A_712 = tpu.vector_load %arg12[%get3A_711] {strides = array<i32>} : memref<768xf32, #tpu.memory_space<vmem>>, vector<16xf32>,
        %mul3A_713 = arith.mulf %get3A_710, %get3A_712 : vector<16xf32>
        %add3A_714 = arith.addf %add3A_658, %mul3A_713 : vector<16xf32>
        %get3A_715 = arith.index_cast %mul3A_67 : i32 to index
        %get3A_716 = arith.constant 736 : index
        %get3A_717 = tpu.vector_load %arg10[%get3A_715, %get3A_716] {strides = array<i32>} : memref<32x768xf32, #tpu.memory_space<vmem>>, vector<16xf32>,
        %get3A_718 = arith.constant 736 : index
        %get3A_719 = tpu.vector_load %arg12[%get3A_718] {strides = array<i32>} : memref<768xf32, #tpu.memory_space<vmem>>, vector<16xf32>,
        %mul3A_720 = arith.mulf %get3A_717, %get3A_719 : vector<16xf32>
        %add3A_721 = arith.addf %add3A_665, %mul3A_720 : vector<16xf32>
        %get3A_722 = arith.index_cast %add3A_71 : i32 to index
        %get3A_723 = arith.constant 736 : index
        %get3A_724 = tpu.vector_load %arg10[%get3A_722, %get3A_723] {strides = array<i32>} : memref<32x768xf32, #tpu.memory_space<vmem>>, vector<16xf32>,
        %get3A_725 = arith.constant 736 : index
        %get3A_726 = tpu.vector_load %arg12[%get3A_725] {strides = array<i32>} : memref<768xf32, #tpu.memory_space<vmem>>, vector<16xf32>,
        %mul3A_727 = arith.mulf %get3A_724, %get3A_726 : vector<16xf32>
        %add3A_728 = arith.addf %add3A_672, %mul3A_727 : vector<16xf32>
        %get3A_729 = arith.index_cast %mul3A_67 : i32 to index
        %get3A_730 = arith.constant 752 : index
        %get3A_731 = tpu.vector_load %arg10[%get3A_729, %get3A_730] {strides = array<i32>} : memref<32x768xf32, #tpu.memory_space<vmem>>, vector<16xf32>,
        %get3A_732 = arith.constant 752 : index
        %get3A_733 = tpu.vector_load %arg12[%get3A_732] {strides = array<i32>} : memref<768xf32, #tpu.memory_space<vmem>>, vector<16xf32>,
        %mul3A_734 = arith.mulf %get3A_731, %get3A_733 : vector<16xf32>
        %add3A_735 = arith.addf %add3A_679, %mul3A_734 : vector<16xf32>
        %get3A_736 = arith.index_cast %add3A_71 : i32 to index
        %get3A_737 = arith.constant 752 : index
        %get3A_738 = tpu.vector_load %arg10[%get3A_736, %get3A_737] {strides = array<i32>} : memref<32x768xf32, #tpu.memory_space<vmem>>, vector<16xf32>,
        %get3A_739 = arith.constant 752 : index
        %get3A_740 = tpu.vector_load %arg12[%get3A_739] {strides = array<i32>} : memref<768xf32, #tpu.memory_space<vmem>>, vector<16xf32>,
        %mul3A_741 = arith.mulf %get3A_738, %get3A_740 : vector<16xf32>
        %add3A_742 = arith.addf %add3A_686, %mul3A_741 : vector<16xf32>
        %add3A_743 = arith.addf %add3A_693, %add3A_707 : vector<16xf32>
        %add3A_744 = arith.addf %add3A_721, %add3A_735 : vector<16xf32>
        %add3A_745 = arith.addf %add3A_743, %add3A_744 : vector<16xf32>
        %add3A_746 = arith.constant 8 : i32
        %add3A_747 = vector.broadcast %add3A_746 : i32 to vector<16xi32>
        %add3A_748 = arith.addi %iota3A, %add3A_747 : vector<16xi32>
        %and3A = arith.constant 15 : i32
        %and3A_749 = vector.broadcast %and3A : i32 to vector<16xi32>
        %and3A_750 = arith.andi %add3A_748, %and3A_749 : vector<16xi32>
        %reshape3A = vector.shape_cast %and3A_750 : vector<16xi32> to vector<16x1xi32>
        %gather3A = vector.shape_cast %reshape3A : vector<16x1xi32> to vector<16xi32>
        %gather3A_751 = tpu.dynamic_gather %add3A_745[%gather3A] in [0] : vector<16xf32>, vector<16xi32> -> vector<16xf32>
        %add3A_752 = arith.addf %add3A_745, %gather3A_751 : vector<16xf32>
        %add3A_753 = arith.constant 4 : i32
        %add3A_754 = vector.broadcast %add3A_753 : i32 to vector<16xi32>
        %add3A_755 = arith.addi %iota3A, %add3A_754 : vector<16xi32>
        %and3A_756 = arith.constant 15 : i32
        %and3A_757 = vector.broadcast %and3A_756 : i32 to vector<16xi32>
        %and3A_758 = arith.andi %add3A_755, %and3A_757 : vector<16xi32>
        %reshape3A_759 = vector.shape_cast %and3A_758 : vector<16xi32> to vector<16x1xi32>
        %gather3A_760 = vector.shape_cast %reshape3A_759 : vector<16x1xi32> to vector<16xi32>
        %gather3A_761 = tpu.dynamic_gather %add3A_752[%gather3A_760] in [0] : vector<16xf32>, vector<16xi32> -> vector<16xf32>
        %add3A_762 = arith.addf %add3A_752, %gather3A_761 : vector<16xf32>
        %add3A_763 = arith.constant 2 : i32
        %add3A_764 = vector.broadcast %add3A_763 : i32 to vector<16xi32>
        %add3A_765 = arith.addi %iota3A, %add3A_764 : vector<16xi32>
        %and3A_766 = arith.constant 15 : i32
        %and3A_767 = vector.broadcast %and3A_766 : i32 to vector<16xi32>
        %and3A_768 = arith.andi %add3A_765, %and3A_767 : vector<16xi32>
        %reshape3A_769 = vector.shape_cast %and3A_768 : vector<16xi32> to vector<16x1xi32>
        %gather3A_770 = vector.shape_cast %reshape3A_769 : vector<16x1xi32> to vector<16xi32>
        %gather3A_771 = tpu.dynamic_gather %add3A_762[%gather3A_770] in [0] : vector<16xf32>, vector<16xi32> -> vector<16xf32>
        %add3A_772 = arith.addf %add3A_762, %gather3A_771 : vector<16xf32>
        %add3A_773 = arith.constant 1 : i32
        %add3A_774 = vector.broadcast %add3A_773 : i32 to vector<16xi32>
        %add3A_775 = arith.addi %iota3A, %add3A_774 : vector<16xi32>
        %and3A_776 = arith.constant 15 : i32
        %and3A_777 = vector.broadcast %and3A_776 : i32 to vector<16xi32>
        %and3A_778 = arith.andi %add3A_775, %and3A_777 : vector<16xi32>
        %reshape3A_779 = vector.shape_cast %and3A_778 : vector<16xi32> to vector<16x1xi32>
        %gather3A_780 = vector.shape_cast %reshape3A_779 : vector<16x1xi32> to vector<16xi32>
        %gather3A_781 = tpu.dynamic_gather %add3A_772[%gather3A_780] in [0] : vector<16xf32>, vector<16xi32> -> vector<16xf32>
        %add3A_782 = arith.addf %add3A_772, %gather3A_781 : vector<16xf32>
        %get3A_783 = arith.constant 0 : index
        %get3A_784 = tpu.vector_load %arg13[%get3A_783] {strides = array<i32>} : memref<16xf32, #tpu.memory_space<vmem>>, vector<16xf32>,
        %add3A_785 = arith.addf %add3A_782, %get3A_784 : vector<16xf32>
        %add3A_786 = arith.addf %add3A_700, %add3A_714 : vector<16xf32>
        %add3A_787 = arith.addf %add3A_728, %add3A_742 : vector<16xf32>
        %add3A_788 = arith.addf %add3A_786, %add3A_787 : vector<16xf32>
        %add3A_789 = arith.constant 8 : i32
        %add3A_790 = vector.broadcast %add3A_789 : i32 to vector<16xi32>
        %add3A_791 = arith.addi %iota3A, %add3A_790 : vector<16xi32>
        %and3A_792 = arith.constant 15 : i32
        %and3A_793 = vector.broadcast %and3A_792 : i32 to vector<16xi32>
        %and3A_794 = arith.andi %add3A_791, %and3A_793 : vector<16xi32>
        %reshape3A_795 = vector.shape_cast %and3A_794 : vector<16xi32> to vector<16x1xi32>
        %gather3A_796 = vector.shape_cast %reshape3A_795 : vector<16x1xi32> to vector<16xi32>
        %gather3A_797 = tpu.dynamic_gather %add3A_788[%gather3A_796] in [0] : vector<16xf32>, vector<16xi32> -> vector<16xf32>
        %add3A_798 = arith.addf %add3A_788, %gather3A_797 : vector<16xf32>
        %add3A_799 = arith.constant 4 : i32
        %add3A_800 = vector.broadcast %add3A_799 : i32 to vector<16xi32>
        %add3A_801 = arith.addi %iota3A, %add3A_800 : vector<16xi32>
        %and3A_802 = arith.constant 15 : i32
        %and3A_803 = vector.broadcast %and3A_802 : i32 to vector<16xi32>
        %and3A_804 = arith.andi %add3A_801, %and3A_803 : vector<16xi32>
        %reshape3A_805 = vector.shape_cast %and3A_804 : vector<16xi32> to vector<16x1xi32>
        %gather3A_806 = vector.shape_cast %reshape3A_805 : vector<16x1xi32> to vector<16xi32>
        %gather3A_807 = tpu.dynamic_gather %add3A_798[%gather3A_806] in [0] : vector<16xf32>, vector<16xi32> -> vector<16xf32>
        %add3A_808 = arith.addf %add3A_798, %gather3A_807 : vector<16xf32>
        %add3A_809 = arith.constant 2 : i32
        %add3A_810 = vector.broadcast %add3A_809 : i32 to vector<16xi32>
        %add3A_811 = arith.addi %iota3A, %add3A_810 : vector<16xi32>
        %and3A_812 = arith.constant 15 : i32
        %and3A_813 = vector.broadcast %and3A_812 : i32 to vector<16xi32>
        %and3A_814 = arith.andi %add3A_811, %and3A_813 : vector<16xi32>
        %reshape3A_815 = vector.shape_cast %and3A_814 : vector<16xi32> to vector<16x1xi32>
        %gather3A_816 = vector.shape_cast %reshape3A_815 : vector<16x1xi32> to vector<16xi32>
        %gather3A_817 = tpu.dynamic_gather %add3A_808[%gather3A_816] in [0] : vector<16xf32>, vector<16xi32> -> vector<16xf32>
        %add3A_818 = arith.addf %add3A_808, %gather3A_817 : vector<16xf32>
        %add3A_819 = arith.constant 1 : i32
        %add3A_820 = vector.broadcast %add3A_819 : i32 to vector<16xi32>
        %add3A_821 = arith.addi %iota3A, %add3A_820 : vector<16xi32>
        %and3A_822 = arith.constant 15 : i32
        %and3A_823 = vector.broadcast %and3A_822 : i32 to vector<16xi32>
        %and3A_824 = arith.andi %add3A_821, %and3A_823 : vector<16xi32>
        %reshape3A_825 = vector.shape_cast %and3A_824 : vector<16xi32> to vector<16x1xi32>
        %gather3A_826 = vector.shape_cast %reshape3A_825 : vector<16x1xi32> to vector<16xi32>
        %gather3A_827 = tpu.dynamic_gather %add3A_818[%gather3A_826] in [0] : vector<16xf32>, vector<16xi32> -> vector<16xf32>
        %add3A_828 = arith.addf %add3A_818, %gather3A_827 : vector<16xf32>
        %get3A_829 = arith.constant 0 : index
        %get3A_830 = tpu.vector_load %arg13[%get3A_829] {strides = array<i32>} : memref<16xf32, #tpu.memory_space<vmem>>, vector<16xf32>,
        %add3A_831 = arith.addf %add3A_828, %get3A_830 : vector<16xf32>
        %neg3A = arith.constant 0.000000e+00 : f32
        %neg3A_832 = vector.broadcast %neg3A : f32 to vector<16xf32>
        %neg3A_833 = arith.subf %neg3A_832, %add3A_785 : vector<16xf32>
        %exp3A = math.exp %neg3A_833 : vector<16xf32>
        %add3A_834 = arith.constant 1.000000e+00 : f32
        %add3A_835 = vector.broadcast %add3A_834 : f32 to vector<16xf32>
        %add3A_836 = arith.addf %add3A_835, %exp3A : vector<16xf32>
        %div3A = arith.constant 1.000000e+00 : f32
        %div3A_837 = vector.broadcast %div3A : f32 to vector<16xf32>
        %div3A_838 = arith.divf %div3A_837, %add3A_836 : vector<16xf32>
        %ge3A = arith.constant 0.000000e+00 : f32
        %ge3A_839 = vector.broadcast %ge3A : f32 to vector<16xf32>
        %ge3A_840 = arith.cmpf oge, %add3A_785, %ge3A_839 : vector<16xf32>
        %jit3A = arith.constant 6.250000e-02 : f32
        %jit3A_841 = arith.constant 0.000000e+00 : f32
        %broadcast_in_dim3A_842 = vector.broadcast %jit3A : f32 to vector<16xf32>
        %broadcast_in_dim3A_843 = vector.broadcast %jit3A_841 : f32 to vector<16xf32>
        %select_n3A = arith.select %ge3A_840, %broadcast_in_dim3A_842, %broadcast_in_dim3A_843 : vector<16xi1>, vector<16xf32>
        %add3A_844 = arith.addf %scan3A_65, %select_n3A : vector<16xf32>
        %mul3A_845 = arith.constant 2 : i32
        %mul3A_846 = arith.muli %mul3A_845, %scan3A_64 : i32
        %add3A_847 = arith.addi %mul3A_29, %mul3A_846 : i32
        %add3A_848 = arith.constant 0 : i32
        %add3A_849 = arith.addi %add3A_847, %add3A_848 : i32
        %broadcast_in_dim3A_850 = vector.broadcast %add3A_849 : i32 to vector<16xi32>
        %eq3A = arith.constant 0 : i32
        %eq3A_851 = vector.broadcast %eq3A : i32 to vector<16xi32>
        %eq3A_852 = arith.cmpi eq, %iota3A, %eq3A_851 : vector<16xi32>
        tpu.vector_store_idx %arg14[%broadcast_in_dim3A_850], %div3A_838 masked %eq3A_852 : memref<128xf32, #tpu.memory_space<vmem>>[vector<16xi32>], vector<16xf32>, vector<16xi1>
        %gather3A_853 = tpu.vector_load_idx %arg11[%broadcast_in_dim3A_850] : memref<128xi32, #tpu.memory_space<vmem>>[vector<16xi32>], vector<16xi32>,
        %mul3A_854 = arith.constant 768 : i32
        %mul3A_855 = vector.broadcast %mul3A_854 : i32 to vector<16xi32>
        %mul3A_856 = arith.muli %gather3A_853, %mul3A_855 : vector<16xi32>
        %add3A_857 = arith.addi %mul3A_856, %iota3A : vector<16xi32>
        %neg3A_858 = arith.constant 0.000000e+00 : f32
        %neg3A_859 = vector.broadcast %neg3A_858 : f32 to vector<16xf32>
        %neg3A_860 = arith.subf %neg3A_859, %add3A_831 : vector<16xf32>
        %exp3A_861 = math.exp %neg3A_860 : vector<16xf32>
        %add3A_862 = arith.constant 1.000000e+00 : f32
        %add3A_863 = vector.broadcast %add3A_862 : f32 to vector<16xf32>
        %add3A_864 = arith.addf %add3A_863, %exp3A_861 : vector<16xf32>
        %div3A_865 = arith.constant 1.000000e+00 : f32
        %div3A_866 = vector.broadcast %div3A_865 : f32 to vector<16xf32>
        %div3A_867 = arith.divf %div3A_866, %add3A_864 : vector<16xf32>
        %ge3A_868 = arith.constant 0.000000e+00 : f32
        %ge3A_869 = vector.broadcast %ge3A_868 : f32 to vector<16xf32>
        %ge3A_870 = arith.cmpf oge, %add3A_831, %ge3A_869 : vector<16xf32>
        %jit3A_871 = arith.constant 6.250000e-02 : f32
        %jit3A_872 = arith.constant 0.000000e+00 : f32
        %broadcast_in_dim3A_873 = vector.broadcast %jit3A_871 : f32 to vector<16xf32>
        %broadcast_in_dim3A_874 = vector.broadcast %jit3A_872 : f32 to vector<16xf32>
        %select_n3A_875 = arith.select %ge3A_870, %broadcast_in_dim3A_873, %broadcast_in_dim3A_874 : vector<16xi1>, vector<16xf32>
        %add3A_876 = arith.addf %add3A_844, %select_n3A_875 : vector<16xf32>
        %mul3A_877 = arith.constant 2 : i32
        %mul3A_878 = arith.muli %mul3A_877, %scan3A_64 : i32
        %add3A_879 = arith.addi %mul3A_29, %mul3A_878 : i32
        %add3A_880 = arith.constant 1 : i32
        %add3A_881 = arith.addi %add3A_879, %add3A_880 : i32
        %broadcast_in_dim3A_882 = vector.broadcast %add3A_881 : i32 to vector<16xi32>
        %eq3A_883 = arith.constant 0 : i32
        %eq3A_884 = vector.broadcast %eq3A_883 : i32 to vector<16xi32>
        %eq3A_885 = arith.cmpi eq, %iota3A, %eq3A_884 : vector<16xi32>
        tpu.vector_store_idx %arg14[%broadcast_in_dim3A_882], %div3A_867 masked %eq3A_885 : memref<128xf32, #tpu.memory_space<vmem>>[vector<16xi32>], vector<16xf32>, vector<16xi1>
        %gather3A_886 = tpu.vector_load_idx %arg11[%broadcast_in_dim3A_882] : memref<128xi32, #tpu.memory_space<vmem>>[vector<16xi32>], vector<16xi32>,
        %mul3A_887 = arith.constant 768 : i32
        %mul3A_888 = vector.broadcast %mul3A_887 : i32 to vector<16xi32>
        %mul3A_889 = arith.muli %gather3A_886, %mul3A_888 : vector<16xi32>
        %add3A_890 = arith.addi %mul3A_889, %iota3A : vector<16xi32>
        %get3A_891 = arith.index_cast %mul3A_67 : i32 to index
        %get3A_892 = arith.constant 0 : index
        %get3A_893 = tpu.vector_load %arg10[%get3A_891, %get3A_892] {strides = array<i32>} : memref<32x768xf32, #tpu.memory_space<vmem>>, vector<16xf32>,
        %mul3A_894 = arith.mulf %get3A_893, %div3A_838 : vector<16xf32>
        %add3A_895 = arith.constant 0 : i32
        %add3A_896 = vector.broadcast %add3A_895 : i32 to vector<16xi32>
        %add3A_897 = arith.addi %add3A_857, %add3A_896 : vector<16xi32>
        tpu.vector_store_idx %arg15[%add3A_897], %mul3A_894 {add = true} : memref<12288xf32, #tpu.memory_space<vmem>>[vector<16xi32>], vector<16xf32>,
        %get3A_898 = arith.index_cast %add3A_71 : i32 to index
        %get3A_899 = arith.constant 0 : index
        %get3A_900 = tpu.vector_load %arg10[%get3A_898, %get3A_899] {strides = array<i32>} : memref<32x768xf32, #tpu.memory_space<vmem>>, vector<16xf32>,
        %mul3A_901 = arith.mulf %get3A_900, %div3A_867 : vector<16xf32>
        %add3A_902 = arith.constant 0 : i32
        %add3A_903 = vector.broadcast %add3A_902 : i32 to vector<16xi32>
        %add3A_904 = arith.addi %add3A_890, %add3A_903 : vector<16xi32>
        tpu.vector_store_idx %arg15[%add3A_904], %mul3A_901 {add = true} : memref<12288xf32, #tpu.memory_space<vmem>>[vector<16xi32>], vector<16xf32>,
        %get3A_905 = arith.index_cast %mul3A_67 : i32 to index
        %get3A_906 = arith.constant 16 : index
        %get3A_907 = tpu.vector_load %arg10[%get3A_905, %get3A_906] {strides = array<i32>} : memref<32x768xf32, #tpu.memory_space<vmem>>, vector<16xf32>,
        %mul3A_908 = arith.mulf %get3A_907, %div3A_838 : vector<16xf32>
        %add3A_909 = arith.constant 16 : i32
        %add3A_910 = vector.broadcast %add3A_909 : i32 to vector<16xi32>
        %add3A_911 = arith.addi %add3A_857, %add3A_910 : vector<16xi32>
        tpu.vector_store_idx %arg15[%add3A_911], %mul3A_908 {add = true} : memref<12288xf32, #tpu.memory_space<vmem>>[vector<16xi32>], vector<16xf32>,
        %get3A_912 = arith.index_cast %add3A_71 : i32 to index
        %get3A_913 = arith.constant 16 : index
        %get3A_914 = tpu.vector_load %arg10[%get3A_912, %get3A_913] {strides = array<i32>} : memref<32x768xf32, #tpu.memory_space<vmem>>, vector<16xf32>,
        %mul3A_915 = arith.mulf %get3A_914, %div3A_867 : vector<16xf32>
        %add3A_916 = arith.constant 16 : i32
        %add3A_917 = vector.broadcast %add3A_916 : i32 to vector<16xi32>
        %add3A_918 = arith.addi %add3A_890, %add3A_917 : vector<16xi32>
        tpu.vector_store_idx %arg15[%add3A_918], %mul3A_915 {add = true} : memref<12288xf32, #tpu.memory_space<vmem>>[vector<16xi32>], vector<16xf32>,
        %get3A_919 = arith.index_cast %mul3A_67 : i32 to index
        %get3A_920 = arith.constant 32 : index
        %get3A_921 = tpu.vector_load %arg10[%get3A_919, %get3A_920] {strides = array<i32>} : memref<32x768xf32, #tpu.memory_space<vmem>>, vector<16xf32>,
        %mul3A_922 = arith.mulf %get3A_921, %div3A_838 : vector<16xf32>
        %add3A_923 = arith.constant 32 : i32
        %add3A_924 = vector.broadcast %add3A_923 : i32 to vector<16xi32>
        %add3A_925 = arith.addi %add3A_857, %add3A_924 : vector<16xi32>
        tpu.vector_store_idx %arg15[%add3A_925], %mul3A_922 {add = true} : memref<12288xf32, #tpu.memory_space<vmem>>[vector<16xi32>], vector<16xf32>,
        %get3A_926 = arith.index_cast %add3A_71 : i32 to index
        %get3A_927 = arith.constant 32 : index
        %get3A_928 = tpu.vector_load %arg10[%get3A_926, %get3A_927] {strides = array<i32>} : memref<32x768xf32, #tpu.memory_space<vmem>>, vector<16xf32>,
        %mul3A_929 = arith.mulf %get3A_928, %div3A_867 : vector<16xf32>
        %add3A_930 = arith.constant 32 : i32
        %add3A_931 = vector.broadcast %add3A_930 : i32 to vector<16xi32>
        %add3A_932 = arith.addi %add3A_890, %add3A_931 : vector<16xi32>
        tpu.vector_store_idx %arg15[%add3A_932], %mul3A_929 {add = true} : memref<12288xf32, #tpu.memory_space<vmem>>[vector<16xi32>], vector<16xf32>,
        %get3A_933 = arith.index_cast %mul3A_67 : i32 to index
        %get3A_934 = arith.constant 48 : index
        %get3A_935 = tpu.vector_load %arg10[%get3A_933, %get3A_934] {strides = array<i32>} : memref<32x768xf32, #tpu.memory_space<vmem>>, vector<16xf32>,
        %mul3A_936 = arith.mulf %get3A_935, %div3A_838 : vector<16xf32>
        %add3A_937 = arith.constant 48 : i32
        %add3A_938 = vector.broadcast %add3A_937 : i32 to vector<16xi32>
        %add3A_939 = arith.addi %add3A_857, %add3A_938 : vector<16xi32>
        tpu.vector_store_idx %arg15[%add3A_939], %mul3A_936 {add = true} : memref<12288xf32, #tpu.memory_space<vmem>>[vector<16xi32>], vector<16xf32>,
        %get3A_940 = arith.index_cast %add3A_71 : i32 to index
        %get3A_941 = arith.constant 48 : index
        %get3A_942 = tpu.vector_load %arg10[%get3A_940, %get3A_941] {strides = array<i32>} : memref<32x768xf32, #tpu.memory_space<vmem>>, vector<16xf32>,
        %mul3A_943 = arith.mulf %get3A_942, %div3A_867 : vector<16xf32>
        %add3A_944 = arith.constant 48 : i32
        %add3A_945 = vector.broadcast %add3A_944 : i32 to vector<16xi32>
        %add3A_946 = arith.addi %add3A_890, %add3A_945 : vector<16xi32>
        tpu.vector_store_idx %arg15[%add3A_946], %mul3A_943 {add = true} : memref<12288xf32, #tpu.memory_space<vmem>>[vector<16xi32>], vector<16xf32>,
        %get3A_947 = arith.index_cast %mul3A_67 : i32 to index
        %get3A_948 = arith.constant 64 : index
        %get3A_949 = tpu.vector_load %arg10[%get3A_947, %get3A_948] {strides = array<i32>} : memref<32x768xf32, #tpu.memory_space<vmem>>, vector<16xf32>,
        %mul3A_950 = arith.mulf %get3A_949, %div3A_838 : vector<16xf32>
        %add3A_951 = arith.constant 64 : i32
        %add3A_952 = vector.broadcast %add3A_951 : i32 to vector<16xi32>
        %add3A_953 = arith.addi %add3A_857, %add3A_952 : vector<16xi32>
        tpu.vector_store_idx %arg15[%add3A_953], %mul3A_950 {add = true} : memref<12288xf32, #tpu.memory_space<vmem>>[vector<16xi32>], vector<16xf32>,
        %get3A_954 = arith.index_cast %add3A_71 : i32 to index
        %get3A_955 = arith.constant 64 : index
        %get3A_956 = tpu.vector_load %arg10[%get3A_954, %get3A_955] {strides = array<i32>} : memref<32x768xf32, #tpu.memory_space<vmem>>, vector<16xf32>,
        %mul3A_957 = arith.mulf %get3A_956, %div3A_867 : vector<16xf32>
        %add3A_958 = arith.constant 64 : i32
        %add3A_959 = vector.broadcast %add3A_958 : i32 to vector<16xi32>
        %add3A_960 = arith.addi %add3A_890, %add3A_959 : vector<16xi32>
        tpu.vector_store_idx %arg15[%add3A_960], %mul3A_957 {add = true} : memref<12288xf32, #tpu.memory_space<vmem>>[vector<16xi32>], vector<16xf32>,
        %get3A_961 = arith.index_cast %mul3A_67 : i32 to index
        %get3A_962 = arith.constant 80 : index
        %get3A_963 = tpu.vector_load %arg10[%get3A_961, %get3A_962] {strides = array<i32>} : memref<32x768xf32, #tpu.memory_space<vmem>>, vector<16xf32>,
        %mul3A_964 = arith.mulf %get3A_963, %div3A_838 : vector<16xf32>
        %add3A_965 = arith.constant 80 : i32
        %add3A_966 = vector.broadcast %add3A_965 : i32 to vector<16xi32>
        %add3A_967 = arith.addi %add3A_857, %add3A_966 : vector<16xi32>
        tpu.vector_store_idx %arg15[%add3A_967], %mul3A_964 {add = true} : memref<12288xf32, #tpu.memory_space<vmem>>[vector<16xi32>], vector<16xf32>,
        %get3A_968 = arith.index_cast %add3A_71 : i32 to index
        %get3A_969 = arith.constant 80 : index
        %get3A_970 = tpu.vector_load %arg10[%get3A_968, %get3A_969] {strides = array<i32>} : memref<32x768xf32, #tpu.memory_space<vmem>>, vector<16xf32>,
        %mul3A_971 = arith.mulf %get3A_970, %div3A_867 : vector<16xf32>
        %add3A_972 = arith.constant 80 : i32
        %add3A_973 = vector.broadcast %add3A_972 : i32 to vector<16xi32>
        %add3A_974 = arith.addi %add3A_890, %add3A_973 : vector<16xi32>
        tpu.vector_store_idx %arg15[%add3A_974], %mul3A_971 {add = true} : memref<12288xf32, #tpu.memory_space<vmem>>[vector<16xi32>], vector<16xf32>,
        %get3A_975 = arith.index_cast %mul3A_67 : i32 to index
        %get3A_976 = arith.constant 96 : index
        %get3A_977 = tpu.vector_load %arg10[%get3A_975, %get3A_976] {strides = array<i32>} : memref<32x768xf32, #tpu.memory_space<vmem>>, vector<16xf32>,
        %mul3A_978 = arith.mulf %get3A_977, %div3A_838 : vector<16xf32>
        %add3A_979 = arith.constant 96 : i32
        %add3A_980 = vector.broadcast %add3A_979 : i32 to vector<16xi32>
        %add3A_981 = arith.addi %add3A_857, %add3A_980 : vector<16xi32>
        tpu.vector_store_idx %arg15[%add3A_981], %mul3A_978 {add = true} : memref<12288xf32, #tpu.memory_space<vmem>>[vector<16xi32>], vector<16xf32>,
        %get3A_982 = arith.index_cast %add3A_71 : i32 to index
        %get3A_983 = arith.constant 96 : index
        %get3A_984 = tpu.vector_load %arg10[%get3A_982, %get3A_983] {strides = array<i32>} : memref<32x768xf32, #tpu.memory_space<vmem>>, vector<16xf32>,
        %mul3A_985 = arith.mulf %get3A_984, %div3A_867 : vector<16xf32>
        %add3A_986 = arith.constant 96 : i32
        %add3A_987 = vector.broadcast %add3A_986 : i32 to vector<16xi32>
        %add3A_988 = arith.addi %add3A_890, %add3A_987 : vector<16xi32>
        tpu.vector_store_idx %arg15[%add3A_988], %mul3A_985 {add = true} : memref<12288xf32, #tpu.memory_space<vmem>>[vector<16xi32>], vector<16xf32>,
        %get3A_989 = arith.index_cast %mul3A_67 : i32 to index
        %get3A_990 = arith.constant 112 : index
        %get3A_991 = tpu.vector_load %arg10[%get3A_989, %get3A_990] {strides = array<i32>} : memref<32x768xf32, #tpu.memory_space<vmem>>, vector<16xf32>,
        %mul3A_992 = arith.mulf %get3A_991, %div3A_838 : vector<16xf32>
        %add3A_993 = arith.constant 112 : i32
        %add3A_994 = vector.broadcast %add3A_993 : i32 to vector<16xi32>
        %add3A_995 = arith.addi %add3A_857, %add3A_994 : vector<16xi32>
        tpu.vector_store_idx %arg15[%add3A_995], %mul3A_992 {add = true} : memref<12288xf32, #tpu.memory_space<vmem>>[vector<16xi32>], vector<16xf32>,
        %get3A_996 = arith.index_cast %add3A_71 : i32 to index
        %get3A_997 = arith.constant 112 : index
        %get3A_998 = tpu.vector_load %arg10[%get3A_996, %get3A_997] {strides = array<i32>} : memref<32x768xf32, #tpu.memory_space<vmem>>, vector<16xf32>,
        %mul3A_999 = arith.mulf %get3A_998, %div3A_867 : vector<16xf32>
        %add3A_1000 = arith.constant 112 : i32
        %add3A_1001 = vector.broadcast %add3A_1000 : i32 to vector<16xi32>
        %add3A_1002 = arith.addi %add3A_890, %add3A_1001 : vector<16xi32>
        tpu.vector_store_idx %arg15[%add3A_1002], %mul3A_999 {add = true} : memref<12288xf32, #tpu.memory_space<vmem>>[vector<16xi32>], vector<16xf32>,
        %get3A_1003 = arith.index_cast %mul3A_67 : i32 to index
        %get3A_1004 = arith.constant 128 : index
        %get3A_1005 = tpu.vector_load %arg10[%get3A_1003, %get3A_1004] {strides = array<i32>} : memref<32x768xf32, #tpu.memory_space<vmem>>, vector<16xf32>,
        %mul3A_1006 = arith.mulf %get3A_1005, %div3A_838 : vector<16xf32>
        %add3A_1007 = arith.constant 128 : i32
        %add3A_1008 = vector.broadcast %add3A_1007 : i32 to vector<16xi32>
        %add3A_1009 = arith.addi %add3A_857, %add3A_1008 : vector<16xi32>
        tpu.vector_store_idx %arg15[%add3A_1009], %mul3A_1006 {add = true} : memref<12288xf32, #tpu.memory_space<vmem>>[vector<16xi32>], vector<16xf32>,
        %get3A_1010 = arith.index_cast %add3A_71 : i32 to index
        %get3A_1011 = arith.constant 128 : index
        %get3A_1012 = tpu.vector_load %arg10[%get3A_1010, %get3A_1011] {strides = array<i32>} : memref<32x768xf32, #tpu.memory_space<vmem>>, vector<16xf32>,
        %mul3A_1013 = arith.mulf %get3A_1012, %div3A_867 : vector<16xf32>
        %add3A_1014 = arith.constant 128 : i32
        %add3A_1015 = vector.broadcast %add3A_1014 : i32 to vector<16xi32>
        %add3A_1016 = arith.addi %add3A_890, %add3A_1015 : vector<16xi32>
        tpu.vector_store_idx %arg15[%add3A_1016], %mul3A_1013 {add = true} : memref<12288xf32, #tpu.memory_space<vmem>>[vector<16xi32>], vector<16xf32>,
        %get3A_1017 = arith.index_cast %mul3A_67 : i32 to index
        %get3A_1018 = arith.constant 144 : index
        %get3A_1019 = tpu.vector_load %arg10[%get3A_1017, %get3A_1018] {strides = array<i32>} : memref<32x768xf32, #tpu.memory_space<vmem>>, vector<16xf32>,
        %mul3A_1020 = arith.mulf %get3A_1019, %div3A_838 : vector<16xf32>
        %add3A_1021 = arith.constant 144 : i32
        %add3A_1022 = vector.broadcast %add3A_1021 : i32 to vector<16xi32>
        %add3A_1023 = arith.addi %add3A_857, %add3A_1022 : vector<16xi32>
        tpu.vector_store_idx %arg15[%add3A_1023], %mul3A_1020 {add = true} : memref<12288xf32, #tpu.memory_space<vmem>>[vector<16xi32>], vector<16xf32>,
        %get3A_1024 = arith.index_cast %add3A_71 : i32 to index
        %get3A_1025 = arith.constant 144 : index
        %get3A_1026 = tpu.vector_load %arg10[%get3A_1024, %get3A_1025] {strides = array<i32>} : memref<32x768xf32, #tpu.memory_space<vmem>>, vector<16xf32>,
        %mul3A_1027 = arith.mulf %get3A_1026, %div3A_867 : vector<16xf32>
        %add3A_1028 = arith.constant 144 : i32
        %add3A_1029 = vector.broadcast %add3A_1028 : i32 to vector<16xi32>
        %add3A_1030 = arith.addi %add3A_890, %add3A_1029 : vector<16xi32>
        tpu.vector_store_idx %arg15[%add3A_1030], %mul3A_1027 {add = true} : memref<12288xf32, #tpu.memory_space<vmem>>[vector<16xi32>], vector<16xf32>,
        %get3A_1031 = arith.index_cast %mul3A_67 : i32 to index
        %get3A_1032 = arith.constant 160 : index
        %get3A_1033 = tpu.vector_load %arg10[%get3A_1031, %get3A_1032] {strides = array<i32>} : memref<32x768xf32, #tpu.memory_space<vmem>>, vector<16xf32>,
        %mul3A_1034 = arith.mulf %get3A_1033, %div3A_838 : vector<16xf32>
        %add3A_1035 = arith.constant 160 : i32
        %add3A_1036 = vector.broadcast %add3A_1035 : i32 to vector<16xi32>
        %add3A_1037 = arith.addi %add3A_857, %add3A_1036 : vector<16xi32>
        tpu.vector_store_idx %arg15[%add3A_1037], %mul3A_1034 {add = true} : memref<12288xf32, #tpu.memory_space<vmem>>[vector<16xi32>], vector<16xf32>,
        %get3A_1038 = arith.index_cast %add3A_71 : i32 to index
        %get3A_1039 = arith.constant 160 : index
        %get3A_1040 = tpu.vector_load %arg10[%get3A_1038, %get3A_1039] {strides = array<i32>} : memref<32x768xf32, #tpu.memory_space<vmem>>, vector<16xf32>,
        %mul3A_1041 = arith.mulf %get3A_1040, %div3A_867 : vector<16xf32>
        %add3A_1042 = arith.constant 160 : i32
        %add3A_1043 = vector.broadcast %add3A_1042 : i32 to vector<16xi32>
        %add3A_1044 = arith.addi %add3A_890, %add3A_1043 : vector<16xi32>
        tpu.vector_store_idx %arg15[%add3A_1044], %mul3A_1041 {add = true} : memref<12288xf32, #tpu.memory_space<vmem>>[vector<16xi32>], vector<16xf32>,
        %get3A_1045 = arith.index_cast %mul3A_67 : i32 to index
        %get3A_1046 = arith.constant 176 : index
        %get3A_1047 = tpu.vector_load %arg10[%get3A_1045, %get3A_1046] {strides = array<i32>} : memref<32x768xf32, #tpu.memory_space<vmem>>, vector<16xf32>,
        %mul3A_1048 = arith.mulf %get3A_1047, %div3A_838 : vector<16xf32>
        %add3A_1049 = arith.constant 176 : i32
        %add3A_1050 = vector.broadcast %add3A_1049 : i32 to vector<16xi32>
        %add3A_1051 = arith.addi %add3A_857, %add3A_1050 : vector<16xi32>
        tpu.vector_store_idx %arg15[%add3A_1051], %mul3A_1048 {add = true} : memref<12288xf32, #tpu.memory_space<vmem>>[vector<16xi32>], vector<16xf32>,
        %get3A_1052 = arith.index_cast %add3A_71 : i32 to index
        %get3A_1053 = arith.constant 176 : index
        %get3A_1054 = tpu.vector_load %arg10[%get3A_1052, %get3A_1053] {strides = array<i32>} : memref<32x768xf32, #tpu.memory_space<vmem>>, vector<16xf32>,
        %mul3A_1055 = arith.mulf %get3A_1054, %div3A_867 : vector<16xf32>
        %add3A_1056 = arith.constant 176 : i32
        %add3A_1057 = vector.broadcast %add3A_1056 : i32 to vector<16xi32>
        %add3A_1058 = arith.addi %add3A_890, %add3A_1057 : vector<16xi32>
        tpu.vector_store_idx %arg15[%add3A_1058], %mul3A_1055 {add = true} : memref<12288xf32, #tpu.memory_space<vmem>>[vector<16xi32>], vector<16xf32>,
        %get3A_1059 = arith.index_cast %mul3A_67 : i32 to index
        %get3A_1060 = arith.constant 192 : index
        %get3A_1061 = tpu.vector_load %arg10[%get3A_1059, %get3A_1060] {strides = array<i32>} : memref<32x768xf32, #tpu.memory_space<vmem>>, vector<16xf32>,
        %mul3A_1062 = arith.mulf %get3A_1061, %div3A_838 : vector<16xf32>
        %add3A_1063 = arith.constant 192 : i32
        %add3A_1064 = vector.broadcast %add3A_1063 : i32 to vector<16xi32>
        %add3A_1065 = arith.addi %add3A_857, %add3A_1064 : vector<16xi32>
        tpu.vector_store_idx %arg15[%add3A_1065], %mul3A_1062 {add = true} : memref<12288xf32, #tpu.memory_space<vmem>>[vector<16xi32>], vector<16xf32>,
        %get3A_1066 = arith.index_cast %add3A_71 : i32 to index
        %get3A_1067 = arith.constant 192 : index
        %get3A_1068 = tpu.vector_load %arg10[%get3A_1066, %get3A_1067] {strides = array<i32>} : memref<32x768xf32, #tpu.memory_space<vmem>>, vector<16xf32>,
        %mul3A_1069 = arith.mulf %get3A_1068, %div3A_867 : vector<16xf32>
        %add3A_1070 = arith.constant 192 : i32
        %add3A_1071 = vector.broadcast %add3A_1070 : i32 to vector<16xi32>
        %add3A_1072 = arith.addi %add3A_890, %add3A_1071 : vector<16xi32>
        tpu.vector_store_idx %arg15[%add3A_1072], %mul3A_1069 {add = true} : memref<12288xf32, #tpu.memory_space<vmem>>[vector<16xi32>], vector<16xf32>,
        %get3A_1073 = arith.index_cast %mul3A_67 : i32 to index
        %get3A_1074 = arith.constant 208 : index
        %get3A_1075 = tpu.vector_load %arg10[%get3A_1073, %get3A_1074] {strides = array<i32>} : memref<32x768xf32, #tpu.memory_space<vmem>>, vector<16xf32>,
        %mul3A_1076 = arith.mulf %get3A_1075, %div3A_838 : vector<16xf32>
        %add3A_1077 = arith.constant 208 : i32
        %add3A_1078 = vector.broadcast %add3A_1077 : i32 to vector<16xi32>
        %add3A_1079 = arith.addi %add3A_857, %add3A_1078 : vector<16xi32>
        tpu.vector_store_idx %arg15[%add3A_1079], %mul3A_1076 {add = true} : memref<12288xf32, #tpu.memory_space<vmem>>[vector<16xi32>], vector<16xf32>,
        %get3A_1080 = arith.index_cast %add3A_71 : i32 to index
        %get3A_1081 = arith.constant 208 : index
        %get3A_1082 = tpu.vector_load %arg10[%get3A_1080, %get3A_1081] {strides = array<i32>} : memref<32x768xf32, #tpu.memory_space<vmem>>, vector<16xf32>,
        %mul3A_1083 = arith.mulf %get3A_1082, %div3A_867 : vector<16xf32>
        %add3A_1084 = arith.constant 208 : i32
        %add3A_1085 = vector.broadcast %add3A_1084 : i32 to vector<16xi32>
        %add3A_1086 = arith.addi %add3A_890, %add3A_1085 : vector<16xi32>
        tpu.vector_store_idx %arg15[%add3A_1086], %mul3A_1083 {add = true} : memref<12288xf32, #tpu.memory_space<vmem>>[vector<16xi32>], vector<16xf32>,
        %get3A_1087 = arith.index_cast %mul3A_67 : i32 to index
        %get3A_1088 = arith.constant 224 : index
        %get3A_1089 = tpu.vector_load %arg10[%get3A_1087, %get3A_1088] {strides = array<i32>} : memref<32x768xf32, #tpu.memory_space<vmem>>, vector<16xf32>,
        %mul3A_1090 = arith.mulf %get3A_1089, %div3A_838 : vector<16xf32>
        %add3A_1091 = arith.constant 224 : i32
        %add3A_1092 = vector.broadcast %add3A_1091 : i32 to vector<16xi32>
        %add3A_1093 = arith.addi %add3A_857, %add3A_1092 : vector<16xi32>
        tpu.vector_store_idx %arg15[%add3A_1093], %mul3A_1090 {add = true} : memref<12288xf32, #tpu.memory_space<vmem>>[vector<16xi32>], vector<16xf32>,
        %get3A_1094 = arith.index_cast %add3A_71 : i32 to index
        %get3A_1095 = arith.constant 224 : index
        %get3A_1096 = tpu.vector_load %arg10[%get3A_1094, %get3A_1095] {strides = array<i32>} : memref<32x768xf32, #tpu.memory_space<vmem>>, vector<16xf32>,
        %mul3A_1097 = arith.mulf %get3A_1096, %div3A_867 : vector<16xf32>
        %add3A_1098 = arith.constant 224 : i32
        %add3A_1099 = vector.broadcast %add3A_1098 : i32 to vector<16xi32>
        %add3A_1100 = arith.addi %add3A_890, %add3A_1099 : vector<16xi32>
        tpu.vector_store_idx %arg15[%add3A_1100], %mul3A_1097 {add = true} : memref<12288xf32, #tpu.memory_space<vmem>>[vector<16xi32>], vector<16xf32>,
        %get3A_1101 = arith.index_cast %mul3A_67 : i32 to index
        %get3A_1102 = arith.constant 240 : index
        %get3A_1103 = tpu.vector_load %arg10[%get3A_1101, %get3A_1102] {strides = array<i32>} : memref<32x768xf32, #tpu.memory_space<vmem>>, vector<16xf32>,
        %mul3A_1104 = arith.mulf %get3A_1103, %div3A_838 : vector<16xf32>
        %add3A_1105 = arith.constant 240 : i32
        %add3A_1106 = vector.broadcast %add3A_1105 : i32 to vector<16xi32>
        %add3A_1107 = arith.addi %add3A_857, %add3A_1106 : vector<16xi32>
        tpu.vector_store_idx %arg15[%add3A_1107], %mul3A_1104 {add = true} : memref<12288xf32, #tpu.memory_space<vmem>>[vector<16xi32>], vector<16xf32>,
        %get3A_1108 = arith.index_cast %add3A_71 : i32 to index
        %get3A_1109 = arith.constant 240 : index
        %get3A_1110 = tpu.vector_load %arg10[%get3A_1108, %get3A_1109] {strides = array<i32>} : memref<32x768xf32, #tpu.memory_space<vmem>>, vector<16xf32>,
        %mul3A_1111 = arith.mulf %get3A_1110, %div3A_867 : vector<16xf32>
        %add3A_1112 = arith.constant 240 : i32
        %add3A_1113 = vector.broadcast %add3A_1112 : i32 to vector<16xi32>
        %add3A_1114 = arith.addi %add3A_890, %add3A_1113 : vector<16xi32>
        tpu.vector_store_idx %arg15[%add3A_1114], %mul3A_1111 {add = true} : memref<12288xf32, #tpu.memory_space<vmem>>[vector<16xi32>], vector<16xf32>,
        %get3A_1115 = arith.index_cast %mul3A_67 : i32 to index
        %get3A_1116 = arith.constant 256 : index
        %get3A_1117 = tpu.vector_load %arg10[%get3A_1115, %get3A_1116] {strides = array<i32>} : memref<32x768xf32, #tpu.memory_space<vmem>>, vector<16xf32>,
        %mul3A_1118 = arith.mulf %get3A_1117, %div3A_838 : vector<16xf32>
        %add3A_1119 = arith.constant 256 : i32
        %add3A_1120 = vector.broadcast %add3A_1119 : i32 to vector<16xi32>
        %add3A_1121 = arith.addi %add3A_857, %add3A_1120 : vector<16xi32>
        tpu.vector_store_idx %arg15[%add3A_1121], %mul3A_1118 {add = true} : memref<12288xf32, #tpu.memory_space<vmem>>[vector<16xi32>], vector<16xf32>,
        %get3A_1122 = arith.index_cast %add3A_71 : i32 to index
        %get3A_1123 = arith.constant 256 : index
        %get3A_1124 = tpu.vector_load %arg10[%get3A_1122, %get3A_1123] {strides = array<i32>} : memref<32x768xf32, #tpu.memory_space<vmem>>, vector<16xf32>,
        %mul3A_1125 = arith.mulf %get3A_1124, %div3A_867 : vector<16xf32>
        %add3A_1126 = arith.constant 256 : i32
        %add3A_1127 = vector.broadcast %add3A_1126 : i32 to vector<16xi32>
        %add3A_1128 = arith.addi %add3A_890, %add3A_1127 : vector<16xi32>
        tpu.vector_store_idx %arg15[%add3A_1128], %mul3A_1125 {add = true} : memref<12288xf32, #tpu.memory_space<vmem>>[vector<16xi32>], vector<16xf32>,
        %get3A_1129 = arith.index_cast %mul3A_67 : i32 to index
        %get3A_1130 = arith.constant 272 : index
        %get3A_1131 = tpu.vector_load %arg10[%get3A_1129, %get3A_1130] {strides = array<i32>} : memref<32x768xf32, #tpu.memory_space<vmem>>, vector<16xf32>,
        %mul3A_1132 = arith.mulf %get3A_1131, %div3A_838 : vector<16xf32>
        %add3A_1133 = arith.constant 272 : i32
        %add3A_1134 = vector.broadcast %add3A_1133 : i32 to vector<16xi32>
        %add3A_1135 = arith.addi %add3A_857, %add3A_1134 : vector<16xi32>
        tpu.vector_store_idx %arg15[%add3A_1135], %mul3A_1132 {add = true} : memref<12288xf32, #tpu.memory_space<vmem>>[vector<16xi32>], vector<16xf32>,
        %get3A_1136 = arith.index_cast %add3A_71 : i32 to index
        %get3A_1137 = arith.constant 272 : index
        %get3A_1138 = tpu.vector_load %arg10[%get3A_1136, %get3A_1137] {strides = array<i32>} : memref<32x768xf32, #tpu.memory_space<vmem>>, vector<16xf32>,
        %mul3A_1139 = arith.mulf %get3A_1138, %div3A_867 : vector<16xf32>
        %add3A_1140 = arith.constant 272 : i32
        %add3A_1141 = vector.broadcast %add3A_1140 : i32 to vector<16xi32>
        %add3A_1142 = arith.addi %add3A_890, %add3A_1141 : vector<16xi32>
        tpu.vector_store_idx %arg15[%add3A_1142], %mul3A_1139 {add = true} : memref<12288xf32, #tpu.memory_space<vmem>>[vector<16xi32>], vector<16xf32>,
        %get3A_1143 = arith.index_cast %mul3A_67 : i32 to index
        %get3A_1144 = arith.constant 288 : index
        %get3A_1145 = tpu.vector_load %arg10[%get3A_1143, %get3A_1144] {strides = array<i32>} : memref<32x768xf32, #tpu.memory_space<vmem>>, vector<16xf32>,
        %mul3A_1146 = arith.mulf %get3A_1145, %div3A_838 : vector<16xf32>
        %add3A_1147 = arith.constant 288 : i32
        %add3A_1148 = vector.broadcast %add3A_1147 : i32 to vector<16xi32>
        %add3A_1149 = arith.addi %add3A_857, %add3A_1148 : vector<16xi32>
        tpu.vector_store_idx %arg15[%add3A_1149], %mul3A_1146 {add = true} : memref<12288xf32, #tpu.memory_space<vmem>>[vector<16xi32>], vector<16xf32>,
        %get3A_1150 = arith.index_cast %add3A_71 : i32 to index
        %get3A_1151 = arith.constant 288 : index
        %get3A_1152 = tpu.vector_load %arg10[%get3A_1150, %get3A_1151] {strides = array<i32>} : memref<32x768xf32, #tpu.memory_space<vmem>>, vector<16xf32>,
        %mul3A_1153 = arith.mulf %get3A_1152, %div3A_867 : vector<16xf32>
        %add3A_1154 = arith.constant 288 : i32
        %add3A_1155 = vector.broadcast %add3A_1154 : i32 to vector<16xi32>
        %add3A_1156 = arith.addi %add3A_890, %add3A_1155 : vector<16xi32>
        tpu.vector_store_idx %arg15[%add3A_1156], %mul3A_1153 {add = true} : memref<12288xf32, #tpu.memory_space<vmem>>[vector<16xi32>], vector<16xf32>,
        %get3A_1157 = arith.index_cast %mul3A_67 : i32 to index
        %get3A_1158 = arith.constant 304 : index
        %get3A_1159 = tpu.vector_load %arg10[%get3A_1157, %get3A_1158] {strides = array<i32>} : memref<32x768xf32, #tpu.memory_space<vmem>>, vector<16xf32>,
        %mul3A_1160 = arith.mulf %get3A_1159, %div3A_838 : vector<16xf32>
        %add3A_1161 = arith.constant 304 : i32
        %add3A_1162 = vector.broadcast %add3A_1161 : i32 to vector<16xi32>
        %add3A_1163 = arith.addi %add3A_857, %add3A_1162 : vector<16xi32>
        tpu.vector_store_idx %arg15[%add3A_1163], %mul3A_1160 {add = true} : memref<12288xf32, #tpu.memory_space<vmem>>[vector<16xi32>], vector<16xf32>,
        %get3A_1164 = arith.index_cast %add3A_71 : i32 to index
        %get3A_1165 = arith.constant 304 : index
        %get3A_1166 = tpu.vector_load %arg10[%get3A_1164, %get3A_1165] {strides = array<i32>} : memref<32x768xf32, #tpu.memory_space<vmem>>, vector<16xf32>,
        %mul3A_1167 = arith.mulf %get3A_1166, %div3A_867 : vector<16xf32>
        %add3A_1168 = arith.constant 304 : i32
        %add3A_1169 = vector.broadcast %add3A_1168 : i32 to vector<16xi32>
        %add3A_1170 = arith.addi %add3A_890, %add3A_1169 : vector<16xi32>
        tpu.vector_store_idx %arg15[%add3A_1170], %mul3A_1167 {add = true} : memref<12288xf32, #tpu.memory_space<vmem>>[vector<16xi32>], vector<16xf32>,
        %get3A_1171 = arith.index_cast %mul3A_67 : i32 to index
        %get3A_1172 = arith.constant 320 : index
        %get3A_1173 = tpu.vector_load %arg10[%get3A_1171, %get3A_1172] {strides = array<i32>} : memref<32x768xf32, #tpu.memory_space<vmem>>, vector<16xf32>,
        %mul3A_1174 = arith.mulf %get3A_1173, %div3A_838 : vector<16xf32>
        %add3A_1175 = arith.constant 320 : i32
        %add3A_1176 = vector.broadcast %add3A_1175 : i32 to vector<16xi32>
        %add3A_1177 = arith.addi %add3A_857, %add3A_1176 : vector<16xi32>
        tpu.vector_store_idx %arg15[%add3A_1177], %mul3A_1174 {add = true} : memref<12288xf32, #tpu.memory_space<vmem>>[vector<16xi32>], vector<16xf32>,
        %get3A_1178 = arith.index_cast %add3A_71 : i32 to index
        %get3A_1179 = arith.constant 320 : index
        %get3A_1180 = tpu.vector_load %arg10[%get3A_1178, %get3A_1179] {strides = array<i32>} : memref<32x768xf32, #tpu.memory_space<vmem>>, vector<16xf32>,
        %mul3A_1181 = arith.mulf %get3A_1180, %div3A_867 : vector<16xf32>
        %add3A_1182 = arith.constant 320 : i32
        %add3A_1183 = vector.broadcast %add3A_1182 : i32 to vector<16xi32>
        %add3A_1184 = arith.addi %add3A_890, %add3A_1183 : vector<16xi32>
        tpu.vector_store_idx %arg15[%add3A_1184], %mul3A_1181 {add = true} : memref<12288xf32, #tpu.memory_space<vmem>>[vector<16xi32>], vector<16xf32>,
        %get3A_1185 = arith.index_cast %mul3A_67 : i32 to index
        %get3A_1186 = arith.constant 336 : index
        %get3A_1187 = tpu.vector_load %arg10[%get3A_1185, %get3A_1186] {strides = array<i32>} : memref<32x768xf32, #tpu.memory_space<vmem>>, vector<16xf32>,
        %mul3A_1188 = arith.mulf %get3A_1187, %div3A_838 : vector<16xf32>
        %add3A_1189 = arith.constant 336 : i32
        %add3A_1190 = vector.broadcast %add3A_1189 : i32 to vector<16xi32>
        %add3A_1191 = arith.addi %add3A_857, %add3A_1190 : vector<16xi32>
        tpu.vector_store_idx %arg15[%add3A_1191], %mul3A_1188 {add = true} : memref<12288xf32, #tpu.memory_space<vmem>>[vector<16xi32>], vector<16xf32>,
        %get3A_1192 = arith.index_cast %add3A_71 : i32 to index
        %get3A_1193 = arith.constant 336 : index
        %get3A_1194 = tpu.vector_load %arg10[%get3A_1192, %get3A_1193] {strides = array<i32>} : memref<32x768xf32, #tpu.memory_space<vmem>>, vector<16xf32>,
        %mul3A_1195 = arith.mulf %get3A_1194, %div3A_867 : vector<16xf32>
        %add3A_1196 = arith.constant 336 : i32
        %add3A_1197 = vector.broadcast %add3A_1196 : i32 to vector<16xi32>
        %add3A_1198 = arith.addi %add3A_890, %add3A_1197 : vector<16xi32>
        tpu.vector_store_idx %arg15[%add3A_1198], %mul3A_1195 {add = true} : memref<12288xf32, #tpu.memory_space<vmem>>[vector<16xi32>], vector<16xf32>,
        %get3A_1199 = arith.index_cast %mul3A_67 : i32 to index
        %get3A_1200 = arith.constant 352 : index
        %get3A_1201 = tpu.vector_load %arg10[%get3A_1199, %get3A_1200] {strides = array<i32>} : memref<32x768xf32, #tpu.memory_space<vmem>>, vector<16xf32>,
        %mul3A_1202 = arith.mulf %get3A_1201, %div3A_838 : vector<16xf32>
        %add3A_1203 = arith.constant 352 : i32
        %add3A_1204 = vector.broadcast %add3A_1203 : i32 to vector<16xi32>
        %add3A_1205 = arith.addi %add3A_857, %add3A_1204 : vector<16xi32>
        tpu.vector_store_idx %arg15[%add3A_1205], %mul3A_1202 {add = true} : memref<12288xf32, #tpu.memory_space<vmem>>[vector<16xi32>], vector<16xf32>,
        %get3A_1206 = arith.index_cast %add3A_71 : i32 to index
        %get3A_1207 = arith.constant 352 : index
        %get3A_1208 = tpu.vector_load %arg10[%get3A_1206, %get3A_1207] {strides = array<i32>} : memref<32x768xf32, #tpu.memory_space<vmem>>, vector<16xf32>,
        %mul3A_1209 = arith.mulf %get3A_1208, %div3A_867 : vector<16xf32>
        %add3A_1210 = arith.constant 352 : i32
        %add3A_1211 = vector.broadcast %add3A_1210 : i32 to vector<16xi32>
        %add3A_1212 = arith.addi %add3A_890, %add3A_1211 : vector<16xi32>
        tpu.vector_store_idx %arg15[%add3A_1212], %mul3A_1209 {add = true} : memref<12288xf32, #tpu.memory_space<vmem>>[vector<16xi32>], vector<16xf32>,
        %get3A_1213 = arith.index_cast %mul3A_67 : i32 to index
        %get3A_1214 = arith.constant 368 : index
        %get3A_1215 = tpu.vector_load %arg10[%get3A_1213, %get3A_1214] {strides = array<i32>} : memref<32x768xf32, #tpu.memory_space<vmem>>, vector<16xf32>,
        %mul3A_1216 = arith.mulf %get3A_1215, %div3A_838 : vector<16xf32>
        %add3A_1217 = arith.constant 368 : i32
        %add3A_1218 = vector.broadcast %add3A_1217 : i32 to vector<16xi32>
        %add3A_1219 = arith.addi %add3A_857, %add3A_1218 : vector<16xi32>
        tpu.vector_store_idx %arg15[%add3A_1219], %mul3A_1216 {add = true} : memref<12288xf32, #tpu.memory_space<vmem>>[vector<16xi32>], vector<16xf32>,
        %get3A_1220 = arith.index_cast %add3A_71 : i32 to index
        %get3A_1221 = arith.constant 368 : index
        %get3A_1222 = tpu.vector_load %arg10[%get3A_1220, %get3A_1221] {strides = array<i32>} : memref<32x768xf32, #tpu.memory_space<vmem>>, vector<16xf32>,
        %mul3A_1223 = arith.mulf %get3A_1222, %div3A_867 : vector<16xf32>
        %add3A_1224 = arith.constant 368 : i32
        %add3A_1225 = vector.broadcast %add3A_1224 : i32 to vector<16xi32>
        %add3A_1226 = arith.addi %add3A_890, %add3A_1225 : vector<16xi32>
        tpu.vector_store_idx %arg15[%add3A_1226], %mul3A_1223 {add = true} : memref<12288xf32, #tpu.memory_space<vmem>>[vector<16xi32>], vector<16xf32>,
        %get3A_1227 = arith.index_cast %mul3A_67 : i32 to index
        %get3A_1228 = arith.constant 384 : index
        %get3A_1229 = tpu.vector_load %arg10[%get3A_1227, %get3A_1228] {strides = array<i32>} : memref<32x768xf32, #tpu.memory_space<vmem>>, vector<16xf32>,
        %mul3A_1230 = arith.mulf %get3A_1229, %div3A_838 : vector<16xf32>
        %add3A_1231 = arith.constant 384 : i32
        %add3A_1232 = vector.broadcast %add3A_1231 : i32 to vector<16xi32>
        %add3A_1233 = arith.addi %add3A_857, %add3A_1232 : vector<16xi32>
        tpu.vector_store_idx %arg15[%add3A_1233], %mul3A_1230 {add = true} : memref<12288xf32, #tpu.memory_space<vmem>>[vector<16xi32>], vector<16xf32>,
        %get3A_1234 = arith.index_cast %add3A_71 : i32 to index
        %get3A_1235 = arith.constant 384 : index
        %get3A_1236 = tpu.vector_load %arg10[%get3A_1234, %get3A_1235] {strides = array<i32>} : memref<32x768xf32, #tpu.memory_space<vmem>>, vector<16xf32>,
        %mul3A_1237 = arith.mulf %get3A_1236, %div3A_867 : vector<16xf32>
        %add3A_1238 = arith.constant 384 : i32
        %add3A_1239 = vector.broadcast %add3A_1238 : i32 to vector<16xi32>
        %add3A_1240 = arith.addi %add3A_890, %add3A_1239 : vector<16xi32>
        tpu.vector_store_idx %arg15[%add3A_1240], %mul3A_1237 {add = true} : memref<12288xf32, #tpu.memory_space<vmem>>[vector<16xi32>], vector<16xf32>,
        %get3A_1241 = arith.index_cast %mul3A_67 : i32 to index
        %get3A_1242 = arith.constant 400 : index
        %get3A_1243 = tpu.vector_load %arg10[%get3A_1241, %get3A_1242] {strides = array<i32>} : memref<32x768xf32, #tpu.memory_space<vmem>>, vector<16xf32>,
        %mul3A_1244 = arith.mulf %get3A_1243, %div3A_838 : vector<16xf32>
        %add3A_1245 = arith.constant 400 : i32
        %add3A_1246 = vector.broadcast %add3A_1245 : i32 to vector<16xi32>
        %add3A_1247 = arith.addi %add3A_857, %add3A_1246 : vector<16xi32>
        tpu.vector_store_idx %arg15[%add3A_1247], %mul3A_1244 {add = true} : memref<12288xf32, #tpu.memory_space<vmem>>[vector<16xi32>], vector<16xf32>,
        %get3A_1248 = arith.index_cast %add3A_71 : i32 to index
        %get3A_1249 = arith.constant 400 : index
        %get3A_1250 = tpu.vector_load %arg10[%get3A_1248, %get3A_1249] {strides = array<i32>} : memref<32x768xf32, #tpu.memory_space<vmem>>, vector<16xf32>,
        %mul3A_1251 = arith.mulf %get3A_1250, %div3A_867 : vector<16xf32>
        %add3A_1252 = arith.constant 400 : i32
        %add3A_1253 = vector.broadcast %add3A_1252 : i32 to vector<16xi32>
        %add3A_1254 = arith.addi %add3A_890, %add3A_1253 : vector<16xi32>
        tpu.vector_store_idx %arg15[%add3A_1254], %mul3A_1251 {add = true} : memref<12288xf32, #tpu.memory_space<vmem>>[vector<16xi32>], vector<16xf32>,
        %get3A_1255 = arith.index_cast %mul3A_67 : i32 to index
        %get3A_1256 = arith.constant 416 : index
        %get3A_1257 = tpu.vector_load %arg10[%get3A_1255, %get3A_1256] {strides = array<i32>} : memref<32x768xf32, #tpu.memory_space<vmem>>, vector<16xf32>,
        %mul3A_1258 = arith.mulf %get3A_1257, %div3A_838 : vector<16xf32>
        %add3A_1259 = arith.constant 416 : i32
        %add3A_1260 = vector.broadcast %add3A_1259 : i32 to vector<16xi32>
        %add3A_1261 = arith.addi %add3A_857, %add3A_1260 : vector<16xi32>
        tpu.vector_store_idx %arg15[%add3A_1261], %mul3A_1258 {add = true} : memref<12288xf32, #tpu.memory_space<vmem>>[vector<16xi32>], vector<16xf32>,
        %get3A_1262 = arith.index_cast %add3A_71 : i32 to index
        %get3A_1263 = arith.constant 416 : index
        %get3A_1264 = tpu.vector_load %arg10[%get3A_1262, %get3A_1263] {strides = array<i32>} : memref<32x768xf32, #tpu.memory_space<vmem>>, vector<16xf32>,
        %mul3A_1265 = arith.mulf %get3A_1264, %div3A_867 : vector<16xf32>
        %add3A_1266 = arith.constant 416 : i32
        %add3A_1267 = vector.broadcast %add3A_1266 : i32 to vector<16xi32>
        %add3A_1268 = arith.addi %add3A_890, %add3A_1267 : vector<16xi32>
        tpu.vector_store_idx %arg15[%add3A_1268], %mul3A_1265 {add = true} : memref<12288xf32, #tpu.memory_space<vmem>>[vector<16xi32>], vector<16xf32>,
        %get3A_1269 = arith.index_cast %mul3A_67 : i32 to index
        %get3A_1270 = arith.constant 432 : index
        %get3A_1271 = tpu.vector_load %arg10[%get3A_1269, %get3A_1270] {strides = array<i32>} : memref<32x768xf32, #tpu.memory_space<vmem>>, vector<16xf32>,
        %mul3A_1272 = arith.mulf %get3A_1271, %div3A_838 : vector<16xf32>
        %add3A_1273 = arith.constant 432 : i32
        %add3A_1274 = vector.broadcast %add3A_1273 : i32 to vector<16xi32>
        %add3A_1275 = arith.addi %add3A_857, %add3A_1274 : vector<16xi32>
        tpu.vector_store_idx %arg15[%add3A_1275], %mul3A_1272 {add = true} : memref<12288xf32, #tpu.memory_space<vmem>>[vector<16xi32>], vector<16xf32>,
        %get3A_1276 = arith.index_cast %add3A_71 : i32 to index
        %get3A_1277 = arith.constant 432 : index
        %get3A_1278 = tpu.vector_load %arg10[%get3A_1276, %get3A_1277] {strides = array<i32>} : memref<32x768xf32, #tpu.memory_space<vmem>>, vector<16xf32>,
        %mul3A_1279 = arith.mulf %get3A_1278, %div3A_867 : vector<16xf32>
        %add3A_1280 = arith.constant 432 : i32
        %add3A_1281 = vector.broadcast %add3A_1280 : i32 to vector<16xi32>
        %add3A_1282 = arith.addi %add3A_890, %add3A_1281 : vector<16xi32>
        tpu.vector_store_idx %arg15[%add3A_1282], %mul3A_1279 {add = true} : memref<12288xf32, #tpu.memory_space<vmem>>[vector<16xi32>], vector<16xf32>,
        %get3A_1283 = arith.index_cast %mul3A_67 : i32 to index
        %get3A_1284 = arith.constant 448 : index
        %get3A_1285 = tpu.vector_load %arg10[%get3A_1283, %get3A_1284] {strides = array<i32>} : memref<32x768xf32, #tpu.memory_space<vmem>>, vector<16xf32>,
        %mul3A_1286 = arith.mulf %get3A_1285, %div3A_838 : vector<16xf32>
        %add3A_1287 = arith.constant 448 : i32
        %add3A_1288 = vector.broadcast %add3A_1287 : i32 to vector<16xi32>
        %add3A_1289 = arith.addi %add3A_857, %add3A_1288 : vector<16xi32>
        tpu.vector_store_idx %arg15[%add3A_1289], %mul3A_1286 {add = true} : memref<12288xf32, #tpu.memory_space<vmem>>[vector<16xi32>], vector<16xf32>,
        %get3A_1290 = arith.index_cast %add3A_71 : i32 to index
        %get3A_1291 = arith.constant 448 : index
        %get3A_1292 = tpu.vector_load %arg10[%get3A_1290, %get3A_1291] {strides = array<i32>} : memref<32x768xf32, #tpu.memory_space<vmem>>, vector<16xf32>,
        %mul3A_1293 = arith.mulf %get3A_1292, %div3A_867 : vector<16xf32>
        %add3A_1294 = arith.constant 448 : i32
        %add3A_1295 = vector.broadcast %add3A_1294 : i32 to vector<16xi32>
        %add3A_1296 = arith.addi %add3A_890, %add3A_1295 : vector<16xi32>
        tpu.vector_store_idx %arg15[%add3A_1296], %mul3A_1293 {add = true} : memref<12288xf32, #tpu.memory_space<vmem>>[vector<16xi32>], vector<16xf32>,
        %get3A_1297 = arith.index_cast %mul3A_67 : i32 to index
        %get3A_1298 = arith.constant 464 : index
        %get3A_1299 = tpu.vector_load %arg10[%get3A_1297, %get3A_1298] {strides = array<i32>} : memref<32x768xf32, #tpu.memory_space<vmem>>, vector<16xf32>,
        %mul3A_1300 = arith.mulf %get3A_1299, %div3A_838 : vector<16xf32>
        %add3A_1301 = arith.constant 464 : i32
        %add3A_1302 = vector.broadcast %add3A_1301 : i32 to vector<16xi32>
        %add3A_1303 = arith.addi %add3A_857, %add3A_1302 : vector<16xi32>
        tpu.vector_store_idx %arg15[%add3A_1303], %mul3A_1300 {add = true} : memref<12288xf32, #tpu.memory_space<vmem>>[vector<16xi32>], vector<16xf32>,
        %get3A_1304 = arith.index_cast %add3A_71 : i32 to index
        %get3A_1305 = arith.constant 464 : index
        %get3A_1306 = tpu.vector_load %arg10[%get3A_1304, %get3A_1305] {strides = array<i32>} : memref<32x768xf32, #tpu.memory_space<vmem>>, vector<16xf32>,
        %mul3A_1307 = arith.mulf %get3A_1306, %div3A_867 : vector<16xf32>
        %add3A_1308 = arith.constant 464 : i32
        %add3A_1309 = vector.broadcast %add3A_1308 : i32 to vector<16xi32>
        %add3A_1310 = arith.addi %add3A_890, %add3A_1309 : vector<16xi32>
        tpu.vector_store_idx %arg15[%add3A_1310], %mul3A_1307 {add = true} : memref<12288xf32, #tpu.memory_space<vmem>>[vector<16xi32>], vector<16xf32>,
        %get3A_1311 = arith.index_cast %mul3A_67 : i32 to index
        %get3A_1312 = arith.constant 480 : index
        %get3A_1313 = tpu.vector_load %arg10[%get3A_1311, %get3A_1312] {strides = array<i32>} : memref<32x768xf32, #tpu.memory_space<vmem>>, vector<16xf32>,
        %mul3A_1314 = arith.mulf %get3A_1313, %div3A_838 : vector<16xf32>
        %add3A_1315 = arith.constant 480 : i32
        %add3A_1316 = vector.broadcast %add3A_1315 : i32 to vector<16xi32>
        %add3A_1317 = arith.addi %add3A_857, %add3A_1316 : vector<16xi32>
        tpu.vector_store_idx %arg15[%add3A_1317], %mul3A_1314 {add = true} : memref<12288xf32, #tpu.memory_space<vmem>>[vector<16xi32>], vector<16xf32>,
        %get3A_1318 = arith.index_cast %add3A_71 : i32 to index
        %get3A_1319 = arith.constant 480 : index
        %get3A_1320 = tpu.vector_load %arg10[%get3A_1318, %get3A_1319] {strides = array<i32>} : memref<32x768xf32, #tpu.memory_space<vmem>>, vector<16xf32>,
        %mul3A_1321 = arith.mulf %get3A_1320, %div3A_867 : vector<16xf32>
        %add3A_1322 = arith.constant 480 : i32
        %add3A_1323 = vector.broadcast %add3A_1322 : i32 to vector<16xi32>
        %add3A_1324 = arith.addi %add3A_890, %add3A_1323 : vector<16xi32>
        tpu.vector_store_idx %arg15[%add3A_1324], %mul3A_1321 {add = true} : memref<12288xf32, #tpu.memory_space<vmem>>[vector<16xi32>], vector<16xf32>,
        %get3A_1325 = arith.index_cast %mul3A_67 : i32 to index
        %get3A_1326 = arith.constant 496 : index
        %get3A_1327 = tpu.vector_load %arg10[%get3A_1325, %get3A_1326] {strides = array<i32>} : memref<32x768xf32, #tpu.memory_space<vmem>>, vector<16xf32>,
        %mul3A_1328 = arith.mulf %get3A_1327, %div3A_838 : vector<16xf32>
        %add3A_1329 = arith.constant 496 : i32
        %add3A_1330 = vector.broadcast %add3A_1329 : i32 to vector<16xi32>
        %add3A_1331 = arith.addi %add3A_857, %add3A_1330 : vector<16xi32>
        tpu.vector_store_idx %arg15[%add3A_1331], %mul3A_1328 {add = true} : memref<12288xf32, #tpu.memory_space<vmem>>[vector<16xi32>], vector<16xf32>,
        %get3A_1332 = arith.index_cast %add3A_71 : i32 to index
        %get3A_1333 = arith.constant 496 : index
        %get3A_1334 = tpu.vector_load %arg10[%get3A_1332, %get3A_1333] {strides = array<i32>} : memref<32x768xf32, #tpu.memory_space<vmem>>, vector<16xf32>,
        %mul3A_1335 = arith.mulf %get3A_1334, %div3A_867 : vector<16xf32>
        %add3A_1336 = arith.constant 496 : i32
        %add3A_1337 = vector.broadcast %add3A_1336 : i32 to vector<16xi32>
        %add3A_1338 = arith.addi %add3A_890, %add3A_1337 : vector<16xi32>
        tpu.vector_store_idx %arg15[%add3A_1338], %mul3A_1335 {add = true} : memref<12288xf32, #tpu.memory_space<vmem>>[vector<16xi32>], vector<16xf32>,
        %get3A_1339 = arith.index_cast %mul3A_67 : i32 to index
        %get3A_1340 = arith.constant 512 : index
        %get3A_1341 = tpu.vector_load %arg10[%get3A_1339, %get3A_1340] {strides = array<i32>} : memref<32x768xf32, #tpu.memory_space<vmem>>, vector<16xf32>,
        %mul3A_1342 = arith.mulf %get3A_1341, %div3A_838 : vector<16xf32>
        %add3A_1343 = arith.constant 512 : i32
        %add3A_1344 = vector.broadcast %add3A_1343 : i32 to vector<16xi32>
        %add3A_1345 = arith.addi %add3A_857, %add3A_1344 : vector<16xi32>
        tpu.vector_store_idx %arg15[%add3A_1345], %mul3A_1342 {add = true} : memref<12288xf32, #tpu.memory_space<vmem>>[vector<16xi32>], vector<16xf32>,
        %get3A_1346 = arith.index_cast %add3A_71 : i32 to index
        %get3A_1347 = arith.constant 512 : index
        %get3A_1348 = tpu.vector_load %arg10[%get3A_1346, %get3A_1347] {strides = array<i32>} : memref<32x768xf32, #tpu.memory_space<vmem>>, vector<16xf32>,
        %mul3A_1349 = arith.mulf %get3A_1348, %div3A_867 : vector<16xf32>
        %add3A_1350 = arith.constant 512 : i32
        %add3A_1351 = vector.broadcast %add3A_1350 : i32 to vector<16xi32>
        %add3A_1352 = arith.addi %add3A_890, %add3A_1351 : vector<16xi32>
        tpu.vector_store_idx %arg15[%add3A_1352], %mul3A_1349 {add = true} : memref<12288xf32, #tpu.memory_space<vmem>>[vector<16xi32>], vector<16xf32>,
        %get3A_1353 = arith.index_cast %mul3A_67 : i32 to index
        %get3A_1354 = arith.constant 528 : index
        %get3A_1355 = tpu.vector_load %arg10[%get3A_1353, %get3A_1354] {strides = array<i32>} : memref<32x768xf32, #tpu.memory_space<vmem>>, vector<16xf32>,
        %mul3A_1356 = arith.mulf %get3A_1355, %div3A_838 : vector<16xf32>
        %add3A_1357 = arith.constant 528 : i32
        %add3A_1358 = vector.broadcast %add3A_1357 : i32 to vector<16xi32>
        %add3A_1359 = arith.addi %add3A_857, %add3A_1358 : vector<16xi32>
        tpu.vector_store_idx %arg15[%add3A_1359], %mul3A_1356 {add = true} : memref<12288xf32, #tpu.memory_space<vmem>>[vector<16xi32>], vector<16xf32>,
        %get3A_1360 = arith.index_cast %add3A_71 : i32 to index
        %get3A_1361 = arith.constant 528 : index
        %get3A_1362 = tpu.vector_load %arg10[%get3A_1360, %get3A_1361] {strides = array<i32>} : memref<32x768xf32, #tpu.memory_space<vmem>>, vector<16xf32>,
        %mul3A_1363 = arith.mulf %get3A_1362, %div3A_867 : vector<16xf32>
        %add3A_1364 = arith.constant 528 : i32
        %add3A_1365 = vector.broadcast %add3A_1364 : i32 to vector<16xi32>
        %add3A_1366 = arith.addi %add3A_890, %add3A_1365 : vector<16xi32>
        tpu.vector_store_idx %arg15[%add3A_1366], %mul3A_1363 {add = true} : memref<12288xf32, #tpu.memory_space<vmem>>[vector<16xi32>], vector<16xf32>,
        %get3A_1367 = arith.index_cast %mul3A_67 : i32 to index
        %get3A_1368 = arith.constant 544 : index
        %get3A_1369 = tpu.vector_load %arg10[%get3A_1367, %get3A_1368] {strides = array<i32>} : memref<32x768xf32, #tpu.memory_space<vmem>>, vector<16xf32>,
        %mul3A_1370 = arith.mulf %get3A_1369, %div3A_838 : vector<16xf32>
        %add3A_1371 = arith.constant 544 : i32
        %add3A_1372 = vector.broadcast %add3A_1371 : i32 to vector<16xi32>
        %add3A_1373 = arith.addi %add3A_857, %add3A_1372 : vector<16xi32>
        tpu.vector_store_idx %arg15[%add3A_1373], %mul3A_1370 {add = true} : memref<12288xf32, #tpu.memory_space<vmem>>[vector<16xi32>], vector<16xf32>,
        %get3A_1374 = arith.index_cast %add3A_71 : i32 to index
        %get3A_1375 = arith.constant 544 : index
        %get3A_1376 = tpu.vector_load %arg10[%get3A_1374, %get3A_1375] {strides = array<i32>} : memref<32x768xf32, #tpu.memory_space<vmem>>, vector<16xf32>,
        %mul3A_1377 = arith.mulf %get3A_1376, %div3A_867 : vector<16xf32>
        %add3A_1378 = arith.constant 544 : i32
        %add3A_1379 = vector.broadcast %add3A_1378 : i32 to vector<16xi32>
        %add3A_1380 = arith.addi %add3A_890, %add3A_1379 : vector<16xi32>
        tpu.vector_store_idx %arg15[%add3A_1380], %mul3A_1377 {add = true} : memref<12288xf32, #tpu.memory_space<vmem>>[vector<16xi32>], vector<16xf32>,
        %get3A_1381 = arith.index_cast %mul3A_67 : i32 to index
        %get3A_1382 = arith.constant 560 : index
        %get3A_1383 = tpu.vector_load %arg10[%get3A_1381, %get3A_1382] {strides = array<i32>} : memref<32x768xf32, #tpu.memory_space<vmem>>, vector<16xf32>,
        %mul3A_1384 = arith.mulf %get3A_1383, %div3A_838 : vector<16xf32>
        %add3A_1385 = arith.constant 560 : i32
        %add3A_1386 = vector.broadcast %add3A_1385 : i32 to vector<16xi32>
        %add3A_1387 = arith.addi %add3A_857, %add3A_1386 : vector<16xi32>
        tpu.vector_store_idx %arg15[%add3A_1387], %mul3A_1384 {add = true} : memref<12288xf32, #tpu.memory_space<vmem>>[vector<16xi32>], vector<16xf32>,
        %get3A_1388 = arith.index_cast %add3A_71 : i32 to index
        %get3A_1389 = arith.constant 560 : index
        %get3A_1390 = tpu.vector_load %arg10[%get3A_1388, %get3A_1389] {strides = array<i32>} : memref<32x768xf32, #tpu.memory_space<vmem>>, vector<16xf32>,
        %mul3A_1391 = arith.mulf %get3A_1390, %div3A_867 : vector<16xf32>
        %add3A_1392 = arith.constant 560 : i32
        %add3A_1393 = vector.broadcast %add3A_1392 : i32 to vector<16xi32>
        %add3A_1394 = arith.addi %add3A_890, %add3A_1393 : vector<16xi32>
        tpu.vector_store_idx %arg15[%add3A_1394], %mul3A_1391 {add = true} : memref<12288xf32, #tpu.memory_space<vmem>>[vector<16xi32>], vector<16xf32>,
        %get3A_1395 = arith.index_cast %mul3A_67 : i32 to index
        %get3A_1396 = arith.constant 576 : index
        %get3A_1397 = tpu.vector_load %arg10[%get3A_1395, %get3A_1396] {strides = array<i32>} : memref<32x768xf32, #tpu.memory_space<vmem>>, vector<16xf32>,
        %mul3A_1398 = arith.mulf %get3A_1397, %div3A_838 : vector<16xf32>
        %add3A_1399 = arith.constant 576 : i32
        %add3A_1400 = vector.broadcast %add3A_1399 : i32 to vector<16xi32>
        %add3A_1401 = arith.addi %add3A_857, %add3A_1400 : vector<16xi32>
        tpu.vector_store_idx %arg15[%add3A_1401], %mul3A_1398 {add = true} : memref<12288xf32, #tpu.memory_space<vmem>>[vector<16xi32>], vector<16xf32>,
        %get3A_1402 = arith.index_cast %add3A_71 : i32 to index
        %get3A_1403 = arith.constant 576 : index
        %get3A_1404 = tpu.vector_load %arg10[%get3A_1402, %get3A_1403] {strides = array<i32>} : memref<32x768xf32, #tpu.memory_space<vmem>>, vector<16xf32>,
        %mul3A_1405 = arith.mulf %get3A_1404, %div3A_867 : vector<16xf32>
        %add3A_1406 = arith.constant 576 : i32
        %add3A_1407 = vector.broadcast %add3A_1406 : i32 to vector<16xi32>
        %add3A_1408 = arith.addi %add3A_890, %add3A_1407 : vector<16xi32>
        tpu.vector_store_idx %arg15[%add3A_1408], %mul3A_1405 {add = true} : memref<12288xf32, #tpu.memory_space<vmem>>[vector<16xi32>], vector<16xf32>,
        %get3A_1409 = arith.index_cast %mul3A_67 : i32 to index
        %get3A_1410 = arith.constant 592 : index
        %get3A_1411 = tpu.vector_load %arg10[%get3A_1409, %get3A_1410] {strides = array<i32>} : memref<32x768xf32, #tpu.memory_space<vmem>>, vector<16xf32>,
        %mul3A_1412 = arith.mulf %get3A_1411, %div3A_838 : vector<16xf32>
        %add3A_1413 = arith.constant 592 : i32
        %add3A_1414 = vector.broadcast %add3A_1413 : i32 to vector<16xi32>
        %add3A_1415 = arith.addi %add3A_857, %add3A_1414 : vector<16xi32>
        tpu.vector_store_idx %arg15[%add3A_1415], %mul3A_1412 {add = true} : memref<12288xf32, #tpu.memory_space<vmem>>[vector<16xi32>], vector<16xf32>,
        %get3A_1416 = arith.index_cast %add3A_71 : i32 to index
        %get3A_1417 = arith.constant 592 : index
        %get3A_1418 = tpu.vector_load %arg10[%get3A_1416, %get3A_1417] {strides = array<i32>} : memref<32x768xf32, #tpu.memory_space<vmem>>, vector<16xf32>,
        %mul3A_1419 = arith.mulf %get3A_1418, %div3A_867 : vector<16xf32>
        %add3A_1420 = arith.constant 592 : i32
        %add3A_1421 = vector.broadcast %add3A_1420 : i32 to vector<16xi32>
        %add3A_1422 = arith.addi %add3A_890, %add3A_1421 : vector<16xi32>
        tpu.vector_store_idx %arg15[%add3A_1422], %mul3A_1419 {add = true} : memref<12288xf32, #tpu.memory_space<vmem>>[vector<16xi32>], vector<16xf32>,
        %get3A_1423 = arith.index_cast %mul3A_67 : i32 to index
        %get3A_1424 = arith.constant 608 : index
        %get3A_1425 = tpu.vector_load %arg10[%get3A_1423, %get3A_1424] {strides = array<i32>} : memref<32x768xf32, #tpu.memory_space<vmem>>, vector<16xf32>,
        %mul3A_1426 = arith.mulf %get3A_1425, %div3A_838 : vector<16xf32>
        %add3A_1427 = arith.constant 608 : i32
        %add3A_1428 = vector.broadcast %add3A_1427 : i32 to vector<16xi32>
        %add3A_1429 = arith.addi %add3A_857, %add3A_1428 : vector<16xi32>
        tpu.vector_store_idx %arg15[%add3A_1429], %mul3A_1426 {add = true} : memref<12288xf32, #tpu.memory_space<vmem>>[vector<16xi32>], vector<16xf32>,
        %get3A_1430 = arith.index_cast %add3A_71 : i32 to index
        %get3A_1431 = arith.constant 608 : index
        %get3A_1432 = tpu.vector_load %arg10[%get3A_1430, %get3A_1431] {strides = array<i32>} : memref<32x768xf32, #tpu.memory_space<vmem>>, vector<16xf32>,
        %mul3A_1433 = arith.mulf %get3A_1432, %div3A_867 : vector<16xf32>
        %add3A_1434 = arith.constant 608 : i32
        %add3A_1435 = vector.broadcast %add3A_1434 : i32 to vector<16xi32>
        %add3A_1436 = arith.addi %add3A_890, %add3A_1435 : vector<16xi32>
        tpu.vector_store_idx %arg15[%add3A_1436], %mul3A_1433 {add = true} : memref<12288xf32, #tpu.memory_space<vmem>>[vector<16xi32>], vector<16xf32>,
        %get3A_1437 = arith.index_cast %mul3A_67 : i32 to index
        %get3A_1438 = arith.constant 624 : index
        %get3A_1439 = tpu.vector_load %arg10[%get3A_1437, %get3A_1438] {strides = array<i32>} : memref<32x768xf32, #tpu.memory_space<vmem>>, vector<16xf32>,
        %mul3A_1440 = arith.mulf %get3A_1439, %div3A_838 : vector<16xf32>
        %add3A_1441 = arith.constant 624 : i32
        %add3A_1442 = vector.broadcast %add3A_1441 : i32 to vector<16xi32>
        %add3A_1443 = arith.addi %add3A_857, %add3A_1442 : vector<16xi32>
        tpu.vector_store_idx %arg15[%add3A_1443], %mul3A_1440 {add = true} : memref<12288xf32, #tpu.memory_space<vmem>>[vector<16xi32>], vector<16xf32>,
        %get3A_1444 = arith.index_cast %add3A_71 : i32 to index
        %get3A_1445 = arith.constant 624 : index
        %get3A_1446 = tpu.vector_load %arg10[%get3A_1444, %get3A_1445] {strides = array<i32>} : memref<32x768xf32, #tpu.memory_space<vmem>>, vector<16xf32>,
        %mul3A_1447 = arith.mulf %get3A_1446, %div3A_867 : vector<16xf32>
        %add3A_1448 = arith.constant 624 : i32
        %add3A_1449 = vector.broadcast %add3A_1448 : i32 to vector<16xi32>
        %add3A_1450 = arith.addi %add3A_890, %add3A_1449 : vector<16xi32>
        tpu.vector_store_idx %arg15[%add3A_1450], %mul3A_1447 {add = true} : memref<12288xf32, #tpu.memory_space<vmem>>[vector<16xi32>], vector<16xf32>,
        %get3A_1451 = arith.index_cast %mul3A_67 : i32 to index
        %get3A_1452 = arith.constant 640 : index
        %get3A_1453 = tpu.vector_load %arg10[%get3A_1451, %get3A_1452] {strides = array<i32>} : memref<32x768xf32, #tpu.memory_space<vmem>>, vector<16xf32>,
        %mul3A_1454 = arith.mulf %get3A_1453, %div3A_838 : vector<16xf32>
        %add3A_1455 = arith.constant 640 : i32
        %add3A_1456 = vector.broadcast %add3A_1455 : i32 to vector<16xi32>
        %add3A_1457 = arith.addi %add3A_857, %add3A_1456 : vector<16xi32>
        tpu.vector_store_idx %arg15[%add3A_1457], %mul3A_1454 {add = true} : memref<12288xf32, #tpu.memory_space<vmem>>[vector<16xi32>], vector<16xf32>,
        %get3A_1458 = arith.index_cast %add3A_71 : i32 to index
        %get3A_1459 = arith.constant 640 : index
        %get3A_1460 = tpu.vector_load %arg10[%get3A_1458, %get3A_1459] {strides = array<i32>} : memref<32x768xf32, #tpu.memory_space<vmem>>, vector<16xf32>,
        %mul3A_1461 = arith.mulf %get3A_1460, %div3A_867 : vector<16xf32>
        %add3A_1462 = arith.constant 640 : i32
        %add3A_1463 = vector.broadcast %add3A_1462 : i32 to vector<16xi32>
        %add3A_1464 = arith.addi %add3A_890, %add3A_1463 : vector<16xi32>
        tpu.vector_store_idx %arg15[%add3A_1464], %mul3A_1461 {add = true} : memref<12288xf32, #tpu.memory_space<vmem>>[vector<16xi32>], vector<16xf32>,
        %get3A_1465 = arith.index_cast %mul3A_67 : i32 to index
        %get3A_1466 = arith.constant 656 : index
        %get3A_1467 = tpu.vector_load %arg10[%get3A_1465, %get3A_1466] {strides = array<i32>} : memref<32x768xf32, #tpu.memory_space<vmem>>, vector<16xf32>,
        %mul3A_1468 = arith.mulf %get3A_1467, %div3A_838 : vector<16xf32>
        %add3A_1469 = arith.constant 656 : i32
        %add3A_1470 = vector.broadcast %add3A_1469 : i32 to vector<16xi32>
        %add3A_1471 = arith.addi %add3A_857, %add3A_1470 : vector<16xi32>
        tpu.vector_store_idx %arg15[%add3A_1471], %mul3A_1468 {add = true} : memref<12288xf32, #tpu.memory_space<vmem>>[vector<16xi32>], vector<16xf32>,
        %get3A_1472 = arith.index_cast %add3A_71 : i32 to index
        %get3A_1473 = arith.constant 656 : index
        %get3A_1474 = tpu.vector_load %arg10[%get3A_1472, %get3A_1473] {strides = array<i32>} : memref<32x768xf32, #tpu.memory_space<vmem>>, vector<16xf32>,
        %mul3A_1475 = arith.mulf %get3A_1474, %div3A_867 : vector<16xf32>
        %add3A_1476 = arith.constant 656 : i32
        %add3A_1477 = vector.broadcast %add3A_1476 : i32 to vector<16xi32>
        %add3A_1478 = arith.addi %add3A_890, %add3A_1477 : vector<16xi32>
        tpu.vector_store_idx %arg15[%add3A_1478], %mul3A_1475 {add = true} : memref<12288xf32, #tpu.memory_space<vmem>>[vector<16xi32>], vector<16xf32>,
        %get3A_1479 = arith.index_cast %mul3A_67 : i32 to index
        %get3A_1480 = arith.constant 672 : index
        %get3A_1481 = tpu.vector_load %arg10[%get3A_1479, %get3A_1480] {strides = array<i32>} : memref<32x768xf32, #tpu.memory_space<vmem>>, vector<16xf32>,
        %mul3A_1482 = arith.mulf %get3A_1481, %div3A_838 : vector<16xf32>
        %add3A_1483 = arith.constant 672 : i32
        %add3A_1484 = vector.broadcast %add3A_1483 : i32 to vector<16xi32>
        %add3A_1485 = arith.addi %add3A_857, %add3A_1484 : vector<16xi32>
        tpu.vector_store_idx %arg15[%add3A_1485], %mul3A_1482 {add = true} : memref<12288xf32, #tpu.memory_space<vmem>>[vector<16xi32>], vector<16xf32>,
        %get3A_1486 = arith.index_cast %add3A_71 : i32 to index
        %get3A_1487 = arith.constant 672 : index
        %get3A_1488 = tpu.vector_load %arg10[%get3A_1486, %get3A_1487] {strides = array<i32>} : memref<32x768xf32, #tpu.memory_space<vmem>>, vector<16xf32>,
        %mul3A_1489 = arith.mulf %get3A_1488, %div3A_867 : vector<16xf32>
        %add3A_1490 = arith.constant 672 : i32
        %add3A_1491 = vector.broadcast %add3A_1490 : i32 to vector<16xi32>
        %add3A_1492 = arith.addi %add3A_890, %add3A_1491 : vector<16xi32>
        tpu.vector_store_idx %arg15[%add3A_1492], %mul3A_1489 {add = true} : memref<12288xf32, #tpu.memory_space<vmem>>[vector<16xi32>], vector<16xf32>,
        %get3A_1493 = arith.index_cast %mul3A_67 : i32 to index
        %get3A_1494 = arith.constant 688 : index
        %get3A_1495 = tpu.vector_load %arg10[%get3A_1493, %get3A_1494] {strides = array<i32>} : memref<32x768xf32, #tpu.memory_space<vmem>>, vector<16xf32>,
        %mul3A_1496 = arith.mulf %get3A_1495, %div3A_838 : vector<16xf32>
        %add3A_1497 = arith.constant 688 : i32
        %add3A_1498 = vector.broadcast %add3A_1497 : i32 to vector<16xi32>
        %add3A_1499 = arith.addi %add3A_857, %add3A_1498 : vector<16xi32>
        tpu.vector_store_idx %arg15[%add3A_1499], %mul3A_1496 {add = true} : memref<12288xf32, #tpu.memory_space<vmem>>[vector<16xi32>], vector<16xf32>,
        %get3A_1500 = arith.index_cast %add3A_71 : i32 to index
        %get3A_1501 = arith.constant 688 : index
        %get3A_1502 = tpu.vector_load %arg10[%get3A_1500, %get3A_1501] {strides = array<i32>} : memref<32x768xf32, #tpu.memory_space<vmem>>, vector<16xf32>,
        %mul3A_1503 = arith.mulf %get3A_1502, %div3A_867 : vector<16xf32>
        %add3A_1504 = arith.constant 688 : i32
        %add3A_1505 = vector.broadcast %add3A_1504 : i32 to vector<16xi32>
        %add3A_1506 = arith.addi %add3A_890, %add3A_1505 : vector<16xi32>
        tpu.vector_store_idx %arg15[%add3A_1506], %mul3A_1503 {add = true} : memref<12288xf32, #tpu.memory_space<vmem>>[vector<16xi32>], vector<16xf32>,
        %get3A_1507 = arith.index_cast %mul3A_67 : i32 to index
        %get3A_1508 = arith.constant 704 : index
        %get3A_1509 = tpu.vector_load %arg10[%get3A_1507, %get3A_1508] {strides = array<i32>} : memref<32x768xf32, #tpu.memory_space<vmem>>, vector<16xf32>,
        %mul3A_1510 = arith.mulf %get3A_1509, %div3A_838 : vector<16xf32>
        %add3A_1511 = arith.constant 704 : i32
        %add3A_1512 = vector.broadcast %add3A_1511 : i32 to vector<16xi32>
        %add3A_1513 = arith.addi %add3A_857, %add3A_1512 : vector<16xi32>
        tpu.vector_store_idx %arg15[%add3A_1513], %mul3A_1510 {add = true} : memref<12288xf32, #tpu.memory_space<vmem>>[vector<16xi32>], vector<16xf32>,
        %get3A_1514 = arith.index_cast %add3A_71 : i32 to index
        %get3A_1515 = arith.constant 704 : index
        %get3A_1516 = tpu.vector_load %arg10[%get3A_1514, %get3A_1515] {strides = array<i32>} : memref<32x768xf32, #tpu.memory_space<vmem>>, vector<16xf32>,
        %mul3A_1517 = arith.mulf %get3A_1516, %div3A_867 : vector<16xf32>
        %add3A_1518 = arith.constant 704 : i32
        %add3A_1519 = vector.broadcast %add3A_1518 : i32 to vector<16xi32>
        %add3A_1520 = arith.addi %add3A_890, %add3A_1519 : vector<16xi32>
        tpu.vector_store_idx %arg15[%add3A_1520], %mul3A_1517 {add = true} : memref<12288xf32, #tpu.memory_space<vmem>>[vector<16xi32>], vector<16xf32>,
        %get3A_1521 = arith.index_cast %mul3A_67 : i32 to index
        %get3A_1522 = arith.constant 720 : index
        %get3A_1523 = tpu.vector_load %arg10[%get3A_1521, %get3A_1522] {strides = array<i32>} : memref<32x768xf32, #tpu.memory_space<vmem>>, vector<16xf32>,
        %mul3A_1524 = arith.mulf %get3A_1523, %div3A_838 : vector<16xf32>
        %add3A_1525 = arith.constant 720 : i32
        %add3A_1526 = vector.broadcast %add3A_1525 : i32 to vector<16xi32>
        %add3A_1527 = arith.addi %add3A_857, %add3A_1526 : vector<16xi32>
        tpu.vector_store_idx %arg15[%add3A_1527], %mul3A_1524 {add = true} : memref<12288xf32, #tpu.memory_space<vmem>>[vector<16xi32>], vector<16xf32>,
        %get3A_1528 = arith.index_cast %add3A_71 : i32 to index
        %get3A_1529 = arith.constant 720 : index
        %get3A_1530 = tpu.vector_load %arg10[%get3A_1528, %get3A_1529] {strides = array<i32>} : memref<32x768xf32, #tpu.memory_space<vmem>>, vector<16xf32>,
        %mul3A_1531 = arith.mulf %get3A_1530, %div3A_867 : vector<16xf32>
        %add3A_1532 = arith.constant 720 : i32
        %add3A_1533 = vector.broadcast %add3A_1532 : i32 to vector<16xi32>
        %add3A_1534 = arith.addi %add3A_890, %add3A_1533 : vector<16xi32>
        tpu.vector_store_idx %arg15[%add3A_1534], %mul3A_1531 {add = true} : memref<12288xf32, #tpu.memory_space<vmem>>[vector<16xi32>], vector<16xf32>,
        %get3A_1535 = arith.index_cast %mul3A_67 : i32 to index
        %get3A_1536 = arith.constant 736 : index
        %get3A_1537 = tpu.vector_load %arg10[%get3A_1535, %get3A_1536] {strides = array<i32>} : memref<32x768xf32, #tpu.memory_space<vmem>>, vector<16xf32>,
        %mul3A_1538 = arith.mulf %get3A_1537, %div3A_838 : vector<16xf32>
        %add3A_1539 = arith.constant 736 : i32
        %add3A_1540 = vector.broadcast %add3A_1539 : i32 to vector<16xi32>
        %add3A_1541 = arith.addi %add3A_857, %add3A_1540 : vector<16xi32>
        tpu.vector_store_idx %arg15[%add3A_1541], %mul3A_1538 {add = true} : memref<12288xf32, #tpu.memory_space<vmem>>[vector<16xi32>], vector<16xf32>,
        %get3A_1542 = arith.index_cast %add3A_71 : i32 to index
        %get3A_1543 = arith.constant 736 : index
        %get3A_1544 = tpu.vector_load %arg10[%get3A_1542, %get3A_1543] {strides = array<i32>} : memref<32x768xf32, #tpu.memory_space<vmem>>, vector<16xf32>,
        %mul3A_1545 = arith.mulf %get3A_1544, %div3A_867 : vector<16xf32>
        %add3A_1546 = arith.constant 736 : i32
        %add3A_1547 = vector.broadcast %add3A_1546 : i32 to vector<16xi32>
        %add3A_1548 = arith.addi %add3A_890, %add3A_1547 : vector<16xi32>
        tpu.vector_store_idx %arg15[%add3A_1548], %mul3A_1545 {add = true} : memref<12288xf32, #tpu.memory_space<vmem>>[vector<16xi32>], vector<16xf32>,
        %get3A_1549 = arith.index_cast %mul3A_67 : i32 to index
        %get3A_1550 = arith.constant 752 : index
        %get3A_1551 = tpu.vector_load %arg10[%get3A_1549, %get3A_1550] {strides = array<i32>} : memref<32x768xf32, #tpu.memory_space<vmem>>, vector<16xf32>,
        %mul3A_1552 = arith.mulf %get3A_1551, %div3A_838 : vector<16xf32>
        %add3A_1553 = arith.constant 752 : i32
        %add3A_1554 = vector.broadcast %add3A_1553 : i32 to vector<16xi32>
        %add3A_1555 = arith.addi %add3A_857, %add3A_1554 : vector<16xi32>
        tpu.vector_store_idx %arg15[%add3A_1555], %mul3A_1552 {add = true} : memref<12288xf32, #tpu.memory_space<vmem>>[vector<16xi32>], vector<16xf32>,
        %get3A_1556 = arith.index_cast %add3A_71 : i32 to index
        %get3A_1557 = arith.constant 752 : index
        %get3A_1558 = tpu.vector_load %arg10[%get3A_1556, %get3A_1557] {strides = array<i32>} : memref<32x768xf32, #tpu.memory_space<vmem>>, vector<16xf32>,
        %mul3A_1559 = arith.mulf %get3A_1558, %div3A_867 : vector<16xf32>
        %add3A_1560 = arith.constant 752 : i32
        %add3A_1561 = vector.broadcast %add3A_1560 : i32 to vector<16xi32>
        %add3A_1562 = arith.addi %add3A_890, %add3A_1561 : vector<16xi32>
        tpu.vector_store_idx %arg15[%add3A_1562], %mul3A_1559 {add = true} : memref<12288xf32, #tpu.memory_space<vmem>>[vector<16xi32>], vector<16xf32>,
        scf.yield %add3A_876 : vector<16xf32>
      }
      %scan3A_63 = arith.constant 16 : i32
      scf.yield %scan3A_62 : vector<16xf32>
    }
    %scan3A_19 = arith.constant 2 : i32
    %swap3A = arith.constant 0 : index
    %swap3A_20 = tpu.vector_load %arg16[%swap3A] {strides = array<i32>} : memref<16xf32, #tpu.memory_space<vmem>>, vector<16xf32>,
    tpu.vector_store %arg16[%swap3A], %scan3A_18 {strides = array<i32>} : memref<16xf32, #tpu.memory_space<vmem>>, vector<16xf32>,
    %sub3A = arith.constant 28672 : i32
    %sub3A_21 = arith.subi %add3A_4, %sub3A : i32
    "tpu.region"() ({
      %run_scoped3A = tpu.sem_alloc : memref<!tpu.dma_semaphore, #tpu.memory_space<semaphore_mem>>
      %dma_start3A_22 = tpu.memref_slice %arg6[%sub3A_21] : memref<4096xf32, #tpu.memory_space<hbm>> -> memref<128xf32, #tpu.memory_space<hbm>>
      %dma_start3A_23 = tpu.memref_slice %arg6[%sub3A_21] : memref<4096xf32, #tpu.memory_space<hbm>> -> memref<128xf32, #tpu.memory_space<hbm>>
      tpu.enqueue_dma source(%arg14 : memref<128xf32, #tpu.memory_space<vmem>>) target(%dma_start3A_23 : memref<128xf32, #tpu.memory_space<hbm>>) target_semaphore(%run_scoped3A : memref<!tpu.dma_semaphore, #tpu.memory_space<semaphore_mem>>)
      %dma_wait3A = tpu.memref_slice %arg6[%sub3A_21] : memref<4096xf32, #tpu.memory_space<hbm>> -> memref<128xf32, #tpu.memory_space<hbm>>
      %dma_wait3A_24 = tpu.memref_slice %arg6[%sub3A_21] : memref<4096xf32, #tpu.memory_space<hbm>> -> memref<128xf32, #tpu.memory_space<hbm>>
      tpu.wait_dma2 semaphore(%run_scoped3A : memref<!tpu.dma_semaphore, #tpu.memory_space<semaphore_mem>>) src(%arg14 : memref<128xf32, #tpu.memory_space<vmem>>) dst(%dma_wait3A_24 : memref<128xf32, #tpu.memory_space<hbm>>)
      tpu.yield
    }) : () -> ()
    "tpu.region"() ({
      %run_scoped3A = tpu.sem_alloc : memref<!tpu.dma_semaphore, #tpu.memory_space<semaphore_mem>>
      %dma_start3A_22 = arith.constant 0 : i32
      %dma_start3A_23 = tpu.memref_slice %arg7[%add3A, %dma_start3A_22] : memref<32x12288xf32, #tpu.memory_space<hbm>> -> memref<1x12288xf32, #tpu.memory_space<hbm>>
      %dma_start3A_24 = tpu.memref_squeeze %dma_start3A_23 : memref<1x12288xf32, #tpu.memory_space<hbm>> -> memref<12288xf32, #tpu.memory_space<hbm>>
      %dma_start3A_25 = arith.constant 0 : i32
      %dma_start3A_26 = tpu.memref_slice %arg7[%add3A, %dma_start3A_25] : memref<32x12288xf32, #tpu.memory_space<hbm>> -> memref<1x12288xf32, #tpu.memory_space<hbm>>
      %dma_start3A_27 = tpu.memref_squeeze %dma_start3A_26 : memref<1x12288xf32, #tpu.memory_space<hbm>> -> memref<12288xf32, #tpu.memory_space<hbm>>
      tpu.enqueue_dma source(%arg15 : memref<12288xf32, #tpu.memory_space<vmem>>) target(%dma_start3A_27 : memref<12288xf32, #tpu.memory_space<hbm>>) target_semaphore(%run_scoped3A : memref<!tpu.dma_semaphore, #tpu.memory_space<semaphore_mem>>)
      %dma_wait3A = arith.constant 0 : i32
      %dma_wait3A_28 = tpu.memref_slice %arg7[%add3A, %dma_wait3A] : memref<32x12288xf32, #tpu.memory_space<hbm>> -> memref<1x12288xf32, #tpu.memory_space<hbm>>
      %dma_wait3A_29 = tpu.memref_squeeze %dma_wait3A_28 : memref<1x12288xf32, #tpu.memory_space<hbm>> -> memref<12288xf32, #tpu.memory_space<hbm>>
      %dma_wait3A_30 = arith.constant 0 : i32
      %dma_wait3A_31 = tpu.memref_slice %arg7[%add3A, %dma_wait3A_30] : memref<32x12288xf32, #tpu.memory_space<hbm>> -> memref<1x12288xf32, #tpu.memory_space<hbm>>
      %dma_wait3A_32 = tpu.memref_squeeze %dma_wait3A_31 : memref<1x12288xf32, #tpu.memory_space<hbm>> -> memref<12288xf32, #tpu.memory_space<hbm>>
      tpu.wait_dma2 semaphore(%run_scoped3A : memref<!tpu.dma_semaphore, #tpu.memory_space<semaphore_mem>>) src(%arg15 : memref<12288xf32, #tpu.memory_space<vmem>>) dst(%dma_wait3A_32 : memref<12288xf32, #tpu.memory_space<hbm>>)
      tpu.yield
    }) : () -> ()
    "tpu.region"() ({
      %run_scoped3A = tpu.sem_alloc : memref<!tpu.dma_semaphore, #tpu.memory_space<semaphore_mem>>
      %dma_start3A_22 = arith.constant 0 : i32
      %dma_start3A_23 = tpu.memref_slice %arg8[%add3A, %dma_start3A_22] : memref<32x16xf32, #tpu.memory_space<hbm>> -> memref<1x16xf32, #tpu.memory_space<hbm>>
      %dma_start3A_24 = tpu.memref_squeeze %dma_start3A_23 : memref<1x16xf32, #tpu.memory_space<hbm>> -> memref<16xf32, #tpu.memory_space<hbm>>
      %dma_start3A_25 = arith.constant 0 : i32
      %dma_start3A_26 = tpu.memref_slice %arg8[%add3A, %dma_start3A_25] : memref<32x16xf32, #tpu.memory_space<hbm>> -> memref<1x16xf32, #tpu.memory_space<hbm>>
      %dma_start3A_27 = tpu.memref_squeeze %dma_start3A_26 : memref<1x16xf32, #tpu.memory_space<hbm>> -> memref<16xf32, #tpu.memory_space<hbm>>
      tpu.enqueue_dma source(%arg16 : memref<16xf32, #tpu.memory_space<vmem>>) target(%dma_start3A_27 : memref<16xf32, #tpu.memory_space<hbm>>) target_semaphore(%run_scoped3A : memref<!tpu.dma_semaphore, #tpu.memory_space<semaphore_mem>>)
      %dma_wait3A = arith.constant 0 : i32
      %dma_wait3A_28 = tpu.memref_slice %arg8[%add3A, %dma_wait3A] : memref<32x16xf32, #tpu.memory_space<hbm>> -> memref<1x16xf32, #tpu.memory_space<hbm>>
      %dma_wait3A_29 = tpu.memref_squeeze %dma_wait3A_28 : memref<1x16xf32, #tpu.memory_space<hbm>> -> memref<16xf32, #tpu.memory_space<hbm>>
      %dma_wait3A_30 = arith.constant 0 : i32
      %dma_wait3A_31 = tpu.memref_slice %arg8[%add3A, %dma_wait3A_30] : memref<32x16xf32, #tpu.memory_space<hbm>> -> memref<1x16xf32, #tpu.memory_space<hbm>>
      %dma_wait3A_32 = tpu.memref_squeeze %dma_wait3A_31 : memref<1x16xf32, #tpu.memory_space<hbm>> -> memref<16xf32, #tpu.memory_space<hbm>>
      tpu.wait_dma2 semaphore(%run_scoped3A : memref<!tpu.dma_semaphore, #tpu.memory_space<semaphore_mem>>) src(%arg16 : memref<16xf32, #tpu.memory_space<vmem>>) dst(%dma_wait3A_32 : memref<16xf32, #tpu.memory_space<hbm>>)
      tpu.yield
    }) : () -> ()
    return
  }
}

module attributes {stable_mosaic.version = 14 : i64} {
  func.func @_tc_body(%arg0: i32, %arg1: memref<4096x768xf32, #tpu.memory_space<vmem>>, %arg2: memref<4096x1xi32, #tpu.memory_space<vmem>>, %arg3: memref<768x1xf32, #tpu.memory_space<vmem>>, %arg4: memref<1x1xf32, #tpu.memory_space<vmem>>, %arg5: memref<16x768xf32, #tpu.memory_space<vmem>>, %arg6: memref<4096x1xf32, #tpu.memory_space<vmem>>, %arg7: memref<1x1xf32, #tpu.memory_space<vmem>>) attributes {dimension_semantics = [#tpu.dimension_semantics<arbitrary>], iteration_bounds = array<i64: 7>, scalar_prefetch = 0 : i64, scratch_operands = 0 : i64, tpu.core_type = #tpu.core_type<tc>, window_params = [{transform_indices = @transform_0, window_bounds = array<i64: 4096, 768>}, {transform_indices = @transform_1, window_bounds = array<i64: 4096, 1>}, {pipeline_mode = #tpu.pipeline_mode<synchronous>, transform_indices = @transform_2, window_bounds = array<i64: 768, 1>}, {pipeline_mode = #tpu.pipeline_mode<synchronous>, transform_indices = @transform_3, window_bounds = array<i64: 1, 1>}, {pipeline_mode = #tpu.pipeline_mode<synchronous>, transform_indices = @transform_4, window_bounds = array<i64: 16, 768>}, {transform_indices = @transform_5, window_bounds = array<i64: 4096, 1>}, {pipeline_mode = #tpu.pipeline_mode<synchronous>, transform_indices = @transform_6, window_bounds = array<i64: 1, 1>}]} {
    %get3A = arith.constant 0 : index
    %get3A_0 = arith.constant 0 : index
    %get3A_1 = vector.load %arg1[%get3A, %get3A_0] : memref<4096x768xf32, #tpu.memory_space<vmem>>, vector<4096x768xf32>
    %get3A_2 = arith.constant 0 : index
    %get3A_3 = arith.constant 0 : index
    %get3A_4 = vector.load %arg3[%get3A_2, %get3A_3] : memref<768x1xf32, #tpu.memory_space<vmem>>, vector<768x1xf32>
    %dot_general3A = arith.constant dense<0.000000e+00> : vector<4096x1xf32>
    %dot_general3A_5 = tpu.matmul %get3A_1, %get3A_4, %dot_general3A {dimension_numbers = #tpu.dot_dimension_numbers<[1], [0], [0], [1], [0, 0, 1, 1], [], []>, transpose_lhs_hint = false} : vector<4096x768xf32>, vector<768x1xf32>, vector<4096x1xf32> -> vector<4096x1xf32>
    %get3A_6 = arith.constant 0 : index
    %get3A_7 = arith.constant 0 : index
    %get3A_8 = vector.load %arg4[%get3A_6, %get3A_7] : memref<1x1xf32, #tpu.memory_space<vmem>>, vector<1x1xf32>
    %get3A_9 = vector.extract %get3A_8[0, 0] : f32 from vector<1x1xf32>
    %add3A = vector.broadcast %get3A_9 : f32 to vector<4096x1xf32>
    %add3A_10 = arith.addf %dot_general3A_5, %add3A : vector<4096x1xf32>
    %logistic3A = arith.negf %add3A_10 : vector<4096x1xf32>
    %logistic3A_11 = math.exp %logistic3A : vector<4096x1xf32>
    %logistic3A_12 = arith.constant 1.000000e+00 : f32
    %logistic3A_13 = vector.broadcast %logistic3A_12 : f32 to vector<4096x1xf32>
    %logistic3A_14 = arith.addf %logistic3A_13, %logistic3A_11 : vector<4096x1xf32>
    %logistic3A_15 = arith.divf %logistic3A_13, %logistic3A_14 : vector<4096x1xf32>
    %swap3A = arith.constant 0 : index
    %swap3A_16 = arith.constant 0 : index
    %swap3A_17 = vector.load %arg6[%swap3A, %swap3A_16] : memref<4096x1xf32, #tpu.memory_space<vmem>>, vector<4096x1xf32>
    tpu.vector_store %arg6[%swap3A, %swap3A_16], %logistic3A_15 {strides = array<i32>} : memref<4096x1xf32, #tpu.memory_space<vmem>>, vector<4096x1xf32>,
    %mul3A = vector.broadcast %logistic3A_15 : vector<4096x1xf32> to vector<4096x768xf32>
    %mul3A_18 = arith.mulf %get3A_1, %mul3A : vector<4096x768xf32>
    %get3A_19 = arith.constant 0 : index
    %get3A_20 = arith.constant 0 : index
    %get3A_21 = vector.load %arg2[%get3A_19, %get3A_20] : memref<4096x1xi32, #tpu.memory_space<vmem>>, vector<4096x1xi32>
    %iota3A = tpu.iota {dimensions = array<i32: 1>} : vector<4096x16xi32>
    %eq3A = vector.broadcast %get3A_21 : vector<4096x1xi32> to vector<4096x16xi32>
    %eq3A_22 = arith.cmpi eq, %eq3A, %iota3A : vector<4096x16xi32>
    %convert_element_type3A = arith.extui %eq3A_22 : vector<4096x16xi1> to vector<4096x16xi32>
    %convert_element_type3A_23 = arith.sitofp %convert_element_type3A : vector<4096x16xi32> to vector<4096x16xf32>
    %dot_general3A_24 = arith.constant dense<0.000000e+00> : vector<16x768xf32>
    %dot_general3A_25 = tpu.matmul %convert_element_type3A_23, %mul3A_18, %dot_general3A_24 {dimension_numbers = #tpu.dot_dimension_numbers<[0], [0], [1], [1], [0, 1, 1, 1], [], []>, transpose_lhs_hint = false} : vector<4096x16xf32>, vector<4096x768xf32>, vector<16x768xf32> -> vector<16x768xf32>
    %ge3A = arith.constant 0.000000e+00 : f32
    %ge3A_26 = vector.broadcast %ge3A : f32 to vector<4096x1xf32>
    %ge3A_27 = arith.cmpf oge, %add3A_10, %ge3A_26 : vector<4096x1xf32>
    %convert_element_type3A_28 = arith.extui %ge3A_27 : vector<4096x1xi1> to vector<4096x1xi32>
    %convert_element_type3A_29 = arith.sitofp %convert_element_type3A_28 : vector<4096x1xi32> to vector<4096x1xf32>
    %reduce_sum3A = vector.shape_cast %convert_element_type3A_29 : vector<4096x1xf32> to vector<1x4096x1xf32>
    %reduce_sum3A_30 = arith.constant dense<0.000000e+00> : vector<1xf32>
    %reduce_sum3A_31 = vector.multi_reduction <add>, %reduce_sum3A, %reduce_sum3A_30 [1, 2] : vector<1x4096x1xf32> to vector<1xf32>
    %reduce_sum3A_32 = vector.shape_cast %reduce_sum3A_31 : vector<1xf32> to vector<1x1x1xf32>
    %reduce_sum3A_33 = vector.extract %reduce_sum3A_32[0, 0, 0] : f32 from vector<1x1x1xf32>
    %reshape3A = vector.broadcast %reduce_sum3A_33 : f32 to vector<1x1xf32>
    %eq3A_34 = arith.constant 0 : i32
    %eq3A_35 = arith.cmpi eq, %arg0, %eq3A_34 : i32
    %convert_element_type3A_36 = arith.extui %eq3A_35 : i1 to i32
    %cond3A = arith.constant 0 : i32
    %cond3A_37 = arith.cmpi ne, %convert_element_type3A_36, %cond3A : i32
    scf.if %cond3A_37 {
      %broadcast_in_dim3A = arith.constant 0.000000e+00 : f32
      %broadcast_in_dim3A_52 = vector.broadcast %broadcast_in_dim3A : f32 to vector<16x768xf32>
      %swap3A_53 = arith.constant 0 : index
      %swap3A_54 = arith.constant 0 : index
      %swap3A_55 = vector.load %arg5[%swap3A_53, %swap3A_54] : memref<16x768xf32, #tpu.memory_space<vmem>>, vector<16x768xf32>
      tpu.vector_store %arg5[%swap3A_53, %swap3A_54], %broadcast_in_dim3A_52 {strides = array<i32>} : memref<16x768xf32, #tpu.memory_space<vmem>>, vector<16x768xf32>,
      %broadcast_in_dim3A_56 = arith.constant 0.000000e+00 : f32
      %broadcast_in_dim3A_57 = vector.broadcast %broadcast_in_dim3A_56 : f32 to vector<1x1xf32>
      %swap3A_58 = arith.constant 0 : index
      %swap3A_59 = arith.constant 0 : index
      %swap3A_60 = vector.load %arg7[%swap3A_58, %swap3A_59] : memref<1x1xf32, #tpu.memory_space<vmem>>, vector<1x1xf32>
      tpu.vector_store %arg7[%swap3A_58, %swap3A_59], %broadcast_in_dim3A_57 {strides = array<i32>} : memref<1x1xf32, #tpu.memory_space<vmem>>, vector<1x1xf32>,
    } else {
    }
    %get3A_38 = arith.constant 0 : index
    %get3A_39 = arith.constant 0 : index
    %get3A_40 = vector.load %arg5[%get3A_38, %get3A_39] : memref<16x768xf32, #tpu.memory_space<vmem>>, vector<16x768xf32>
    %add3A_41 = arith.addf %get3A_40, %dot_general3A_25 : vector<16x768xf32>
    %swap3A_42 = arith.constant 0 : index
    %swap3A_43 = arith.constant 0 : index
    %swap3A_44 = vector.load %arg5[%swap3A_42, %swap3A_43] : memref<16x768xf32, #tpu.memory_space<vmem>>, vector<16x768xf32>
    tpu.vector_store %arg5[%swap3A_42, %swap3A_43], %add3A_41 {strides = array<i32>} : memref<16x768xf32, #tpu.memory_space<vmem>>, vector<16x768xf32>,
    %get3A_45 = arith.constant 0 : index
    %get3A_46 = arith.constant 0 : index
    %get3A_47 = vector.load %arg7[%get3A_45, %get3A_46] : memref<1x1xf32, #tpu.memory_space<vmem>>, vector<1x1xf32>
    %add3A_48 = arith.addf %get3A_47, %reshape3A : vector<1x1xf32>
    %swap3A_49 = arith.constant 0 : index
    %swap3A_50 = arith.constant 0 : index
    %swap3A_51 = vector.load %arg7[%swap3A_49, %swap3A_50] : memref<1x1xf32, #tpu.memory_space<vmem>>, vector<1x1xf32>
    tpu.vector_store %arg7[%swap3A_49, %swap3A_50], %add3A_48 {strides = array<i32>} : memref<1x1xf32, #tpu.memory_space<vmem>>, vector<1x1xf32>,
    return
  }
  func.func @transform_0(%arg0: i32) -> (i32, i32) {
    %c0_i32 = arith.constant 0 : i32
    %c0_i32_0 = arith.constant 0 : i32
    return %arg0, %c0_i32 : i32, i32
  }
  func.func @transform_1(%arg0: i32) -> (i32, i32) {
    %c0_i32 = arith.constant 0 : i32
    %c0_i32_0 = arith.constant 0 : i32
    return %arg0, %c0_i32 : i32, i32
  }
  func.func @transform_2(%arg0: i32) -> (i32, i32) {
    %c0_i32 = arith.constant 0 : i32
    %c0_i32_0 = arith.constant 0 : i32
    %c0_i32_1 = arith.constant 0 : i32
    return %c0_i32, %c0_i32_0 : i32, i32
  }
  func.func @transform_3(%arg0: i32) -> (i32, i32) {
    %c0_i32 = arith.constant 0 : i32
    %c0_i32_0 = arith.constant 0 : i32
    %c0_i32_1 = arith.constant 0 : i32
    return %c0_i32, %c0_i32_0 : i32, i32
  }
  func.func @transform_4(%arg0: i32) -> (i32, i32) {
    %c0_i32 = arith.constant 0 : i32
    %c0_i32_0 = arith.constant 0 : i32
    %c0_i32_1 = arith.constant 0 : i32
    return %c0_i32, %c0_i32_0 : i32, i32
  }
  func.func @transform_5(%arg0: i32) -> (i32, i32) {
    %c0_i32 = arith.constant 0 : i32
    %c0_i32_0 = arith.constant 0 : i32
    return %arg0, %c0_i32 : i32, i32
  }
  func.func @transform_6(%arg0: i32) -> (i32, i32) {
    %c0_i32 = arith.constant 0 : i32
    %c0_i32_0 = arith.constant 0 : i32
    %c0_i32_1 = arith.constant 0 : i32
    return %c0_i32, %c0_i32_0 : i32, i32
  }
}

module attributes {stable_mosaic.version = 14 : i64} {
  func.func @_combine_body(%arg0: memref<32x16x768xf32, #tpu.memory_space<vmem>>, %arg1: memref<32x16xf32, #tpu.memory_space<vmem>>, %arg2: memref<16x768xf32, #tpu.memory_space<vmem>>, %arg3: memref<1x1xf32, #tpu.memory_space<vmem>>, %arg4: memref<16x768xf32, #tpu.memory_space<vmem>>, %arg5: memref<1x1xf32, #tpu.memory_space<vmem>>) attributes {dimension_semantics = [], scalar_prefetch = 0 : i64, scratch_operands = 0 : i64, tpu.core_type = #tpu.core_type<tc>} {
    %get3A = arith.constant 0 : index
    %get3A_0 = arith.constant 0 : index
    %get3A_1 = arith.constant 0 : index
    %get3A_2 = vector.load %arg0[%get3A, %get3A_0, %get3A_1] : memref<32x16x768xf32, #tpu.memory_space<vmem>>, vector<32x16x768xf32>
    %get3A_3 = arith.constant 0 : index
    %get3A_4 = arith.constant 0 : index
    %get3A_5 = vector.load %arg2[%get3A_3, %get3A_4] : memref<16x768xf32, #tpu.memory_space<vmem>>, vector<16x768xf32>
    %reduce_sum3A = arith.constant dense<0.000000e+00> : vector<16x768xf32>
    %reduce_sum3A_6 = vector.multi_reduction <add>, %get3A_2, %reduce_sum3A [0] : vector<32x16x768xf32> to vector<16x768xf32>
    %add3A = arith.addf %get3A_5, %reduce_sum3A_6 : vector<16x768xf32>
    %swap3A = arith.constant 0 : index
    %swap3A_7 = arith.constant 0 : index
    %swap3A_8 = vector.load %arg4[%swap3A, %swap3A_7] : memref<16x768xf32, #tpu.memory_space<vmem>>, vector<16x768xf32>
    tpu.vector_store %arg4[%swap3A, %swap3A_7], %add3A {strides = array<i32>} : memref<16x768xf32, #tpu.memory_space<vmem>>, vector<16x768xf32>,
    %get3A_9 = arith.constant 0 : index
    %get3A_10 = arith.constant 0 : index
    %get3A_11 = vector.load %arg1[%get3A_9, %get3A_10] : memref<32x16xf32, #tpu.memory_space<vmem>>, vector<32x16xf32>
    %reduce_sum3A_12 = vector.shape_cast %get3A_11 : vector<32x16xf32> to vector<1x32x16xf32>
    %reduce_sum3A_13 = arith.constant dense<0.000000e+00> : vector<1xf32>
    %reduce_sum3A_14 = vector.multi_reduction <add>, %reduce_sum3A_12, %reduce_sum3A_13 [1, 2] : vector<1x32x16xf32> to vector<1xf32>
    %reduce_sum3A_15 = vector.shape_cast %reduce_sum3A_14 : vector<1xf32> to vector<1x1x1xf32>
    %reduce_sum3A_16 = vector.extract %reduce_sum3A_15[0, 0, 0] : f32 from vector<1x1x1xf32>
    %get3A_17 = arith.constant 0 : index
    %get3A_18 = arith.constant 0 : index
    %get3A_19 = vector.load %arg3[%get3A_17, %get3A_18] : memref<1x1xf32, #tpu.memory_space<vmem>>, vector<1x1xf32>
    %get3A_20 = vector.extract %get3A_19[0, 0] : f32 from vector<1x1xf32>
    %add3A_21 = arith.addf %reduce_sum3A_16, %get3A_20 : f32
    %reshape3A = vector.broadcast %add3A_21 : f32 to vector<1x1xf32>
    %mul3A = arith.constant 3.05175781E-5 : f32
    %mul3A_22 = vector.broadcast %mul3A : f32 to vector<1x1xf32>
    %mul3A_23 = arith.mulf %reshape3A, %mul3A_22 : vector<1x1xf32>
    %swap3A_24 = arith.constant 0 : index
    %swap3A_25 = arith.constant 0 : index
    %swap3A_26 = vector.load %arg5[%swap3A_24, %swap3A_25] : memref<1x1xf32, #tpu.memory_space<vmem>>, vector<1x1xf32>
    tpu.vector_store %arg5[%swap3A_24, %swap3A_25], %mul3A_23 {strides = array<i32>} : memref<1x1xf32, #tpu.memory_space<vmem>>, vector<1x1xf32>,
    return
  }
}

</mosaic_0001>

<sc_bundles>
// kernel: kernel.5.cloned.1.call-start
scs
__scs_entry_jumppad:
0x0: {  	(pc) =	sbr.rel $0x88, $3  }
0x1: {  	(tag) =	ssettag $0x0;
	lr =	simm.s32 $0x1  }
0x2: {  	[smem:$0x3F9D] =	sst lr;
	_ =	strace $0xD0000000  }
0x3: {  	_ = 	snop  }
0x4: {  	_ = 	snop  }
0x5: {  	_ = 	snop  }
0x6: {  	_ = 	snop  }
0x7: {  	_ = 	snop  }
__scs_overlays_trampoline_lowered:
0x8: {  	[smem:$0x3FAC] =	sst s0  }
0x9: {  	[smem:$0x3FAD] =	sst s1  }
0xa: {  	[smem:$0x3FAE] =	sst s2  }
0xb: {  	[smem:$0x3FAF] =	sst s3  }
0xc: {  	[smem:$0x3FB0] =	sst s4  }
0xd: {  	[smem:$0x3FB1] =	sst s5  }
0xe: {  	[smem:$0x3FB2] =	sst s6  }
0xf: {  	[smem:$0x3FB3] =	sst s7  }
0x10: {  	[smem:$0x3FB4] =	sst s8  }
0x11: {  	[smem:$0x3FB5] =	sst s9;
	s0 =	simm.s32 @!p0 $0x0  }
0x12: {  	s1 =	sld [smem:$0x3F9B];
	s0 =	simm.s32 @p0 $0x1  }
0x13: {  	[smem:$0x3FB6] =	sst s0;
	s0 =	simm.s32 @!p1 $0x0  }
0x14: {  	s2 =	sld [smem:$0x3F9A];
	s0 =	simm.s32 @p1 $0x1  }
0x15: {  	[smem:$0x3FB7] =	sst s0;
	s0 =	simm.s32 @!p2 $0x0  }
0x16: {  	s3 =	sld [smem:$0x3FDB];
	s0 =	simm.s32 @p2 $0x1  }
0x17: {  	s4 =	simm.s32 $0x1BF5;
	[smem:$0x3FB9] =	sst s0  }
0x18: {  	s0 =	sld [smem:$0x3F9C];
	_ =	swait.ge [sflag:s4], $0x0  }
0x19: {  	s7 =	sld [smem:$0x3F9D]  }
0x1a: {  	s8 =	sadd.s32 $0xFFFFE003, lr  }
0x1b: {  	s9 =	sadd.s32 $0xFFFFFEF7, lr;
	s5 =	simm.s32 $0xFFFFFFFF;
	p2 =	slt.u32 s8, $0xFFFFF086  }
0x1c: {  	p1 =	slt.u32 s9, $0xF7A;
	s5 =	simm.s32 @!p2 $0x0  }
0x1d: {  	s5 =	simm.s32 @p1 $0x1;
	p0 =	seq.s32 s7, s2  }
0x1e: {  	s7 =	smul.u32 @!p0 $0xF7A, s2;
	p2 =	seq.s32 @!p0 s5, $0x0  }
0x1f: {  	s9 =	smul.u32 $0xF7A, s1;
	s8 =	simm.s32 @!p0 $0x1BF5;
	p2 =	por !p2, p0  }
0x20: {  	[sflag:s8] =	ssyncset.s32 @!p0 $0xFFFFF086;
	s6 =	sadd.s32 @!p0 s3, s7;
	s7 =	simm.s32 @!p0 $0x108  }
0x21: {  	s3 =	sadd.s32 s3, s9;
	s6 =	sadd.s32 @!p0 $0x88, s6;
	s7 =	simm.s32 @p2 $0x1082  }
0x22: {  	[simem:s7], [sflag:s8] =	dma.local @!p0 [hbm:s6], $0xF7A  }
0x23: {  	s9 =	sor.u32 $0xD0000000, s2;
	s6 =	simm.s32 $0x108;
	_ =	swait.ge @!p0 [sflag:s8], $0x0  }
0x24: {  	s3 =	sadd.s32 $0x88, s3;
	s6 =	simm.s32 @!p1 $0x1082;
	[sflag:s4] =	ssyncset.s32 $0xFFFFF086  }
0x25: {  	[simem:s6], [sflag:s4] =	dma.local [hbm:s3], $0xF7A  }
0x26: {  	[smem:$0x3F9D] =	sst s1;
	(tag) =	ssettag s2;
	_ =	strace s9  }
0x27: {  	s1 =	sld [smem:$0x3FAD]  }
0x28: {  	s2 =	sld [smem:$0x3FAE]  }
0x29: {  	s4 =	sld [smem:$0x3FB0]  }
0x2a: {  	p0 =	seq.s32 s5, $0x0;
	s5 =	sld [smem:$0x3FB1]  }
0x2b: {  	s6 =	sld [smem:$0x3FB2]  }
0x2c: {  	s7 =	sld [smem:$0x3FB3]  }
0x2d: {  	s3 =	simm.s32 $0x108;
	s8 =	sld [smem:$0x3FB4]  }
0x2e: {  	s3 =	simm.s32 @!p0 $0x1082;
	s9 =	sld [smem:$0x3FB5]  }
0x2f: {  	lr =	sadd.s32 s0, s3;
	s0 =	sld [smem:$0x3FAC]  }
0x30: {  	s3 =	sld [smem:$0x3FAF]  }
0x31: {  	[smem:$0x3FB8] =	sst s10  }
0x32: {  	s10 =	sld [smem:$0x3FB6];
	_ =	sdelay $0x3  }
0x33: {  	p0 =	seq.s32 s10, $0x1;
	s10 =	sld [smem:$0x3FB8];
	_ =	sdelay $0x3  }
0x34: {  	[smem:$0x3FB8] =	sst s10  }
0x35: {  	s10 =	sld [smem:$0x3FB7];
	_ =	sdelay $0x3  }
0x36: {  	p1 =	seq.s32 s10, $0x1;
	s10 =	sld [smem:$0x3FB8];
	_ =	sdelay $0x3  }
0x37: {  	[smem:$0x3FB8] =	sst s10  }
0x38: {  	s10 =	sld [smem:$0x3FB9]  }
0x39: {  	_ = 	snop;
	(pc) =	sbr.ind lr, $3  }
0x3a: {  	_ = 	snop  }
0x3b: {  	_ = 	snop  }
0x3c: {  	p2 =	seq.s32 s10, $0x1;
	s10 =	sld [smem:$0x3FB8]  }
0x3d: {  	_ =	shalt  }
0x3e: {  	_ =	shalt  }
0x3f: {  	_ =	shalt  }
0x40: {  	_ =	shalt  }
0x41: {  	_ =	shalt  }
0x42: {  	_ =	shalt  }
0x43: {  	_ =	shalt  }
0x44: {  	_ =	shalt  }
0x45: {  	_ =	shalt  }
0x46: {  	_ =	shalt  }
0x47: {  	_ =	shalt  }
0x48: {  	_ =	shalt  }
0x49: {  	_ =	shalt  }
0x4a: {  	_ =	shalt  }
0x4b: {  	_ =	shalt  }
0x4c: {  	_ =	shalt  }
0x4d: {  	_ =	shalt  }
0x4e: {  	_ =	shalt  }
0x4f: {  	_ =	shalt  }
0x50: {  	_ =	shalt  }
0x51: {  	_ =	shalt  }
0x52: {  	_ =	shalt  }
0x53: {  	_ =	shalt  }
0x54: {  	_ =	shalt  }
0x55: {  	_ =	shalt  }
0x56: {  	_ =	shalt  }
0x57: {  	_ =	shalt  }
0x58: {  	_ =	shalt  }
0x59: {  	_ =	shalt  }
0x5a: {  	_ =	shalt  }
0x5b: {  	_ =	shalt  }
0x5c: {  	_ =	shalt  }
0x5d: {  	_ =	shalt  }
0x5e: {  	_ =	shalt  }
0x5f: {  	_ =	shalt  }
0x60: {  	_ =	shalt  }
0x61: {  	_ =	shalt  }
0x62: {  	_ =	shalt  }
0x63: {  	_ =	shalt  }
0x64: {  	_ =	shalt  }
0x65: {  	_ =	shalt  }
0x66: {  	_ =	shalt  }
0x67: {  	_ =	shalt  }
0x68: {  	_ =	shalt  }
0x69: {  	_ =	shalt  }
0x6a: {  	_ =	shalt  }
0x6b: {  	_ =	shalt  }
0x6c: {  	_ =	shalt  }
0x6d: {  	_ =	shalt  }
0x6e: {  	_ =	shalt  }
0x6f: {  	_ =	shalt  }
0x70: {  	_ =	shalt  }
0x71: {  	_ =	shalt  }
0x72: {  	_ =	shalt  }
0x73: {  	_ =	shalt  }
0x74: {  	_ =	shalt  }
0x75: {  	_ =	shalt  }
0x76: {  	_ =	shalt  }
0x77: {  	_ =	shalt  }
0x78: {  	_ =	shalt  }
0x79: {  	_ =	shalt  }
0x7a: {  	_ =	shalt  }
0x7b: {  	_ =	shalt  }
0x7c: {  	_ =	shalt  }
0x7d: {  	_ =	shalt  }
0x7e: {  	_ =	shalt  }
0x7f: {  	_ =	shalt  }
0x80: {  	_ =	shalt  }
0x81: {  	_ =	shalt  }
0x82: {  	_ =	shalt  }
0x83: {  	_ =	shalt  }
0x84: {  	_ =	shalt  }
0x85: {  	_ =	shalt  }
0x86: {  	_ =	shalt  }
0x87: {  	_ =	shalt  }
.Lfunc_end0:
.L_simem_size_0:
called_computation_lowered:
.L_overlay_start_0:
0x88: {  	s2 =	sld [smem:$0x3FD9]  }
0x89: {  	s3 =	sld [smem:$0x3FFE];
	_ =	sdelay $0x1  }
0x8a: {  	s1 =	srdreg.scid  }
0x8b: {  	s0 =	sand.u32 $0x1, s1  }
0x8c: {  	s14 =	sshll.u32 s0, $0xA;
	s2 =	sadd.s32 s3, s2  }
0x8d: {  	s2 =	sadd.s32 s2, s14  }
0x8e: {  	[smem:$0x3FC4] =	sst s2  }
0x8f: {  	_ = 	snop  }
0x90: {  	s2 =	sld [smem:$0x3FD0];
	_ =	sdelay $0x1  }
0x91: {  	s15 =	sld [smem:$0x3FC9]  }
0x92: {  	s5 =	simm.s32 $0xA;
	s6 =	simm.s32 $0x10;
	s4 =	sld [smem:$0x3FC8]  }
0x93: {  	[smem:s6], [sflag:s5] =	dma.local [hbm:s2], $0x1  }
0x94: {  	_ =	swait.eq [sflag:s5], $0x1  }
0x95: {  	[sflag:s5] =	ssyncset.done $0x0  }
0x96: {  	s16 =	sld [smem:$0x10];
	[sflag:s5] =	ssyncadd.s32 $0xFFFFFFFF  }
0x97: {  	s17 =	sld [smem:$0x11];
	(tm) =	ssettm $0x1  }
0x98: {  	s18 =	sld [smem:$0x3FFB];
	_ =	sdelay $0x3  }
0x99: {  	_ =	strace s18  }
0x9a: {  	s6 =	sld [smem:$0x3FFC];
	_ =	sdelay $0x3  }
0x9b: {  	_ =	strace s6  }
0x9c: {  	s6 =	sld [smem:$0x3FFD];
	_ =	sdelay $0x3  }
0x9d: {  	_ =	strace s6  }
0x9e: {  	_ =	strace $0x8FFFFFFF  }
0x9f: {  	s19 =	sld [smem:$0x3FDB];
	_ =	sdelay $0x1  }
0xa0: {  	s7 =	simm.s32 $_scs_section_size  }
0xa1: {  	s8 =	simm.s32 $_size__tile_overlayer_lowered;
	s9 =	simm.s32 $_tile_overlayer_lowered  }
0xa2: {  	s22 =	simm.s32 $0x1BFF;
	s21 =	sshll.u32 s9, $0x1;
	s6 =	sadd.s32 s7, s19  }
0xa3: {  	s10 =	simm.s32 $0x0;
	s20 =	sshll.u32 s8, $0x1;
	s8 =	sadd.s32 s21, s6  }
0xa4: {  	[timem:s10], [sflag:s22] =	dma.local [hbm:s8], s20  }
0xa5: {  	_ =	swait.ge [sflag:s22], s20  }
0xa6: {  	s7 =	ssub.s32 $0x0, s20;
	[sflag:s22] =	ssyncset.done $0x0  }
0xa7: {  	[sflag:s22] =	ssyncadd.s32 s7;
	_ =	sdelay $0x1  }
0xa8: {  	s23 =	simm.s32 $0x1B8B  }
0xa9: {  	_ =	swait.ge [sflag:s23], $0x1  }
0xaa: {  	[sflag:s23] =	ssyncset.done $0x0  }
0xab: {  	s25 =	simm.s32 $0x1B8E;
	s24 =	sld [smem:$0x3FFE];
	[sflag:s23] =	ssyncadd.s32 $0xFFFFFFFF  }
0xac: {  	s26 =	simm.s32 $execute0_lowered;
	[smem:$0x3FD2] =	sst s25  }
0xad: {  	s8 =	sshll.u32 s26, $0x1;
	_ =	strace $0x80000046;
	[dreg:$0x1] =	wrdreg $0xFFFFFFFF  }
0xae: {  	s28 =	simm.s32 $_size_execute0_lowered;
	s6 =	sadd.s32 s6, s8;
	[dreg:$0x0] =	wrdreg $0x0  }
0xaf: {  	s8 =	sshll.u32 s28, $0x1;
	[dreg:$0x2] =	wrdreg s6  }
0xb0: {  	[dreg:$0x3] =	wrdreg s8  }
0xb1: {  	[dreg:$0x4] =	wrdreg $0xC0  }
0xb2: {  	_ =	task [dreg:s10], $0x5FFFF  }
0xb3: {  	[dreg:$0x1] =	wrdreg $0xFFFFFFFF  }
0xb4: {  	[dreg:$0x0] =	wrdreg $0x60  }
0xb5: {  	[dreg:$0x2] =	wrdreg s15  }
0xb6: {  	[dreg:$0x3] =	wrdreg s4  }
0xb7: {  	[dreg:$0x4] =	wrdreg s17  }
0xb8: {  	[dreg:$0x5] =	wrdreg s24  }
0xb9: {  	[dreg:$0x6] =	wrdreg s16  }
0xba: {  	[dreg:$0x7] =	wrdreg $0x9  }
0xbb: {  	_ =	task.clear_ibuf [dreg:s10], $0x8FFFF;
	_ =	strace $0x90000046  }
0xbc: {  	s29 =	simm.s32 $0x9;
	_ =	strace $0x80000048  }
0xbd: {  	_ =	swait.ge [sflag:s29], $0x1  }
0xbe: {  	[sflag:s29] =	ssyncadd.s32 $0xFFFFFFFF  }
0xbf: {  	_ =	strace $0x90000048  }
0xc0: {  	_ =	sfence  }
0xc1: {  	s30 =	sld [smem:$0x0];
	_ =	sdelay $0x2  }
0xc2: {  	s31 =	sshll.u32 s1, $0xD;
	s1 =	sshrl.u32 s1, $0x2  }
0xc3: {  	s3 =	sand.u32 $0x4000, s31;
	s1 =	sadd.s32 s1, s30  }
0xc4: {  	s0 =	sor.u32 s3, s0;
	s1 =	sshll.u32 s1, $0x11  }
0xc5: {  	s0 =	sor.u32 s1, s0  }
0xc6: {  	s0 =	sadd.s32 $0x8F2B, s0  }
0xc7: {  	[sflag:s0] =	ssyncadd.remote.s32 $0x1  }
0xc8: {  	_ =	sfence.sel $0xFFFF  }
0xc9: {  	[dreg:$0x0] =	wrdreg $0xFFFFFFFF;
	(pc) =	sbr.abs _section_cstart, $3  }
0xca: {  	[dreg:$0x1] =	wrdreg $0xFFFFFFFF  }
0xcb: {  	_ =	task.clear_ibuf [dreg:s10], $0x2FFFF;
	_ =	strace $0x9FFFFFFF  }
0xcc: {  	(tm) =	ssettm $0x7FFFFFFF  }
0xcd: {  	_ =	shalt  }
tec
execute0_lowered:
.L_overlay_start_1:
0x0: {  	(tag) =	ssettag $0x1  }
0x1: {  	s0 =	rddreg [dreg:$0x0]  }
0x2: {  	s3 =	srdreg.scid;
	s6 =	stileid.u32  }
0x3: {  	s1 =	rddreg [dreg:$0x1];
	s3 =	sand.u32 $0x1, s3;
	s4 =	sshll.u32 s6, $0x1  }
0x4: {  	s2 =	rddreg [dreg:$0x3];
	v59 =	vlaneseq.u32;
	s7 =	sor.u32 s3, s4;
	s4 =	simm.s32 $0x0  }
0x5: {  	v8 =	vor.u32 $0x10, v59;
	[smem:$0x7FF] =	sst s4  }
0x6: {  	s5 =	rddreg [dreg:$0x4];
	v9 =	vor.u32 $0x20, v59;
	_ =	strace $0x80000047;
	[tilespmem:$0x1FD10] =	vst v8  }
0x7: {  	v11 =	vor.u32 $0x30, v59;
	[tilespmem:$0x1FD20] =	vst v9  }
0x8: {  	v12 =	vor.u32 $0x40, v59;
	[tilespmem:$0x1FD30] =	vst v11  }
0x9: {  	v13 =	vor.u32 $0x50, v59;
	[tilespmem:$0x1FD40] =	vst v12  }
0xa: {  	v14 =	vor.u32 $0x60, v59;
	[tilespmem:$0x1FD50] =	vst v13  }
0xb: {  	v15 =	vor.u32 $0x70, v59;
	[tilespmem:$0x1FD60] =	vst v14  }
0xc: {  	v16 =	vor.u32 $0x80, v59;
	[tilespmem:$0x1FD70] =	vst v15  }
0xd: {  	v17 =	vor.u32 $0x90, v59;
	[tilespmem:$0x1FD80] =	vst v16  }
0xe: {  	v19 =	vor.u32 $0xA0, v59;
	[tilespmem:$0x1FD90] =	vst v17  }
0xf: {  	v20 =	vor.u32 $0xB0, v59;
	[tilespmem:$0x1FDA0] =	vst v19  }
0x10: {  	v21 =	vor.u32 $0xC0, v59;
	[tilespmem:$0x1FDB0] =	vst v20  }
0x11: {  	v22 =	vor.u32 $0xD0, v59;
	[tilespmem:$0x1FDC0] =	vst v21  }
0x12: {  	v23 =	vor.u32 $0xE0, v59;
	[tilespmem:$0x1FDD0] =	vst v22  }
0x13: {  	v24 =	vor.u32 $0xF0, v59;
	[tilespmem:$0x1FDE0] =	vst v23  }
0x14: {  	v25 =	vor.u32 $0x100, v59;
	[tilespmem:$0x1FDF0] =	vst v24  }
0x15: {  	v26 =	vor.u32 $0x110, v59;
	[tilespmem:$0x1FE00] =	vst v25  }
0x16: {  	v27 =	vor.u32 $0x120, v59;
	[tilespmem:$0x1FE10] =	vst v26  }
0x17: {  	v28 =	vor.u32 $0x130, v59;
	[tilespmem:$0x1FE20] =	vst v27  }
0x18: {  	v29 =	vor.u32 $0x140, v59;
	[tilespmem:$0x1FE30] =	vst v28  }
0x19: {  	v30 =	vor.u32 $0x150, v59;
	[tilespmem:$0x1FE40] =	vst v29  }
0x1a: {  	v31 =	vor.u32 $0x160, v59;
	[tilespmem:$0x1FE50] =	vst v30  }
0x1b: {  	v32 =	vor.u32 $0x170, v59;
	[tilespmem:$0x1FE60] =	vst v31  }
0x1c: {  	v33 =	vor.u32 $0x180, v59;
	[tilespmem:$0x1FE70] =	vst v32  }
0x1d: {  	v34 =	vor.u32 $0x190, v59;
	[tilespmem:$0x1FE80] =	vst v33  }
0x1e: {  	v35 =	vor.u32 $0x1A0, v59;
	[tilespmem:$0x1FE90] =	vst v34  }
0x1f: {  	v36 =	vor.u32 $0x1B0, v59;
	[tilespmem:$0x1FEA0] =	vst v35  }
0x20: {  	v37 =	vor.u32 $0x1C0, v59;
	[tilespmem:$0x1FEB0] =	vst v36  }
0x21: {  	v38 =	vor.u32 $0x1D0, v59;
	[tilespmem:$0x1FEC0] =	vst v37  }
0x22: {  	v39 =	vor.u32 $0x1E0, v59;
	[tilespmem:$0x1FED0] =	vst v38  }
0x23: {  	v40 =	vor.u32 $0x1F0, v59;
	[tilespmem:$0x1FEE0] =	vst v39  }
0x24: {  	v41 =	vor.u32 $0x200, v59;
	[tilespmem:$0x1FEF0] =	vst v40  }
0x25: {  	v0 =	vimm.s32 $0xFEDCBA98;
	v1 =	vimm.s32 $0x76543210;
	v42 =	vor.u32 $0x210, v59;
	[tilespmem:$0x1FF00] =	vst v41  }
0x26: {  	v2 =	vimm.s32 $0x3210FEDC;
	v3 =	vimm.s32 $0xBA987654;
	v43 =	vor.u32 $0x220, v59;
	[tilespmem:$0x1FF10] =	vst v42  }
0x27: {  	v4 =	vimm.s32 $0x10FEDCBA;
	v5 =	vimm.s32 $0x98765432;
	v44 =	vor.u32 $0x230, v59;
	[tilespmem:$0x1FF20] =	vst v43  }
0x28: {  	v6 =	vimm.s32 $0xFEDCBA9;
	v7 =	vimm.s32 $0x87654321;
	v45 =	vor.u32 $0x240, v59;
	[tilespmem:$0x1FF30] =	vst v44  }
0x29: {  	v0 =	vunpack.c.l.s4.s8 v0;
	v1 =	vunpack.c.l.s4.s8 v1;
	v46 =	vor.u32 $0x250, v59;
	[tilespmem:$0x1FF40] =	vst v45  }
0x2a: {  	v2 =	vunpack.c.l.s4.s8 v2;
	v3 =	vunpack.c.l.s4.s8 v3;
	v47 =	vor.u32 $0x260, v59;
	[tilespmem:$0x1FF50] =	vst v46  }
0x2b: {  	v4 =	vunpack.c.l.s4.s8 v4;
	v5 =	vunpack.c.l.s4.s8 v5;
	v48 =	vor.u32 $0x270, v59;
	[tilespmem:$0x1FF60] =	vst v47  }
0x2c: {  	s15 =	simm.s32 $0x3;
	s17 =	simm.s32 $0xC000;
	s18 =	simm.s32 $0x6000;
	v6 =	vunpack.c.l.s4.s8 v6;
	v7 =	vunpack.c.l.s4.s8 v7;
	v49 =	vor.u32 $0x280, v59;
	[tilespmem:$0x1FF70] =	vst v48  }
0x2d: {  	s19 =	simm.s32 $0x1;
	s20 =	simm.s32 $0xC400;
	s21 =	simm.s32 $0xC480;
	v50 =	vor.u32 $0x2A0, v59;
	v51 =	vor.u32 $0x2B0, v59;
	v52 =	vor.u32 $0x2C0, v59;
	[tilespmem:$0x1FF80] =	vst v49  }
0x2e: {  	s22 =	simm.s32 $0x2;
	s28 =	simm.s32 $0x0;
	s6 =	sshrl.u32 s6, $0x2;
	v53 =	vor.u32 $0x2D0, v59;
	v60 =	vor.u32 $0x2E0, v59;
	v0 =	vunpack.c.0.s8.s32 v0;
	[tilespmem:$0x1FFA0] =	vst v50  }
0x2f: {  	s11 =	sadd.s32 $0xE00, s2;
	s9 =	smul.u32 $0x18000, s6;
	s3 =	ssub.s32 $0x2, s3;
	v2 =	vunpack.c.0.s8.s32 v2;
	v3 =	vunpack.c.0.s8.s32 v3;
	v4 =	vunpack.c.0.s8.s32 v4;
	[tilespmem:$0x1FFB0] =	vst v51  }
0x30: {  	s26 =	sshll.u32 s6, $0xA;
	v5 =	vunpack.c.0.s8.s32 v5;
	v1 =	vunpack.c.0.s8.s32 v1;
	v6 =	vunpack.c.0.s8.s32 v6;
	s8 =	sshll.u32 s7, $0x7;
	s12 =	sshrl.u32 s3, $0x1;
	[tilespmem:$0x1FFC0] =	vst v52  }
0x31: {  	v7 =	vunpack.c.0.s8.s32 v7;
	s31 =	sshll.u32 s7, $0x4;
	s10 =	sand.u32 $0x380, s8;
	[dreg:$0x6] =	wrdreg s11;
	[tilespmem:$0x1FFD0] =	vst v53;
	v0 =	vand.u32 $0xF, v0;
	v2 =	vcombine.low v3, v2  }
0x32: {  	s6 =	sor.u32 $0x7000, s8;
	s3 =	ssub.s32 s3, s12;
	[tilespmem:$0x1FFE0] =	vst v60;
	v3 =	vcombine.low v5, v4;
	s9 =	sor.u32 s9, s10;
	v5 =	vor.u32 $0x290, v59;
	v18 =	vcombine.low v0, v1  }
0x33: {  	s10 =	sor.u32 s26, s10;
	s29 =	sshrl.u32 s6, $0x3;
	s26 =	simm.s32 $0x0;
	[tilespmem:$0x1FF90] =	vst v5  }
0x34: {  	v58 =	vcombine.low v7, v6;
	s9 =	sshrl.u32 s9, $0x3;
	s10 =	sshrl.u32 s10, $0x3;
	s13 =	smul.u32 $0x300, s29;
	v10 =	vand.u32 $0xF, v2;
	[tilespmem:$0x1FCD0] =	vst v18  }
0x35: {  	s1 =	sadd.s32 s1, s29;
	v6 =	vand.u32 $0xF, v3;
	s14 =	sadd.s32 s9, s2;
	s2 =	sadd.s32 s10, s2;
	[tilespmem:$0x1FCE0] =	vst v10  }
0x36: {  	v7 =	vand.u32 $0xF, v58;
	[dreg:$0x7] =	wrdreg s1;
	s9 =	sor.u32 $0x7040, s8;
	s1 =	sadd.s32 s5, s31;
	[tilespmem:$0x1FCF0] =	vst v6  }
0x37: {  	v58 =	vor.u32 $0x2F0, v59;
	s30 =	sadd.s32 s0, s13;
	[dreg:$0x9] =	wrdreg s1;
	s11 =	sadd.s32 $0x1000, s14;
	[tilespmem:$0x1FD00] =	vst v7  }
0x38: {  	v4 =	vimm.f32 $0.0e+00;
	s12 =	sadd.s32 $0xD000, s2;
	s13 =	smax.u32 s3, $0x1;
	[tilespmem:$0x1FFF0] =	vst v58;
	[dreg:$0x8] =	wrdreg s30  }
.LBB2_1:
0x39: {  	s1 =	rddreg [dreg:$0x2];
	s2 =	simm.s32 $0xC080  }
0x3a: {  	[tilespmem:s2], [sflag:$0x3] =	stream.linear.gather [hbm4b:s1+s4], $0x300, $0x38;
	[tilespmem:$0xF500] =	vst v63  }
0x3b: {  	_ =	swait.ge [sflag:s15], $0x300  }
0x3c: {  	[sflag:s15] =	ssyncset.done $0x0  }
0x3d: {  	s30 =	simm.s32 $0xC380;
	s29 =	rddreg [dreg:$0x6];
	[sflag:s15] =	ssyncadd.s32 $0xFFFFFD00  }
0x3e: {  	[tilespmem:s30], [sflag:$0x3] =	stream.linear.gather [hbm4b:s29+s4], $0x80, $0x38;
	[tilespmem:$0xF500] =	vst v63  }
0x3f: {  	_ =	swait.ge [sflag:s15], $0x80  }
0x40: {  	[sflag:s15] =	ssyncset.done $0x0  }
0x41: {  	s31 =	rddreg [dreg:$0x7];
	[sflag:s15] =	ssyncadd.s32 $0xFFFFFF80  }
0x42: {  	[tilespmem:s17], [sflag:$0x3] =	stream.linear.gather [hbm4b:s31+s4], $0x80, $0x38;
	[tilespmem:$0xF500] =	vst v63  }
0x43: {  	_ =	swait.ge [sflag:s15], $0x80  }
0x44: {  	[sflag:s15] =	ssyncset.done $0x0  }
0x45: {  	s1 =	simm.s32 $0x40;
	s2 =	simm.s32 $0x0;
	[sflag:s15] =	ssyncadd.s32 $0xFFFFFF80  }
.LBB2_2:
0x46: {  	p0 =	sne.s32 s1, $0xBFC0;
	[tilespmem:s2+$0xC480] =	vst v4;
	s2 =	smov.u32 s1;
	s1 =	sadd.s32 $0x40, s1  }
.Ltmp0:
0x47: {  	(pc) =	sbr.rel @p0 .LBB2_2-.Ltmp0, $2  }
0x48: {  	_ =	sdelay $0x2  }
0x49: {  	s2 =	sshra.s32 s2, $0x2  }
0x4a: {  	s1 =	rddreg [dreg:$0x8]  }
0x4b: {  	[tilespmem:s2+$0xC480] =	vst v4;
	p2 =	por $0x1, $0x1;
	p1 =	por $0x0, $0x0;
	s29 =	simm.s32 $0x0  }
0x4c: {  	v2 =	vimm.f32 $0.0e+00;
	[tilespmem:s28], [sflag:$0x1] =	stream.linear.gather [hbm4b:s1+s28], $0x6000, $0x38;
	[tilespmem:$0xF500] =	vst v63  }
.LBB2_4:
0x4d: {  	s1 =	sor.u32 s6, s29  }
0x4e: {  	s1 =	sor.u32 $0x20, s1  }
0x4f: {  	s1 =	sshrl.u32 s1, $0x3  }
0x50: {  	s1 =	smul.u32 $0x300, s1;
	_ =	sdelay $0x1  }
0x51: {  	s1 =	sadd.s32 s0, s1  }
0x52: {  	[tilespmem:s18], [sflag:$0x2] =	stream.linear.gather [hbm4b:s1+s28], $0x6000, $0x38;
	[tilespmem:$0xF500] =	vst v63  }
0x53: {  	_ =	swait.ge [sflag:s19], $0x6000  }
0x54: {  	p0 =	por p2, p2;
	s30 =	sadd.s32 $0x1, s29;
	[sflag:s19] =	ssyncset.done $0x0  }
0x55: {  	s31 =	simm.s32 $0x0;
	s3 =	simm.s32 $0x0;
	[sflag:s19] =	ssyncadd.s32 $0xFFFFA000  }
.LBB2_5:
0x56: {  	s1 =	sshrl.u32 s3, $0x2  }
0x57: {  	s1 =	smul.u32 $0x6000, s1;
	_ =	sdelay $0x1  }
0x58: {  	s2 =	sand.u32 $0x300, s31;
	s10 =	sshra.s32 s1, $0x2  }
0x59: {  	s7 =	sor.u32 s2, s10  }
0x5a: {  	v0 =	vld [tilespmem:s7+$0x470];
	_ =	sdelay $0x2  }
0x5b: {  	s24 =	sor.u32 $0x80, s2;
	s1 =	sadd.s32 $0x800, s10  }
0x5c: {  	s25 =	sor.u32 s24, s1  }
0x5d: {  	[tilespmem:$0x1FB70] =	vst v0;
	v0 =	vld [tilespmem:s25+$0x10];
	_ =	sdelay $0x3  }
0x5e: {  	s5 =	sor.u32 s2, s1  }
0x5f: {  	[tilespmem:$0x1FB80] =	vst v0;
	v0 =	vld [tilespmem:s5+$0x20];
	_ =	sdelay $0x4  }
0x60: {  	[tilespmem:$0x1FB90] =	vst v0;
	v0 =	vld [tilespmem:s25+$0x20];
	_ =	sdelay $0x4  }
0x61: {  	[tilespmem:$0x1FBA0] =	vst v0;
	v0 =	vld [tilespmem:s5+$0x30];
	_ =	sdelay $0x3  }
0x62: {  	v1 =	vld [tilespmem:$0xC080]  }
0x63: {  	[tilespmem:$0x1FBB0] =	vst v0;
	v0 =	vld [tilespmem:s25+$0x30]  }
0x64: {  	v18 =	vld [tilespmem:$0xC090]  }
0x65: {  	v26 =	vld [tilespmem:$0xC0A0]  }
0x66: {  	v33 =	vld [tilespmem:$0xC0B0]  }
0x67: {  	v42 =	vld [tilespmem:$0xC0C0]  }
0x68: {  	[tilespmem:$0x1FBC0] =	vst v0;
	v0 =	vld [tilespmem:s5+$0x40]  }
0x69: {  	v45 =	vld [tilespmem:$0xC0D0]  }
0x6a: {  	v48 =	vld [tilespmem:$0xC0E0]  }
0x6b: {  	v51 =	vld [tilespmem:$0xC0F0]  }
0x6c: {  	v4 =	vld [tilespmem:$0xC100]  }
0x6d: {  	[tilespmem:$0x1FBD0] =	vst v0;
	v0 =	vld [tilespmem:s25+$0x40]  }
0x6e: {  	v8 =	vld [tilespmem:$0xC110]  }
0x6f: {  	v11 =	vld [tilespmem:$0xC120]  }
0x70: {  	v15 =	vld [tilespmem:$0xC130]  }
0x71: {  	v5 =	vld [tilespmem:$0xC140]  }
0x72: {  	[tilespmem:$0x1FBE0] =	vst v0;
	v0 =	vld [tilespmem:s5+$0x50]  }
0x73: {  	v6 =	vld [tilespmem:$0xC150]  }
0x74: {  	v9 =	vld [tilespmem:$0xC160]  }
0x75: {  	v10 =	vld [tilespmem:$0xC170]  }
0x76: {  	v7 =	vld [tilespmem:$0xC180]  }
0x77: {  	[tilespmem:$0x1FBF0] =	vst v0;
	v0 =	vld [tilespmem:s25+$0x50]  }
0x78: {  	v36 =	vld [tilespmem:$0xC190]  }
0x79: {  	v38 =	vld [tilespmem:$0xC1A0]  }
0x7a: {  	v35 =	vld [tilespmem:$0xC1B0]  }
0x7b: {  	v27 =	vld [tilespmem:$0xC1C0]  }
0x7c: {  	[tilespmem:$0x1FC00] =	vst v0;
	v0 =	vld [tilespmem:s5+$0x60]  }
0x7d: {  	v24 =	vld [tilespmem:$0xC1D0]  }
0x7e: {  	v22 =	vld [tilespmem:$0xC1E0]  }
0x7f: {  	v13 =	vld [tilespmem:$0xC1F0]  }
0x80: {  	v12 =	vld [tilespmem:$0xC200]  }
0x81: {  	[tilespmem:$0x1FC10] =	vst v0;
	v0 =	vld [tilespmem:s25+$0x60]  }
0x82: {  	v63 =	vld [tilespmem:$0xC210]  }
0x83: {  	v55 =	vld [tilespmem:$0xC220]  }
0x84: {  	s8 =	sor.u32 s24, s10;
	v56 =	vld [tilespmem:s7+$0x0]  }
0x85: {  	v58 =	vld [tilespmem:s8+$0x0]  }
0x86: {  	[tilespmem:$0x1FC20] =	vst v0;
	v0 =	vld [tilespmem:s5+$0x70]  }
0x87: {  	v17 =	vld [tilespmem:s7+$0x10]  }
0x88: {  	v19 =	vld [tilespmem:s8+$0x10]  }
0x89: {  	v20 =	vld [tilespmem:s7+$0x20]  }
0x8a: {  	v29 =	vld [tilespmem:s8+$0x20]  }
0x8b: {  	[tilespmem:$0x1FC30] =	vst v0;
	v0 =	vld [tilespmem:s25+$0x70]  }
0x8c: {  	v31 =	vld [tilespmem:s7+$0x30]  }
0x8d: {  	v41 =	vld [tilespmem:s8+$0x30]  }
0x8e: {  	s16 =	sadd.s32 $0xC00, s10;
	v60 =	vld [tilespmem:s7+$0x40]  }
0x8f: {  	v43 =	vld [tilespmem:s8+$0x40];
	s23 =	sor.u32 s2, s16  }
0x90: {  	[tilespmem:$0x1FC40] =	vst v0;
	v0 =	vld [tilespmem:s23+$0x0]  }
0x91: {  	v44 =	vld [tilespmem:s7+$0x50]  }
0x92: {  	v46 =	vld [tilespmem:s8+$0x50]  }
0x93: {  	v47 =	vld [tilespmem:s7+$0x60]  }
0x94: {  	v49 =	vld [tilespmem:s8+$0x60];
	s16 =	sor.u32 s24, s16  }
0x95: {  	[tilespmem:$0x1FC50] =	vst v0;
	v0 =	vld [tilespmem:s16+$0x0]  }
0x96: {  	v50 =	vld [tilespmem:s7+$0x70]  }
0x97: {  	v52 =	vld [tilespmem:s8+$0x70]  }
0x98: {  	v53 =	vld [tilespmem:s7+$0x400]  }
0x99: {  	v14 =	vld [tilespmem:s8+$0x400]  }
0x9a: {  	[tilespmem:$0x1FC60] =	vst v0;
	v0 =	vld [tilespmem:s23+$0x10]  }
0x9b: {  	v21 =	vld [tilespmem:s7+$0x410]  }
0x9c: {  	v16 =	vld [tilespmem:s8+$0x410]  }
0x9d: {  	v25 =	vld [tilespmem:s7+$0x420]  }
0x9e: {  	v23 =	vld [tilespmem:s8+$0x420]  }
0x9f: {  	[tilespmem:$0x1FC70] =	vst v0;
	v0 =	vld [tilespmem:s16+$0x10]  }
0xa0: {  	v28 =	vld [tilespmem:s7+$0x430]  }
0xa1: {  	v30 =	vld [tilespmem:s8+$0x430]  }
0xa2: {  	v34 =	vld [tilespmem:s7+$0x440]  }
0xa3: {  	v32 =	vld [tilespmem:s8+$0x440]  }
0xa4: {  	[tilespmem:$0x1FC80] =	vst v0;
	v0 =	vld [tilespmem:s23+$0x20]  }
0xa5: {  	v39 =	vld [tilespmem:s7+$0x450]  }
0xa6: {  	v37 =	vld [tilespmem:s8+$0x450]  }
0xa7: {  	v40 =	vld [tilespmem:s7+$0x460]  }
0xa8: {  	v59 =	vld [tilespmem:s8+$0x460]  }
0xa9: {  	[tilespmem:$0x1FC90] =	vst v0;
	v0 =	vld [tilespmem:s16+$0x20]  }
0xaa: {  	v57 =	vld [tilespmem:s8+$0x470]  }
0xab: {  	v61 =	vld [tilespmem:s5+$0x0]  }
0xac: {  	v54 =	vld [tilespmem:s25+$0x0]  }
0xad: {  	v62 =	vld [tilespmem:s5+$0x10]  }
0xae: {  	[tilespmem:$0x1FCA0] =	vst v0;
	v0 =	vld [tilespmem:s23+$0x30]  }
0xaf: {  	[tilespmem:$0x1FCC0] =	vst v2;
	v3 =	vmul.f32 v58, v1;
	v58 =	vld [tilespmem:s16+$0x30];
	v2 =	vmul.f32 v18, v17  }
0xb0: {  	v19 =	vmul.f32 v19, v18;
	v20 =	vmul.f32 v26, v20;
	v17 =	vld [tilespmem:$0xC240]  }
0xb1: {  	v26 =	vmul.f32 v29, v26;
	v29 =	vmul.f32 v45, v44;
	v18 =	vld [tilespmem:s23+$0x50];
	v2 =	vadd.f32 $0.0e+00, v2  }
0xb2: {  	v21 =	vmul.f32 v8, v21;
	v8 =	vmul.f32 v16, v8;
	v16 =	vld [tilespmem:s16+$0x70]  }
0xb3: {  	v44 =	vadd.f32 $0.0e+00, v19;
	v19 =	vld [tilespmem:$0xC250];
	v2 =	vadd.f32 v29, v2;
	[tilespmem:$0x1FCB0] =	vst v0;
	v0 =	vmul.f32 v1, v56  }
0xb4: {  	v29 =	vld [tilespmem:s16+$0x50]  }
0xb5: {  	v2 =	vadd.f32 v21, v2;
	v21 =	vld [tilespmem:$0xC280];
	v1 =	vadd.f32 $0.0e+00, v0;
	v0 =	vmul.f32 v42, v60  }
0xb6: {  	v3 =	vadd.f32 $0.0e+00, v3;
	v56 =	vld [tilespmem:$0xC230]  }
0xb7: {  	v60 =	vld [tilespmem:s23+$0x40];
	v0 =	vadd.f32 v0, v1;
	v1 =	vmul.f32 v43, v42;
	v43 =	vmul.f32 v46, v45  }
0xb8: {  	v20 =	vadd.f32 $0.0e+00, v20;
	v42 =	vld [tilespmem:s16+$0x40];
	v45 =	vmul.f32 v33, v31  }
0xb9: {  	v31 =	vld [tilespmem:s23+$0x60];
	v1 =	vadd.f32 v1, v3;
	v3 =	vadd.f32 v43, v44;
	v43 =	vmul.f32 v48, v47  }
0xba: {  	v41 =	vmul.f32 v41, v33;
	v26 =	vadd.f32 $0.0e+00, v26;
	v33 =	vld [tilespmem:$0xC260];
	v44 =	vmul.f32 v49, v48  }
0xbb: {  	v59 =	vmul.f32 v59, v9;
	v48 =	vld [tilespmem:s16+$0x60];
	v20 =	vadd.f32 v43, v20  }
0xbc: {  	s14 =	sadd.s32 $0x1000, s10;
	v26 =	vadd.f32 v44, v26;
	v43 =	vmul.f32 v4, v53;
	v44 =	vld [tilespmem:s23+$0x70];
	v4 =	vmul.f32 v14, v4  }
0xbd: {  	s1 =	sor.u32 s2, s14;
	v41 =	vadd.f32 $0.0e+00, v41;
	v46 =	vmul.f32 v51, v50;
	v45 =	vadd.f32 $0.0e+00, v45;
	v14 =	vld [tilespmem:$0xC270]  }
0xbe: {  	s14 =	sor.u32 s24, s14;
	v4 =	vadd.f32 v4, v1;
	v1 =	vmul.f32 v11, v25;
	v11 =	vmul.f32 v23, v11;
	v23 =	vld [tilespmem:s1+$0x0]  }
0xbf: {  	v45 =	vadd.f32 v46, v45;
	v0 =	vadd.f32 v43, v0;
	v43 =	vmul.f32 v15, v28;
	v28 =	vld [tilespmem:s14+$0x0]  }
0xc0: {  	v47 =	vmul.f32 v52, v51;
	v25 =	vadd.f32 v1, v20;
	v1 =	vmul.f32 v30, v15;
	v30 =	vld [tilespmem:s1+$0x10]  }
0xc1: {  	v3 =	vadd.f32 v8, v3;
	v8 =	vadd.f32 v43, v45;
	v43 =	vmul.f32 v9, v40;
	v9 =	vld [tilespmem:s1+$0x20]  }
0xc2: {  	v20 =	vmul.f32 v5, v34;
	v34 =	vld [tilespmem:$0x1FB70]  }
0xc3: {  	v41 =	vadd.f32 v47, v41;
	v15 =	vld [tilespmem:$0xC2A0]  }
0xc4: {  	v11 =	vadd.f32 v11, v26;
	v26 =	vld [tilespmem:s14+$0x20]  }
0xc5: {  	v5 =	vmul.f32 v32, v5;
	v32 =	vadd.f32 v1, v41;
	v1 =	vld [tilespmem:$0xC290]  }
0xc6: {  	v0 =	vadd.f32 v20, v0;
	v20 =	vld [tilespmem:s14+$0x10]  }
0xc7: {  	v41 =	vmul.f32 v6, v39;
	v4 =	vadd.f32 v5, v4;
	v5 =	vadd.f32 v43, v25;
	v43 =	vld [tilespmem:$0x1FB90]  }
0xc8: {  	v39 =	vmul.f32 v7, v61;
	v7 =	vmul.f32 v54, v7;
	v54 =	vld [tilespmem:$0x1FBA0]  }
0xc9: {  	v6 =	vmul.f32 v37, v6;
	v61 =	vld [tilespmem:$0x1FBD0]  }
0xca: {  	v2 =	vadd.f32 v41, v2;
	v41 =	vld [tilespmem:$0x1FB80]  }
0xcb: {  	v3 =	vadd.f32 v6, v3;
	v6 =	vadd.f32 v59, v11;
	v59 =	vld [tilespmem:$0x1FBC0]  }
0xcc: {  	v0 =	vadd.f32 v39, v0;
	v39 =	vld [tilespmem:$0x1FC00]  }
0xcd: {  	v40 =	vmul.f32 v36, v62;
	v37 =	vmul.f32 v10, v34;
	v34 =	vld [tilespmem:s1+$0x40]  }
0xce: {  	v10 =	vmul.f32 v57, v10;
	v57 =	vld [tilespmem:$0x1FBB0]  }
0xcf: {  	v2 =	vadd.f32 v40, v2;
	v40 =	vld [tilespmem:$0x1FC10]  }
0xd0: {  	v10 =	vadd.f32 v10, v32;
	v32 =	vld [tilespmem:s1+$0x30]  }
0xd1: {  	v8 =	vadd.f32 v37, v8;
	v37 =	vld [tilespmem:$0xC2C0]  }
0xd2: {  	v11 =	vmul.f32 v38, v43;
	v25 =	vmul.f32 v54, v38;
	v38 =	vld [tilespmem:$0x1FBF0]  }
0xd3: {  	v43 =	vld [tilespmem:$0x1FC30]  }
0xd4: {  	v54 =	vld [tilespmem:$0x1FC40]  }
0xd5: {  	v4 =	vadd.f32 v7, v4;
	v7 =	vmul.f32 v41, v36;
	v36 =	vld [tilespmem:$0xC2B0]  }
0xd6: {  	v6 =	vadd.f32 v25, v6;
	v25 =	vld [tilespmem:s1+$0x50]  }
0xd7: {  	v41 =	vld [tilespmem:$0x1FC20]  }
0xd8: {  	v5 =	vadd.f32 v11, v5;
	v11 =	vmul.f32 v27, v61;
	v61 =	vld [tilespmem:$0x1FC70]  }
0xd9: {  	v3 =	vadd.f32 v7, v3;
	v7 =	vmul.f32 v35, v57;
	v57 =	vld [tilespmem:$0x1FC50]  }
0xda: {  	v35 =	vmul.f32 v59, v35;
	v59 =	vld [tilespmem:$0x1FC60]  }
0xdb: {  	v0 =	vadd.f32 v11, v0;
	v11 =	vmul.f32 v24, v38;
	v24 =	vmul.f32 v39, v24;
	v38 =	vld [tilespmem:$0xC2E0]  }
0xdc: {  	v7 =	vadd.f32 v7, v8;
	v62 =	vadd.f32 v35, v10;
	v35 =	vld [tilespmem:$0x1FBE0]  }
0xdd: {  	v2 =	vadd.f32 v11, v2;
	v3 =	vadd.f32 v24, v3;
	v11 =	vmul.f32 v13, v43;
	v24 =	vld [tilespmem:s1+$0x70]  }
0xde: {  	v43 =	vld [tilespmem:$0x1FC90]  }
0xdf: {  	v7 =	vadd.f32 v11, v7;
	v11 =	vmul.f32 v12, v57;
	v12 =	vmul.f32 v59, v12;
	v57 =	vld [tilespmem:$0x1FCB0]  }
0xe0: {  	v59 =	vmul.f32 v17, v60;
	v17 =	vmul.f32 v42, v17;
	v42 =	vld [tilespmem:$0xC320]  }
0xe1: {  	s10 =	sadd.s32 $0x1400, s10;
	v10 =	vmul.f32 v35, v27;
	v27 =	vld [tilespmem:$0xC2D0]  }
0xe2: {  	s2 =	sor.u32 s2, s10;
	v35 =	vld [tilespmem:s1+$0x60];
	v0 =	vadd.f32 v11, v0  }
0xe3: {  	v11 =	vmul.f32 v55, v43;
	v43 =	vld [tilespmem:s2+$0x20];
	v4 =	vadd.f32 v10, v4;
	v10 =	vmul.f32 v22, v40  }
0xe4: {  	v22 =	vmul.f32 v41, v22;
	v40 =	vld [tilespmem:$0xC300]  }
0xe5: {  	v5 =	vadd.f32 v10, v5;
	v10 =	vmul.f32 v54, v13;
	v13 =	vld [tilespmem:$0xC2F0]  }
0xe6: {  	v6 =	vadd.f32 v22, v6;
	v22 =	vld [tilespmem:s2+$0x0]  }
0xe7: {  	v4 =	vadd.f32 v12, v4;
	v12 =	vld [tilespmem:s2+$0x10]  }
0xe8: {  	v58 =	vmul.f32 v58, v56;
	v9 =	vmul.f32 v15, v9;
	v54 =	vld [tilespmem:$0x1FCA0]  }
0xe9: {  	v0 =	vadd.f32 v59, v0;
	v59 =	vmul.f32 v37, v34;
	v8 =	vadd.f32 v10, v62;
	v62 =	vld [tilespmem:$0x1FC80]  }
0xea: {  	v10 =	vmul.f32 v63, v61;
	v5 =	vadd.f32 v11, v5;
	v61 =	vmul.f32 v19, v18;
	v18 =	vld [tilespmem:s2+$0x30]  }
0xeb: {  	v11 =	vmul.f32 v56, v57;
	v4 =	vadd.f32 v17, v4;
	v17 =	vld [tilespmem:$0xC330];
	v56 =	vmul.f32 v21, v23  }
0xec: {  	v57 =	vmul.f32 v1, v30;
	v23 =	vld [tilespmem:s2+$0x60];
	v21 =	vmul.f32 v28, v21  }
0xed: {  	v28 =	vld [tilespmem:$0xC360];
	v1 =	vmul.f32 v20, v1;
	v2 =	vadd.f32 v10, v2;
	v10 =	vmul.f32 v54, v55  }
0xee: {  	v7 =	vadd.f32 v11, v7;
	v55 =	vmul.f32 v14, v44;
	v14 =	vmul.f32 v16, v14;
	v16 =	vld [tilespmem:$0xC340]  }
0xef: {  	v0 =	vadd.f32 v56, v0;
	v2 =	vadd.f32 v61, v2;
	v61 =	vmul.f32 v27, v25;
	v25 =	vld [tilespmem:$0xC370]  }
0xf0: {  	v8 =	vadd.f32 v58, v8;
	v39 =	vmul.f32 v62, v63;
	v62 =	vmul.f32 v29, v19;
	v29 =	vld [tilespmem:s2+$0x40]  }
0xf1: {  	v58 =	vmul.f32 v36, v32;
	v56 =	vmul.f32 v42, v43;
	v0 =	vadd.f32 v59, v0;
	v19 =	vld [tilespmem:s2+$0x50]  }
0xf2: {  	v6 =	vadd.f32 v10, v6;
	v63 =	vmul.f32 v33, v31;
	v8 =	vadd.f32 v14, v8;
	v14 =	vld [tilespmem:$0xC350]  }
0xf3: {  	v22 =	vmul.f32 v40, v22;
	v7 =	vadd.f32 v55, v7;
	v55 =	vld [tilespmem:s14+$0x40];
	v2 =	vadd.f32 v57, v2  }
0xf4: {  	v54 =	vmul.f32 v48, v33;
	v3 =	vadd.f32 v39, v3;
	v39 =	vld [tilespmem:$0xC310];
	v5 =	vadd.f32 v63, v5  }
0xf5: {  	v24 =	vmul.f32 v13, v24;
	v10 =	vld [tilespmem:$0x1FCE0];
	v0 =	vadd.f32 v22, v0;
	v7 =	vadd.f32 v58, v7  }
0xf6: {  	v63 =	vmul.f32 v38, v35;
	v3 =	vadd.f32 v62, v3;
	v5 =	vadd.f32 v9, v5;
	v62 =	vld [tilespmem:s2+$0x70]  }
0xf7: {  	v18 =	vmul.f32 v17, v18;
	v57 =	vld [tilespmem:s14+$0x50];
	v6 =	vadd.f32 v54, v6;
	v7 =	vadd.f32 v24, v7  }
0xf8: {  	v23 =	vmul.f32 v28, v23;
	v54 =	vld [tilespmem:s14+$0x30];
	v2 =	vadd.f32 v61, v2;
	v5 =	vadd.f32 v63, v5  }
0xf9: {  	v58 =	vld [tilespmem:s14+$0x60];
	v59 =	vmul.f32 v16, v29;
	v7 =	vadd.f32 v18, v7;
	v12 =	vmul.f32 v39, v12  }
0xfa: {  	s24 =	sor.u32 s24, s10;
	v61 =	vld [tilespmem:s14+$0x70];
	v19 =	vmul.f32 v14, v19;
	v1 =	vadd.f32 v1, v3;
	v5 =	vadd.f32 v56, v5  }
0xfb: {  	v3 =	vmul.f32 v26, v15;
	v15 =	vld [tilespmem:s24+$0x20];
	v2 =	vadd.f32 v12, v2;
	v11 =	vmul.f32 v25, v62  }
0xfc: {  	v63 =	vmul.f32 v55, v37;
	v55 =	vld [tilespmem:s24+$0x40];
	v0 =	vadd.f32 v59, v0;
	v5 =	vadd.f32 v23, v5  }
0xfd: {  	v18 =	vld [tilespmem:$0x1FCD0];
	v2 =	vadd.f32 v19, v2;
	v7 =	vadd.f32 v11, v7  }
0xfe: {  	v62 =	vld [tilespmem:s24+$0x0]  }
0xff: {  	v56 =	vmul.f32 v58, v38;
	v58 =	vld [tilespmem:s24+$0x60];
	v0 =	vadd.f32 v2, v0;
	v2 =	vadd.f32 v7, v5  }
0x100: {  	v4 =	vadd.f32 v21, v4;
	v9 =	vmul.f32 v54, v36;
	v54 =	vmul.f32 v57, v27;
	v11 =	vld [tilespmem:s24+$0x10]  }
0x101: {  	v3 =	vadd.f32 v3, v6;
	v57 =	vmul.f32 v61, v13;
	v5 =	vld [tilespmem:s24+$0x30];
	v0 =	vadd.f32 v2, v0  }
0x102: {  	v8 =	vadd.f32 v9, v8;
	v1 =	vadd.f32 v54, v1;
	v54 =	vmul.f32 v15, v42;
	v2 =	vld [tilespmem:s24+$0x50]  }
0x103: {  	v61 =	vld [tilespmem:s24+$0x70];
	v3 =	vadd.f32 v56, v3;
	v59 =	vmul.f32 v62, v40;
	v62 =	vperm.xlane v0, v18  }
0x104: {  	v4 =	vadd.f32 v63, v4;
	v6 =	vadd.f32 v57, v8;
	v55 =	vmul.f32 v55, v16  }
0x105: {  	v3 =	vadd.f32 v54, v3;
	v63 =	vmul.f32 v11, v39;
	v0 =	vadd.f32 v0, v62  }
0x106: {  	v7 =	vmul.f32 v58, v28;
	v58 =	vld [tilespmem:$0x1FCF0];
	v4 =	vadd.f32 v59, v4;
	v5 =	vmul.f32 v5, v17  }
0x107: {  	v1 =	vadd.f32 v63, v1;
	v2 =	vmul.f32 v2, v14;
	v56 =	vperm.xlane v0, v10  }
0x108: {  	v57 =	vmul.f32 v61, v25;
	v4 =	vadd.f32 v55, v4;
	v5 =	vadd.f32 v5, v6  }
0x109: {  	v1 =	vadd.f32 v2, v1;
	v0 =	vadd.f32 v0, v56  }
0x10a: {  	v59 =	vld [tilespmem:$0x1FD00];
	v2 =	vadd.f32 v7, v3;
	v3 =	vadd.f32 v57, v5  }
0x10b: {  	v61 =	vperm.xlane v0, v58  }
0x10c: {  	v1 =	vadd.f32 v1, v4;
	v2 =	vadd.f32 v3, v2  }
0x10d: {  	v0 =	vadd.f32 v0, v61  }
0x10e: {  	v3 =	vld [tilespmem:$0xC380];
	v1 =	vadd.f32 v2, v1  }
0x10f: {  	v2 =	vperm.xlane v0, v59  }
0x110: {  	v63 =	vperm.xlane v1, v18  }
0x111: {  	v0 =	vadd.f32 v0, v2  }
0x112: {  	v1 =	vadd.f32 v63, v1  }
0x113: {  	v54 =	vadd.f32 v0, v3  }
0x114: {  	v0 =	vperm.xlane v1, v10  }
0x115: {  	v2 =	vsub.f32 $0.0e+00, v54  }
0x116: {  	v0 =	vadd.f32 v0, v1  }
0x117: {  	v1 =	vmul.f32 $1.442695020e+00, v2  }
0x118: {  	v2 =	vperm.xlane v0, v58  }
0x119: {  	(erf) = vpow2.f32 v1  }
0x11a: {  	v0 =	vadd.f32 v2, v0;
	_ =	sdelay $0x1  }
0x11b: {  	v1 =	vperm.xlane v0, v59;
	_ =	sdelay $0x1  }
0x11c: {  	v0 =	vadd.f32 v1, v0;
	_ =	sdelay $0x1  }
0x11d: {  	v55 =	vadd.f32 v0, v3;
	_ =	sdelay $0x1  }
0x11e: {  	v1 =	vsub.f32 $0.0e+00, v55;
	v0 =	vpop (erf)  }
0x11f: {  	v0 =	vadd.f32 $1.000000000e+00, v0  }
0x120: {  	v1 =	vmul.f32 $1.442695020e+00, v1  }
0x121: {  	(erf) = vrcp.f32 v0  }
0x122: {  	(erf) = vpow2.f32 v1;
	_ =	sdelay $0x7  }
0x123: {  	s10 =	sadd.s32 $0xFFFFFFFF, s30;
	v56 =	vpop (erf)  }
0x124: {  	v0 =	vmov s10;
	v1 =	vpop (erf)  }
0x125: {  	v0 =	vand.u32 $0xFFFFFFFE, v0;
	v1 =	vadd.f32 $1.000000000e+00, v1  }
0x126: {  	v0 =	vbroadcast v0, $0x0  }
0x127: {  	(erf) = vrcp.f32 v1;
	_ =	sdelay $0x4  }
0x128: {  	[tilespmem:v0+s20+$0x0] =	vst.idx.msk $0x1, v56;
	v1 =	vmov s30  }
0x129: {  	v0 =	vld.idx.msk [tilespmem:v0+s17+$0x0], $0xffff;
	_ =	sdelay $0x2  }
0x12a: {  	v10 =	vpop (erf)  }
0x12b: {  	[tilespmem:v1+s20+$0x0] =	vst.idx.msk $0x1, v10  }
0x12c: {  	v18 =	vmul.u32 $0x300, v0;
	v0 =	vld [tilespmem:s7+$0x0]  }
0x12d: {  	v62 =	vlaneseq.u32  }
0x12e: {  	v2 =	vor.u32 v62, v18  }
0x12f: {  	v1 =	vld.idx.msk [tilespmem:v1+s17+$0x0], $0xffff;
	_ =	sdelay $0x1  }
0x130: {  	v0 =	vmul.f32 v0, v56;
	_ =	sdelay $0x1  }
0x131: {  	[tilespmem:v2+s21+$0x0] =	vst.idx.add.f32.msk $0xffff, v0  }
0x132: {  	v61 =	vmul.u32 $0x300, v1;
	v0 =	vld [tilespmem:s8+$0x0];
	_ =	sdelay $0x1  }
0x133: {  	v1 =	vor.u32 v62, v61;
	_ =	sdelay $0x2  }
0x134: {  	v8 =	vld [tilespmem:$0x1FD10];
	v0 =	vmul.f32 v10, v0;
	_ =	sdelay $0x1  }
0x135: {  	[tilespmem:v1+s21+$0x0] =	vst.idx.add.f32.msk $0xffff, v0  }
0x136: {  	v0 =	vld [tilespmem:s7+$0x10];
	_ =	sdelay $0x1  }
0x137: {  	v1 =	vor.u32 v8, v18;
	_ =	sdelay $0x2  }
0x138: {  	v0 =	vmul.f32 v0, v56;
	_ =	sdelay $0x1  }
0x139: {  	[tilespmem:v1+s21+$0x0] =	vst.idx.add.f32.msk $0xffff, v0  }
0x13a: {  	v0 =	vld [tilespmem:s8+$0x10];
	_ =	sdelay $0x1  }
0x13b: {  	v1 =	vor.u32 v8, v61;
	_ =	sdelay $0x2  }
0x13c: {  	v9 =	vld [tilespmem:$0x1FD20];
	v0 =	vmul.f32 v0, v10;
	_ =	sdelay $0x1  }
0x13d: {  	[tilespmem:v1+s21+$0x0] =	vst.idx.add.f32.msk $0xffff, v0  }
0x13e: {  	v0 =	vld [tilespmem:s7+$0x20];
	_ =	sdelay $0x1  }
0x13f: {  	v1 =	vor.u32 v9, v18;
	_ =	sdelay $0x2  }
0x140: {  	v0 =	vmul.f32 v0, v56;
	_ =	sdelay $0x1  }
0x141: {  	[tilespmem:v1+s21+$0x0] =	vst.idx.add.f32.msk $0xffff, v0  }
0x142: {  	v0 =	vld [tilespmem:s8+$0x20];
	_ =	sdelay $0x1  }
0x143: {  	v1 =	vor.u32 v9, v61;
	_ =	sdelay $0x2  }
0x144: {  	v11 =	vld [tilespmem:$0x1FD30];
	v0 =	vmul.f32 v0, v10;
	_ =	sdelay $0x1  }
0x145: {  	[tilespmem:v1+s21+$0x0] =	vst.idx.add.f32.msk $0xffff, v0  }
0x146: {  	v0 =	vld [tilespmem:s7+$0x30];
	_ =	sdelay $0x1  }
0x147: {  	v1 =	vor.u32 v11, v18;
	_ =	sdelay $0x2  }
0x148: {  	v0 =	vmul.f32 v0, v56;
	_ =	sdelay $0x1  }
0x149: {  	[tilespmem:v1+s21+$0x0] =	vst.idx.add.f32.msk $0xffff, v0  }
0x14a: {  	v0 =	vld [tilespmem:s8+$0x30];
	_ =	sdelay $0x1  }
0x14b: {  	v1 =	vor.u32 v11, v61;
	_ =	sdelay $0x2  }
0x14c: {  	v12 =	vld [tilespmem:$0x1FD40];
	v0 =	vmul.f32 v0, v10;
	_ =	sdelay $0x1  }
0x14d: {  	[tilespmem:v1+s21+$0x0] =	vst.idx.add.f32.msk $0xffff, v0  }
0x14e: {  	v0 =	vld [tilespmem:s7+$0x40];
	_ =	sdelay $0x1  }
0x14f: {  	v1 =	vor.u32 v12, v18;
	_ =	sdelay $0x2  }
0x150: {  	v0 =	vmul.f32 v0, v56;
	_ =	sdelay $0x1  }
0x151: {  	[tilespmem:v1+s21+$0x0] =	vst.idx.add.f32.msk $0xffff, v0  }
0x152: {  	v0 =	vld [tilespmem:s8+$0x40];
	_ =	sdelay $0x1  }
0x153: {  	v1 =	vor.u32 v12, v61;
	_ =	sdelay $0x2  }
0x154: {  	v13 =	vld [tilespmem:$0x1FD50];
	v0 =	vmul.f32 v0, v10;
	_ =	sdelay $0x1  }
0x155: {  	[tilespmem:v1+s21+$0x0] =	vst.idx.add.f32.msk $0xffff, v0  }
0x156: {  	v0 =	vld [tilespmem:s7+$0x50];
	_ =	sdelay $0x1  }
0x157: {  	v1 =	vor.u32 v13, v18;
	_ =	sdelay $0x2  }
0x158: {  	v0 =	vmul.f32 v0, v56;
	_ =	sdelay $0x1  }
0x159: {  	[tilespmem:v1+s21+$0x0] =	vst.idx.add.f32.msk $0xffff, v0  }
0x15a: {  	v0 =	vld [tilespmem:s8+$0x50];
	_ =	sdelay $0x1  }
0x15b: {  	v1 =	vor.u32 v13, v61;
	_ =	sdelay $0x2  }
0x15c: {  	v14 =	vld [tilespmem:$0x1FD60];
	v0 =	vmul.f32 v0, v10;
	_ =	sdelay $0x1  }
0x15d: {  	[tilespmem:v1+s21+$0x0] =	vst.idx.add.f32.msk $0xffff, v0  }
0x15e: {  	v0 =	vld [tilespmem:s7+$0x60];
	_ =	sdelay $0x1  }
0x15f: {  	v1 =	vor.u32 v14, v18;
	_ =	sdelay $0x2  }
0x160: {  	v0 =	vmul.f32 v0, v56;
	_ =	sdelay $0x1  }
0x161: {  	[tilespmem:v1+s21+$0x0] =	vst.idx.add.f32.msk $0xffff, v0  }
0x162: {  	v0 =	vld [tilespmem:s8+$0x60];
	_ =	sdelay $0x1  }
0x163: {  	v1 =	vor.u32 v14, v61;
	_ =	sdelay $0x2  }
0x164: {  	v15 =	vld [tilespmem:$0x1FD70];
	v0 =	vmul.f32 v0, v10;
	_ =	sdelay $0x1  }
0x165: {  	[tilespmem:v1+s21+$0x0] =	vst.idx.add.f32.msk $0xffff, v0  }
0x166: {  	v0 =	vld [tilespmem:s7+$0x70];
	_ =	sdelay $0x1  }
0x167: {  	v1 =	vor.u32 v15, v18;
	_ =	sdelay $0x2  }
0x168: {  	v0 =	vmul.f32 v0, v56;
	_ =	sdelay $0x1  }
0x169: {  	[tilespmem:v1+s21+$0x0] =	vst.idx.add.f32.msk $0xffff, v0  }
0x16a: {  	v0 =	vld [tilespmem:s8+$0x70];
	_ =	sdelay $0x1  }
0x16b: {  	v1 =	vor.u32 v15, v61;
	_ =	sdelay $0x2  }
0x16c: {  	v16 =	vld [tilespmem:$0x1FD80];
	v0 =	vmul.f32 v0, v10;
	_ =	sdelay $0x1  }
0x16d: {  	[tilespmem:v1+s21+$0x0] =	vst.idx.add.f32.msk $0xffff, v0  }
0x16e: {  	v0 =	vld [tilespmem:s7+$0x400];
	_ =	sdelay $0x1  }
0x16f: {  	v1 =	vor.u32 v16, v18;
	_ =	sdelay $0x2  }
0x170: {  	v0 =	vmul.f32 v0, v56;
	_ =	sdelay $0x1  }
0x171: {  	[tilespmem:v1+s21+$0x0] =	vst.idx.add.f32.msk $0xffff, v0  }
0x172: {  	v0 =	vld [tilespmem:s8+$0x400];
	_ =	sdelay $0x1  }
0x173: {  	v1 =	vor.u32 v16, v61;
	_ =	sdelay $0x2  }
0x174: {  	v17 =	vld [tilespmem:$0x1FD90];
	v0 =	vmul.f32 v0, v10;
	_ =	sdelay $0x1  }
0x175: {  	[tilespmem:v1+s21+$0x0] =	vst.idx.add.f32.msk $0xffff, v0  }
0x176: {  	v0 =	vld [tilespmem:s7+$0x410];
	_ =	sdelay $0x1  }
0x177: {  	v1 =	vor.u32 v17, v18;
	_ =	sdelay $0x2  }
0x178: {  	v0 =	vmul.f32 v0, v56;
	_ =	sdelay $0x1  }
0x179: {  	[tilespmem:v1+s21+$0x0] =	vst.idx.add.f32.msk $0xffff, v0  }
0x17a: {  	v0 =	vld [tilespmem:s8+$0x410];
	_ =	sdelay $0x1  }
0x17b: {  	v1 =	vor.u32 v17, v61;
	_ =	sdelay $0x2  }
0x17c: {  	v19 =	vld [tilespmem:$0x1FDA0];
	v0 =	vmul.f32 v0, v10;
	_ =	sdelay $0x1  }
0x17d: {  	[tilespmem:v1+s21+$0x0] =	vst.idx.add.f32.msk $0xffff, v0  }
0x17e: {  	v0 =	vld [tilespmem:s7+$0x420];
	_ =	sdelay $0x1  }
0x17f: {  	v1 =	vor.u32 v19, v18;
	_ =	sdelay $0x2  }
0x180: {  	v0 =	vmul.f32 v0, v56;
	_ =	sdelay $0x1  }
0x181: {  	[tilespmem:v1+s21+$0x0] =	vst.idx.add.f32.msk $0xffff, v0  }
0x182: {  	v0 =	vld [tilespmem:s8+$0x420];
	_ =	sdelay $0x1  }
0x183: {  	v1 =	vor.u32 v19, v61;
	_ =	sdelay $0x2  }
0x184: {  	v20 =	vld [tilespmem:$0x1FDB0];
	v0 =	vmul.f32 v0, v10;
	_ =	sdelay $0x1  }
0x185: {  	[tilespmem:v1+s21+$0x0] =	vst.idx.add.f32.msk $0xffff, v0  }
0x186: {  	v0 =	vld [tilespmem:s7+$0x430];
	_ =	sdelay $0x1  }
0x187: {  	v1 =	vor.u32 v20, v18;
	_ =	sdelay $0x2  }
0x188: {  	v0 =	vmul.f32 v0, v56;
	_ =	sdelay $0x1  }
0x189: {  	[tilespmem:v1+s21+$0x0] =	vst.idx.add.f32.msk $0xffff, v0  }
0x18a: {  	v0 =	vld [tilespmem:s8+$0x430];
	_ =	sdelay $0x1  }
0x18b: {  	v1 =	vor.u32 v20, v61;
	_ =	sdelay $0x2  }
0x18c: {  	v21 =	vld [tilespmem:$0x1FDC0];
	v0 =	vmul.f32 v0, v10;
	_ =	sdelay $0x1  }
0x18d: {  	[tilespmem:v1+s21+$0x0] =	vst.idx.add.f32.msk $0xffff, v0  }
0x18e: {  	v0 =	vld [tilespmem:s7+$0x440];
	_ =	sdelay $0x1  }
0x18f: {  	v1 =	vor.u32 v21, v18;
	_ =	sdelay $0x2  }
0x190: {  	v0 =	vmul.f32 v0, v56;
	_ =	sdelay $0x1  }
0x191: {  	[tilespmem:v1+s21+$0x0] =	vst.idx.add.f32.msk $0xffff, v0  }
0x192: {  	v0 =	vld [tilespmem:s8+$0x440];
	_ =	sdelay $0x1  }
0x193: {  	v1 =	vor.u32 v21, v61;
	_ =	sdelay $0x2  }
0x194: {  	v22 =	vld [tilespmem:$0x1FDD0];
	v0 =	vmul.f32 v0, v10;
	_ =	sdelay $0x1  }
0x195: {  	[tilespmem:v1+s21+$0x0] =	vst.idx.add.f32.msk $0xffff, v0  }
0x196: {  	v0 =	vld [tilespmem:s7+$0x450];
	_ =	sdelay $0x1  }
0x197: {  	v1 =	vor.u32 v22, v18;
	_ =	sdelay $0x2  }
0x198: {  	v0 =	vmul.f32 v0, v56;
	_ =	sdelay $0x1  }
0x199: {  	[tilespmem:v1+s21+$0x0] =	vst.idx.add.f32.msk $0xffff, v0  }
0x19a: {  	v0 =	vld [tilespmem:s8+$0x450];
	_ =	sdelay $0x1  }
0x19b: {  	v1 =	vor.u32 v22, v61;
	_ =	sdelay $0x2  }
0x19c: {  	v23 =	vld [tilespmem:$0x1FDE0];
	v0 =	vmul.f32 v0, v10;
	_ =	sdelay $0x1  }
0x19d: {  	[tilespmem:v1+s21+$0x0] =	vst.idx.add.f32.msk $0xffff, v0  }
0x19e: {  	v0 =	vld [tilespmem:s7+$0x460];
	_ =	sdelay $0x1  }
0x19f: {  	v1 =	vor.u32 v23, v18;
	_ =	sdelay $0x2  }
0x1a0: {  	v0 =	vmul.f32 v0, v56;
	_ =	sdelay $0x1  }
0x1a1: {  	[tilespmem:v1+s21+$0x0] =	vst.idx.add.f32.msk $0xffff, v0  }
0x1a2: {  	v0 =	vld [tilespmem:s8+$0x460];
	_ =	sdelay $0x1  }
0x1a3: {  	v1 =	vor.u32 v23, v61;
	_ =	sdelay $0x2  }
0x1a4: {  	v24 =	vld [tilespmem:$0x1FDF0];
	v0 =	vmul.f32 v0, v10;
	_ =	sdelay $0x1  }
0x1a5: {  	[tilespmem:v1+s21+$0x0] =	vst.idx.add.f32.msk $0xffff, v0  }
0x1a6: {  	v0 =	vld [tilespmem:s7+$0x470];
	_ =	sdelay $0x1  }
0x1a7: {  	v1 =	vor.u32 v24, v18;
	_ =	sdelay $0x2  }
0x1a8: {  	v0 =	vmul.f32 v0, v56;
	_ =	sdelay $0x1  }
0x1a9: {  	[tilespmem:v1+s21+$0x0] =	vst.idx.add.f32.msk $0xffff, v0  }
0x1aa: {  	v0 =	vld [tilespmem:s8+$0x470];
	_ =	sdelay $0x1  }
0x1ab: {  	v1 =	vor.u32 v24, v61  }
0x1ac: {  	v25 =	vld [tilespmem:$0x1FE00];
	_ =	sdelay $0x1  }
0x1ad: {  	v0 =	vmul.f32 v0, v10;
	_ =	sdelay $0x1  }
0x1ae: {  	[tilespmem:v1+s21+$0x0] =	vst.idx.add.f32.msk $0xffff, v0  }
0x1af: {  	v1 =	vadd.s32 v25, v18;
	v0 =	vld [tilespmem:s5+$0x0]  }
0x1b0: {  	v1 =	vand.u32 $0xFFFFFF00, v1  }
0x1b1: {  	v1 =	vor.u32 v62, v1;
	_ =	sdelay $0x2  }
0x1b2: {  	v0 =	vmul.f32 v0, v56;
	_ =	sdelay $0x1  }
0x1b3: {  	[tilespmem:v1+s21+$0x0] =	vst.idx.add.f32.msk $0xffff, v0  }
0x1b4: {  	v1 =	vadd.s32 v25, v61;
	v0 =	vld [tilespmem:s25+$0x0]  }
0x1b5: {  	v1 =	vand.u32 $0xFFFFFF00, v1  }
0x1b6: {  	v1 =	vor.u32 v62, v1  }
0x1b7: {  	v26 =	vld [tilespmem:$0x1FE10];
	_ =	sdelay $0x1  }
0x1b8: {  	v0 =	vmul.f32 v0, v10;
	_ =	sdelay $0x1  }
0x1b9: {  	[tilespmem:v1+s21+$0x0] =	vst.idx.add.f32.msk $0xffff, v0  }
0x1ba: {  	v1 =	vadd.s32 v26, v18;
	v0 =	vld [tilespmem:s5+$0x10]  }
0x1bb: {  	v1 =	vand.u32 $0xFFFFFF00, v1  }
0x1bc: {  	v1 =	vor.u32 v8, v1;
	_ =	sdelay $0x2  }
0x1bd: {  	v0 =	vmul.f32 v0, v56;
	_ =	sdelay $0x1  }
0x1be: {  	[tilespmem:v1+s21+$0x0] =	vst.idx.add.f32.msk $0xffff, v0  }
0x1bf: {  	v1 =	vadd.s32 v26, v61;
	v0 =	vld [tilespmem:s25+$0x10]  }
0x1c0: {  	v1 =	vand.u32 $0xFFFFFF00, v1  }
0x1c1: {  	v1 =	vor.u32 v8, v1  }
0x1c2: {  	v27 =	vld [tilespmem:$0x1FE20];
	_ =	sdelay $0x1  }
0x1c3: {  	v0 =	vmul.f32 v0, v10;
	_ =	sdelay $0x1  }
0x1c4: {  	[tilespmem:v1+s21+$0x0] =	vst.idx.add.f32.msk $0xffff, v0  }
0x1c5: {  	v1 =	vadd.s32 v27, v18;
	v0 =	vld [tilespmem:s5+$0x20]  }
0x1c6: {  	v1 =	vand.u32 $0xFFFFFF00, v1  }
0x1c7: {  	v1 =	vor.u32 v9, v1;
	_ =	sdelay $0x2  }
0x1c8: {  	v0 =	vmul.f32 v0, v56;
	_ =	sdelay $0x1  }
0x1c9: {  	[tilespmem:v1+s21+$0x0] =	vst.idx.add.f32.msk $0xffff, v0  }
0x1ca: {  	v1 =	vadd.s32 v27, v61;
	v0 =	vld [tilespmem:s25+$0x20]  }
0x1cb: {  	v1 =	vand.u32 $0xFFFFFF00, v1  }
0x1cc: {  	v1 =	vor.u32 v9, v1  }
0x1cd: {  	v28 =	vld [tilespmem:$0x1FE30];
	_ =	sdelay $0x1  }
0x1ce: {  	v0 =	vmul.f32 v0, v10;
	_ =	sdelay $0x1  }
0x1cf: {  	[tilespmem:v1+s21+$0x0] =	vst.idx.add.f32.msk $0xffff, v0  }
0x1d0: {  	v1 =	vadd.s32 v28, v18;
	v0 =	vld [tilespmem:s5+$0x30]  }
0x1d1: {  	v1 =	vand.u32 $0xFFFFFF00, v1  }
0x1d2: {  	v1 =	vor.u32 v11, v1;
	_ =	sdelay $0x2  }
0x1d3: {  	v0 =	vmul.f32 v0, v56;
	_ =	sdelay $0x1  }
0x1d4: {  	[tilespmem:v1+s21+$0x0] =	vst.idx.add.f32.msk $0xffff, v0  }
0x1d5: {  	v1 =	vadd.s32 v28, v61;
	v0 =	vld [tilespmem:s25+$0x30]  }
0x1d6: {  	v1 =	vand.u32 $0xFFFFFF00, v1  }
0x1d7: {  	v1 =	vor.u32 v11, v1  }
0x1d8: {  	v29 =	vld [tilespmem:$0x1FE40];
	_ =	sdelay $0x1  }
0x1d9: {  	v0 =	vmul.f32 v0, v10;
	_ =	sdelay $0x1  }
0x1da: {  	[tilespmem:v1+s21+$0x0] =	vst.idx.add.f32.msk $0xffff, v0  }
0x1db: {  	v1 =	vadd.s32 v29, v18;
	v0 =	vld [tilespmem:s5+$0x40]  }
0x1dc: {  	v1 =	vand.u32 $0xFFFFFF00, v1  }
0x1dd: {  	v1 =	vor.u32 v12, v1;
	_ =	sdelay $0x2  }
0x1de: {  	v0 =	vmul.f32 v0, v56;
	_ =	sdelay $0x1  }
0x1df: {  	[tilespmem:v1+s21+$0x0] =	vst.idx.add.f32.msk $0xffff, v0  }
0x1e0: {  	v1 =	vadd.s32 v29, v61;
	v0 =	vld [tilespmem:s25+$0x40]  }
0x1e1: {  	v1 =	vand.u32 $0xFFFFFF00, v1  }
0x1e2: {  	v1 =	vor.u32 v12, v1  }
0x1e3: {  	v30 =	vld [tilespmem:$0x1FE50];
	_ =	sdelay $0x1  }
0x1e4: {  	v0 =	vmul.f32 v0, v10;
	_ =	sdelay $0x1  }
0x1e5: {  	[tilespmem:v1+s21+$0x0] =	vst.idx.add.f32.msk $0xffff, v0  }
0x1e6: {  	v1 =	vadd.s32 v30, v18;
	v0 =	vld [tilespmem:s5+$0x50]  }
0x1e7: {  	v1 =	vand.u32 $0xFFFFFF00, v1  }
0x1e8: {  	v1 =	vor.u32 v13, v1;
	_ =	sdelay $0x2  }
0x1e9: {  	v0 =	vmul.f32 v0, v56;
	_ =	sdelay $0x1  }
0x1ea: {  	[tilespmem:v1+s21+$0x0] =	vst.idx.add.f32.msk $0xffff, v0  }
0x1eb: {  	v1 =	vadd.s32 v30, v61;
	v0 =	vld [tilespmem:s25+$0x50]  }
0x1ec: {  	v1 =	vand.u32 $0xFFFFFF00, v1  }
0x1ed: {  	v1 =	vor.u32 v13, v1  }
0x1ee: {  	v31 =	vld [tilespmem:$0x1FE60];
	_ =	sdelay $0x1  }
0x1ef: {  	v0 =	vmul.f32 v0, v10;
	_ =	sdelay $0x1  }
0x1f0: {  	[tilespmem:v1+s21+$0x0] =	vst.idx.add.f32.msk $0xffff, v0  }
0x1f1: {  	v1 =	vadd.s32 v31, v18;
	v0 =	vld [tilespmem:s5+$0x60]  }
0x1f2: {  	v1 =	vand.u32 $0xFFFFFF00, v1  }
0x1f3: {  	v1 =	vor.u32 v14, v1;
	_ =	sdelay $0x2  }
0x1f4: {  	v0 =	vmul.f32 v0, v56;
	_ =	sdelay $0x1  }
0x1f5: {  	[tilespmem:v1+s21+$0x0] =	vst.idx.add.f32.msk $0xffff, v0  }
0x1f6: {  	v1 =	vadd.s32 v31, v61;
	v0 =	vld [tilespmem:s25+$0x60]  }
0x1f7: {  	v1 =	vand.u32 $0xFFFFFF00, v1  }
0x1f8: {  	v1 =	vor.u32 v14, v1  }
0x1f9: {  	v32 =	vld [tilespmem:$0x1FE70];
	_ =	sdelay $0x1  }
0x1fa: {  	v0 =	vmul.f32 v0, v10;
	_ =	sdelay $0x1  }
0x1fb: {  	[tilespmem:v1+s21+$0x0] =	vst.idx.add.f32.msk $0xffff, v0  }
0x1fc: {  	v1 =	vadd.s32 v32, v18;
	v0 =	vld [tilespmem:s5+$0x70]  }
0x1fd: {  	v1 =	vand.u32 $0xFFFFFF00, v1  }
0x1fe: {  	v1 =	vor.u32 v15, v1;
	_ =	sdelay $0x2  }
0x1ff: {  	v0 =	vmul.f32 v0, v56;
	_ =	sdelay $0x1  }
0x200: {  	[tilespmem:v1+s21+$0x0] =	vst.idx.add.f32.msk $0xffff, v0  }
0x201: {  	v1 =	vadd.s32 v32, v61;
	v0 =	vld [tilespmem:s25+$0x70]  }
0x202: {  	v1 =	vand.u32 $0xFFFFFF00, v1  }
0x203: {  	v1 =	vor.u32 v15, v1  }
0x204: {  	v33 =	vld [tilespmem:$0x1FE80];
	_ =	sdelay $0x1  }
0x205: {  	v0 =	vmul.f32 v0, v10;
	_ =	sdelay $0x1  }
0x206: {  	[tilespmem:v1+s21+$0x0] =	vst.idx.add.f32.msk $0xffff, v0  }
0x207: {  	v1 =	vadd.s32 v33, v18;
	v0 =	vld [tilespmem:s23+$0x0]  }
0x208: {  	v1 =	vand.u32 $0xFFFFFF80, v1  }
0x209: {  	v1 =	vor.u32 v62, v1;
	_ =	sdelay $0x2  }
0x20a: {  	v0 =	vmul.f32 v0, v56;
	_ =	sdelay $0x1  }
0x20b: {  	[tilespmem:v1+s21+$0x0] =	vst.idx.add.f32.msk $0xffff, v0  }
0x20c: {  	v1 =	vadd.s32 v33, v61;
	v0 =	vld [tilespmem:s16+$0x0]  }
0x20d: {  	v1 =	vand.u32 $0xFFFFFF80, v1  }
0x20e: {  	v1 =	vor.u32 v62, v1  }
0x20f: {  	v34 =	vld [tilespmem:$0x1FE90];
	_ =	sdelay $0x1  }
0x210: {  	v0 =	vmul.f32 v0, v10;
	_ =	sdelay $0x1  }
0x211: {  	[tilespmem:v1+s21+$0x0] =	vst.idx.add.f32.msk $0xffff, v0  }
0x212: {  	v1 =	vadd.s32 v34, v18;
	v0 =	vld [tilespmem:s23+$0x10]  }
0x213: {  	v1 =	vand.u32 $0xFFFFFF80, v1  }
0x214: {  	v1 =	vor.u32 v8, v1;
	_ =	sdelay $0x2  }
0x215: {  	v0 =	vmul.f32 v0, v56;
	_ =	sdelay $0x1  }
0x216: {  	[tilespmem:v1+s21+$0x0] =	vst.idx.add.f32.msk $0xffff, v0  }
0x217: {  	v1 =	vadd.s32 v34, v61;
	v0 =	vld [tilespmem:s16+$0x10]  }
0x218: {  	v1 =	vand.u32 $0xFFFFFF80, v1  }
0x219: {  	v1 =	vor.u32 v8, v1  }
0x21a: {  	v35 =	vld [tilespmem:$0x1FEA0];
	_ =	sdelay $0x1  }
0x21b: {  	v0 =	vmul.f32 v0, v10;
	_ =	sdelay $0x1  }
0x21c: {  	[tilespmem:v1+s21+$0x0] =	vst.idx.add.f32.msk $0xffff, v0  }
0x21d: {  	v1 =	vadd.s32 v35, v18;
	v0 =	vld [tilespmem:s23+$0x20]  }
0x21e: {  	v1 =	vand.u32 $0xFFFFFF80, v1  }
0x21f: {  	v1 =	vor.u32 v9, v1;
	_ =	sdelay $0x2  }
0x220: {  	v0 =	vmul.f32 v0, v56;
	_ =	sdelay $0x1  }
0x221: {  	[tilespmem:v1+s21+$0x0] =	vst.idx.add.f32.msk $0xffff, v0  }
0x222: {  	v1 =	vadd.s32 v35, v61;
	v0 =	vld [tilespmem:s16+$0x20]  }
0x223: {  	v1 =	vand.u32 $0xFFFFFF80, v1  }
0x224: {  	v1 =	vor.u32 v9, v1  }
0x225: {  	v36 =	vld [tilespmem:$0x1FEB0];
	_ =	sdelay $0x1  }
0x226: {  	v0 =	vmul.f32 v0, v10;
	_ =	sdelay $0x1  }
0x227: {  	[tilespmem:v1+s21+$0x0] =	vst.idx.add.f32.msk $0xffff, v0  }
0x228: {  	v1 =	vadd.s32 v36, v18;
	v0 =	vld [tilespmem:s23+$0x30]  }
0x229: {  	v1 =	vand.u32 $0xFFFFFF80, v1  }
0x22a: {  	v1 =	vor.u32 v11, v1;
	_ =	sdelay $0x2  }
0x22b: {  	v0 =	vmul.f32 v0, v56;
	_ =	sdelay $0x1  }
0x22c: {  	[tilespmem:v1+s21+$0x0] =	vst.idx.add.f32.msk $0xffff, v0  }
0x22d: {  	v1 =	vadd.s32 v36, v61;
	v0 =	vld [tilespmem:s16+$0x30]  }
0x22e: {  	v1 =	vand.u32 $0xFFFFFF80, v1  }
0x22f: {  	v1 =	vor.u32 v11, v1  }
0x230: {  	v37 =	vld [tilespmem:$0x1FEC0];
	_ =	sdelay $0x1  }
0x231: {  	v0 =	vmul.f32 v0, v10;
	_ =	sdelay $0x1  }
0x232: {  	[tilespmem:v1+s21+$0x0] =	vst.idx.add.f32.msk $0xffff, v0  }
0x233: {  	v1 =	vadd.s32 v37, v18;
	v0 =	vld [tilespmem:s23+$0x40]  }
0x234: {  	v1 =	vand.u32 $0xFFFFFF80, v1  }
0x235: {  	v1 =	vor.u32 v12, v1;
	_ =	sdelay $0x2  }
0x236: {  	v0 =	vmul.f32 v0, v56;
	_ =	sdelay $0x1  }
0x237: {  	[tilespmem:v1+s21+$0x0] =	vst.idx.add.f32.msk $0xffff, v0  }
0x238: {  	v1 =	vadd.s32 v37, v61;
	v0 =	vld [tilespmem:s16+$0x40]  }
0x239: {  	v1 =	vand.u32 $0xFFFFFF80, v1  }
0x23a: {  	v1 =	vor.u32 v12, v1  }
0x23b: {  	v38 =	vld [tilespmem:$0x1FED0];
	_ =	sdelay $0x1  }
0x23c: {  	v0 =	vmul.f32 v0, v10;
	_ =	sdelay $0x1  }
0x23d: {  	[tilespmem:v1+s21+$0x0] =	vst.idx.add.f32.msk $0xffff, v0  }
0x23e: {  	v1 =	vadd.s32 v38, v18;
	v0 =	vld [tilespmem:s23+$0x50]  }
0x23f: {  	v1 =	vand.u32 $0xFFFFFF80, v1  }
0x240: {  	v1 =	vor.u32 v13, v1;
	_ =	sdelay $0x2  }
0x241: {  	v0 =	vmul.f32 v0, v56;
	_ =	sdelay $0x1  }
0x242: {  	[tilespmem:v1+s21+$0x0] =	vst.idx.add.f32.msk $0xffff, v0  }
0x243: {  	v1 =	vadd.s32 v38, v61;
	v0 =	vld [tilespmem:s16+$0x50]  }
0x244: {  	v1 =	vand.u32 $0xFFFFFF80, v1  }
0x245: {  	v1 =	vor.u32 v13, v1  }
0x246: {  	v39 =	vld [tilespmem:$0x1FEE0];
	_ =	sdelay $0x1  }
0x247: {  	v0 =	vmul.f32 v0, v10;
	_ =	sdelay $0x1  }
0x248: {  	[tilespmem:v1+s21+$0x0] =	vst.idx.add.f32.msk $0xffff, v0  }
0x249: {  	v1 =	vadd.s32 v39, v18;
	v0 =	vld [tilespmem:s23+$0x60]  }
0x24a: {  	v1 =	vand.u32 $0xFFFFFF80, v1  }
0x24b: {  	v1 =	vor.u32 v14, v1;
	_ =	sdelay $0x2  }
0x24c: {  	v0 =	vmul.f32 v0, v56;
	_ =	sdelay $0x1  }
0x24d: {  	[tilespmem:v1+s21+$0x0] =	vst.idx.add.f32.msk $0xffff, v0  }
0x24e: {  	v1 =	vadd.s32 v39, v61;
	v0 =	vld [tilespmem:s16+$0x60]  }
0x24f: {  	v1 =	vand.u32 $0xFFFFFF80, v1  }
0x250: {  	v1 =	vor.u32 v14, v1  }
0x251: {  	v40 =	vld [tilespmem:$0x1FEF0];
	_ =	sdelay $0x1  }
0x252: {  	v0 =	vmul.f32 v0, v10;
	_ =	sdelay $0x1  }
0x253: {  	[tilespmem:v1+s21+$0x0] =	vst.idx.add.f32.msk $0xffff, v0  }
0x254: {  	v1 =	vadd.s32 v40, v18;
	v0 =	vld [tilespmem:s23+$0x70]  }
0x255: {  	v1 =	vand.u32 $0xFFFFFF80, v1  }
0x256: {  	v1 =	vor.u32 v15, v1;
	_ =	sdelay $0x2  }
0x257: {  	v0 =	vmul.f32 v0, v56;
	_ =	sdelay $0x1  }
0x258: {  	[tilespmem:v1+s21+$0x0] =	vst.idx.add.f32.msk $0xffff, v0  }
0x259: {  	v1 =	vadd.s32 v40, v61;
	v0 =	vld [tilespmem:s16+$0x70]  }
0x25a: {  	v1 =	vand.u32 $0xFFFFFF80, v1  }
0x25b: {  	v1 =	vor.u32 v15, v1  }
0x25c: {  	v41 =	vld [tilespmem:$0x1FF00];
	_ =	sdelay $0x1  }
0x25d: {  	v0 =	vmul.f32 v0, v10;
	_ =	sdelay $0x1  }
0x25e: {  	[tilespmem:v1+s21+$0x0] =	vst.idx.add.f32.msk $0xffff, v0  }
0x25f: {  	v1 =	vadd.s32 v41, v18;
	v0 =	vld [tilespmem:s1+$0x0]  }
0x260: {  	v1 =	vand.u32 $0xFFFFFF00, v1  }
0x261: {  	v1 =	vor.u32 v62, v1;
	_ =	sdelay $0x2  }
0x262: {  	v0 =	vmul.f32 v0, v56;
	_ =	sdelay $0x1  }
0x263: {  	[tilespmem:v1+s21+$0x0] =	vst.idx.add.f32.msk $0xffff, v0  }
0x264: {  	v1 =	vadd.s32 v41, v61;
	v0 =	vld [tilespmem:s14+$0x0]  }
0x265: {  	v1 =	vand.u32 $0xFFFFFF00, v1  }
0x266: {  	v1 =	vor.u32 v62, v1  }
0x267: {  	v42 =	vld [tilespmem:$0x1FF10];
	_ =	sdelay $0x1  }
0x268: {  	v0 =	vmul.f32 v0, v10;
	_ =	sdelay $0x1  }
0x269: {  	[tilespmem:v1+s21+$0x0] =	vst.idx.add.f32.msk $0xffff, v0  }
0x26a: {  	v1 =	vadd.s32 v42, v18;
	v0 =	vld [tilespmem:s1+$0x10]  }
0x26b: {  	v1 =	vand.u32 $0xFFFFFF00, v1  }
0x26c: {  	v1 =	vor.u32 v8, v1;
	_ =	sdelay $0x2  }
0x26d: {  	v0 =	vmul.f32 v0, v56;
	_ =	sdelay $0x1  }
0x26e: {  	[tilespmem:v1+s21+$0x0] =	vst.idx.add.f32.msk $0xffff, v0  }
0x26f: {  	v1 =	vadd.s32 v42, v61;
	v0 =	vld [tilespmem:s14+$0x10]  }
0x270: {  	v1 =	vand.u32 $0xFFFFFF00, v1  }
0x271: {  	v1 =	vor.u32 v8, v1  }
0x272: {  	v43 =	vld [tilespmem:$0x1FF20];
	_ =	sdelay $0x1  }
0x273: {  	v0 =	vmul.f32 v0, v10;
	_ =	sdelay $0x1  }
0x274: {  	[tilespmem:v1+s21+$0x0] =	vst.idx.add.f32.msk $0xffff, v0  }
0x275: {  	v1 =	vadd.s32 v43, v18;
	v0 =	vld [tilespmem:s1+$0x20]  }
0x276: {  	v1 =	vand.u32 $0xFFFFFF00, v1  }
0x277: {  	v1 =	vor.u32 v9, v1;
	_ =	sdelay $0x2  }
0x278: {  	v0 =	vmul.f32 v0, v56;
	_ =	sdelay $0x1  }
0x279: {  	[tilespmem:v1+s21+$0x0] =	vst.idx.add.f32.msk $0xffff, v0  }
0x27a: {  	v1 =	vadd.s32 v43, v61;
	v0 =	vld [tilespmem:s14+$0x20]  }
0x27b: {  	v1 =	vand.u32 $0xFFFFFF00, v1  }
0x27c: {  	v1 =	vor.u32 v9, v1  }
0x27d: {  	v44 =	vld [tilespmem:$0x1FF30];
	_ =	sdelay $0x1  }
0x27e: {  	v0 =	vmul.f32 v0, v10;
	_ =	sdelay $0x1  }
0x27f: {  	[tilespmem:v1+s21+$0x0] =	vst.idx.add.f32.msk $0xffff, v0  }
0x280: {  	v1 =	vadd.s32 v44, v18;
	v0 =	vld [tilespmem:s1+$0x30]  }
0x281: {  	v1 =	vand.u32 $0xFFFFFF00, v1  }
0x282: {  	v1 =	vor.u32 v11, v1;
	_ =	sdelay $0x2  }
0x283: {  	v0 =	vmul.f32 v0, v56;
	_ =	sdelay $0x1  }
0x284: {  	[tilespmem:v1+s21+$0x0] =	vst.idx.add.f32.msk $0xffff, v0  }
0x285: {  	v1 =	vadd.s32 v44, v61;
	v0 =	vld [tilespmem:s14+$0x30]  }
0x286: {  	v1 =	vand.u32 $0xFFFFFF00, v1  }
0x287: {  	v1 =	vor.u32 v11, v1  }
0x288: {  	v45 =	vld [tilespmem:$0x1FF40];
	_ =	sdelay $0x1  }
0x289: {  	v0 =	vmul.f32 v0, v10;
	_ =	sdelay $0x1  }
0x28a: {  	[tilespmem:v1+s21+$0x0] =	vst.idx.add.f32.msk $0xffff, v0  }
0x28b: {  	v1 =	vadd.s32 v45, v18;
	v0 =	vld [tilespmem:s1+$0x40]  }
0x28c: {  	v1 =	vand.u32 $0xFFFFFF00, v1  }
0x28d: {  	v1 =	vor.u32 v12, v1;
	_ =	sdelay $0x2  }
0x28e: {  	v0 =	vmul.f32 v0, v56;
	_ =	sdelay $0x1  }
0x28f: {  	[tilespmem:v1+s21+$0x0] =	vst.idx.add.f32.msk $0xffff, v0  }
0x290: {  	v1 =	vadd.s32 v45, v61;
	v0 =	vld [tilespmem:s14+$0x40]  }
0x291: {  	v1 =	vand.u32 $0xFFFFFF00, v1  }
0x292: {  	v1 =	vor.u32 v12, v1  }
0x293: {  	v46 =	vld [tilespmem:$0x1FF50];
	_ =	sdelay $0x1  }
0x294: {  	v0 =	vmul.f32 v0, v10;
	_ =	sdelay $0x1  }
0x295: {  	[tilespmem:v1+s21+$0x0] =	vst.idx.add.f32.msk $0xffff, v0  }
0x296: {  	v1 =	vadd.s32 v46, v18;
	v0 =	vld [tilespmem:s1+$0x50]  }
0x297: {  	v1 =	vand.u32 $0xFFFFFF00, v1  }
0x298: {  	v1 =	vor.u32 v13, v1;
	_ =	sdelay $0x2  }
0x299: {  	v0 =	vmul.f32 v0, v56;
	_ =	sdelay $0x1  }
0x29a: {  	[tilespmem:v1+s21+$0x0] =	vst.idx.add.f32.msk $0xffff, v0  }
0x29b: {  	v1 =	vadd.s32 v46, v61;
	v0 =	vld [tilespmem:s14+$0x50]  }
0x29c: {  	v1 =	vand.u32 $0xFFFFFF00, v1  }
0x29d: {  	v1 =	vor.u32 v13, v1  }
0x29e: {  	v47 =	vld [tilespmem:$0x1FF60];
	_ =	sdelay $0x1  }
0x29f: {  	v0 =	vmul.f32 v0, v10;
	_ =	sdelay $0x1  }
0x2a0: {  	[tilespmem:v1+s21+$0x0] =	vst.idx.add.f32.msk $0xffff, v0  }
0x2a1: {  	v1 =	vadd.s32 v47, v18;
	v0 =	vld [tilespmem:s1+$0x60]  }
0x2a2: {  	v1 =	vand.u32 $0xFFFFFF00, v1  }
0x2a3: {  	v1 =	vor.u32 v14, v1;
	_ =	sdelay $0x2  }
0x2a4: {  	v0 =	vmul.f32 v0, v56;
	_ =	sdelay $0x1  }
0x2a5: {  	[tilespmem:v1+s21+$0x0] =	vst.idx.add.f32.msk $0xffff, v0  }
0x2a6: {  	v1 =	vadd.s32 v47, v61;
	v0 =	vld [tilespmem:s14+$0x60]  }
0x2a7: {  	v1 =	vand.u32 $0xFFFFFF00, v1  }
0x2a8: {  	v1 =	vor.u32 v14, v1  }
0x2a9: {  	v48 =	vld [tilespmem:$0x1FF70];
	_ =	sdelay $0x1  }
0x2aa: {  	v0 =	vmul.f32 v0, v10;
	_ =	sdelay $0x1  }
0x2ab: {  	[tilespmem:v1+s21+$0x0] =	vst.idx.add.f32.msk $0xffff, v0  }
0x2ac: {  	v1 =	vadd.s32 v48, v18;
	v0 =	vld [tilespmem:s1+$0x70]  }
0x2ad: {  	v1 =	vand.u32 $0xFFFFFF00, v1  }
0x2ae: {  	v1 =	vor.u32 v15, v1;
	_ =	sdelay $0x2  }
0x2af: {  	v0 =	vmul.f32 v0, v56;
	_ =	sdelay $0x1  }
0x2b0: {  	[tilespmem:v1+s21+$0x0] =	vst.idx.add.f32.msk $0xffff, v0  }
0x2b1: {  	v1 =	vadd.s32 v48, v61;
	v0 =	vld [tilespmem:s14+$0x70]  }
0x2b2: {  	v1 =	vand.u32 $0xFFFFFF00, v1  }
0x2b3: {  	v1 =	vor.u32 v15, v1  }
0x2b4: {  	v49 =	vld [tilespmem:$0x1FF80];
	_ =	sdelay $0x1  }
0x2b5: {  	v0 =	vmul.f32 v0, v10;
	_ =	sdelay $0x1  }
0x2b6: {  	[tilespmem:v1+s21+$0x0] =	vst.idx.add.f32.msk $0xffff, v0  }
0x2b7: {  	v1 =	vadd.s32 v49, v18;
	v0 =	vld [tilespmem:s2+$0x0]  }
0x2b8: {  	v1 =	vand.u32 $0xFFFFFF80, v1  }
0x2b9: {  	v1 =	vor.u32 v62, v1;
	_ =	sdelay $0x2  }
0x2ba: {  	v0 =	vmul.f32 v0, v56;
	_ =	sdelay $0x1  }
0x2bb: {  	[tilespmem:v1+s21+$0x0] =	vst.idx.add.f32.msk $0xffff, v0  }
0x2bc: {  	v1 =	vadd.s32 v49, v61;
	v0 =	vld [tilespmem:s24+$0x0]  }
0x2bd: {  	v1 =	vand.u32 $0xFFFFFF80, v1  }
0x2be: {  	v1 =	vor.u32 v62, v1  }
0x2bf: {  	v62 =	vld [tilespmem:$0x1FF90];
	_ =	sdelay $0x1  }
0x2c0: {  	v0 =	vmul.f32 v0, v10;
	_ =	sdelay $0x1  }
0x2c1: {  	[tilespmem:v1+s21+$0x0] =	vst.idx.add.f32.msk $0xffff, v0  }
0x2c2: {  	v1 =	vadd.s32 v62, v18;
	v0 =	vld [tilespmem:s2+$0x10]  }
0x2c3: {  	v1 =	vand.u32 $0xFFFFFF80, v1  }
0x2c4: {  	v1 =	vor.u32 v8, v1;
	_ =	sdelay $0x2  }
0x2c5: {  	v0 =	vmul.f32 v0, v56;
	_ =	sdelay $0x1  }
0x2c6: {  	[tilespmem:v1+s21+$0x0] =	vst.idx.add.f32.msk $0xffff, v0  }
0x2c7: {  	v1 =	vadd.s32 v62, v61;
	v0 =	vld [tilespmem:s24+$0x10]  }
0x2c8: {  	v1 =	vand.u32 $0xFFFFFF80, v1  }
0x2c9: {  	v1 =	vor.u32 v8, v1  }
0x2ca: {  	v50 =	vld [tilespmem:$0x1FFA0];
	_ =	sdelay $0x1  }
0x2cb: {  	v0 =	vmul.f32 v0, v10;
	_ =	sdelay $0x1  }
0x2cc: {  	[tilespmem:v1+s21+$0x0] =	vst.idx.add.f32.msk $0xffff, v0  }
0x2cd: {  	v1 =	vadd.s32 v50, v18;
	v0 =	vld [tilespmem:s2+$0x20]  }
0x2ce: {  	v1 =	vand.u32 $0xFFFFFF80, v1  }
0x2cf: {  	v1 =	vor.u32 v9, v1;
	_ =	sdelay $0x2  }
0x2d0: {  	v0 =	vmul.f32 v0, v56;
	_ =	sdelay $0x1  }
0x2d1: {  	[tilespmem:v1+s21+$0x0] =	vst.idx.add.f32.msk $0xffff, v0  }
0x2d2: {  	v1 =	vadd.s32 v50, v61;
	v0 =	vld [tilespmem:s24+$0x20]  }
0x2d3: {  	v1 =	vand.u32 $0xFFFFFF80, v1  }
0x2d4: {  	v1 =	vor.u32 v9, v1  }
0x2d5: {  	v51 =	vld [tilespmem:$0x1FFB0];
	_ =	sdelay $0x1  }
0x2d6: {  	v0 =	vmul.f32 v0, v10;
	_ =	sdelay $0x1  }
0x2d7: {  	[tilespmem:v1+s21+$0x0] =	vst.idx.add.f32.msk $0xffff, v0  }
0x2d8: {  	v1 =	vadd.s32 v51, v18;
	v0 =	vld [tilespmem:s2+$0x30]  }
0x2d9: {  	v1 =	vand.u32 $0xFFFFFF80, v1  }
0x2da: {  	v1 =	vor.u32 v11, v1;
	_ =	sdelay $0x2  }
0x2db: {  	v0 =	vmul.f32 v0, v56;
	_ =	sdelay $0x1  }
0x2dc: {  	[tilespmem:v1+s21+$0x0] =	vst.idx.add.f32.msk $0xffff, v0  }
0x2dd: {  	v1 =	vadd.s32 v51, v61;
	v0 =	vld [tilespmem:s24+$0x30]  }
0x2de: {  	v1 =	vand.u32 $0xFFFFFF80, v1  }
0x2df: {  	v1 =	vor.u32 v11, v1  }
0x2e0: {  	v52 =	vld [tilespmem:$0x1FFC0];
	_ =	sdelay $0x1  }
0x2e1: {  	v0 =	vmul.f32 v0, v10;
	_ =	sdelay $0x1  }
0x2e2: {  	[tilespmem:v1+s21+$0x0] =	vst.idx.add.f32.msk $0xffff, v0  }
0x2e3: {  	v1 =	vadd.s32 v52, v18;
	v0 =	vld [tilespmem:s2+$0x40]  }
0x2e4: {  	v1 =	vand.u32 $0xFFFFFF80, v1  }
0x2e5: {  	v1 =	vor.u32 v12, v1;
	_ =	sdelay $0x2  }
0x2e6: {  	v0 =	vmul.f32 v0, v56;
	_ =	sdelay $0x1  }
0x2e7: {  	[tilespmem:v1+s21+$0x0] =	vst.idx.add.f32.msk $0xffff, v0  }
0x2e8: {  	v1 =	vadd.s32 v52, v61;
	v0 =	vld [tilespmem:s24+$0x40]  }
0x2e9: {  	v1 =	vand.u32 $0xFFFFFF80, v1  }
0x2ea: {  	v1 =	vor.u32 v12, v1  }
0x2eb: {  	v53 =	vld [tilespmem:$0x1FFD0];
	_ =	sdelay $0x1  }
0x2ec: {  	v0 =	vmul.f32 v0, v10;
	_ =	sdelay $0x1  }
0x2ed: {  	[tilespmem:v1+s21+$0x0] =	vst.idx.add.f32.msk $0xffff, v0  }
0x2ee: {  	v1 =	vadd.s32 v53, v18;
	v0 =	vld [tilespmem:s2+$0x50]  }
0x2ef: {  	v1 =	vand.u32 $0xFFFFFF80, v1  }
0x2f0: {  	v1 =	vor.u32 v13, v1;
	_ =	sdelay $0x2  }
0x2f1: {  	v0 =	vmul.f32 v0, v56;
	_ =	sdelay $0x1  }
0x2f2: {  	[tilespmem:v1+s21+$0x0] =	vst.idx.add.f32.msk $0xffff, v0  }
0x2f3: {  	v1 =	vadd.s32 v53, v61;
	v0 =	vld [tilespmem:s24+$0x50]  }
0x2f4: {  	v1 =	vand.u32 $0xFFFFFF80, v1  }
0x2f5: {  	v1 =	vor.u32 v13, v1  }
0x2f6: {  	v60 =	vld [tilespmem:$0x1FFE0];
	_ =	sdelay $0x1  }
0x2f7: {  	v0 =	vmul.f32 v0, v10;
	_ =	sdelay $0x1  }
0x2f8: {  	[tilespmem:v1+s21+$0x0] =	vst.idx.add.f32.msk $0xffff, v0  }
0x2f9: {  	v1 =	vadd.s32 v60, v18;
	v0 =	vld [tilespmem:s2+$0x60]  }
0x2fa: {  	v1 =	vand.u32 $0xFFFFFF80, v1  }
0x2fb: {  	v1 =	vor.u32 v14, v1;
	_ =	sdelay $0x2  }
0x2fc: {  	v0 =	vmul.f32 v0, v56;
	_ =	sdelay $0x1  }
0x2fd: {  	[tilespmem:v1+s21+$0x0] =	vst.idx.add.f32.msk $0xffff, v0  }
0x2fe: {  	v1 =	vadd.s32 v60, v61;
	v0 =	vld [tilespmem:s24+$0x60]  }
0x2ff: {  	v1 =	vand.u32 $0xFFFFFF80, v1  }
0x300: {  	v1 =	vor.u32 v14, v1;
	_ =	sdelay $0x2  }
0x301: {  	v0 =	vmul.f32 v0, v10;
	_ =	sdelay $0x1  }
0x302: {  	[tilespmem:v1+s21+$0x0] =	vst.idx.add.f32.msk $0xffff, v0  }
0x303: {  	v1 =	vld [tilespmem:$0x1FFF0];
	_ =	sdelay $0x4  }
0x304: {  	v0 =	vld [tilespmem:s2+$0x70];
	v1 =	vadd.s32 v1, v18  }
0x305: {  	v1 =	vand.u32 $0xFFFFFF80, v1  }
0x306: {  	v1 =	vor.u32 v15, v1  }
0x307: {  	v63 =	vld [tilespmem:$0x1FFF0];
	_ =	sdelay $0x1  }
0x308: {  	v0 =	vmul.f32 v0, v56  }
0x309: {  	v3 =	vld [tilespmem:$0x1FCC0]  }
0x30a: {  	[tilespmem:v1+s21+$0x0] =	vst.idx.add.f32.msk $0xffff, v0  }
0x30b: {  	v1 =	vadd.s32 v63, v61;
	v0 =	vld [tilespmem:s24+$0x70]  }
0x30c: {  	v1 =	vand.u32 $0xFFFFFF80, v1  }
0x30d: {  	p2 =	sne.s32 s3, $0xF;
	v1 =	vor.u32 v15, v1  }
.Ltmp1:
0x30e: {  	v4 =	vimm.f32 $0.0e+00;
	vm0 =	vge.f32 v54, $0.0e+00;
	(pc) =	sbr.rel @p2 .LBB2_5-.Ltmp1, $4  }
0x30f: {  	v2 =	vsel vm0, $0x3D800000, v4  }
0x310: {  	vm15 =	vge.f32 v55, $0.0e+00;
	v2 =	vadd.f32 v2, v3;
	v0 =	vmul.f32 v0, v10  }
0x311: {  	v3 =	vsel vm15, $0x3D800000, v4  }
0x312: {  	s31 =	sadd.s32 $0x100, s31;
	s3 =	sadd.s32 $0x1, s3;
	s30 =	sadd.s32 $0x2, s30;
	v2 =	vadd.f32 v3, v2;
	[tilespmem:v1+s21+$0x0] =	vst.idx.add.f32.msk $0xffff, v0  }
0x313: {  	s1 =	sadd.s32 @!p1 s29, s9  }
0x314: {  	s1 =	sshrl.u32 @!p1 s1, $0x3  }
0x315: {  	s1 =	smul.u32 @!p1 $0x300, s1;
	_ =	sdelay $0x1  }
0x316: {  	s2 =	simm.s32 @!p1 $0x0;
	s1 =	sadd.s32 @!p1 s0, s1  }
0x317: {  	[tilespmem:s2], [sflag:$0x1] =	stream.linear.gather @!p1 [hbm4b:s1+s2], $0x6000, $0x38;
	[tilespmem:$0xF500] =	vst v63  }
0x318: {  	_ =	swait.ge [sflag:s22], $0x6000  }
0x319: {  	s29 =	sadd.s32 $0x21, s29;
	[sflag:s22] =	ssyncset.done $0x0  }
0x31a: {  	s30 =	simm.s32 $0x0;
	s31 =	simm.s32 $0x0;
	[sflag:s22] =	ssyncadd.s32 $0xFFFFA000  }
.LBB2_7:
0x31b: {  	v6 =	vld [tilespmem:$0xC080]  }
0x31c: {  	v9 =	vld [tilespmem:$0xC090]  }
0x31d: {  	v12 =	vld [tilespmem:$0xC0A0]  }
0x31e: {  	v20 =	vld [tilespmem:$0xC0B0]  }
0x31f: {  	v18 =	vld [tilespmem:$0xC0C0]  }
0x320: {  	s1 =	sshrl.u32 s31, $0x2;
	v33 =	vld [tilespmem:$0xC0D0]  }
0x321: {  	v43 =	vld [tilespmem:$0xC0E0];
	s1 =	smul.u32 $0x6000, s1  }
0x322: {  	v46 =	vld [tilespmem:$0xC0F0]  }
0x323: {  	v49 =	vld [tilespmem:$0xC100];
	s25 =	sshra.s32 s1, $0x2  }
0x324: {  	s2 =	sand.u32 $0x300, s30;
	v52 =	vld [tilespmem:$0xC110];
	s10 =	sadd.s32 $0x6800, s25  }
0x325: {  	v58 =	vld [tilespmem:$0xC120];
	s5 =	sor.u32 s2, s10  }
0x326: {  	v0 =	vld [tilespmem:s5+$0x20]  }
0x327: {  	v1 =	vld [tilespmem:$0xC130]  }
0x328: {  	v10 =	vld [tilespmem:$0xC150]  }
0x329: {  	v4 =	vld [tilespmem:$0xC160];
	s23 =	sor.u32 $0x80, s2  }
0x32a: {  	v5 =	vld [tilespmem:$0xC170];
	s24 =	sor.u32 s23, s10  }
0x32b: {  	[tilespmem:$0x1FA30] =	vst v0;
	v0 =	vld [tilespmem:s24+$0x20]  }
0x32c: {  	v3 =	vld [tilespmem:$0xC180]  }
0x32d: {  	v36 =	vld [tilespmem:$0xC190]  }
0x32e: {  	v38 =	vld [tilespmem:$0xC1A0]  }
0x32f: {  	v35 =	vld [tilespmem:$0xC1B0]  }
0x330: {  	[tilespmem:$0x1FA40] =	vst v0;
	v0 =	vld [tilespmem:s5+$0x30]  }
0x331: {  	v27 =	vld [tilespmem:$0xC1C0]  }
0x332: {  	v24 =	vld [tilespmem:$0xC1D0]  }
0x333: {  	v22 =	vld [tilespmem:$0xC1E0]  }
0x334: {  	v8 =	vld [tilespmem:$0xC1F0]  }
0x335: {  	[tilespmem:$0x1FA50] =	vst v0;
	v0 =	vld [tilespmem:s24+$0x30]  }
0x336: {  	v7 =	vld [tilespmem:$0xC200]  }
0x337: {  	v61 =	vld [tilespmem:$0xC210]  }
0x338: {  	v55 =	vld [tilespmem:$0xC220]  }
0x339: {  	[tilespmem:$0x1FCC0] =	vst v2;
	v2 =	vld [tilespmem:$0xC140];
	s1 =	sadd.s32 $0x6000, s25  }
0x33a: {  	s7 =	sor.u32 s2, s1;
	[tilespmem:$0x1FA60] =	vst v0;
	v0 =	vld [tilespmem:s5+$0x40]  }
0x33b: {  	s8 =	sor.u32 s23, s1;
	v56 =	vld [tilespmem:s7+$0x0]  }
0x33c: {  	v11 =	vld [tilespmem:s8+$0x0]  }
0x33d: {  	v13 =	vld [tilespmem:s7+$0x10]  }
0x33e: {  	v62 =	vld [tilespmem:s8+$0x10]  }
0x33f: {  	[tilespmem:$0x1FA70] =	vst v0;
	v0 =	vld [tilespmem:s24+$0x40]  }
0x340: {  	v14 =	vld [tilespmem:s7+$0x20]  }
0x341: {  	v15 =	vld [tilespmem:s8+$0x20]  }
0x342: {  	v19 =	vld [tilespmem:s7+$0x30]  }
0x343: {  	v26 =	vld [tilespmem:s8+$0x30]  }
0x344: {  	[tilespmem:$0x1FA80] =	vst v0;
	v0 =	vld [tilespmem:s5+$0x50]  }
0x345: {  	v17 =	vld [tilespmem:s7+$0x40]  }
0x346: {  	v29 =	vld [tilespmem:s8+$0x40]  }
0x347: {  	v31 =	vld [tilespmem:s7+$0x50]  }
0x348: {  	v41 =	vld [tilespmem:s8+$0x50]  }
0x349: {  	[tilespmem:$0x1FA90] =	vst v0;
	v0 =	vld [tilespmem:s24+$0x50]  }
0x34a: {  	v42 =	vld [tilespmem:s7+$0x60]  }
0x34b: {  	v44 =	vld [tilespmem:s8+$0x60]  }
0x34c: {  	v45 =	vld [tilespmem:s7+$0x70]  }
0x34d: {  	v47 =	vld [tilespmem:s8+$0x70]  }
0x34e: {  	[tilespmem:$0x1FAA0] =	vst v0;
	v0 =	vld [tilespmem:s5+$0x60]  }
0x34f: {  	v48 =	vld [tilespmem:s7+$0x400]  }
0x350: {  	v50 =	vld [tilespmem:s8+$0x400]  }
0x351: {  	v51 =	vld [tilespmem:s7+$0x410]  }
0x352: {  	v53 =	vld [tilespmem:s8+$0x410]  }
0x353: {  	[tilespmem:$0x1FAB0] =	vst v0;
	v0 =	vld [tilespmem:s24+$0x60]  }
0x354: {  	v63 =	vld [tilespmem:s7+$0x420]  }
0x355: {  	v60 =	vld [tilespmem:s8+$0x420]  }
0x356: {  	v16 =	vld [tilespmem:s7+$0x430]  }
0x357: {  	v21 =	vld [tilespmem:s8+$0x430]  }
0x358: {  	[tilespmem:$0x1FAC0] =	vst v0;
	v0 =	vld [tilespmem:s5+$0x70]  }
0x359: {  	v28 =	vld [tilespmem:s7+$0x440]  }
0x35a: {  	v23 =	vld [tilespmem:s8+$0x440]  }
0x35b: {  	v30 =	vld [tilespmem:s7+$0x450]  }
0x35c: {  	v25 =	vld [tilespmem:s8+$0x450]  }
0x35d: {  	[tilespmem:$0x1FAD0] =	vst v0;
	v0 =	vld [tilespmem:s24+$0x70]  }
0x35e: {  	v32 =	vld [tilespmem:s7+$0x460]  }
0x35f: {  	v39 =	vld [tilespmem:s8+$0x460]  }
0x360: {  	s14 =	sadd.s32 $0x6C00, s25;
	v57 =	vld [tilespmem:s7+$0x470]  }
0x361: {  	s16 =	sor.u32 s2, s14;
	v37 =	vld [tilespmem:s8+$0x470]  }
0x362: {  	[tilespmem:$0x1FAE0] =	vst v0;
	v0 =	vld [tilespmem:s16+$0x0]  }
0x363: {  	v40 =	vld [tilespmem:s5+$0x0]  }
0x364: {  	v34 =	vld [tilespmem:s24+$0x0]  }
0x365: {  	v54 =	vld [tilespmem:s5+$0x10]  }
0x366: {  	s14 =	sor.u32 s23, s14;
	v59 =	vld [tilespmem:s24+$0x10];
	v13 =	vmul.f32 v9, v13  }
0x367: {  	v17 =	vmul.f32 v18, v17;
	v9 =	vmul.f32 v62, v9;
	[tilespmem:$0x1FAF0] =	vst v0;
	v0 =	vld [tilespmem:s14+$0x0]  }
0x368: {  	v14 =	vmul.f32 v12, v14;
	v62 =	vld [tilespmem:$0xC240];
	v12 =	vmul.f32 v15, v12  }
0x369: {  	v15 =	vmul.f32 v29, v18;
	v29 =	vmul.f32 v33, v31;
	v18 =	vld [tilespmem:s16+$0x50]  }
0x36a: {  	v33 =	vmul.f32 v41, v33;
	v41 =	vmul.f32 v20, v19;
	v19 =	vld [tilespmem:$0xC250]  }
0x36b: {  	v31 =	vld [tilespmem:s16+$0x60]  }
0x36c: {  	s3 =	sadd.s32 $0x7000, s25;
	v11 =	vmul.f32 v11, v6;
	[tilespmem:$0x1FB00] =	vst v0;
	v0 =	vld [tilespmem:s16+$0x10]  }
0x36d: {  	s1 =	sor.u32 s2, s3;
	v20 =	vmul.f32 v26, v20;
	v26 =	vmul.f32 v44, v43;
	v44 =	vld [tilespmem:s14+$0x60]  }
0x36e: {  	v28 =	vmul.f32 v2, v28;
	v2 =	vmul.f32 v23, v2;
	v23 =	vld [tilespmem:s1+$0x10];
	v13 =	vadd.f32 $0.0e+00, v13  }
0x36f: {  	v30 =	vmul.f32 v10, v30;
	v10 =	vmul.f32 v25, v10;
	v25 =	vld [tilespmem:s1+$0x30]  }
0x370: {  	v9 =	vadd.f32 $0.0e+00, v9;
	v13 =	vadd.f32 v29, v13;
	v29 =	vld [tilespmem:s14+$0x50]  }
0x371: {  	v11 =	vadd.f32 $0.0e+00, v11;
	v12 =	vadd.f32 $0.0e+00, v12;
	[tilespmem:$0x1FB10] =	vst v0;
	v0 =	vld [tilespmem:s14+$0x10]  }
0x372: {  	v41 =	vadd.f32 $0.0e+00, v41;
	v9 =	vadd.f32 v33, v9;
	v33 =	vld [tilespmem:$0xC260]  }
0x373: {  	v11 =	vadd.f32 v15, v11;
	v15 =	vmul.f32 v43, v42;
	v42 =	vmul.f32 v46, v45;
	v45 =	vld [tilespmem:s16+$0x70]  }
0x374: {  	v14 =	vadd.f32 $0.0e+00, v14;
	v43 =	vmul.f32 v47, v46;
	v46 =	vld [tilespmem:s14+$0x70]  }
0x375: {  	v12 =	vadd.f32 v26, v12;
	v26 =	vadd.f32 v42, v41;
	v42 =	vld [tilespmem:$0xC270]  }
0x376: {  	v41 =	vmul.f32 v50, v49;
	[tilespmem:$0x1FB20] =	vst v0;
	v0 =	vld [tilespmem:s16+$0x20]  }
0x377: {  	v20 =	vadd.f32 $0.0e+00, v20;
	v14 =	vadd.f32 v15, v14;
	v15 =	vmul.f32 v49, v48;
	v48 =	vld [tilespmem:s1+$0x0]  }
0x378: {  	s3 =	sor.u32 s23, s3;
	v11 =	vadd.f32 v41, v11;
	v41 =	vmul.f32 v58, v63;
	v63 =	vmul.f32 v1, v16;
	v16 =	vld [tilespmem:$0xC280]  }
0x379: {  	v20 =	vadd.f32 v43, v20;
	v43 =	vmul.f32 v53, v52;
	v1 =	vmul.f32 v21, v1;
	v21 =	vld [tilespmem:s3+$0x0]  }
0x37a: {  	v58 =	vmul.f32 v60, v58;
	v14 =	vadd.f32 v41, v14;
	v41 =	vadd.f32 v63, v26;
	v63 =	vld [tilespmem:$0xC290]  }
0x37b: {  	v32 =	vmul.f32 v4, v32;
	v9 =	vadd.f32 v43, v9;
	[tilespmem:$0x1FB30] =	vst v0;
	v0 =	vld [tilespmem:s14+$0x20]  }
0x37c: {  	v12 =	vadd.f32 v58, v12;
	v1 =	vadd.f32 v1, v20;
	v20 =	vld [tilespmem:s3+$0x10]  }
0x37d: {  	v2 =	vadd.f32 v2, v11;
	v11 =	vadd.f32 v32, v14;
	v32 =	vld [tilespmem:$0x1FA50]  }
0x37e: {  	v9 =	vadd.f32 v10, v9;
	v10 =	vld [tilespmem:s1+$0x20];
	v58 =	vmul.f32 v3, v40;
	v3 =	vmul.f32 v34, v3  }
0x37f: {  	v57 =	vmul.f32 v5, v57;
	v5 =	vmul.f32 v37, v5;
	v37 =	vld [tilespmem:$0x1FA80]  }
0x380: {  	v2 =	vadd.f32 v3, v2;
	v3 =	vmul.f32 v59, v36;
	[tilespmem:$0x1FB40] =	vst v0;
	v0 =	vld [tilespmem:s16+$0x30]  }
0x381: {  	v1 =	vadd.f32 v5, v1;
	v5 =	vmul.f32 v36, v54;
	v54 =	vld [tilespmem:$0x1FAB0]  }
0x382: {  	v14 =	vadd.f32 v57, v41;
	v3 =	vadd.f32 v3, v9;
	v9 =	vmul.f32 v35, v32;
	v57 =	vld [tilespmem:$0x1FAC0]  }
0x383: {  	v36 =	vld [tilespmem:$0xC2B0]  }
0x384: {  	v34 =	vld [tilespmem:$0x1FA60];
	v9 =	vadd.f32 v9, v14;
	v14 =	vmul.f32 v37, v27  }
0x385: {  	s10 =	sadd.s32 $0x7400, s25;
	v32 =	vld [tilespmem:$0xC2C0];
	[tilespmem:$0x1FB50] =	vst v0;
	v0 =	vmul.f32 v6, v56  }
0x386: {  	s2 =	sor.u32 s2, s10;
	v4 =	vmul.f32 v39, v4;
	v2 =	vadd.f32 v14, v2;
	v39 =	vld [tilespmem:$0x1FAA0];
	v14 =	vmul.f32 v22, v54  }
0x387: {  	v22 =	vmul.f32 v57, v22;
	v57 =	vmul.f32 v19, v18;
	v18 =	vld [tilespmem:s2+$0x30];
	v0 =	vadd.f32 $0.0e+00, v0  }
0x388: {  	v59 =	vld [tilespmem:$0x1FAE0]  }
0x389: {  	v37 =	vld [tilespmem:$0x1FB10];
	v0 =	vadd.f32 v17, v0  }
0x38a: {  	v56 =	vld [tilespmem:$0xC230]  }
0x38b: {  	v6 =	vld [tilespmem:s14+$0x30];
	v0 =	vadd.f32 v15, v0;
	v15 =	vmul.f32 v52, v51  }
0x38c: {  	v54 =	vld [tilespmem:$0x1FB50]  }
0x38d: {  	v17 =	vld [tilespmem:s14+$0x40];
	v13 =	vadd.f32 v15, v13  }
0x38e: {  	v0 =	vadd.f32 v28, v0;
	v28 =	vld [tilespmem:$0x1FA30]  }
0x38f: {  	v13 =	vadd.f32 v30, v13;
	v30 =	vld [tilespmem:$0x1FA40]  }
0x390: {  	[tilespmem:$0x1FB60] =	vst v6;
	v6 =	vld [tilespmem:s16+$0x40]  }
0x391: {  	v15 =	vld [tilespmem:$0xC2A0]  }
0x392: {  	v0 =	vadd.f32 v58, v0;
	v58 =	vld [tilespmem:$0x1FAD0]  }
0x393: {  	v4 =	vadd.f32 v4, v12;
	v12 =	vmul.f32 v38, v28;
	v28 =	vld [tilespmem:s1+$0x40]  }
0x394: {  	v5 =	vadd.f32 v5, v13;
	v13 =	vmul.f32 v30, v38;
	v30 =	vmul.f32 v34, v35;
	v35 =	vld [tilespmem:$0x1FA70]  }
0x395: {  	v38 =	vld [tilespmem:$0x1FA90]  }
0x396: {  	v34 =	vld [tilespmem:$0xC2E0]  }
0x397: {  	v11 =	vadd.f32 v12, v11;
	v4 =	vadd.f32 v13, v4;
	v13 =	vld [tilespmem:s1+$0x50]  }
0x398: {  	v1 =	vadd.f32 v30, v1;
	v30 =	vld [tilespmem:s1+$0x60]  }
0x399: {  	v11 =	vadd.f32 v14, v11;
	v14 =	vld [tilespmem:$0xC2F0]  }
0x39a: {  	v4 =	vadd.f32 v22, v4;
	v22 =	vld [tilespmem:$0x1FAF0];
	v12 =	vmul.f32 v27, v35  }
0x39b: {  	v35 =	vld [tilespmem:$0x1FB00]  }
0x39c: {  	v27 =	vld [tilespmem:$0xC2D0];
	v0 =	vadd.f32 v12, v0;
	v12 =	vmul.f32 v24, v38  }
0x39d: {  	v24 =	vmul.f32 v39, v24;
	v38 =	vld [tilespmem:$0x1FB20]  }
0x39e: {  	v39 =	vld [tilespmem:$0x1FB40];
	v5 =	vadd.f32 v12, v5;
	v12 =	vmul.f32 v8, v58;
	v8 =	vmul.f32 v59, v8  }
0x39f: {  	v3 =	vadd.f32 v24, v3;
	v24 =	vld [tilespmem:s1+$0x70];
	v58 =	vmul.f32 v33, v31;
	v59 =	vmul.f32 v44, v33  }
0x3a0: {  	v33 =	vld [tilespmem:$0xC340];
	v9 =	vadd.f32 v12, v9;
	v12 =	vmul.f32 v7, v22;
	v7 =	vmul.f32 v35, v7  }
0x3a1: {  	v22 =	vld [tilespmem:s2+$0x0]  }
0x3a2: {  	v1 =	vadd.f32 v8, v1;
	v8 =	vmul.f32 v61, v37;
	v2 =	vadd.f32 v7, v2;
	v7 =	vld [tilespmem:$0x1FB30]  }
0x3a3: {  	v37 =	vld [tilespmem:$0xC300];
	v35 =	vmul.f32 v38, v61  }
0x3a4: {  	v0 =	vadd.f32 v12, v0;
	v12 =	vld [tilespmem:s2+$0x10];
	v5 =	vadd.f32 v8, v5;
	v8 =	vmul.f32 v39, v55  }
0x3a5: {  	v6 =	vmul.f32 v62, v6;
	v10 =	vmul.f32 v15, v10;
	v39 =	vld [tilespmem:s2+$0x20]  }
0x3a6: {  	v61 =	vmul.f32 v46, v42;
	v3 =	vadd.f32 v35, v3;
	v35 =	vld [tilespmem:$0xC310];
	v4 =	vadd.f32 v8, v4  }
0x3a7: {  	v0 =	vadd.f32 v6, v0;
	v6 =	vmul.f32 v29, v19;
	v7 =	vmul.f32 v55, v7;
	v55 =	vld [tilespmem:$0x1FB60]  }
0x3a8: {  	v8 =	vld [tilespmem:$0xC330];
	v5 =	vadd.f32 v57, v5;
	v57 =	vmul.f32 v27, v13;
	v22 =	vmul.f32 v37, v22  }
0x3a9: {  	v29 =	vld [tilespmem:s2+$0x40];
	v3 =	vadd.f32 v6, v3;
	v7 =	vadd.f32 v7, v11;
	v11 =	vmul.f32 v56, v54  }
0x3aa: {  	v19 =	vld [tilespmem:s2+$0x50];
	v6 =	vmul.f32 v42, v45;
	v4 =	vadd.f32 v59, v4;
	v54 =	vmul.f32 v63, v23  }
0x3ab: {  	v59 =	vmul.f32 v34, v30;
	v12 =	vmul.f32 v35, v12;
	v23 =	vld [tilespmem:$0xC350];
	v9 =	vadd.f32 v11, v9  }
0x3ac: {  	v7 =	vadd.f32 v58, v7;
	v5 =	vadd.f32 v54, v5;
	v58 =	vld [tilespmem:s2+$0x70];
	v38 =	vmul.f32 v55, v56  }
0x3ad: {  	v56 =	vmul.f32 v17, v62;
	v17 =	vld [tilespmem:$0xC320];
	v62 =	vmul.f32 v16, v48;
	v6 =	vadd.f32 v6, v9  }
0x3ae: {  	v55 =	vmul.f32 v36, v25;
	v25 =	vld [tilespmem:s2+$0x60];
	v7 =	vadd.f32 v10, v7;
	v1 =	vadd.f32 v38, v1  }
0x3af: {  	v16 =	vmul.f32 v21, v16;
	v21 =	vld [tilespmem:$0xC360];
	v2 =	vadd.f32 v56, v2;
	v0 =	vadd.f32 v62, v0  }
0x3b0: {  	v56 =	vmul.f32 v32, v28;
	v1 =	vadd.f32 v61, v1;
	v61 =	vmul.f32 v14, v24;
	v24 =	vld [tilespmem:$0xC370]  }
0x3b1: {  	v26 =	vld [tilespmem:s3+$0x20];
	v18 =	vmul.f32 v8, v18;
	v5 =	vadd.f32 v57, v5;
	v6 =	vadd.f32 v55, v6  }
0x3b2: {  	v54 =	vld [tilespmem:s3+$0x50];
	v19 =	vmul.f32 v23, v19;
	v7 =	vadd.f32 v59, v7;
	v0 =	vadd.f32 v56, v0  }
0x3b3: {  	v10 =	vld [tilespmem:s3+$0x30];
	v5 =	vadd.f32 v12, v5;
	v62 =	vmul.f32 v17, v39;
	v6 =	vadd.f32 v61, v6  }
0x3b4: {  	v9 =	vld [tilespmem:s3+$0x40];
	v56 =	vmul.f32 v33, v29;
	v25 =	vmul.f32 v21, v25;
	v0 =	vadd.f32 v22, v0  }
0x3b5: {  	s23 =	sor.u32 s23, s10;
	v57 =	vld [tilespmem:s3+$0x70];
	v7 =	vadd.f32 v62, v7;
	v6 =	vadd.f32 v18, v6;
	v11 =	vmul.f32 v24, v58  }
0x3b6: {  	v59 =	vld [tilespmem:s23+$0x10];
	v5 =	vadd.f32 v19, v5;
	v0 =	vadd.f32 v56, v0  }
0x3b7: {  	v61 =	vld [tilespmem:s23+$0x20];
	v7 =	vadd.f32 v25, v7;
	v6 =	vadd.f32 v11, v6  }
0x3b8: {  	v2 =	vadd.f32 v16, v2;
	v10 =	vmul.f32 v10, v36;
	v62 =	vmul.f32 v54, v27;
	v54 =	vld [tilespmem:$0x1FCD0]  }
0x3b9: {  	v58 =	vld [tilespmem:s23+$0x0];
	v0 =	vadd.f32 v5, v0;
	v5 =	vadd.f32 v6, v7;
	v7 =	vmul.f32 v9, v32  }
0x3ba: {  	v55 =	vld [tilespmem:s3+$0x60]  }
0x3bb: {  	v1 =	vadd.f32 v10, v1;
	v6 =	vld [tilespmem:s23+$0x30];
	v2 =	vadd.f32 v7, v2;
	v7 =	vmul.f32 v57, v14  }
0x3bc: {  	v20 =	vmul.f32 v20, v63;
	v0 =	vadd.f32 v5, v0  }
0x3bd: {  	v1 =	vadd.f32 v7, v1;
	v7 =	vmul.f32 v59, v35;
	v59 =	vmul.f32 v61, v17;
	v61 =	vld [tilespmem:$0x1FCE0]  }
0x3be: {  	v63 =	vld [tilespmem:s23+$0x40];
	v56 =	vmul.f32 v58, v37;
	v58 =	vperm.xlane v0, v54  }
0x3bf: {  	v15 =	vmul.f32 v26, v15;
	v13 =	vmul.f32 v55, v34;
	v55 =	vld [tilespmem:s23+$0x60]  }
0x3c0: {  	v3 =	vadd.f32 v20, v3;
	v5 =	vld [tilespmem:s23+$0x50];
	v6 =	vmul.f32 v6, v8;
	v0 =	vadd.f32 v0, v58  }
0x3c1: {  	v4 =	vadd.f32 v15, v4;
	v57 =	vld [tilespmem:s23+$0x70]  }
0x3c2: {  	v3 =	vadd.f32 v62, v3;
	v1 =	vadd.f32 v6, v1;
	v6 =	vperm.xlane v0, v61  }
0x3c3: {  	v4 =	vadd.f32 v13, v4;
	v2 =	vadd.f32 v56, v2  }
0x3c4: {  	v3 =	vadd.f32 v7, v3;
	v7 =	vmul.f32 v63, v33;
	v0 =	vadd.f32 v0, v6;
	v6 =	vld [tilespmem:$0x1FCF0]  }
0x3c5: {  	v4 =	vadd.f32 v59, v4;
	v5 =	vmul.f32 v5, v23  }
0x3c6: {  	v62 =	vmul.f32 v57, v24;
	v2 =	vadd.f32 v7, v2;
	v7 =	vmul.f32 v55, v21  }
0x3c7: {  	v3 =	vadd.f32 v5, v3  }
0x3c8: {  	v1 =	vadd.f32 v62, v1;
	v4 =	vadd.f32 v7, v4;
	v7 =	vld [tilespmem:$0x1FD00]  }
0x3c9: {  	v5 =	vperm.xlane v0, v6  }
0x3ca: {  	v2 =	vadd.f32 v3, v2;
	v1 =	vadd.f32 v1, v4  }
0x3cb: {  	v0 =	vadd.f32 v0, v5  }
0x3cc: {  	v3 =	vld [tilespmem:$0xC380];
	v1 =	vadd.f32 v1, v2  }
0x3cd: {  	v2 =	vperm.xlane v0, v7  }
0x3ce: {  	v4 =	vperm.xlane v1, v54  }
0x3cf: {  	v0 =	vadd.f32 v0, v2  }
0x3d0: {  	v1 =	vadd.f32 v4, v1  }
0x3d1: {  	v54 =	vadd.f32 v0, v3  }
0x3d2: {  	v0 =	vperm.xlane v1, v61  }
0x3d3: {  	v2 =	vsub.f32 $0.0e+00, v54  }
0x3d4: {  	v0 =	vadd.f32 v0, v1  }
0x3d5: {  	v1 =	vmul.f32 $1.442695020e+00, v2  }
0x3d6: {  	v2 =	vperm.xlane v0, v6  }
0x3d7: {  	(erf) = vpow2.f32 v1  }
0x3d8: {  	v0 =	vadd.f32 v2, v0;
	_ =	sdelay $0x1  }
0x3d9: {  	v1 =	vperm.xlane v0, v7;
	_ =	sdelay $0x1  }
0x3da: {  	v0 =	vadd.f32 v1, v0;
	_ =	sdelay $0x1  }
0x3db: {  	v55 =	vadd.f32 v0, v3;
	_ =	sdelay $0x1  }
0x3dc: {  	v1 =	vsub.f32 $0.0e+00, v55;
	v0 =	vpop (erf)  }
0x3dd: {  	v0 =	vadd.f32 $1.000000000e+00, v0  }
0x3de: {  	v1 =	vmul.f32 $1.442695020e+00, v1  }
0x3df: {  	(erf) = vrcp.f32 v0  }
0x3e0: {  	(erf) = vpow2.f32 v1;
	_ =	sdelay $0x7  }
0x3e1: {  	s25 =	sadd.s32 $0xFFFFFFFF, s29;
	v10 =	vpop (erf)  }
0x3e2: {  	v0 =	vmov s25;
	v1 =	vpop (erf)  }
0x3e3: {  	v0 =	vand.u32 $0xFFFFFFFE, v0;
	v1 =	vadd.f32 $1.000000000e+00, v1  }
0x3e4: {  	v0 =	vbroadcast v0, $0x0  }
0x3e5: {  	(erf) = vrcp.f32 v1;
	_ =	sdelay $0x4  }
0x3e6: {  	[tilespmem:v0+s20+$0x0] =	vst.idx.msk $0x1, v10;
	v1 =	vmov s29  }
0x3e7: {  	v0 =	vld.idx.msk [tilespmem:v0+s17+$0x0], $0xffff;
	_ =	sdelay $0x2  }
0x3e8: {  	v18 =	vpop (erf)  }
0x3e9: {  	[tilespmem:v1+s20+$0x0] =	vst.idx.msk $0x1, v18  }
0x3ea: {  	v61 =	vmul.u32 $0x300, v0;
	v0 =	vld [tilespmem:s7+$0x0]  }
0x3eb: {  	v5 =	vlaneseq.u32  }
0x3ec: {  	v2 =	vor.u32 v5, v61  }
0x3ed: {  	v1 =	vld.idx.msk [tilespmem:v1+s17+$0x0], $0xffff;
	_ =	sdelay $0x1  }
0x3ee: {  	v0 =	vmul.f32 v0, v10;
	_ =	sdelay $0x1  }
0x3ef: {  	[tilespmem:v2+s21+$0x0] =	vst.idx.add.f32.msk $0xffff, v0  }
0x3f0: {  	v62 =	vmul.u32 $0x300, v1;
	v0 =	vld [tilespmem:s8+$0x0];
	_ =	sdelay $0x1  }
0x3f1: {  	v1 =	vor.u32 v5, v62;
	_ =	sdelay $0x2  }
0x3f2: {  	v63 =	vld [tilespmem:$0x1FD10];
	v0 =	vmul.f32 v18, v0;
	_ =	sdelay $0x1  }
0x3f3: {  	[tilespmem:v1+s21+$0x0] =	vst.idx.add.f32.msk $0xffff, v0  }
0x3f4: {  	v0 =	vld [tilespmem:s7+$0x10];
	_ =	sdelay $0x1  }
0x3f5: {  	v1 =	vor.u32 v63, v61;
	_ =	sdelay $0x2  }
0x3f6: {  	v0 =	vmul.f32 v0, v10;
	_ =	sdelay $0x1  }
0x3f7: {  	[tilespmem:v1+s21+$0x0] =	vst.idx.add.f32.msk $0xffff, v0  }
0x3f8: {  	v0 =	vld [tilespmem:s8+$0x10];
	_ =	sdelay $0x1  }
0x3f9: {  	v1 =	vor.u32 v63, v62;
	_ =	sdelay $0x2  }
0x3fa: {  	v9 =	vld [tilespmem:$0x1FD20];
	v0 =	vmul.f32 v0, v18;
	_ =	sdelay $0x1  }
0x3fb: {  	[tilespmem:v1+s21+$0x0] =	vst.idx.add.f32.msk $0xffff, v0  }
0x3fc: {  	v0 =	vld [tilespmem:s7+$0x20];
	_ =	sdelay $0x1  }
0x3fd: {  	v1 =	vor.u32 v9, v61;
	_ =	sdelay $0x2  }
0x3fe: {  	v0 =	vmul.f32 v0, v10;
	_ =	sdelay $0x1  }
0x3ff: {  	[tilespmem:v1+s21+$0x0] =	vst.idx.add.f32.msk $0xffff, v0  }
0x400: {  	v0 =	vld [tilespmem:s8+$0x20];
	_ =	sdelay $0x1  }
0x401: {  	v1 =	vor.u32 v9, v62;
	_ =	sdelay $0x2  }
0x402: {  	v11 =	vld [tilespmem:$0x1FD30];
	v0 =	vmul.f32 v0, v18;
	_ =	sdelay $0x1  }
0x403: {  	[tilespmem:v1+s21+$0x0] =	vst.idx.add.f32.msk $0xffff, v0  }
0x404: {  	v0 =	vld [tilespmem:s7+$0x30];
	_ =	sdelay $0x1  }
0x405: {  	v1 =	vor.u32 v11, v61;
	_ =	sdelay $0x2  }
0x406: {  	v0 =	vmul.f32 v0, v10;
	_ =	sdelay $0x1  }
0x407: {  	[tilespmem:v1+s21+$0x0] =	vst.idx.add.f32.msk $0xffff, v0  }
0x408: {  	v0 =	vld [tilespmem:s8+$0x30];
	_ =	sdelay $0x1  }
0x409: {  	v1 =	vor.u32 v11, v62;
	_ =	sdelay $0x2  }
0x40a: {  	v12 =	vld [tilespmem:$0x1FD40];
	v0 =	vmul.f32 v0, v18;
	_ =	sdelay $0x1  }
0x40b: {  	[tilespmem:v1+s21+$0x0] =	vst.idx.add.f32.msk $0xffff, v0  }
0x40c: {  	v0 =	vld [tilespmem:s7+$0x40];
	_ =	sdelay $0x1  }
0x40d: {  	v1 =	vor.u32 v12, v61;
	_ =	sdelay $0x2  }
0x40e: {  	v0 =	vmul.f32 v0, v10;
	_ =	sdelay $0x1  }
0x40f: {  	[tilespmem:v1+s21+$0x0] =	vst.idx.add.f32.msk $0xffff, v0  }
0x410: {  	v0 =	vld [tilespmem:s8+$0x40];
	_ =	sdelay $0x1  }
0x411: {  	v1 =	vor.u32 v12, v62;
	_ =	sdelay $0x2  }
0x412: {  	v13 =	vld [tilespmem:$0x1FD50];
	v0 =	vmul.f32 v0, v18;
	_ =	sdelay $0x1  }
0x413: {  	[tilespmem:v1+s21+$0x0] =	vst.idx.add.f32.msk $0xffff, v0  }
0x414: {  	v0 =	vld [tilespmem:s7+$0x50];
	_ =	sdelay $0x1  }
0x415: {  	v1 =	vor.u32 v13, v61;
	_ =	sdelay $0x2  }
0x416: {  	v0 =	vmul.f32 v0, v10;
	_ =	sdelay $0x1  }
0x417: {  	[tilespmem:v1+s21+$0x0] =	vst.idx.add.f32.msk $0xffff, v0  }
0x418: {  	v0 =	vld [tilespmem:s8+$0x50];
	_ =	sdelay $0x1  }
0x419: {  	v1 =	vor.u32 v13, v62;
	_ =	sdelay $0x2  }
0x41a: {  	v14 =	vld [tilespmem:$0x1FD60];
	v0 =	vmul.f32 v0, v18;
	_ =	sdelay $0x1  }
0x41b: {  	[tilespmem:v1+s21+$0x0] =	vst.idx.add.f32.msk $0xffff, v0  }
0x41c: {  	v0 =	vld [tilespmem:s7+$0x60];
	_ =	sdelay $0x1  }
0x41d: {  	v1 =	vor.u32 v14, v61;
	_ =	sdelay $0x2  }
0x41e: {  	v0 =	vmul.f32 v0, v10;
	_ =	sdelay $0x1  }
0x41f: {  	[tilespmem:v1+s21+$0x0] =	vst.idx.add.f32.msk $0xffff, v0  }
0x420: {  	v0 =	vld [tilespmem:s8+$0x60];
	_ =	sdelay $0x1  }
0x421: {  	v1 =	vor.u32 v14, v62;
	_ =	sdelay $0x2  }
0x422: {  	v15 =	vld [tilespmem:$0x1FD70];
	v0 =	vmul.f32 v0, v18;
	_ =	sdelay $0x1  }
0x423: {  	[tilespmem:v1+s21+$0x0] =	vst.idx.add.f32.msk $0xffff, v0  }
0x424: {  	v0 =	vld [tilespmem:s7+$0x70];
	_ =	sdelay $0x1  }
0x425: {  	v1 =	vor.u32 v15, v61;
	_ =	sdelay $0x2  }
0x426: {  	v0 =	vmul.f32 v0, v10;
	_ =	sdelay $0x1  }
0x427: {  	[tilespmem:v1+s21+$0x0] =	vst.idx.add.f32.msk $0xffff, v0  }
0x428: {  	v0 =	vld [tilespmem:s8+$0x70];
	_ =	sdelay $0x1  }
0x429: {  	v1 =	vor.u32 v15, v62;
	_ =	sdelay $0x2  }
0x42a: {  	v16 =	vld [tilespmem:$0x1FD80];
	v0 =	vmul.f32 v0, v18;
	_ =	sdelay $0x1  }
0x42b: {  	[tilespmem:v1+s21+$0x0] =	vst.idx.add.f32.msk $0xffff, v0  }
0x42c: {  	v0 =	vld [tilespmem:s7+$0x400];
	_ =	sdelay $0x1  }
0x42d: {  	v1 =	vor.u32 v16, v61;
	_ =	sdelay $0x2  }
0x42e: {  	v0 =	vmul.f32 v0, v10;
	_ =	sdelay $0x1  }
0x42f: {  	[tilespmem:v1+s21+$0x0] =	vst.idx.add.f32.msk $0xffff, v0  }
0x430: {  	v0 =	vld [tilespmem:s8+$0x400];
	_ =	sdelay $0x1  }
0x431: {  	v1 =	vor.u32 v16, v62;
	_ =	sdelay $0x2  }
0x432: {  	v17 =	vld [tilespmem:$0x1FD90];
	v0 =	vmul.f32 v0, v18;
	_ =	sdelay $0x1  }
0x433: {  	[tilespmem:v1+s21+$0x0] =	vst.idx.add.f32.msk $0xffff, v0  }
0x434: {  	v0 =	vld [tilespmem:s7+$0x410];
	_ =	sdelay $0x1  }
0x435: {  	v1 =	vor.u32 v17, v61;
	_ =	sdelay $0x2  }
0x436: {  	v0 =	vmul.f32 v0, v10;
	_ =	sdelay $0x1  }
0x437: {  	[tilespmem:v1+s21+$0x0] =	vst.idx.add.f32.msk $0xffff, v0  }
0x438: {  	v0 =	vld [tilespmem:s8+$0x410];
	_ =	sdelay $0x1  }
0x439: {  	v1 =	vor.u32 v17, v62;
	_ =	sdelay $0x2  }
0x43a: {  	v19 =	vld [tilespmem:$0x1FDA0];
	v0 =	vmul.f32 v0, v18;
	_ =	sdelay $0x1  }
0x43b: {  	[tilespmem:v1+s21+$0x0] =	vst.idx.add.f32.msk $0xffff, v0  }
0x43c: {  	v0 =	vld [tilespmem:s7+$0x420];
	_ =	sdelay $0x1  }
0x43d: {  	v1 =	vor.u32 v19, v61;
	_ =	sdelay $0x2  }
0x43e: {  	v0 =	vmul.f32 v0, v10;
	_ =	sdelay $0x1  }
0x43f: {  	[tilespmem:v1+s21+$0x0] =	vst.idx.add.f32.msk $0xffff, v0  }
0x440: {  	v0 =	vld [tilespmem:s8+$0x420];
	_ =	sdelay $0x1  }
0x441: {  	v1 =	vor.u32 v19, v62;
	_ =	sdelay $0x2  }
0x442: {  	v20 =	vld [tilespmem:$0x1FDB0];
	v0 =	vmul.f32 v0, v18;
	_ =	sdelay $0x1  }
0x443: {  	[tilespmem:v1+s21+$0x0] =	vst.idx.add.f32.msk $0xffff, v0  }
0x444: {  	v0 =	vld [tilespmem:s7+$0x430];
	_ =	sdelay $0x1  }
0x445: {  	v1 =	vor.u32 v20, v61;
	_ =	sdelay $0x2  }
0x446: {  	v0 =	vmul.f32 v0, v10;
	_ =	sdelay $0x1  }
0x447: {  	[tilespmem:v1+s21+$0x0] =	vst.idx.add.f32.msk $0xffff, v0  }
0x448: {  	v0 =	vld [tilespmem:s8+$0x430];
	_ =	sdelay $0x1  }
0x449: {  	v1 =	vor.u32 v20, v62;
	_ =	sdelay $0x2  }
0x44a: {  	v21 =	vld [tilespmem:$0x1FDC0];
	v0 =	vmul.f32 v0, v18;
	_ =	sdelay $0x1  }
0x44b: {  	[tilespmem:v1+s21+$0x0] =	vst.idx.add.f32.msk $0xffff, v0  }
0x44c: {  	v0 =	vld [tilespmem:s7+$0x440];
	_ =	sdelay $0x1  }
0x44d: {  	v1 =	vor.u32 v21, v61;
	_ =	sdelay $0x2  }
0x44e: {  	v0 =	vmul.f32 v0, v10;
	_ =	sdelay $0x1  }
0x44f: {  	[tilespmem:v1+s21+$0x0] =	vst.idx.add.f32.msk $0xffff, v0  }
0x450: {  	v0 =	vld [tilespmem:s8+$0x440];
	_ =	sdelay $0x1  }
0x451: {  	v1 =	vor.u32 v21, v62;
	_ =	sdelay $0x2  }
0x452: {  	v22 =	vld [tilespmem:$0x1FDD0];
	v0 =	vmul.f32 v0, v18;
	_ =	sdelay $0x1  }
0x453: {  	[tilespmem:v1+s21+$0x0] =	vst.idx.add.f32.msk $0xffff, v0  }
0x454: {  	v0 =	vld [tilespmem:s7+$0x450];
	_ =	sdelay $0x1  }
0x455: {  	v1 =	vor.u32 v22, v61;
	_ =	sdelay $0x2  }
0x456: {  	v0 =	vmul.f32 v0, v10;
	_ =	sdelay $0x1  }
0x457: {  	[tilespmem:v1+s21+$0x0] =	vst.idx.add.f32.msk $0xffff, v0  }
0x458: {  	v0 =	vld [tilespmem:s8+$0x450];
	_ =	sdelay $0x1  }
0x459: {  	v1 =	vor.u32 v22, v62;
	_ =	sdelay $0x2  }
0x45a: {  	v23 =	vld [tilespmem:$0x1FDE0];
	v0 =	vmul.f32 v0, v18;
	_ =	sdelay $0x1  }
0x45b: {  	[tilespmem:v1+s21+$0x0] =	vst.idx.add.f32.msk $0xffff, v0  }
0x45c: {  	v0 =	vld [tilespmem:s7+$0x460];
	_ =	sdelay $0x1  }
0x45d: {  	v1 =	vor.u32 v23, v61;
	_ =	sdelay $0x2  }
0x45e: {  	v0 =	vmul.f32 v0, v10;
	_ =	sdelay $0x1  }
0x45f: {  	[tilespmem:v1+s21+$0x0] =	vst.idx.add.f32.msk $0xffff, v0  }
0x460: {  	v0 =	vld [tilespmem:s8+$0x460];
	_ =	sdelay $0x1  }
0x461: {  	v1 =	vor.u32 v23, v62;
	_ =	sdelay $0x2  }
0x462: {  	v24 =	vld [tilespmem:$0x1FDF0];
	v0 =	vmul.f32 v0, v18;
	_ =	sdelay $0x1  }
0x463: {  	[tilespmem:v1+s21+$0x0] =	vst.idx.add.f32.msk $0xffff, v0  }
0x464: {  	v0 =	vld [tilespmem:s7+$0x470];
	_ =	sdelay $0x1  }
0x465: {  	v1 =	vor.u32 v24, v61;
	_ =	sdelay $0x2  }
0x466: {  	v0 =	vmul.f32 v0, v10;
	_ =	sdelay $0x1  }
0x467: {  	[tilespmem:v1+s21+$0x0] =	vst.idx.add.f32.msk $0xffff, v0  }
0x468: {  	v0 =	vld [tilespmem:s8+$0x470];
	_ =	sdelay $0x1  }
0x469: {  	v1 =	vor.u32 v24, v62  }
0x46a: {  	v25 =	vld [tilespmem:$0x1FE00];
	_ =	sdelay $0x1  }
0x46b: {  	v0 =	vmul.f32 v0, v18;
	_ =	sdelay $0x1  }
0x46c: {  	[tilespmem:v1+s21+$0x0] =	vst.idx.add.f32.msk $0xffff, v0  }
0x46d: {  	v1 =	vadd.s32 v25, v61;
	v0 =	vld [tilespmem:s5+$0x0]  }
0x46e: {  	v1 =	vand.u32 $0xFFFFFF00, v1  }
0x46f: {  	v1 =	vor.u32 v5, v1;
	_ =	sdelay $0x2  }
0x470: {  	v0 =	vmul.f32 v0, v10;
	_ =	sdelay $0x1  }
0x471: {  	[tilespmem:v1+s21+$0x0] =	vst.idx.add.f32.msk $0xffff, v0  }
0x472: {  	v1 =	vadd.s32 v25, v62;
	v0 =	vld [tilespmem:s24+$0x0]  }
0x473: {  	v1 =	vand.u32 $0xFFFFFF00, v1  }
0x474: {  	v1 =	vor.u32 v5, v1  }
0x475: {  	v26 =	vld [tilespmem:$0x1FE10];
	_ =	sdelay $0x1  }
0x476: {  	v0 =	vmul.f32 v0, v18;
	_ =	sdelay $0x1  }
0x477: {  	[tilespmem:v1+s21+$0x0] =	vst.idx.add.f32.msk $0xffff, v0  }
0x478: {  	v1 =	vadd.s32 v26, v61;
	v0 =	vld [tilespmem:s5+$0x10]  }
0x479: {  	v1 =	vand.u32 $0xFFFFFF00, v1  }
0x47a: {  	v1 =	vor.u32 v63, v1;
	_ =	sdelay $0x2  }
0x47b: {  	v0 =	vmul.f32 v0, v10;
	_ =	sdelay $0x1  }
0x47c: {  	[tilespmem:v1+s21+$0x0] =	vst.idx.add.f32.msk $0xffff, v0  }
0x47d: {  	v1 =	vadd.s32 v26, v62;
	v0 =	vld [tilespmem:s24+$0x10]  }
0x47e: {  	v1 =	vand.u32 $0xFFFFFF00, v1  }
0x47f: {  	v1 =	vor.u32 v63, v1  }
0x480: {  	v27 =	vld [tilespmem:$0x1FE20];
	_ =	sdelay $0x1  }
0x481: {  	v0 =	vmul.f32 v0, v18;
	_ =	sdelay $0x1  }
0x482: {  	[tilespmem:v1+s21+$0x0] =	vst.idx.add.f32.msk $0xffff, v0  }
0x483: {  	v1 =	vadd.s32 v27, v61;
	v0 =	vld [tilespmem:s5+$0x20]  }
0x484: {  	v1 =	vand.u32 $0xFFFFFF00, v1  }
0x485: {  	v1 =	vor.u32 v9, v1;
	_ =	sdelay $0x2  }
0x486: {  	v0 =	vmul.f32 v0, v10;
	_ =	sdelay $0x1  }
0x487: {  	[tilespmem:v1+s21+$0x0] =	vst.idx.add.f32.msk $0xffff, v0  }
0x488: {  	v1 =	vadd.s32 v27, v62;
	v0 =	vld [tilespmem:s24+$0x20]  }
0x489: {  	v1 =	vand.u32 $0xFFFFFF00, v1  }
0x48a: {  	v1 =	vor.u32 v9, v1  }
0x48b: {  	v28 =	vld [tilespmem:$0x1FE30];
	_ =	sdelay $0x1  }
0x48c: {  	v0 =	vmul.f32 v0, v18;
	_ =	sdelay $0x1  }
0x48d: {  	[tilespmem:v1+s21+$0x0] =	vst.idx.add.f32.msk $0xffff, v0  }
0x48e: {  	v1 =	vadd.s32 v28, v61;
	v0 =	vld [tilespmem:s5+$0x30]  }
0x48f: {  	v1 =	vand.u32 $0xFFFFFF00, v1  }
0x490: {  	v1 =	vor.u32 v11, v1;
	_ =	sdelay $0x2  }
0x491: {  	v0 =	vmul.f32 v0, v10;
	_ =	sdelay $0x1  }
0x492: {  	[tilespmem:v1+s21+$0x0] =	vst.idx.add.f32.msk $0xffff, v0  }
0x493: {  	v1 =	vadd.s32 v28, v62;
	v0 =	vld [tilespmem:s24+$0x30]  }
0x494: {  	v1 =	vand.u32 $0xFFFFFF00, v1  }
0x495: {  	v1 =	vor.u32 v11, v1  }
0x496: {  	v29 =	vld [tilespmem:$0x1FE40];
	_ =	sdelay $0x1  }
0x497: {  	v0 =	vmul.f32 v0, v18;
	_ =	sdelay $0x1  }
0x498: {  	[tilespmem:v1+s21+$0x0] =	vst.idx.add.f32.msk $0xffff, v0  }
0x499: {  	v1 =	vadd.s32 v29, v61;
	v0 =	vld [tilespmem:s5+$0x40]  }
0x49a: {  	v1 =	vand.u32 $0xFFFFFF00, v1  }
0x49b: {  	v1 =	vor.u32 v12, v1;
	_ =	sdelay $0x2  }
0x49c: {  	v0 =	vmul.f32 v0, v10;
	_ =	sdelay $0x1  }
0x49d: {  	[tilespmem:v1+s21+$0x0] =	vst.idx.add.f32.msk $0xffff, v0  }
0x49e: {  	v1 =	vadd.s32 v29, v62;
	v0 =	vld [tilespmem:s24+$0x40]  }
0x49f: {  	v1 =	vand.u32 $0xFFFFFF00, v1  }
0x4a0: {  	v1 =	vor.u32 v12, v1  }
0x4a1: {  	v30 =	vld [tilespmem:$0x1FE50];
	_ =	sdelay $0x1  }
0x4a2: {  	v0 =	vmul.f32 v0, v18;
	_ =	sdelay $0x1  }
0x4a3: {  	[tilespmem:v1+s21+$0x0] =	vst.idx.add.f32.msk $0xffff, v0  }
0x4a4: {  	v1 =	vadd.s32 v30, v61;
	v0 =	vld [tilespmem:s5+$0x50]  }
0x4a5: {  	v1 =	vand.u32 $0xFFFFFF00, v1  }
0x4a6: {  	v1 =	vor.u32 v13, v1;
	_ =	sdelay $0x2  }
0x4a7: {  	v0 =	vmul.f32 v0, v10;
	_ =	sdelay $0x1  }
0x4a8: {  	[tilespmem:v1+s21+$0x0] =	vst.idx.add.f32.msk $0xffff, v0  }
0x4a9: {  	v1 =	vadd.s32 v30, v62;
	v0 =	vld [tilespmem:s24+$0x50]  }
0x4aa: {  	v1 =	vand.u32 $0xFFFFFF00, v1  }
0x4ab: {  	v1 =	vor.u32 v13, v1  }
0x4ac: {  	v31 =	vld [tilespmem:$0x1FE60];
	_ =	sdelay $0x1  }
0x4ad: {  	v0 =	vmul.f32 v0, v18;
	_ =	sdelay $0x1  }
0x4ae: {  	[tilespmem:v1+s21+$0x0] =	vst.idx.add.f32.msk $0xffff, v0  }
0x4af: {  	v1 =	vadd.s32 v31, v61;
	v0 =	vld [tilespmem:s5+$0x60]  }
0x4b0: {  	v1 =	vand.u32 $0xFFFFFF00, v1  }
0x4b1: {  	v1 =	vor.u32 v14, v1;
	_ =	sdelay $0x2  }
0x4b2: {  	v0 =	vmul.f32 v0, v10;
	_ =	sdelay $0x1  }
0x4b3: {  	[tilespmem:v1+s21+$0x0] =	vst.idx.add.f32.msk $0xffff, v0  }
0x4b4: {  	v1 =	vadd.s32 v31, v62;
	v0 =	vld [tilespmem:s24+$0x60]  }
0x4b5: {  	v1 =	vand.u32 $0xFFFFFF00, v1  }
0x4b6: {  	v1 =	vor.u32 v14, v1  }
0x4b7: {  	v32 =	vld [tilespmem:$0x1FE70];
	_ =	sdelay $0x1  }
0x4b8: {  	v0 =	vmul.f32 v0, v18;
	_ =	sdelay $0x1  }
0x4b9: {  	[tilespmem:v1+s21+$0x0] =	vst.idx.add.f32.msk $0xffff, v0  }
0x4ba: {  	v1 =	vadd.s32 v32, v61;
	v0 =	vld [tilespmem:s5+$0x70]  }
0x4bb: {  	v1 =	vand.u32 $0xFFFFFF00, v1  }
0x4bc: {  	v1 =	vor.u32 v15, v1;
	_ =	sdelay $0x2  }
0x4bd: {  	v0 =	vmul.f32 v0, v10;
	_ =	sdelay $0x1  }
0x4be: {  	[tilespmem:v1+s21+$0x0] =	vst.idx.add.f32.msk $0xffff, v0  }
0x4bf: {  	v1 =	vadd.s32 v32, v62;
	v0 =	vld [tilespmem:s24+$0x70]  }
0x4c0: {  	v1 =	vand.u32 $0xFFFFFF00, v1  }
0x4c1: {  	v1 =	vor.u32 v15, v1  }
0x4c2: {  	v33 =	vld [tilespmem:$0x1FE80];
	_ =	sdelay $0x1  }
0x4c3: {  	v0 =	vmul.f32 v0, v18;
	_ =	sdelay $0x1  }
0x4c4: {  	[tilespmem:v1+s21+$0x0] =	vst.idx.add.f32.msk $0xffff, v0  }
0x4c5: {  	v1 =	vadd.s32 v33, v61;
	v0 =	vld [tilespmem:s16+$0x0]  }
0x4c6: {  	v1 =	vand.u32 $0xFFFFFF80, v1  }
0x4c7: {  	v1 =	vor.u32 v5, v1;
	_ =	sdelay $0x2  }
0x4c8: {  	v0 =	vmul.f32 v0, v10;
	_ =	sdelay $0x1  }
0x4c9: {  	[tilespmem:v1+s21+$0x0] =	vst.idx.add.f32.msk $0xffff, v0  }
0x4ca: {  	v1 =	vadd.s32 v33, v62;
	v0 =	vld [tilespmem:s14+$0x0]  }
0x4cb: {  	v1 =	vand.u32 $0xFFFFFF80, v1  }
0x4cc: {  	v1 =	vor.u32 v5, v1  }
0x4cd: {  	v34 =	vld [tilespmem:$0x1FE90];
	_ =	sdelay $0x1  }
0x4ce: {  	v0 =	vmul.f32 v0, v18;
	_ =	sdelay $0x1  }
0x4cf: {  	[tilespmem:v1+s21+$0x0] =	vst.idx.add.f32.msk $0xffff, v0  }
0x4d0: {  	v1 =	vadd.s32 v34, v61;
	v0 =	vld [tilespmem:s16+$0x10]  }
0x4d1: {  	v1 =	vand.u32 $0xFFFFFF80, v1  }
0x4d2: {  	v1 =	vor.u32 v63, v1;
	_ =	sdelay $0x2  }
0x4d3: {  	v0 =	vmul.f32 v0, v10;
	_ =	sdelay $0x1  }
0x4d4: {  	[tilespmem:v1+s21+$0x0] =	vst.idx.add.f32.msk $0xffff, v0  }
0x4d5: {  	v1 =	vadd.s32 v34, v62;
	v0 =	vld [tilespmem:s14+$0x10]  }
0x4d6: {  	v1 =	vand.u32 $0xFFFFFF80, v1  }
0x4d7: {  	v1 =	vor.u32 v63, v1  }
0x4d8: {  	v35 =	vld [tilespmem:$0x1FEA0];
	_ =	sdelay $0x1  }
0x4d9: {  	v0 =	vmul.f32 v0, v18;
	_ =	sdelay $0x1  }
0x4da: {  	[tilespmem:v1+s21+$0x0] =	vst.idx.add.f32.msk $0xffff, v0  }
0x4db: {  	v1 =	vadd.s32 v35, v61;
	v0 =	vld [tilespmem:s16+$0x20]  }
0x4dc: {  	v1 =	vand.u32 $0xFFFFFF80, v1  }
0x4dd: {  	v1 =	vor.u32 v9, v1;
	_ =	sdelay $0x2  }
0x4de: {  	v0 =	vmul.f32 v0, v10;
	_ =	sdelay $0x1  }
0x4df: {  	[tilespmem:v1+s21+$0x0] =	vst.idx.add.f32.msk $0xffff, v0  }
0x4e0: {  	v1 =	vadd.s32 v35, v62;
	v0 =	vld [tilespmem:s14+$0x20]  }
0x4e1: {  	v1 =	vand.u32 $0xFFFFFF80, v1  }
0x4e2: {  	v1 =	vor.u32 v9, v1  }
0x4e3: {  	v36 =	vld [tilespmem:$0x1FEB0];
	_ =	sdelay $0x1  }
0x4e4: {  	v0 =	vmul.f32 v0, v18;
	_ =	sdelay $0x1  }
0x4e5: {  	[tilespmem:v1+s21+$0x0] =	vst.idx.add.f32.msk $0xffff, v0  }
0x4e6: {  	v1 =	vadd.s32 v36, v61;
	v0 =	vld [tilespmem:s16+$0x30]  }
0x4e7: {  	v1 =	vand.u32 $0xFFFFFF80, v1  }
0x4e8: {  	v1 =	vor.u32 v11, v1;
	_ =	sdelay $0x2  }
0x4e9: {  	v0 =	vmul.f32 v0, v10;
	_ =	sdelay $0x1  }
0x4ea: {  	[tilespmem:v1+s21+$0x0] =	vst.idx.add.f32.msk $0xffff, v0  }
0x4eb: {  	v1 =	vadd.s32 v36, v62;
	v0 =	vld [tilespmem:s14+$0x30]  }
0x4ec: {  	v1 =	vand.u32 $0xFFFFFF80, v1  }
0x4ed: {  	v1 =	vor.u32 v11, v1  }
0x4ee: {  	v37 =	vld [tilespmem:$0x1FEC0];
	_ =	sdelay $0x1  }
0x4ef: {  	v0 =	vmul.f32 v0, v18;
	_ =	sdelay $0x1  }
0x4f0: {  	[tilespmem:v1+s21+$0x0] =	vst.idx.add.f32.msk $0xffff, v0  }
0x4f1: {  	v1 =	vadd.s32 v37, v61;
	v0 =	vld [tilespmem:s16+$0x40]  }
0x4f2: {  	v1 =	vand.u32 $0xFFFFFF80, v1  }
0x4f3: {  	v1 =	vor.u32 v12, v1;
	_ =	sdelay $0x2  }
0x4f4: {  	v0 =	vmul.f32 v0, v10;
	_ =	sdelay $0x1  }
0x4f5: {  	[tilespmem:v1+s21+$0x0] =	vst.idx.add.f32.msk $0xffff, v0  }
0x4f6: {  	v1 =	vadd.s32 v37, v62;
	v0 =	vld [tilespmem:s14+$0x40]  }
0x4f7: {  	v1 =	vand.u32 $0xFFFFFF80, v1  }
0x4f8: {  	v1 =	vor.u32 v12, v1  }
0x4f9: {  	v38 =	vld [tilespmem:$0x1FED0];
	_ =	sdelay $0x1  }
0x4fa: {  	v0 =	vmul.f32 v0, v18;
	_ =	sdelay $0x1  }
0x4fb: {  	[tilespmem:v1+s21+$0x0] =	vst.idx.add.f32.msk $0xffff, v0  }
0x4fc: {  	v1 =	vadd.s32 v38, v61;
	v0 =	vld [tilespmem:s16+$0x50]  }
0x4fd: {  	v1 =	vand.u32 $0xFFFFFF80, v1  }
0x4fe: {  	v1 =	vor.u32 v13, v1;
	_ =	sdelay $0x2  }
0x4ff: {  	v0 =	vmul.f32 v0, v10;
	_ =	sdelay $0x1  }
0x500: {  	[tilespmem:v1+s21+$0x0] =	vst.idx.add.f32.msk $0xffff, v0  }
0x501: {  	v1 =	vadd.s32 v38, v62;
	v0 =	vld [tilespmem:s14+$0x50]  }
0x502: {  	v1 =	vand.u32 $0xFFFFFF80, v1  }
0x503: {  	v1 =	vor.u32 v13, v1  }
0x504: {  	v39 =	vld [tilespmem:$0x1FEE0];
	_ =	sdelay $0x1  }
0x505: {  	v0 =	vmul.f32 v0, v18;
	_ =	sdelay $0x1  }
0x506: {  	[tilespmem:v1+s21+$0x0] =	vst.idx.add.f32.msk $0xffff, v0  }
0x507: {  	v1 =	vadd.s32 v39, v61;
	v0 =	vld [tilespmem:s16+$0x60]  }
0x508: {  	v1 =	vand.u32 $0xFFFFFF80, v1  }
0x509: {  	v1 =	vor.u32 v14, v1;
	_ =	sdelay $0x2  }
0x50a: {  	v0 =	vmul.f32 v0, v10;
	_ =	sdelay $0x1  }
0x50b: {  	[tilespmem:v1+s21+$0x0] =	vst.idx.add.f32.msk $0xffff, v0  }
0x50c: {  	v1 =	vadd.s32 v39, v62;
	v0 =	vld [tilespmem:s14+$0x60]  }
0x50d: {  	v1 =	vand.u32 $0xFFFFFF80, v1  }
0x50e: {  	v1 =	vor.u32 v14, v1  }
0x50f: {  	v40 =	vld [tilespmem:$0x1FEF0];
	_ =	sdelay $0x1  }
0x510: {  	v0 =	vmul.f32 v0, v18;
	_ =	sdelay $0x1  }
0x511: {  	[tilespmem:v1+s21+$0x0] =	vst.idx.add.f32.msk $0xffff, v0  }
0x512: {  	v1 =	vadd.s32 v40, v61;
	v0 =	vld [tilespmem:s16+$0x70]  }
0x513: {  	v1 =	vand.u32 $0xFFFFFF80, v1  }
0x514: {  	v1 =	vor.u32 v15, v1;
	_ =	sdelay $0x2  }
0x515: {  	v0 =	vmul.f32 v0, v10;
	_ =	sdelay $0x1  }
0x516: {  	[tilespmem:v1+s21+$0x0] =	vst.idx.add.f32.msk $0xffff, v0  }
0x517: {  	v1 =	vadd.s32 v40, v62;
	v0 =	vld [tilespmem:s14+$0x70]  }
0x518: {  	v1 =	vand.u32 $0xFFFFFF80, v1  }
0x519: {  	v1 =	vor.u32 v15, v1  }
0x51a: {  	v41 =	vld [tilespmem:$0x1FF00];
	_ =	sdelay $0x1  }
0x51b: {  	v0 =	vmul.f32 v0, v18;
	_ =	sdelay $0x1  }
0x51c: {  	[tilespmem:v1+s21+$0x0] =	vst.idx.add.f32.msk $0xffff, v0  }
0x51d: {  	v1 =	vadd.s32 v41, v61;
	v0 =	vld [tilespmem:s1+$0x0]  }
0x51e: {  	v1 =	vand.u32 $0xFFFFFF00, v1  }
0x51f: {  	v1 =	vor.u32 v5, v1;
	_ =	sdelay $0x2  }
0x520: {  	v0 =	vmul.f32 v0, v10;
	_ =	sdelay $0x1  }
0x521: {  	[tilespmem:v1+s21+$0x0] =	vst.idx.add.f32.msk $0xffff, v0  }
0x522: {  	v1 =	vadd.s32 v41, v62;
	v0 =	vld [tilespmem:s3+$0x0]  }
0x523: {  	v1 =	vand.u32 $0xFFFFFF00, v1  }
0x524: {  	v1 =	vor.u32 v5, v1  }
0x525: {  	v42 =	vld [tilespmem:$0x1FF10];
	_ =	sdelay $0x1  }
0x526: {  	v0 =	vmul.f32 v0, v18;
	_ =	sdelay $0x1  }
0x527: {  	[tilespmem:v1+s21+$0x0] =	vst.idx.add.f32.msk $0xffff, v0  }
0x528: {  	v1 =	vadd.s32 v42, v61;
	v0 =	vld [tilespmem:s1+$0x10]  }
0x529: {  	v1 =	vand.u32 $0xFFFFFF00, v1  }
0x52a: {  	v1 =	vor.u32 v63, v1;
	_ =	sdelay $0x2  }
0x52b: {  	v0 =	vmul.f32 v0, v10;
	_ =	sdelay $0x1  }
0x52c: {  	[tilespmem:v1+s21+$0x0] =	vst.idx.add.f32.msk $0xffff, v0  }
0x52d: {  	v1 =	vadd.s32 v42, v62;
	v0 =	vld [tilespmem:s3+$0x10]  }
0x52e: {  	v1 =	vand.u32 $0xFFFFFF00, v1  }
0x52f: {  	v1 =	vor.u32 v63, v1  }
0x530: {  	v43 =	vld [tilespmem:$0x1FF20];
	_ =	sdelay $0x1  }
0x531: {  	v0 =	vmul.f32 v0, v18;
	_ =	sdelay $0x1  }
0x532: {  	[tilespmem:v1+s21+$0x0] =	vst.idx.add.f32.msk $0xffff, v0  }
0x533: {  	v1 =	vadd.s32 v43, v61;
	v0 =	vld [tilespmem:s1+$0x20]  }
0x534: {  	v1 =	vand.u32 $0xFFFFFF00, v1  }
0x535: {  	v1 =	vor.u32 v9, v1;
	_ =	sdelay $0x2  }
0x536: {  	v0 =	vmul.f32 v0, v10;
	_ =	sdelay $0x1  }
0x537: {  	[tilespmem:v1+s21+$0x0] =	vst.idx.add.f32.msk $0xffff, v0  }
0x538: {  	v1 =	vadd.s32 v43, v62;
	v0 =	vld [tilespmem:s3+$0x20]  }
0x539: {  	v1 =	vand.u32 $0xFFFFFF00, v1  }
0x53a: {  	v1 =	vor.u32 v9, v1  }
0x53b: {  	v44 =	vld [tilespmem:$0x1FF30];
	_ =	sdelay $0x1  }
0x53c: {  	v0 =	vmul.f32 v0, v18;
	_ =	sdelay $0x1  }
0x53d: {  	[tilespmem:v1+s21+$0x0] =	vst.idx.add.f32.msk $0xffff, v0  }
0x53e: {  	v1 =	vadd.s32 v44, v61;
	v0 =	vld [tilespmem:s1+$0x30]  }
0x53f: {  	v1 =	vand.u32 $0xFFFFFF00, v1  }
0x540: {  	v1 =	vor.u32 v11, v1;
	_ =	sdelay $0x2  }
0x541: {  	v0 =	vmul.f32 v0, v10;
	_ =	sdelay $0x1  }
0x542: {  	[tilespmem:v1+s21+$0x0] =	vst.idx.add.f32.msk $0xffff, v0  }
0x543: {  	v1 =	vadd.s32 v44, v62;
	v0 =	vld [tilespmem:s3+$0x30]  }
0x544: {  	v1 =	vand.u32 $0xFFFFFF00, v1  }
0x545: {  	v1 =	vor.u32 v11, v1  }
0x546: {  	v45 =	vld [tilespmem:$0x1FF40];
	_ =	sdelay $0x1  }
0x547: {  	v0 =	vmul.f32 v0, v18;
	_ =	sdelay $0x1  }
0x548: {  	[tilespmem:v1+s21+$0x0] =	vst.idx.add.f32.msk $0xffff, v0  }
0x549: {  	v1 =	vadd.s32 v45, v61;
	v0 =	vld [tilespmem:s1+$0x40]  }
0x54a: {  	v1 =	vand.u32 $0xFFFFFF00, v1  }
0x54b: {  	v1 =	vor.u32 v12, v1;
	_ =	sdelay $0x2  }
0x54c: {  	v0 =	vmul.f32 v0, v10;
	_ =	sdelay $0x1  }
0x54d: {  	[tilespmem:v1+s21+$0x0] =	vst.idx.add.f32.msk $0xffff, v0  }
0x54e: {  	v1 =	vadd.s32 v45, v62;
	v0 =	vld [tilespmem:s3+$0x40]  }
0x54f: {  	v1 =	vand.u32 $0xFFFFFF00, v1  }
0x550: {  	v1 =	vor.u32 v12, v1  }
0x551: {  	v46 =	vld [tilespmem:$0x1FF50];
	_ =	sdelay $0x1  }
0x552: {  	v0 =	vmul.f32 v0, v18;
	_ =	sdelay $0x1  }
0x553: {  	[tilespmem:v1+s21+$0x0] =	vst.idx.add.f32.msk $0xffff, v0  }
0x554: {  	v1 =	vadd.s32 v46, v61;
	v0 =	vld [tilespmem:s1+$0x50]  }
0x555: {  	v1 =	vand.u32 $0xFFFFFF00, v1  }
0x556: {  	v1 =	vor.u32 v13, v1;
	_ =	sdelay $0x2  }
0x557: {  	v0 =	vmul.f32 v0, v10;
	_ =	sdelay $0x1  }
0x558: {  	[tilespmem:v1+s21+$0x0] =	vst.idx.add.f32.msk $0xffff, v0  }
0x559: {  	v1 =	vadd.s32 v46, v62;
	v0 =	vld [tilespmem:s3+$0x50]  }
0x55a: {  	v1 =	vand.u32 $0xFFFFFF00, v1  }
0x55b: {  	v1 =	vor.u32 v13, v1  }
0x55c: {  	v47 =	vld [tilespmem:$0x1FF60];
	_ =	sdelay $0x1  }
0x55d: {  	v0 =	vmul.f32 v0, v18;
	_ =	sdelay $0x1  }
0x55e: {  	[tilespmem:v1+s21+$0x0] =	vst.idx.add.f32.msk $0xffff, v0  }
0x55f: {  	v1 =	vadd.s32 v47, v61;
	v0 =	vld [tilespmem:s1+$0x60]  }
0x560: {  	v1 =	vand.u32 $0xFFFFFF00, v1  }
0x561: {  	v1 =	vor.u32 v14, v1;
	_ =	sdelay $0x2  }
0x562: {  	v0 =	vmul.f32 v0, v10;
	_ =	sdelay $0x1  }
0x563: {  	[tilespmem:v1+s21+$0x0] =	vst.idx.add.f32.msk $0xffff, v0  }
0x564: {  	v1 =	vadd.s32 v47, v62;
	v0 =	vld [tilespmem:s3+$0x60]  }
0x565: {  	v1 =	vand.u32 $0xFFFFFF00, v1  }
0x566: {  	v1 =	vor.u32 v14, v1  }
0x567: {  	v48 =	vld [tilespmem:$0x1FF70];
	_ =	sdelay $0x1  }
0x568: {  	v0 =	vmul.f32 v0, v18;
	_ =	sdelay $0x1  }
0x569: {  	[tilespmem:v1+s21+$0x0] =	vst.idx.add.f32.msk $0xffff, v0  }
0x56a: {  	v1 =	vadd.s32 v48, v61;
	v0 =	vld [tilespmem:s1+$0x70]  }
0x56b: {  	v1 =	vand.u32 $0xFFFFFF00, v1  }
0x56c: {  	v1 =	vor.u32 v15, v1;
	_ =	sdelay $0x2  }
0x56d: {  	v0 =	vmul.f32 v0, v10;
	_ =	sdelay $0x1  }
0x56e: {  	[tilespmem:v1+s21+$0x0] =	vst.idx.add.f32.msk $0xffff, v0  }
0x56f: {  	v1 =	vadd.s32 v48, v62;
	v0 =	vld [tilespmem:s3+$0x70]  }
0x570: {  	v1 =	vand.u32 $0xFFFFFF00, v1  }
0x571: {  	v1 =	vor.u32 v15, v1  }
0x572: {  	v49 =	vld [tilespmem:$0x1FF80];
	_ =	sdelay $0x1  }
0x573: {  	v0 =	vmul.f32 v0, v18;
	_ =	sdelay $0x1  }
0x574: {  	[tilespmem:v1+s21+$0x0] =	vst.idx.add.f32.msk $0xffff, v0  }
0x575: {  	v1 =	vadd.s32 v49, v61;
	v0 =	vld [tilespmem:s2+$0x0]  }
0x576: {  	v1 =	vand.u32 $0xFFFFFF80, v1  }
0x577: {  	v1 =	vor.u32 v5, v1;
	_ =	sdelay $0x2  }
0x578: {  	v0 =	vmul.f32 v0, v10;
	_ =	sdelay $0x1  }
0x579: {  	[tilespmem:v1+s21+$0x0] =	vst.idx.add.f32.msk $0xffff, v0  }
0x57a: {  	v1 =	vadd.s32 v49, v62;
	v0 =	vld [tilespmem:s23+$0x0]  }
0x57b: {  	v1 =	vand.u32 $0xFFFFFF80, v1  }
0x57c: {  	v1 =	vor.u32 v5, v1  }
0x57d: {  	v5 =	vld [tilespmem:$0x1FF90];
	_ =	sdelay $0x1  }
0x57e: {  	v0 =	vmul.f32 v0, v18;
	_ =	sdelay $0x1  }
0x57f: {  	[tilespmem:v1+s21+$0x0] =	vst.idx.add.f32.msk $0xffff, v0  }
0x580: {  	v1 =	vadd.s32 v5, v61;
	v0 =	vld [tilespmem:s2+$0x10]  }
0x581: {  	v1 =	vand.u32 $0xFFFFFF80, v1  }
0x582: {  	v1 =	vor.u32 v63, v1;
	_ =	sdelay $0x2  }
0x583: {  	v0 =	vmul.f32 v0, v10;
	_ =	sdelay $0x1  }
0x584: {  	[tilespmem:v1+s21+$0x0] =	vst.idx.add.f32.msk $0xffff, v0  }
0x585: {  	v1 =	vadd.s32 v5, v62;
	v0 =	vld [tilespmem:s23+$0x10]  }
0x586: {  	v1 =	vand.u32 $0xFFFFFF80, v1  }
0x587: {  	v1 =	vor.u32 v63, v1  }
0x588: {  	v50 =	vld [tilespmem:$0x1FFA0];
	_ =	sdelay $0x1  }
0x589: {  	v0 =	vmul.f32 v0, v18;
	_ =	sdelay $0x1  }
0x58a: {  	[tilespmem:v1+s21+$0x0] =	vst.idx.add.f32.msk $0xffff, v0  }
0x58b: {  	v1 =	vadd.s32 v50, v61;
	v0 =	vld [tilespmem:s2+$0x20]  }
0x58c: {  	v1 =	vand.u32 $0xFFFFFF80, v1  }
0x58d: {  	v1 =	vor.u32 v9, v1;
	_ =	sdelay $0x2  }
0x58e: {  	v0 =	vmul.f32 v0, v10;
	_ =	sdelay $0x1  }
0x58f: {  	[tilespmem:v1+s21+$0x0] =	vst.idx.add.f32.msk $0xffff, v0  }
0x590: {  	v1 =	vadd.s32 v50, v62;
	v0 =	vld [tilespmem:s23+$0x20]  }
0x591: {  	v1 =	vand.u32 $0xFFFFFF80, v1  }
0x592: {  	v1 =	vor.u32 v9, v1  }
0x593: {  	v51 =	vld [tilespmem:$0x1FFB0];
	_ =	sdelay $0x1  }
0x594: {  	v0 =	vmul.f32 v0, v18;
	_ =	sdelay $0x1  }
0x595: {  	[tilespmem:v1+s21+$0x0] =	vst.idx.add.f32.msk $0xffff, v0  }
0x596: {  	v1 =	vadd.s32 v51, v61;
	v0 =	vld [tilespmem:s2+$0x30]  }
0x597: {  	v1 =	vand.u32 $0xFFFFFF80, v1  }
0x598: {  	v1 =	vor.u32 v11, v1;
	_ =	sdelay $0x2  }
0x599: {  	v0 =	vmul.f32 v0, v10;
	_ =	sdelay $0x1  }
0x59a: {  	[tilespmem:v1+s21+$0x0] =	vst.idx.add.f32.msk $0xffff, v0  }
0x59b: {  	v1 =	vadd.s32 v51, v62;
	v0 =	vld [tilespmem:s23+$0x30]  }
0x59c: {  	v1 =	vand.u32 $0xFFFFFF80, v1  }
0x59d: {  	v1 =	vor.u32 v11, v1  }
0x59e: {  	v52 =	vld [tilespmem:$0x1FFC0];
	_ =	sdelay $0x1  }
0x59f: {  	v0 =	vmul.f32 v0, v18;
	_ =	sdelay $0x1  }
0x5a0: {  	[tilespmem:v1+s21+$0x0] =	vst.idx.add.f32.msk $0xffff, v0  }
0x5a1: {  	v1 =	vadd.s32 v52, v61;
	v0 =	vld [tilespmem:s2+$0x40]  }
0x5a2: {  	v1 =	vand.u32 $0xFFFFFF80, v1  }
0x5a3: {  	v1 =	vor.u32 v12, v1;
	_ =	sdelay $0x2  }
0x5a4: {  	v0 =	vmul.f32 v0, v10;
	_ =	sdelay $0x1  }
0x5a5: {  	[tilespmem:v1+s21+$0x0] =	vst.idx.add.f32.msk $0xffff, v0  }
0x5a6: {  	v1 =	vadd.s32 v52, v62;
	v0 =	vld [tilespmem:s23+$0x40]  }
0x5a7: {  	v1 =	vand.u32 $0xFFFFFF80, v1  }
0x5a8: {  	v1 =	vor.u32 v12, v1  }
0x5a9: {  	v53 =	vld [tilespmem:$0x1FFD0];
	_ =	sdelay $0x1  }
0x5aa: {  	v0 =	vmul.f32 v0, v18;
	_ =	sdelay $0x1  }
0x5ab: {  	[tilespmem:v1+s21+$0x0] =	vst.idx.add.f32.msk $0xffff, v0  }
0x5ac: {  	v1 =	vadd.s32 v53, v61;
	v0 =	vld [tilespmem:s2+$0x50]  }
0x5ad: {  	v1 =	vand.u32 $0xFFFFFF80, v1  }
0x5ae: {  	v1 =	vor.u32 v13, v1;
	_ =	sdelay $0x2  }
0x5af: {  	v0 =	vmul.f32 v0, v10;
	_ =	sdelay $0x1  }
0x5b0: {  	[tilespmem:v1+s21+$0x0] =	vst.idx.add.f32.msk $0xffff, v0  }
0x5b1: {  	v1 =	vadd.s32 v53, v62;
	v0 =	vld [tilespmem:s23+$0x50]  }
0x5b2: {  	v1 =	vand.u32 $0xFFFFFF80, v1  }
0x5b3: {  	v1 =	vor.u32 v13, v1  }
0x5b4: {  	v60 =	vld [tilespmem:$0x1FFE0];
	_ =	sdelay $0x1  }
0x5b5: {  	v0 =	vmul.f32 v0, v18;
	_ =	sdelay $0x1  }
0x5b6: {  	[tilespmem:v1+s21+$0x0] =	vst.idx.add.f32.msk $0xffff, v0  }
0x5b7: {  	v1 =	vadd.s32 v60, v61;
	v0 =	vld [tilespmem:s2+$0x60]  }
0x5b8: {  	v1 =	vand.u32 $0xFFFFFF80, v1  }
0x5b9: {  	v1 =	vor.u32 v14, v1;
	_ =	sdelay $0x2  }
0x5ba: {  	v0 =	vmul.f32 v0, v10;
	_ =	sdelay $0x1  }
0x5bb: {  	[tilespmem:v1+s21+$0x0] =	vst.idx.add.f32.msk $0xffff, v0  }
0x5bc: {  	v1 =	vadd.s32 v60, v62;
	v0 =	vld [tilespmem:s23+$0x60]  }
0x5bd: {  	v1 =	vand.u32 $0xFFFFFF80, v1  }
0x5be: {  	v1 =	vor.u32 v14, v1;
	_ =	sdelay $0x2  }
0x5bf: {  	v0 =	vmul.f32 v0, v18;
	_ =	sdelay $0x1  }
0x5c0: {  	[tilespmem:v1+s21+$0x0] =	vst.idx.add.f32.msk $0xffff, v0  }
0x5c1: {  	v1 =	vld [tilespmem:$0x1FFF0];
	_ =	sdelay $0x4  }
0x5c2: {  	v0 =	vld [tilespmem:s2+$0x70];
	v1 =	vadd.s32 v1, v61  }
0x5c3: {  	v1 =	vand.u32 $0xFFFFFF80, v1  }
0x5c4: {  	v1 =	vor.u32 v15, v1  }
0x5c5: {  	v63 =	vld [tilespmem:$0x1FFF0];
	_ =	sdelay $0x1  }
0x5c6: {  	v0 =	vmul.f32 v0, v10  }
0x5c7: {  	v3 =	vld [tilespmem:$0x1FCC0]  }
0x5c8: {  	[tilespmem:v1+s21+$0x0] =	vst.idx.add.f32.msk $0xffff, v0  }
0x5c9: {  	v1 =	vadd.s32 v63, v62;
	v0 =	vld [tilespmem:s23+$0x70]  }
0x5ca: {  	v1 =	vand.u32 $0xFFFFFF80, v1  }
0x5cb: {  	p1 =	sne.s32 s31, $0xF;
	v1 =	vor.u32 v15, v1  }
.Ltmp2:
0x5cc: {  	v4 =	vimm.f32 $0.0e+00;
	vm0 =	vge.f32 v54, $0.0e+00;
	(pc) =	sbr.rel @p1 .LBB2_7-.Ltmp2, $4  }
0x5cd: {  	v2 =	vsel vm0, $0x3D800000, v4  }
0x5ce: {  	vm15 =	vge.f32 v55, $0.0e+00;
	v2 =	vadd.f32 v2, v3;
	v0 =	vmul.f32 v0, v18  }
0x5cf: {  	v3 =	vsel vm15, $0x3D800000, v4  }
0x5d0: {  	s30 =	sadd.s32 $0x100, s30;
	s31 =	sadd.s32 $0x1, s31;
	s29 =	sadd.s32 $0x2, s29;
	v2 =	vadd.f32 v3, v2;
	[tilespmem:v1+s21+$0x0] =	vst.idx.add.f32.msk $0xffff, v0  }
.Ltmp3:
0x5d1: {  	(pc) =	sbr.rel @p0 .LBB2_4-.Ltmp3, $2  }
0x5d2: {  	_ =	sdelay $0x2  }
0x5d3: {  	s29 =	simm.s32 $0x40;
	p2 =	por $0x0, $0x0;
	p1 =	por $0x1, $0x1  }
0x5d4: {  	[tilespmem:$0xF480] =	vst v2;
	s1 =	rddreg [dreg:$0x9]  }
0x5d5: {  	[hbm4b:s1+s4] =	stream.linear.scatter [tilespmem:s20], [sflag:$0x3], $0x80, $0x38;
	[tilespmem:$0xF500] =	vst v63  }
0x5d6: {  	_ =	swait.ge [sflag:s15], $0x80  }
0x5d7: {  	[sflag:s15] =	ssyncset.done $0x0  }
0x5d8: {  	s30 =	simm.s32 $0x80;
	s2 =	simm.s32 $0x400;
	[sflag:s15] =	ssyncadd.s32 $0xFFFFFF80  }
0x5d9: {  	[hbm4b:s11+s30] =	stream.strided.scatter [tilespmem:s21], [sflag:$0x3], $0x3000, s2, s30, $0x38;
	[tilespmem:$0xF500] =	vst v63  }
0x5da: {  	s26 =	sadd.s32 $0x1, s26;
	_ =	swait.ge [sflag:s15], $0x3000  }
0x5db: {  	p0 =	sne.s32 s26, s13;
	[sflag:s15] =	ssyncset.done $0x0  }
.Ltmp4:
0x5dc: {  	s31 =	simm.s32 $0xF480;
	[sflag:s15] =	ssyncadd.s32 $0xFFFFD000;
	(pc) =	sbr.rel @p0 .LBB2_1-.Ltmp4, $4  }
0x5dd: {  	[hbm4b:s12+s4] =	stream.linear.scatter [tilespmem:s31], [sflag:$0x3], $0x80, $0x38;
	[tilespmem:$0xF500] =	vst v63  }
0x5de: {  	_ =	swait.ge [sflag:s15], $0x80  }
0x5df: {  	[sflag:s15] =	ssyncset.done $0x0  }
0x5e0: {  	[sflag:s15] =	ssyncadd.s32 $0xFFFFFF80  }
0x5e1: {  	_ =	sfence.sel $0x180000  }
0x5e2: {  	[bflag:$0x0] =	sbarrier.arrive $0xFFFF  }
0x5e3: {  	_ =	strace $0x90000047  }
0x5e4: {  	s0 =	stileid.u32;
	[bflag:$0x2] =	sbarrier.arrive $0xFFFF  }
0x5e5: {  	p0 =	sne.s32 s0, $0x0;
	s0 =	rddreg [dreg:$0x5]  }
0x5e6: {  	s0 =	sadd.s32 @!p0 $0x100000, s0  }
0x5e7: {  	[sflag:s0] =	ssyncadd.tile.s32 @!p0 $0x1;
	_ =	shalt  }
.Lfunc_end2:
_tile_overlayer_lowered:
.L_overlay_start_2:
0x5e8: {  	(tag) =	ssettag $0x2  }
0x5e9: {  	s0 =	rddreg [dreg:$0x0];
	s2 =	stileid.u32  }
0x5ea: {  	s1 =	rddreg [dreg:$0x1];
	p0 =	sne.s32 s2, $0x0  }
0x5eb: {  	s3 =	rddreg [dreg:$0x2];
	[bflag:$0x3] =	sbarrier.arrive $0xFFFF;
	s2 =	simm.s32 @!p0 $0x1C03  }
0x5ec: {  	[timem:s3], [sflag:s2] =	dma.local @!p0 [hbm:s0], s1  }
0x5ed: {  	s0 =	simm.s32 @!p0 $0x3  }
0x5ee: {  	_ =	swait.ge @!p0 [sflag:s0], s1  }
0x5ef: {  	s1 =	ssub.s32 @!p0 $0x0, s1;
	[sflag:s0] =	ssyncset.done @!p0 $0x0  }
0x5f0: {  	[sflag:s0] =	ssyncadd.s32 @!p0 s1  }
0x5f1: {  	[bflag:$0x3] =	sbarrier.arrive $0xFFFF  }
0x5f2: {  	_ =	shalt  }

</sc_bundles>
